<compile_context>
chip_gen: v7x
topology: tpu7x:2x2x1
jax: 0.10.2.dev20260603
libtpu: 0.0.44.dev20260713+nightly
codegen_flags: <defaults>
</compile_context>

<pallas_src>
import functools

import jax
import jax.numpy as jnp
from jax import lax
from jax.experimental import pallas as pl
from jax.experimental.pallas import tpu as pltpu
from jax.experimental.pallas import tpu_sc as plsc

_T, _D, _E = 8192, 2048, 64
_NC, _NS, _L = 2, 16, 16
_NW = _NC * _NS
_ROWS_W = _T // _NW
_GROUPS_W = _ROWS_W // _L
_LT = 128
_TILES_W = _ROWS_W // _LT



def _logits_block(x_ref, w_ref, logits_t_ref, load_ref):
    x = x_ref[...]
    w = w_ref[...]
    logits = lax.dot_general(
        x, w, (((1,), (1,)), ((), ())),
        preferred_element_type=jnp.float32)
    bt = logits.shape[0]
    logits_t_ref[...] = logits.T.reshape(_E, bt // _LT, _LT)
    m = jnp.max(logits, axis=1, keepdims=True)
    ex = jnp.exp(logits - m)
    load_ref[...] = ex / jnp.sum(ex, axis=1, keepdims=True)


def _tc_stage(x, w_gate, block_t=1024):
    t, d = x.shape
    e = w_gate.shape[0]
    bt_tiles = block_t // _LT
    return pl.pallas_call(
        _logits_block,
        grid=(t // block_t,),
        in_specs=[
            pl.BlockSpec((block_t, d), lambda i: (i, 0)),
            pl.BlockSpec((e, d), lambda i: (0, 0)),
        ],
        out_specs=[
            pl.BlockSpec((e, bt_tiles, _LT), lambda i: (0, i, 0)),
            pl.BlockSpec((block_t, e), lambda i: (i, 0)),
        ],
        out_shape=[
            jax.ShapeDtypeStruct((e, t // _LT, _LT), jnp.float32),
            jax.ShapeDtypeStruct((t, e), jnp.float32),
        ],
    )(x, w_gate)



def _sc_gates_body(logits_t_hbm, gates_hbm, lt, gv, sem_a, sem_b, sem_o):
    c = lax.axis_index("c")
    s = lax.axis_index("s")
    wid = s * _NC + c
    tbase = wid * _ROWS_W

    cp_a = pltpu.make_async_copy(
        logits_t_hbm.at[:, pl.ds(wid * _TILES_W, 1), :],
        lt.at[:, pl.ds(0, 1), :], sem_a)
    cp_b = pltpu.make_async_copy(
        logits_t_hbm.at[:, pl.ds(wid * _TILES_W + 1, 1), :],
        lt.at[:, pl.ds(1, 1), :], sem_b)
    cp_a.start()
    cp_b.start()
    cp_a.wait()

    zeros = jnp.zeros((_L,), jnp.float32)
    iota = lax.iota(jnp.int32, _L)
    minf = jnp.full((_L,), -jnp.inf, jnp.float32)
    izero = jnp.zeros((_L,), jnp.int32)

    def _group(g, carry):
        t0 = pl.multiple_of(g * _L, _L)
        tile = g // (_LT // _L)
        toff = pl.multiple_of((g % (_LT // _L)) * _L, _L)
        trow = t0 + iota

        for k in range(_L * _E // _L):
            gv[t0 + k // (_E // _L), pl.ds((k % (_E // _L)) * _L, _L)] = zeros

        n_chains = 4
        span = _E // n_chains
        tops = []
        for ch in range(n_chains):
            m1, i1, m2, i2 = minf, izero, minf, izero
            for j in range(span):
                e_i = ch * span + j
                v = lt[e_i, tile, pl.ds(toff, _L)]
                ev = jnp.full((_L,), e_i, jnp.int32)
                gt1 = v > m1
                gt2 = v > m2
                m2n = jnp.where(gt1, m1, jnp.where(gt2, v, m2))
                i2n = jnp.where(gt1, i1, jnp.where(gt2, ev, i2))
                m1 = jnp.where(gt1, v, m1)
                i1 = jnp.where(gt1, ev, i1)
                m2, i2 = m2n, i2n
            tops.append((m1, i1, m2, i2))

        def _merge(a, b):
            a1, ai1, a2, ai2 = a
            b1, bi1, b2, bi2 = b
            swap = b1 > a1
            w1 = jnp.where(swap, b1, a1)
            wi1 = jnp.where(swap, bi1, ai1)
            ca = jnp.where(swap, a1, a2)
            cai = jnp.where(swap, ai1, ai2)
            cb = jnp.where(swap, b2, b1)
            cbi = jnp.where(swap, bi2, bi1)
            take_b = cb > ca
            w2 = jnp.where(take_b, cb, ca)
            wi2 = jnp.where(take_b, cbi, cai)
            return w1, wi1, w2, wi2

        m1, i1, m2, i2 = _merge(_merge(tops[0], tops[1]),
                                _merge(tops[2], tops[3]))

        e2 = jnp.exp(m2 - m1)
        den = 1.0 + e2
        plsc.store_scatter(gv, [trow, i1], 1.0 / den)
        plsc.store_scatter(gv, [trow, i2], e2 / den)
        return carry

    half = _GROUPS_W // 2
    half_rows = _ROWS_W // 2
    lax.fori_loop(0, half, _group, 0, unroll=False)
    cp_o = pltpu.make_async_copy(
        gv.at[pl.ds(0, half_rows), :],
        gates_hbm.at[pl.ds(tbase, half_rows), :], sem_o)
    cp_o.start()
    cp_b.wait()
    lax.fori_loop(half, _GROUPS_W, _group, 0, unroll=False)
    cp_o.wait()
    pltpu.sync_copy(gv.at[pl.ds(half_rows, half_rows), :],
                    gates_hbm.at[pl.ds(tbase + half_rows, half_rows), :])


@functools.lru_cache(maxsize=None)
def _make_sc_gates():
    @functools.partial(
        pl.kernel,
        out_type=jax.ShapeDtypeStruct((_T, _E), jnp.float32),
        mesh=plsc.VectorSubcoreMesh(core_axis_name="c",
                                    subcore_axis_name="s"),
        scratch_types=[
            pltpu.VMEM((_E, _TILES_W, _LT), jnp.float32),
            pltpu.VMEM((_ROWS_W, _E), jnp.float32),
            pltpu.SemaphoreType.DMA,
            pltpu.SemaphoreType.DMA,
            pltpu.SemaphoreType.DMA,
        ],
        compiler_params=pltpu.CompilerParams(needs_layout_passes=False),
    )
    def sc_gates(logits_t_hbm, gates_hbm, lt, gv, sem_a, sem_b, sem_o):
        _sc_gates_body(logits_t_hbm, gates_hbm, lt, gv, sem_a, sem_b, sem_o)

    return sc_gates



def kernel(x, W_gate, W_noise):
    del W_noise
    logits_t, load = _tc_stage(x, W_gate)
    gates = _make_sc_gates()(logits_t)
    return gates, load

# --- scband reference (transcript-rebuilt; emitter-appended) ---
"""Pipeline reference for scband-noisy-top-kgating-25220047962118 (READ-ONLY COPY).

The authoritative reference and input builder live on the scoring server;
editing this copy changes nothing except your own understanding.
"""

import jax, jax.numpy as jnp
import numpy as np

TOP_K = 2

def setup_inputs(seed: int = 0) -> dict:
    key = jax.random.key(seed)
    k1, k2, k3 = jax.random.split(key, 3)
    T, D, E = 8192, 2048, 64
    x = jax.random.normal(k1, (T, D), dtype=jnp.float32)
    # nn.Linear weights initialized ~ N(0, 0.1); shape [E, D] (torch convention)
    W_gate = jax.random.normal(k2, (E, D), dtype=jnp.float32) * 0.1
    W_noise = jax.random.normal(k3, (E, D), dtype=jnp.float32) * 0.1
    return {"x": x, "W_gate": W_gate, "W_noise": W_noise}

def reference(x, W_gate, W_noise):
    # Eval-mode forward (self.training == False): no noise added.
    clean_logits = x @ W_gate.T  # [T, E]
    noisy_logits = clean_logits
    top_k_logits, top_k_indices = jax.lax.top_k(noisy_logits, TOP_K)
    sm = jax.nn.softmax(top_k_logits, axis=-1)
    T = noisy_logits.shape[0]
    rows = jnp.arange(T)[:, None]
    gates = jnp.zeros_like(noisy_logits).at[rows, top_k_indices].set(sm)
    load = jax.nn.softmax(clean_logits, axis=-1)
    return (gates, load)

if __name__ == "__main__":
    import jax
    _d = setup_inputs()
    print(jax.jit(kernel)(*tuple(_d.values())))

</pallas_src>

<mosaic_0001>
#map = affine_map<(d0, d1) -> (0, 0, 0)>
#map1 = affine_map<(d0, d1) -> (0, 0)>
module attributes {stable_mosaic.version = 14 : i64} {
  func.func @sc_gates(%arg0: i32, %arg1: i32, %arg2: memref<64x64x128xf32, #tpu.memory_space<hbm>>, %arg3: memref<8192x64xf32, #tpu.memory_space<hbm>>, %arg4: memref<64x2x128xf32, #tpu.memory_space<vmem>>, %arg5: memref<256x64xf32, #tpu.memory_space<vmem>>, %arg6: memref<!tpu.dma_semaphore, #tpu.memory_space<semaphore_mem>>, %arg7: memref<!tpu.dma_semaphore, #tpu.memory_space<semaphore_mem>>, %arg8: memref<!tpu.dma_semaphore, #tpu.memory_space<semaphore_mem>>) attributes {dimension_semantics = [#tpu.dimension_semantics<core_parallel>, #tpu.dimension_semantics<subcore_parallel>], iteration_bounds = array<i64: 2, 16>, scalar_prefetch = 0 : i64, scratch_operands = 5 : i64, tpu.core_type = #tpu.core_type<sc_vector_subcore>, window_params = [{transform_indices = #map}, {transform_indices = #map1}]} {
    %mul3A = arith.constant 2 : i32
    %mul3A_0 = arith.muli %arg1, %mul3A : i32
    %add3A = arith.addi %mul3A_0, %arg0 : i32
    %mul3A_1 = arith.constant 256 : i32
    %mul3A_2 = arith.muli %add3A, %mul3A_1 : i32
    %mul3A_3 = arith.constant 2 : i32
    %mul3A_4 = arith.muli %add3A, %mul3A_3 : i32
    %mul3A_5 = arith.constant 2 : i32
    %mul3A_6 = arith.muli %add3A, %mul3A_5 : i32
    %add3A_7 = arith.constant 1 : i32
    %add3A_8 = arith.addi %mul3A_6, %add3A_7 : i32
    %dma_start3A = arith.constant 0 : i32
    %dma_start3A_9 = arith.constant 0 : i32
    %dma_start3A_10 = arith.constant 0 : i32
    %dma_start3A_11 = tpu.memref_slice %arg4[%dma_start3A, %dma_start3A_9, %dma_start3A_10] : memref<64x2x128xf32, #tpu.memory_space<vmem>> -> memref<64x1x128xf32, #tpu.memory_space<vmem>>
    %dma_start3A_12 = arith.constant 0 : i32
    %dma_start3A_13 = arith.constant 0 : i32
    %dma_start3A_14 = tpu.memref_slice %arg2[%dma_start3A_12, %mul3A_4, %dma_start3A_13] : memref<64x64x128xf32, #tpu.memory_space<hbm>> -> memref<64x1x128xf32, #tpu.memory_space<hbm>>
    %dma_start3A_15 = arith.constant 0 : i32
    %dma_start3A_16 = arith.constant 0 : i32
    %dma_start3A_17 = arith.constant 0 : i32
    %dma_start3A_18 = tpu.memref_slice %arg4[%dma_start3A_15, %dma_start3A_16, %dma_start3A_17] : memref<64x2x128xf32, #tpu.memory_space<vmem>> -> memref<64x1x128xf32, #tpu.memory_space<vmem>>
    %dma_start3A_19 = arith.constant 0 : i32
    %dma_start3A_20 = arith.constant 0 : i32
    %dma_start3A_21 = tpu.memref_slice %arg2[%dma_start3A_19, %mul3A_4, %dma_start3A_20] : memref<64x64x128xf32, #tpu.memory_space<hbm>> -> memref<64x1x128xf32, #tpu.memory_space<hbm>>
    tpu.enqueue_dma source(%dma_start3A_21 : memref<64x1x128xf32, #tpu.memory_space<hbm>>) target(%dma_start3A_18 : memref<64x1x128xf32, #tpu.memory_space<vmem>>) target_semaphore(%arg6 : memref<!tpu.dma_semaphore, #tpu.memory_space<semaphore_mem>>)
    %dma_start3A_22 = arith.constant 0 : i32
    %dma_start3A_23 = arith.constant 1 : i32
    %dma_start3A_24 = arith.constant 0 : i32
    %dma_start3A_25 = tpu.memref_slice %arg4[%dma_start3A_22, %dma_start3A_23, %dma_start3A_24] : memref<64x2x128xf32, #tpu.memory_space<vmem>> -> memref<64x1x128xf32, #tpu.memory_space<vmem>>
    %dma_start3A_26 = arith.constant 0 : i32
    %dma_start3A_27 = arith.constant 0 : i32
    %dma_start3A_28 = tpu.memref_slice %arg2[%dma_start3A_26, %add3A_8, %dma_start3A_27] : memref<64x64x128xf32, #tpu.memory_space<hbm>> -> memref<64x1x128xf32, #tpu.memory_space<hbm>>
    %dma_start3A_29 = arith.constant 0 : i32
    %dma_start3A_30 = arith.constant 1 : i32
    %dma_start3A_31 = arith.constant 0 : i32
    %dma_start3A_32 = tpu.memref_slice %arg4[%dma_start3A_29, %dma_start3A_30, %dma_start3A_31] : memref<64x2x128xf32, #tpu.memory_space<vmem>> -> memref<64x1x128xf32, #tpu.memory_space<vmem>>
    %dma_start3A_33 = arith.constant 0 : i32
    %dma_start3A_34 = arith.constant 0 : i32
    %dma_start3A_35 = tpu.memref_slice %arg2[%dma_start3A_33, %add3A_8, %dma_start3A_34] : memref<64x64x128xf32, #tpu.memory_space<hbm>> -> memref<64x1x128xf32, #tpu.memory_space<hbm>>
    tpu.enqueue_dma source(%dma_start3A_35 : memref<64x1x128xf32, #tpu.memory_space<hbm>>) target(%dma_start3A_32 : memref<64x1x128xf32, #tpu.memory_space<vmem>>) target_semaphore(%arg7 : memref<!tpu.dma_semaphore, #tpu.memory_space<semaphore_mem>>)
    %dma_wait3A = arith.constant 0 : i32
    %dma_wait3A_36 = arith.constant 0 : i32
    %dma_wait3A_37 = arith.constant 0 : i32
    %dma_wait3A_38 = tpu.memref_slice %arg4[%dma_wait3A, %dma_wait3A_36, %dma_wait3A_37] : memref<64x2x128xf32, #tpu.memory_space<vmem>> -> memref<64x1x128xf32, #tpu.memory_space<vmem>>
    %dma_wait3A_39 = arith.constant 0 : i32
    %dma_wait3A_40 = arith.constant 0 : i32
    %dma_wait3A_41 = tpu.memref_slice %arg2[%dma_wait3A_39, %mul3A_4, %dma_wait3A_40] : memref<64x64x128xf32, #tpu.memory_space<hbm>> -> memref<64x1x128xf32, #tpu.memory_space<hbm>>
    %dma_wait3A_42 = arith.constant 0 : i32
    %dma_wait3A_43 = arith.constant 0 : i32
    %dma_wait3A_44 = arith.constant 0 : i32
    %dma_wait3A_45 = tpu.memref_slice %arg4[%dma_wait3A_42, %dma_wait3A_43, %dma_wait3A_44] : memref<64x2x128xf32, #tpu.memory_space<vmem>> -> memref<64x1x128xf32, #tpu.memory_space<vmem>>
    %dma_wait3A_46 = arith.constant 0 : i32
    %dma_wait3A_47 = arith.constant 0 : i32
    %dma_wait3A_48 = tpu.memref_slice %arg2[%dma_wait3A_46, %mul3A_4, %dma_wait3A_47] : memref<64x64x128xf32, #tpu.memory_space<hbm>> -> memref<64x1x128xf32, #tpu.memory_space<hbm>>
    tpu.wait_dma2 semaphore(%arg6 : memref<!tpu.dma_semaphore, #tpu.memory_space<semaphore_mem>>) src(%dma_wait3A_48 : memref<64x1x128xf32, #tpu.memory_space<hbm>>) dst(%dma_wait3A_45 : memref<64x1x128xf32, #tpu.memory_space<vmem>>)
    %broadcast_in_dim3A = arith.constant 0.000000e+00 : f32
    %broadcast_in_dim3A_49 = vector.broadcast %broadcast_in_dim3A : f32 to vector<16xf32>
    %iota3A = tpu.iota {dimensions = array<i32: 0>} : vector<16xi32>
    %broadcast_in_dim3A_50 = arith.constant 0xFF800000 : f32
    %broadcast_in_dim3A_51 = vector.broadcast %broadcast_in_dim3A_50 : f32 to vector<16xf32>
    %broadcast_in_dim3A_52 = arith.constant 0 : i32
    %broadcast_in_dim3A_53 = vector.broadcast %broadcast_in_dim3A_52 : i32 to vector<16xi32>
    %scan3A = arith.constant 0 : i32
    %scan3A_54 = arith.constant 0 : i32
    %scan3A_55 = arith.constant 8 : i32
    %scan3A_56 = arith.addi %scan3A_54, %scan3A_55 : i32
    %scan3A_57 = arith.constant 1 : i32
    scf.for %scan3A_101 = %scan3A_54 to %scan3A_56 step %scan3A_57  : i32 {
      %mul3A_102 = arith.constant 16 : i32
      %mul3A_103 = arith.muli %scan3A_101, %mul3A_102 : i32
      %multiple_of3A = tpu.assume_multiple %mul3A_103, 16 : i32
      %jit3A = arith.constant 8 : i32
      %div3A = arith.divsi %scan3A_101, %jit3A : i32
      %sign3A = arith.constant 0 : i32
      %sign3A_104 = arith.cmpi sgt, %scan3A_101, %sign3A : i32
      %sign3A_105 = arith.extui %sign3A_104 : i1 to i32
      %sign3A_106 = arith.constant 0 : i32
      %sign3A_107 = arith.cmpi slt, %scan3A_101, %sign3A_106 : i32
      %sign3A_108 = arith.extui %sign3A_107 : i1 to i32
      %sign3A_109 = arith.subi %sign3A_105, %sign3A_108 : i32
      %sign3A_110 = arith.constant 0 : i32
      %sign3A_111 = arith.cmpi sgt, %jit3A, %sign3A_110 : i32
      %sign3A_112 = arith.extui %sign3A_111 : i1 to i32
      %sign3A_113 = arith.constant 0 : i32
      %sign3A_114 = arith.cmpi slt, %jit3A, %sign3A_113 : i32
      %sign3A_115 = arith.extui %sign3A_114 : i1 to i32
      %sign3A_116 = arith.subi %sign3A_112, %sign3A_115 : i32
      %ne3A = arith.cmpi ne, %sign3A_109, %sign3A_116 : i32
      %rem3A = arith.remsi %scan3A_101, %jit3A : i32
      %ne3A_117 = arith.constant 0 : i32
      %ne3A_118 = arith.cmpi ne, %rem3A, %ne3A_117 : i32
      %and3A = arith.andi %ne3A, %ne3A_118 : i1
      %sub3A = arith.constant 1 : i32
      %sub3A_119 = arith.subi %div3A, %sub3A : i32
      %select_n3A = arith.select %and3A, %sub3A_119, %div3A : i32
      %jit3A_120 = arith.constant 8 : i32
      %eq3A = arith.constant 0 : i32
      %eq3A_121 = arith.cmpi eq, %jit3A_120, %eq3A : i32
      %jit3A_122 = arith.constant 1 : i32
      %select_n3A_123 = arith.select %eq3A_121, %jit3A_122, %jit3A_120 : i32
      %rem3A_124 = arith.remsi %scan3A_101, %select_n3A_123 : i32
      %ne3A_125 = arith.constant 0 : i32
      %ne3A_126 = arith.cmpi ne, %rem3A_124, %ne3A_125 : i32
      %lt3A = arith.constant 0 : i32
      %lt3A_127 = arith.cmpi slt, %rem3A_124, %lt3A : i32
      %lt3A_128 = arith.constant 0 : i32
      %lt3A_129 = arith.cmpi slt, %select_n3A_123, %lt3A_128 : i32
      %ne3A_130 = arith.xori %lt3A_127, %lt3A_129 : i1
      %and3A_131 = arith.andi %ne3A_130, %ne3A_126 : i1
      %add3A_132 = arith.addi %rem3A_124, %select_n3A_123 : i32
      %select_n3A_133 = arith.select %and3A_131, %add3A_132, %rem3A_124 : i32
      %mul3A_134 = arith.constant 16 : i32
      %mul3A_135 = arith.muli %select_n3A_133, %mul3A_134 : i32
      %multiple_of3A_136 = tpu.assume_multiple %mul3A_135, 16 : i32
      %add3A_137 = vector.broadcast %multiple_of3A : i32 to vector<16xi32>
      %add3A_138 = arith.addi %add3A_137, %iota3A : vector<16xi32>
      %add3A_139 = arith.constant 0 : i32
      %add3A_140 = arith.addi %multiple_of3A, %add3A_139 : i32
      %swap3A = arith.index_cast %add3A_140 : i32 to index
      %swap3A_141 = arith.constant 0 : index
      %swap3A_142 = tpu.vector_load %arg5[%swap3A, %swap3A_141] {strides = array<i32>} : memref<256x64xf32, #tpu.memory_space<vmem>>, vector<16xf32>,
      tpu.vector_store %arg5[%swap3A, %swap3A_141], %broadcast_in_dim3A_49 {strides = array<i32>} : memref<256x64xf32, #tpu.memory_space<vmem>>, vector<16xf32>,
      %add3A_143 = arith.constant 0 : i32
      %add3A_144 = arith.addi %multiple_of3A, %add3A_143 : i32
      %swap3A_145 = arith.index_cast %add3A_144 : i32 to index
      %swap3A_146 = arith.constant 16 : index
      %swap3A_147 = tpu.vector_load %arg5[%swap3A_145, %swap3A_146] {strides = array<i32>} : memref<256x64xf32, #tpu.memory_space<vmem>>, vector<16xf32>,
      tpu.vector_store %arg5[%swap3A_145, %swap3A_146], %broadcast_in_dim3A_49 {strides = array<i32>} : memref<256x64xf32, #tpu.memory_space<vmem>>, vector<16xf32>,
      %add3A_148 = arith.constant 0 : i32
      %add3A_149 = arith.addi %multiple_of3A, %add3A_148 : i32
      %swap3A_150 = arith.index_cast %add3A_149 : i32 to index
      %swap3A_151 = arith.constant 32 : index
      %swap3A_152 = tpu.vector_load %arg5[%swap3A_150, %swap3A_151] {strides = array<i32>} : memref<256x64xf32, #tpu.memory_space<vmem>>, vector<16xf32>,
      tpu.vector_store %arg5[%swap3A_150, %swap3A_151], %broadcast_in_dim3A_49 {strides = array<i32>} : memref<256x64xf32, #tpu.memory_space<vmem>>, vector<16xf32>,
      %add3A_153 = arith.constant 0 : i32
      %add3A_154 = arith.addi %multiple_of3A, %add3A_153 : i32
      %swap3A_155 = arith.index_cast %add3A_154 : i32 to index
      %swap3A_156 = arith.constant 48 : index
      %swap3A_157 = tpu.vector_load %arg5[%swap3A_155, %swap3A_156] {strides = array<i32>} : memref<256x64xf32, #tpu.memory_space<vmem>>, vector<16xf32>,
      tpu.vector_store %arg5[%swap3A_155, %swap3A_156], %broadcast_in_dim3A_49 {strides = array<i32>} : memref<256x64xf32, #tpu.memory_space<vmem>>, vector<16xf32>,
      %add3A_158 = arith.constant 1 : i32
      %add3A_159 = arith.addi %multiple_of3A, %add3A_158 : i32
      %swap3A_160 = arith.index_cast %add3A_159 : i32 to index
      %swap3A_161 = arith.constant 0 : index
      %swap3A_162 = tpu.vector_load %arg5[%swap3A_160, %swap3A_161] {strides = array<i32>} : memref<256x64xf32, #tpu.memory_space<vmem>>, vector<16xf32>,
      tpu.vector_store %arg5[%swap3A_160, %swap3A_161], %broadcast_in_dim3A_49 {strides = array<i32>} : memref<256x64xf32, #tpu.memory_space<vmem>>, vector<16xf32>,
      %add3A_163 = arith.constant 1 : i32
      %add3A_164 = arith.addi %multiple_of3A, %add3A_163 : i32
      %swap3A_165 = arith.index_cast %add3A_164 : i32 to index
      %swap3A_166 = arith.constant 16 : index
      %swap3A_167 = tpu.vector_load %arg5[%swap3A_165, %swap3A_166] {strides = array<i32>} : memref<256x64xf32, #tpu.memory_space<vmem>>, vector<16xf32>,
      tpu.vector_store %arg5[%swap3A_165, %swap3A_166], %broadcast_in_dim3A_49 {strides = array<i32>} : memref<256x64xf32, #tpu.memory_space<vmem>>, vector<16xf32>,
      %add3A_168 = arith.constant 1 : i32
      %add3A_169 = arith.addi %multiple_of3A, %add3A_168 : i32
      %swap3A_170 = arith.index_cast %add3A_169 : i32 to index
      %swap3A_171 = arith.constant 32 : index
      %swap3A_172 = tpu.vector_load %arg5[%swap3A_170, %swap3A_171] {strides = array<i32>} : memref<256x64xf32, #tpu.memory_space<vmem>>, vector<16xf32>,
      tpu.vector_store %arg5[%swap3A_170, %swap3A_171], %broadcast_in_dim3A_49 {strides = array<i32>} : memref<256x64xf32, #tpu.memory_space<vmem>>, vector<16xf32>,
      %add3A_173 = arith.constant 1 : i32
      %add3A_174 = arith.addi %multiple_of3A, %add3A_173 : i32
      %swap3A_175 = arith.index_cast %add3A_174 : i32 to index
      %swap3A_176 = arith.constant 48 : index
      %swap3A_177 = tpu.vector_load %arg5[%swap3A_175, %swap3A_176] {strides = array<i32>} : memref<256x64xf32, #tpu.memory_space<vmem>>, vector<16xf32>,
      tpu.vector_store %arg5[%swap3A_175, %swap3A_176], %broadcast_in_dim3A_49 {strides = array<i32>} : memref<256x64xf32, #tpu.memory_space<vmem>>, vector<16xf32>,
      %add3A_178 = arith.constant 2 : i32
      %add3A_179 = arith.addi %multiple_of3A, %add3A_178 : i32
      %swap3A_180 = arith.index_cast %add3A_179 : i32 to index
      %swap3A_181 = arith.constant 0 : index
      %swap3A_182 = tpu.vector_load %arg5[%swap3A_180, %swap3A_181] {strides = array<i32>} : memref<256x64xf32, #tpu.memory_space<vmem>>, vector<16xf32>,
      tpu.vector_store %arg5[%swap3A_180, %swap3A_181], %broadcast_in_dim3A_49 {strides = array<i32>} : memref<256x64xf32, #tpu.memory_space<vmem>>, vector<16xf32>,
      %add3A_183 = arith.constant 2 : i32
      %add3A_184 = arith.addi %multiple_of3A, %add3A_183 : i32
      %swap3A_185 = arith.index_cast %add3A_184 : i32 to index
      %swap3A_186 = arith.constant 16 : index
      %swap3A_187 = tpu.vector_load %arg5[%swap3A_185, %swap3A_186] {strides = array<i32>} : memref<256x64xf32, #tpu.memory_space<vmem>>, vector<16xf32>,
      tpu.vector_store %arg5[%swap3A_185, %swap3A_186], %broadcast_in_dim3A_49 {strides = array<i32>} : memref<256x64xf32, #tpu.memory_space<vmem>>, vector<16xf32>,
      %add3A_188 = arith.constant 2 : i32
      %add3A_189 = arith.addi %multiple_of3A, %add3A_188 : i32
      %swap3A_190 = arith.index_cast %add3A_189 : i32 to index
      %swap3A_191 = arith.constant 32 : index
      %swap3A_192 = tpu.vector_load %arg5[%swap3A_190, %swap3A_191] {strides = array<i32>} : memref<256x64xf32, #tpu.memory_space<vmem>>, vector<16xf32>,
      tpu.vector_store %arg5[%swap3A_190, %swap3A_191], %broadcast_in_dim3A_49 {strides = array<i32>} : memref<256x64xf32, #tpu.memory_space<vmem>>, vector<16xf32>,
      %add3A_193 = arith.constant 2 : i32
      %add3A_194 = arith.addi %multiple_of3A, %add3A_193 : i32
      %swap3A_195 = arith.index_cast %add3A_194 : i32 to index
      %swap3A_196 = arith.constant 48 : index
      %swap3A_197 = tpu.vector_load %arg5[%swap3A_195, %swap3A_196] {strides = array<i32>} : memref<256x64xf32, #tpu.memory_space<vmem>>, vector<16xf32>,
      tpu.vector_store %arg5[%swap3A_195, %swap3A_196], %broadcast_in_dim3A_49 {strides = array<i32>} : memref<256x64xf32, #tpu.memory_space<vmem>>, vector<16xf32>,
      %add3A_198 = arith.constant 3 : i32
      %add3A_199 = arith.addi %multiple_of3A, %add3A_198 : i32
      %swap3A_200 = arith.index_cast %add3A_199 : i32 to index
      %swap3A_201 = arith.constant 0 : index
      %swap3A_202 = tpu.vector_load %arg5[%swap3A_200, %swap3A_201] {strides = array<i32>} : memref<256x64xf32, #tpu.memory_space<vmem>>, vector<16xf32>,
      tpu.vector_store %arg5[%swap3A_200, %swap3A_201], %broadcast_in_dim3A_49 {strides = array<i32>} : memref<256x64xf32, #tpu.memory_space<vmem>>, vector<16xf32>,
      %add3A_203 = arith.constant 3 : i32
      %add3A_204 = arith.addi %multiple_of3A, %add3A_203 : i32
      %swap3A_205 = arith.index_cast %add3A_204 : i32 to index
      %swap3A_206 = arith.constant 16 : index
      %swap3A_207 = tpu.vector_load %arg5[%swap3A_205, %swap3A_206] {strides = array<i32>} : memref<256x64xf32, #tpu.memory_space<vmem>>, vector<16xf32>,
      tpu.vector_store %arg5[%swap3A_205, %swap3A_206], %broadcast_in_dim3A_49 {strides = array<i32>} : memref<256x64xf32, #tpu.memory_space<vmem>>, vector<16xf32>,
      %add3A_208 = arith.constant 3 : i32
      %add3A_209 = arith.addi %multiple_of3A, %add3A_208 : i32
      %swap3A_210 = arith.index_cast %add3A_209 : i32 to index
      %swap3A_211 = arith.constant 32 : index
      %swap3A_212 = tpu.vector_load %arg5[%swap3A_210, %swap3A_211] {strides = array<i32>} : memref<256x64xf32, #tpu.memory_space<vmem>>, vector<16xf32>,
      tpu.vector_store %arg5[%swap3A_210, %swap3A_211], %broadcast_in_dim3A_49 {strides = array<i32>} : memref<256x64xf32, #tpu.memory_space<vmem>>, vector<16xf32>,
      %add3A_213 = arith.constant 3 : i32
      %add3A_214 = arith.addi %multiple_of3A, %add3A_213 : i32
      %swap3A_215 = arith.index_cast %add3A_214 : i32 to index
      %swap3A_216 = arith.constant 48 : index
      %swap3A_217 = tpu.vector_load %arg5[%swap3A_215, %swap3A_216] {strides = array<i32>} : memref<256x64xf32, #tpu.memory_space<vmem>>, vector<16xf32>,
      tpu.vector_store %arg5[%swap3A_215, %swap3A_216], %broadcast_in_dim3A_49 {strides = array<i32>} : memref<256x64xf32, #tpu.memory_space<vmem>>, vector<16xf32>,
      %add3A_218 = arith.constant 4 : i32
      %add3A_219 = arith.addi %multiple_of3A, %add3A_218 : i32
      %swap3A_220 = arith.index_cast %add3A_219 : i32 to index
      %swap3A_221 = arith.constant 0 : index
      %swap3A_222 = tpu.vector_load %arg5[%swap3A_220, %swap3A_221] {strides = array<i32>} : memref<256x64xf32, #tpu.memory_space<vmem>>, vector<16xf32>,
      tpu.vector_store %arg5[%swap3A_220, %swap3A_221], %broadcast_in_dim3A_49 {strides = array<i32>} : memref<256x64xf32, #tpu.memory_space<vmem>>, vector<16xf32>,
      %add3A_223 = arith.constant 4 : i32
      %add3A_224 = arith.addi %multiple_of3A, %add3A_223 : i32
      %swap3A_225 = arith.index_cast %add3A_224 : i32 to index
      %swap3A_226 = arith.constant 16 : index
      %swap3A_227 = tpu.vector_load %arg5[%swap3A_225, %swap3A_226] {strides = array<i32>} : memref<256x64xf32, #tpu.memory_space<vmem>>, vector<16xf32>,
      tpu.vector_store %arg5[%swap3A_225, %swap3A_226], %broadcast_in_dim3A_49 {strides = array<i32>} : memref<256x64xf32, #tpu.memory_space<vmem>>, vector<16xf32>,
      %add3A_228 = arith.constant 4 : i32
      %add3A_229 = arith.addi %multiple_of3A, %add3A_228 : i32
      %swap3A_230 = arith.index_cast %add3A_229 : i32 to index
      %swap3A_231 = arith.constant 32 : index
      %swap3A_232 = tpu.vector_load %arg5[%swap3A_230, %swap3A_231] {strides = array<i32>} : memref<256x64xf32, #tpu.memory_space<vmem>>, vector<16xf32>,
      tpu.vector_store %arg5[%swap3A_230, %swap3A_231], %broadcast_in_dim3A_49 {strides = array<i32>} : memref<256x64xf32, #tpu.memory_space<vmem>>, vector<16xf32>,
      %add3A_233 = arith.constant 4 : i32
      %add3A_234 = arith.addi %multiple_of3A, %add3A_233 : i32
      %swap3A_235 = arith.index_cast %add3A_234 : i32 to index
      %swap3A_236 = arith.constant 48 : index
      %swap3A_237 = tpu.vector_load %arg5[%swap3A_235, %swap3A_236] {strides = array<i32>} : memref<256x64xf32, #tpu.memory_space<vmem>>, vector<16xf32>,
      tpu.vector_store %arg5[%swap3A_235, %swap3A_236], %broadcast_in_dim3A_49 {strides = array<i32>} : memref<256x64xf32, #tpu.memory_space<vmem>>, vector<16xf32>,
      %add3A_238 = arith.constant 5 : i32
      %add3A_239 = arith.addi %multiple_of3A, %add3A_238 : i32
      %swap3A_240 = arith.index_cast %add3A_239 : i32 to index
      %swap3A_241 = arith.constant 0 : index
      %swap3A_242 = tpu.vector_load %arg5[%swap3A_240, %swap3A_241] {strides = array<i32>} : memref<256x64xf32, #tpu.memory_space<vmem>>, vector<16xf32>,
      tpu.vector_store %arg5[%swap3A_240, %swap3A_241], %broadcast_in_dim3A_49 {strides = array<i32>} : memref<256x64xf32, #tpu.memory_space<vmem>>, vector<16xf32>,
      %add3A_243 = arith.constant 5 : i32
      %add3A_244 = arith.addi %multiple_of3A, %add3A_243 : i32
      %swap3A_245 = arith.index_cast %add3A_244 : i32 to index
      %swap3A_246 = arith.constant 16 : index
      %swap3A_247 = tpu.vector_load %arg5[%swap3A_245, %swap3A_246] {strides = array<i32>} : memref<256x64xf32, #tpu.memory_space<vmem>>, vector<16xf32>,
      tpu.vector_store %arg5[%swap3A_245, %swap3A_246], %broadcast_in_dim3A_49 {strides = array<i32>} : memref<256x64xf32, #tpu.memory_space<vmem>>, vector<16xf32>,
      %add3A_248 = arith.constant 5 : i32
      %add3A_249 = arith.addi %multiple_of3A, %add3A_248 : i32
      %swap3A_250 = arith.index_cast %add3A_249 : i32 to index
      %swap3A_251 = arith.constant 32 : index
      %swap3A_252 = tpu.vector_load %arg5[%swap3A_250, %swap3A_251] {strides = array<i32>} : memref<256x64xf32, #tpu.memory_space<vmem>>, vector<16xf32>,
      tpu.vector_store %arg5[%swap3A_250, %swap3A_251], %broadcast_in_dim3A_49 {strides = array<i32>} : memref<256x64xf32, #tpu.memory_space<vmem>>, vector<16xf32>,
      %add3A_253 = arith.constant 5 : i32
      %add3A_254 = arith.addi %multiple_of3A, %add3A_253 : i32
      %swap3A_255 = arith.index_cast %add3A_254 : i32 to index
      %swap3A_256 = arith.constant 48 : index
      %swap3A_257 = tpu.vector_load %arg5[%swap3A_255, %swap3A_256] {strides = array<i32>} : memref<256x64xf32, #tpu.memory_space<vmem>>, vector<16xf32>,
      tpu.vector_store %arg5[%swap3A_255, %swap3A_256], %broadcast_in_dim3A_49 {strides = array<i32>} : memref<256x64xf32, #tpu.memory_space<vmem>>, vector<16xf32>,
      %add3A_258 = arith.constant 6 : i32
      %add3A_259 = arith.addi %multiple_of3A, %add3A_258 : i32
      %swap3A_260 = arith.index_cast %add3A_259 : i32 to index
      %swap3A_261 = arith.constant 0 : index
      %swap3A_262 = tpu.vector_load %arg5[%swap3A_260, %swap3A_261] {strides = array<i32>} : memref<256x64xf32, #tpu.memory_space<vmem>>, vector<16xf32>,
      tpu.vector_store %arg5[%swap3A_260, %swap3A_261], %broadcast_in_dim3A_49 {strides = array<i32>} : memref<256x64xf32, #tpu.memory_space<vmem>>, vector<16xf32>,
      %add3A_263 = arith.constant 6 : i32
      %add3A_264 = arith.addi %multiple_of3A, %add3A_263 : i32
      %swap3A_265 = arith.index_cast %add3A_264 : i32 to index
      %swap3A_266 = arith.constant 16 : index
      %swap3A_267 = tpu.vector_load %arg5[%swap3A_265, %swap3A_266] {strides = array<i32>} : memref<256x64xf32, #tpu.memory_space<vmem>>, vector<16xf32>,
      tpu.vector_store %arg5[%swap3A_265, %swap3A_266], %broadcast_in_dim3A_49 {strides = array<i32>} : memref<256x64xf32, #tpu.memory_space<vmem>>, vector<16xf32>,
      %add3A_268 = arith.constant 6 : i32
      %add3A_269 = arith.addi %multiple_of3A, %add3A_268 : i32
      %swap3A_270 = arith.index_cast %add3A_269 : i32 to index
      %swap3A_271 = arith.constant 32 : index
      %swap3A_272 = tpu.vector_load %arg5[%swap3A_270, %swap3A_271] {strides = array<i32>} : memref<256x64xf32, #tpu.memory_space<vmem>>, vector<16xf32>,
      tpu.vector_store %arg5[%swap3A_270, %swap3A_271], %broadcast_in_dim3A_49 {strides = array<i32>} : memref<256x64xf32, #tpu.memory_space<vmem>>, vector<16xf32>,
      %add3A_273 = arith.constant 6 : i32
      %add3A_274 = arith.addi %multiple_of3A, %add3A_273 : i32
      %swap3A_275 = arith.index_cast %add3A_274 : i32 to index
      %swap3A_276 = arith.constant 48 : index
      %swap3A_277 = tpu.vector_load %arg5[%swap3A_275, %swap3A_276] {strides = array<i32>} : memref<256x64xf32, #tpu.memory_space<vmem>>, vector<16xf32>,
      tpu.vector_store %arg5[%swap3A_275, %swap3A_276], %broadcast_in_dim3A_49 {strides = array<i32>} : memref<256x64xf32, #tpu.memory_space<vmem>>, vector<16xf32>,
      %add3A_278 = arith.constant 7 : i32
      %add3A_279 = arith.addi %multiple_of3A, %add3A_278 : i32
      %swap3A_280 = arith.index_cast %add3A_279 : i32 to index
      %swap3A_281 = arith.constant 0 : index
      %swap3A_282 = tpu.vector_load %arg5[%swap3A_280, %swap3A_281] {strides = array<i32>} : memref<256x64xf32, #tpu.memory_space<vmem>>, vector<16xf32>,
      tpu.vector_store %arg5[%swap3A_280, %swap3A_281], %broadcast_in_dim3A_49 {strides = array<i32>} : memref<256x64xf32, #tpu.memory_space<vmem>>, vector<16xf32>,
      %add3A_283 = arith.constant 7 : i32
      %add3A_284 = arith.addi %multiple_of3A, %add3A_283 : i32
      %swap3A_285 = arith.index_cast %add3A_284 : i32 to index
      %swap3A_286 = arith.constant 16 : index
      %swap3A_287 = tpu.vector_load %arg5[%swap3A_285, %swap3A_286] {strides = array<i32>} : memref<256x64xf32, #tpu.memory_space<vmem>>, vector<16xf32>,
      tpu.vector_store %arg5[%swap3A_285, %swap3A_286], %broadcast_in_dim3A_49 {strides = array<i32>} : memref<256x64xf32, #tpu.memory_space<vmem>>, vector<16xf32>,
      %add3A_288 = arith.constant 7 : i32
      %add3A_289 = arith.addi %multiple_of3A, %add3A_288 : i32
      %swap3A_290 = arith.index_cast %add3A_289 : i32 to index
      %swap3A_291 = arith.constant 32 : index
      %swap3A_292 = tpu.vector_load %arg5[%swap3A_290, %swap3A_291] {strides = array<i32>} : memref<256x64xf32, #tpu.memory_space<vmem>>, vector<16xf32>,
      tpu.vector_store %arg5[%swap3A_290, %swap3A_291], %broadcast_in_dim3A_49 {strides = array<i32>} : memref<256x64xf32, #tpu.memory_space<vmem>>, vector<16xf32>,
      %add3A_293 = arith.constant 7 : i32
      %add3A_294 = arith.addi %multiple_of3A, %add3A_293 : i32
      %swap3A_295 = arith.index_cast %add3A_294 : i32 to index
      %swap3A_296 = arith.constant 48 : index
      %swap3A_297 = tpu.vector_load %arg5[%swap3A_295, %swap3A_296] {strides = array<i32>} : memref<256x64xf32, #tpu.memory_space<vmem>>, vector<16xf32>,
      tpu.vector_store %arg5[%swap3A_295, %swap3A_296], %broadcast_in_dim3A_49 {strides = array<i32>} : memref<256x64xf32, #tpu.memory_space<vmem>>, vector<16xf32>,
      %add3A_298 = arith.constant 8 : i32
      %add3A_299 = arith.addi %multiple_of3A, %add3A_298 : i32
      %swap3A_300 = arith.index_cast %add3A_299 : i32 to index
      %swap3A_301 = arith.constant 0 : index
      %swap3A_302 = tpu.vector_load %arg5[%swap3A_300, %swap3A_301] {strides = array<i32>} : memref<256x64xf32, #tpu.memory_space<vmem>>, vector<16xf32>,
      tpu.vector_store %arg5[%swap3A_300, %swap3A_301], %broadcast_in_dim3A_49 {strides = array<i32>} : memref<256x64xf32, #tpu.memory_space<vmem>>, vector<16xf32>,
      %add3A_303 = arith.constant 8 : i32
      %add3A_304 = arith.addi %multiple_of3A, %add3A_303 : i32
      %swap3A_305 = arith.index_cast %add3A_304 : i32 to index
      %swap3A_306 = arith.constant 16 : index
      %swap3A_307 = tpu.vector_load %arg5[%swap3A_305, %swap3A_306] {strides = array<i32>} : memref<256x64xf32, #tpu.memory_space<vmem>>, vector<16xf32>,
      tpu.vector_store %arg5[%swap3A_305, %swap3A_306], %broadcast_in_dim3A_49 {strides = array<i32>} : memref<256x64xf32, #tpu.memory_space<vmem>>, vector<16xf32>,
      %add3A_308 = arith.constant 8 : i32
      %add3A_309 = arith.addi %multiple_of3A, %add3A_308 : i32
      %swap3A_310 = arith.index_cast %add3A_309 : i32 to index
      %swap3A_311 = arith.constant 32 : index
      %swap3A_312 = tpu.vector_load %arg5[%swap3A_310, %swap3A_311] {strides = array<i32>} : memref<256x64xf32, #tpu.memory_space<vmem>>, vector<16xf32>,
      tpu.vector_store %arg5[%swap3A_310, %swap3A_311], %broadcast_in_dim3A_49 {strides = array<i32>} : memref<256x64xf32, #tpu.memory_space<vmem>>, vector<16xf32>,
      %add3A_313 = arith.constant 8 : i32
      %add3A_314 = arith.addi %multiple_of3A, %add3A_313 : i32
      %swap3A_315 = arith.index_cast %add3A_314 : i32 to index
      %swap3A_316 = arith.constant 48 : index
      %swap3A_317 = tpu.vector_load %arg5[%swap3A_315, %swap3A_316] {strides = array<i32>} : memref<256x64xf32, #tpu.memory_space<vmem>>, vector<16xf32>,
      tpu.vector_store %arg5[%swap3A_315, %swap3A_316], %broadcast_in_dim3A_49 {strides = array<i32>} : memref<256x64xf32, #tpu.memory_space<vmem>>, vector<16xf32>,
      %add3A_318 = arith.constant 9 : i32
      %add3A_319 = arith.addi %multiple_of3A, %add3A_318 : i32
      %swap3A_320 = arith.index_cast %add3A_319 : i32 to index
      %swap3A_321 = arith.constant 0 : index
      %swap3A_322 = tpu.vector_load %arg5[%swap3A_320, %swap3A_321] {strides = array<i32>} : memref<256x64xf32, #tpu.memory_space<vmem>>, vector<16xf32>,
      tpu.vector_store %arg5[%swap3A_320, %swap3A_321], %broadcast_in_dim3A_49 {strides = array<i32>} : memref<256x64xf32, #tpu.memory_space<vmem>>, vector<16xf32>,
      %add3A_323 = arith.constant 9 : i32
      %add3A_324 = arith.addi %multiple_of3A, %add3A_323 : i32
      %swap3A_325 = arith.index_cast %add3A_324 : i32 to index
      %swap3A_326 = arith.constant 16 : index
      %swap3A_327 = tpu.vector_load %arg5[%swap3A_325, %swap3A_326] {strides = array<i32>} : memref<256x64xf32, #tpu.memory_space<vmem>>, vector<16xf32>,
      tpu.vector_store %arg5[%swap3A_325, %swap3A_326], %broadcast_in_dim3A_49 {strides = array<i32>} : memref<256x64xf32, #tpu.memory_space<vmem>>, vector<16xf32>,
      %add3A_328 = arith.constant 9 : i32
      %add3A_329 = arith.addi %multiple_of3A, %add3A_328 : i32
      %swap3A_330 = arith.index_cast %add3A_329 : i32 to index
      %swap3A_331 = arith.constant 32 : index
      %swap3A_332 = tpu.vector_load %arg5[%swap3A_330, %swap3A_331] {strides = array<i32>} : memref<256x64xf32, #tpu.memory_space<vmem>>, vector<16xf32>,
      tpu.vector_store %arg5[%swap3A_330, %swap3A_331], %broadcast_in_dim3A_49 {strides = array<i32>} : memref<256x64xf32, #tpu.memory_space<vmem>>, vector<16xf32>,
      %add3A_333 = arith.constant 9 : i32
      %add3A_334 = arith.addi %multiple_of3A, %add3A_333 : i32
      %swap3A_335 = arith.index_cast %add3A_334 : i32 to index
      %swap3A_336 = arith.constant 48 : index
      %swap3A_337 = tpu.vector_load %arg5[%swap3A_335, %swap3A_336] {strides = array<i32>} : memref<256x64xf32, #tpu.memory_space<vmem>>, vector<16xf32>,
      tpu.vector_store %arg5[%swap3A_335, %swap3A_336], %broadcast_in_dim3A_49 {strides = array<i32>} : memref<256x64xf32, #tpu.memory_space<vmem>>, vector<16xf32>,
      %add3A_338 = arith.constant 10 : i32
      %add3A_339 = arith.addi %multiple_of3A, %add3A_338 : i32
      %swap3A_340 = arith.index_cast %add3A_339 : i32 to index
      %swap3A_341 = arith.constant 0 : index
      %swap3A_342 = tpu.vector_load %arg5[%swap3A_340, %swap3A_341] {strides = array<i32>} : memref<256x64xf32, #tpu.memory_space<vmem>>, vector<16xf32>,
      tpu.vector_store %arg5[%swap3A_340, %swap3A_341], %broadcast_in_dim3A_49 {strides = array<i32>} : memref<256x64xf32, #tpu.memory_space<vmem>>, vector<16xf32>,
      %add3A_343 = arith.constant 10 : i32
      %add3A_344 = arith.addi %multiple_of3A, %add3A_343 : i32
      %swap3A_345 = arith.index_cast %add3A_344 : i32 to index
      %swap3A_346 = arith.constant 16 : index
      %swap3A_347 = tpu.vector_load %arg5[%swap3A_345, %swap3A_346] {strides = array<i32>} : memref<256x64xf32, #tpu.memory_space<vmem>>, vector<16xf32>,
      tpu.vector_store %arg5[%swap3A_345, %swap3A_346], %broadcast_in_dim3A_49 {strides = array<i32>} : memref<256x64xf32, #tpu.memory_space<vmem>>, vector<16xf32>,
      %add3A_348 = arith.constant 10 : i32
      %add3A_349 = arith.addi %multiple_of3A, %add3A_348 : i32
      %swap3A_350 = arith.index_cast %add3A_349 : i32 to index
      %swap3A_351 = arith.constant 32 : index
      %swap3A_352 = tpu.vector_load %arg5[%swap3A_350, %swap3A_351] {strides = array<i32>} : memref<256x64xf32, #tpu.memory_space<vmem>>, vector<16xf32>,
      tpu.vector_store %arg5[%swap3A_350, %swap3A_351], %broadcast_in_dim3A_49 {strides = array<i32>} : memref<256x64xf32, #tpu.memory_space<vmem>>, vector<16xf32>,
      %add3A_353 = arith.constant 10 : i32
      %add3A_354 = arith.addi %multiple_of3A, %add3A_353 : i32
      %swap3A_355 = arith.index_cast %add3A_354 : i32 to index
      %swap3A_356 = arith.constant 48 : index
      %swap3A_357 = tpu.vector_load %arg5[%swap3A_355, %swap3A_356] {strides = array<i32>} : memref<256x64xf32, #tpu.memory_space<vmem>>, vector<16xf32>,
      tpu.vector_store %arg5[%swap3A_355, %swap3A_356], %broadcast_in_dim3A_49 {strides = array<i32>} : memref<256x64xf32, #tpu.memory_space<vmem>>, vector<16xf32>,
      %add3A_358 = arith.constant 11 : i32
      %add3A_359 = arith.addi %multiple_of3A, %add3A_358 : i32
      %swap3A_360 = arith.index_cast %add3A_359 : i32 to index
      %swap3A_361 = arith.constant 0 : index
      %swap3A_362 = tpu.vector_load %arg5[%swap3A_360, %swap3A_361] {strides = array<i32>} : memref<256x64xf32, #tpu.memory_space<vmem>>, vector<16xf32>,
      tpu.vector_store %arg5[%swap3A_360, %swap3A_361], %broadcast_in_dim3A_49 {strides = array<i32>} : memref<256x64xf32, #tpu.memory_space<vmem>>, vector<16xf32>,
      %add3A_363 = arith.constant 11 : i32
      %add3A_364 = arith.addi %multiple_of3A, %add3A_363 : i32
      %swap3A_365 = arith.index_cast %add3A_364 : i32 to index
      %swap3A_366 = arith.constant 16 : index
      %swap3A_367 = tpu.vector_load %arg5[%swap3A_365, %swap3A_366] {strides = array<i32>} : memref<256x64xf32, #tpu.memory_space<vmem>>, vector<16xf32>,
      tpu.vector_store %arg5[%swap3A_365, %swap3A_366], %broadcast_in_dim3A_49 {strides = array<i32>} : memref<256x64xf32, #tpu.memory_space<vmem>>, vector<16xf32>,
      %add3A_368 = arith.constant 11 : i32
      %add3A_369 = arith.addi %multiple_of3A, %add3A_368 : i32
      %swap3A_370 = arith.index_cast %add3A_369 : i32 to index
      %swap3A_371 = arith.constant 32 : index
      %swap3A_372 = tpu.vector_load %arg5[%swap3A_370, %swap3A_371] {strides = array<i32>} : memref<256x64xf32, #tpu.memory_space<vmem>>, vector<16xf32>,
      tpu.vector_store %arg5[%swap3A_370, %swap3A_371], %broadcast_in_dim3A_49 {strides = array<i32>} : memref<256x64xf32, #tpu.memory_space<vmem>>, vector<16xf32>,
      %add3A_373 = arith.constant 11 : i32
      %add3A_374 = arith.addi %multiple_of3A, %add3A_373 : i32
      %swap3A_375 = arith.index_cast %add3A_374 : i32 to index
      %swap3A_376 = arith.constant 48 : index
      %swap3A_377 = tpu.vector_load %arg5[%swap3A_375, %swap3A_376] {strides = array<i32>} : memref<256x64xf32, #tpu.memory_space<vmem>>, vector<16xf32>,
      tpu.vector_store %arg5[%swap3A_375, %swap3A_376], %broadcast_in_dim3A_49 {strides = array<i32>} : memref<256x64xf32, #tpu.memory_space<vmem>>, vector<16xf32>,
      %add3A_378 = arith.constant 12 : i32
      %add3A_379 = arith.addi %multiple_of3A, %add3A_378 : i32
      %swap3A_380 = arith.index_cast %add3A_379 : i32 to index
      %swap3A_381 = arith.constant 0 : index
      %swap3A_382 = tpu.vector_load %arg5[%swap3A_380, %swap3A_381] {strides = array<i32>} : memref<256x64xf32, #tpu.memory_space<vmem>>, vector<16xf32>,
      tpu.vector_store %arg5[%swap3A_380, %swap3A_381], %broadcast_in_dim3A_49 {strides = array<i32>} : memref<256x64xf32, #tpu.memory_space<vmem>>, vector<16xf32>,
      %add3A_383 = arith.constant 12 : i32
      %add3A_384 = arith.addi %multiple_of3A, %add3A_383 : i32
      %swap3A_385 = arith.index_cast %add3A_384 : i32 to index
      %swap3A_386 = arith.constant 16 : index
      %swap3A_387 = tpu.vector_load %arg5[%swap3A_385, %swap3A_386] {strides = array<i32>} : memref<256x64xf32, #tpu.memory_space<vmem>>, vector<16xf32>,
      tpu.vector_store %arg5[%swap3A_385, %swap3A_386], %broadcast_in_dim3A_49 {strides = array<i32>} : memref<256x64xf32, #tpu.memory_space<vmem>>, vector<16xf32>,
      %add3A_388 = arith.constant 12 : i32
      %add3A_389 = arith.addi %multiple_of3A, %add3A_388 : i32
      %swap3A_390 = arith.index_cast %add3A_389 : i32 to index
      %swap3A_391 = arith.constant 32 : index
      %swap3A_392 = tpu.vector_load %arg5[%swap3A_390, %swap3A_391] {strides = array<i32>} : memref<256x64xf32, #tpu.memory_space<vmem>>, vector<16xf32>,
      tpu.vector_store %arg5[%swap3A_390, %swap3A_391], %broadcast_in_dim3A_49 {strides = array<i32>} : memref<256x64xf32, #tpu.memory_space<vmem>>, vector<16xf32>,
      %add3A_393 = arith.constant 12 : i32
      %add3A_394 = arith.addi %multiple_of3A, %add3A_393 : i32
      %swap3A_395 = arith.index_cast %add3A_394 : i32 to index
      %swap3A_396 = arith.constant 48 : index
      %swap3A_397 = tpu.vector_load %arg5[%swap3A_395, %swap3A_396] {strides = array<i32>} : memref<256x64xf32, #tpu.memory_space<vmem>>, vector<16xf32>,
      tpu.vector_store %arg5[%swap3A_395, %swap3A_396], %broadcast_in_dim3A_49 {strides = array<i32>} : memref<256x64xf32, #tpu.memory_space<vmem>>, vector<16xf32>,
      %add3A_398 = arith.constant 13 : i32
      %add3A_399 = arith.addi %multiple_of3A, %add3A_398 : i32
      %swap3A_400 = arith.index_cast %add3A_399 : i32 to index
      %swap3A_401 = arith.constant 0 : index
      %swap3A_402 = tpu.vector_load %arg5[%swap3A_400, %swap3A_401] {strides = array<i32>} : memref<256x64xf32, #tpu.memory_space<vmem>>, vector<16xf32>,
      tpu.vector_store %arg5[%swap3A_400, %swap3A_401], %broadcast_in_dim3A_49 {strides = array<i32>} : memref<256x64xf32, #tpu.memory_space<vmem>>, vector<16xf32>,
      %add3A_403 = arith.constant 13 : i32
      %add3A_404 = arith.addi %multiple_of3A, %add3A_403 : i32
      %swap3A_405 = arith.index_cast %add3A_404 : i32 to index
      %swap3A_406 = arith.constant 16 : index
      %swap3A_407 = tpu.vector_load %arg5[%swap3A_405, %swap3A_406] {strides = array<i32>} : memref<256x64xf32, #tpu.memory_space<vmem>>, vector<16xf32>,
      tpu.vector_store %arg5[%swap3A_405, %swap3A_406], %broadcast_in_dim3A_49 {strides = array<i32>} : memref<256x64xf32, #tpu.memory_space<vmem>>, vector<16xf32>,
      %add3A_408 = arith.constant 13 : i32
      %add3A_409 = arith.addi %multiple_of3A, %add3A_408 : i32
      %swap3A_410 = arith.index_cast %add3A_409 : i32 to index
      %swap3A_411 = arith.constant 32 : index
      %swap3A_412 = tpu.vector_load %arg5[%swap3A_410, %swap3A_411] {strides = array<i32>} : memref<256x64xf32, #tpu.memory_space<vmem>>, vector<16xf32>,
      tpu.vector_store %arg5[%swap3A_410, %swap3A_411], %broadcast_in_dim3A_49 {strides = array<i32>} : memref<256x64xf32, #tpu.memory_space<vmem>>, vector<16xf32>,
      %add3A_413 = arith.constant 13 : i32
      %add3A_414 = arith.addi %multiple_of3A, %add3A_413 : i32
      %swap3A_415 = arith.index_cast %add3A_414 : i32 to index
      %swap3A_416 = arith.constant 48 : index
      %swap3A_417 = tpu.vector_load %arg5[%swap3A_415, %swap3A_416] {strides = array<i32>} : memref<256x64xf32, #tpu.memory_space<vmem>>, vector<16xf32>,
      tpu.vector_store %arg5[%swap3A_415, %swap3A_416], %broadcast_in_dim3A_49 {strides = array<i32>} : memref<256x64xf32, #tpu.memory_space<vmem>>, vector<16xf32>,
      %add3A_418 = arith.constant 14 : i32
      %add3A_419 = arith.addi %multiple_of3A, %add3A_418 : i32
      %swap3A_420 = arith.index_cast %add3A_419 : i32 to index
      %swap3A_421 = arith.constant 0 : index
      %swap3A_422 = tpu.vector_load %arg5[%swap3A_420, %swap3A_421] {strides = array<i32>} : memref<256x64xf32, #tpu.memory_space<vmem>>, vector<16xf32>,
      tpu.vector_store %arg5[%swap3A_420, %swap3A_421], %broadcast_in_dim3A_49 {strides = array<i32>} : memref<256x64xf32, #tpu.memory_space<vmem>>, vector<16xf32>,
      %add3A_423 = arith.constant 14 : i32
      %add3A_424 = arith.addi %multiple_of3A, %add3A_423 : i32
      %swap3A_425 = arith.index_cast %add3A_424 : i32 to index
      %swap3A_426 = arith.constant 16 : index
      %swap3A_427 = tpu.vector_load %arg5[%swap3A_425, %swap3A_426] {strides = array<i32>} : memref<256x64xf32, #tpu.memory_space<vmem>>, vector<16xf32>,
      tpu.vector_store %arg5[%swap3A_425, %swap3A_426], %broadcast_in_dim3A_49 {strides = array<i32>} : memref<256x64xf32, #tpu.memory_space<vmem>>, vector<16xf32>,
      %add3A_428 = arith.constant 14 : i32
      %add3A_429 = arith.addi %multiple_of3A, %add3A_428 : i32
      %swap3A_430 = arith.index_cast %add3A_429 : i32 to index
      %swap3A_431 = arith.constant 32 : index
      %swap3A_432 = tpu.vector_load %arg5[%swap3A_430, %swap3A_431] {strides = array<i32>} : memref<256x64xf32, #tpu.memory_space<vmem>>, vector<16xf32>,
      tpu.vector_store %arg5[%swap3A_430, %swap3A_431], %broadcast_in_dim3A_49 {strides = array<i32>} : memref<256x64xf32, #tpu.memory_space<vmem>>, vector<16xf32>,
      %add3A_433 = arith.constant 14 : i32
      %add3A_434 = arith.addi %multiple_of3A, %add3A_433 : i32
      %swap3A_435 = arith.index_cast %add3A_434 : i32 to index
      %swap3A_436 = arith.constant 48 : index
      %swap3A_437 = tpu.vector_load %arg5[%swap3A_435, %swap3A_436] {strides = array<i32>} : memref<256x64xf32, #tpu.memory_space<vmem>>, vector<16xf32>,
      tpu.vector_store %arg5[%swap3A_435, %swap3A_436], %broadcast_in_dim3A_49 {strides = array<i32>} : memref<256x64xf32, #tpu.memory_space<vmem>>, vector<16xf32>,
      %add3A_438 = arith.constant 15 : i32
      %add3A_439 = arith.addi %multiple_of3A, %add3A_438 : i32
      %swap3A_440 = arith.index_cast %add3A_439 : i32 to index
      %swap3A_441 = arith.constant 0 : index
      %swap3A_442 = tpu.vector_load %arg5[%swap3A_440, %swap3A_441] {strides = array<i32>} : memref<256x64xf32, #tpu.memory_space<vmem>>, vector<16xf32>,
      tpu.vector_store %arg5[%swap3A_440, %swap3A_441], %broadcast_in_dim3A_49 {strides = array<i32>} : memref<256x64xf32, #tpu.memory_space<vmem>>, vector<16xf32>,
      %add3A_443 = arith.constant 15 : i32
      %add3A_444 = arith.addi %multiple_of3A, %add3A_443 : i32
      %swap3A_445 = arith.index_cast %add3A_444 : i32 to index
      %swap3A_446 = arith.constant 16 : index
      %swap3A_447 = tpu.vector_load %arg5[%swap3A_445, %swap3A_446] {strides = array<i32>} : memref<256x64xf32, #tpu.memory_space<vmem>>, vector<16xf32>,
      tpu.vector_store %arg5[%swap3A_445, %swap3A_446], %broadcast_in_dim3A_49 {strides = array<i32>} : memref<256x64xf32, #tpu.memory_space<vmem>>, vector<16xf32>,
      %add3A_448 = arith.constant 15 : i32
      %add3A_449 = arith.addi %multiple_of3A, %add3A_448 : i32
      %swap3A_450 = arith.index_cast %add3A_449 : i32 to index
      %swap3A_451 = arith.constant 32 : index
      %swap3A_452 = tpu.vector_load %arg5[%swap3A_450, %swap3A_451] {strides = array<i32>} : memref<256x64xf32, #tpu.memory_space<vmem>>, vector<16xf32>,
      tpu.vector_store %arg5[%swap3A_450, %swap3A_451], %broadcast_in_dim3A_49 {strides = array<i32>} : memref<256x64xf32, #tpu.memory_space<vmem>>, vector<16xf32>,
      %add3A_453 = arith.constant 15 : i32
      %add3A_454 = arith.addi %multiple_of3A, %add3A_453 : i32
      %swap3A_455 = arith.index_cast %add3A_454 : i32 to index
      %swap3A_456 = arith.constant 48 : index
      %swap3A_457 = tpu.vector_load %arg5[%swap3A_455, %swap3A_456] {strides = array<i32>} : memref<256x64xf32, #tpu.memory_space<vmem>>, vector<16xf32>,
      tpu.vector_store %arg5[%swap3A_455, %swap3A_456], %broadcast_in_dim3A_49 {strides = array<i32>} : memref<256x64xf32, #tpu.memory_space<vmem>>, vector<16xf32>,
      %get3A = arith.constant 0 : i32
      %get3A_458 = arith.index_cast %get3A : i32 to index
      %get3A_459 = arith.index_cast %select_n3A : i32 to index
      %get3A_460 = arith.index_cast %multiple_of3A_136 : i32 to index
      %get3A_461 = tpu.vector_load %arg4[%get3A_458, %get3A_459, %get3A_460] {strides = array<i32>} : memref<64x2x128xf32, #tpu.memory_space<vmem>>, vector<16xf32>,
      %broadcast_in_dim3A_462 = arith.constant 0 : i32
      %broadcast_in_dim3A_463 = vector.broadcast %broadcast_in_dim3A_462 : i32 to vector<16xi32>
      %gt3A = arith.cmpf ogt, %get3A_461, %broadcast_in_dim3A_51 : vector<16xf32>
      %gt3A_464 = arith.cmpf ogt, %get3A_461, %broadcast_in_dim3A_51 : vector<16xf32>
      %select_n3A_465 = arith.select %gt3A_464, %get3A_461, %broadcast_in_dim3A_51 : vector<16xi1>, vector<16xf32>
      %select_n3A_466 = arith.select %gt3A, %broadcast_in_dim3A_51, %select_n3A_465 : vector<16xi1>, vector<16xf32>
      %select_n3A_467 = arith.select %gt3A_464, %broadcast_in_dim3A_463, %broadcast_in_dim3A_53 : vector<16xi1>, vector<16xi32>
      %select_n3A_468 = arith.select %gt3A, %broadcast_in_dim3A_53, %select_n3A_467 : vector<16xi1>, vector<16xi32>
      %select_n3A_469 = arith.select %gt3A, %get3A_461, %broadcast_in_dim3A_51 : vector<16xi1>, vector<16xf32>
      %select_n3A_470 = arith.select %gt3A, %broadcast_in_dim3A_463, %broadcast_in_dim3A_53 : vector<16xi1>, vector<16xi32>
      %get3A_471 = arith.constant 1 : i32
      %get3A_472 = arith.index_cast %get3A_471 : i32 to index
      %get3A_473 = arith.index_cast %select_n3A : i32 to index
      %get3A_474 = arith.index_cast %multiple_of3A_136 : i32 to index
      %get3A_475 = tpu.vector_load %arg4[%get3A_472, %get3A_473, %get3A_474] {strides = array<i32>} : memref<64x2x128xf32, #tpu.memory_space<vmem>>, vector<16xf32>,
      %broadcast_in_dim3A_476 = arith.constant 1 : i32
      %broadcast_in_dim3A_477 = vector.broadcast %broadcast_in_dim3A_476 : i32 to vector<16xi32>
      %gt3A_478 = arith.cmpf ogt, %get3A_475, %select_n3A_469 : vector<16xf32>
      %gt3A_479 = arith.cmpf ogt, %get3A_475, %select_n3A_466 : vector<16xf32>
      %select_n3A_480 = arith.select %gt3A_479, %get3A_475, %select_n3A_466 : vector<16xi1>, vector<16xf32>
      %select_n3A_481 = arith.select %gt3A_478, %select_n3A_469, %select_n3A_480 : vector<16xi1>, vector<16xf32>
      %select_n3A_482 = arith.select %gt3A_479, %broadcast_in_dim3A_477, %select_n3A_468 : vector<16xi1>, vector<16xi32>
      %select_n3A_483 = arith.select %gt3A_478, %select_n3A_470, %select_n3A_482 : vector<16xi1>, vector<16xi32>
      %select_n3A_484 = arith.select %gt3A_478, %get3A_475, %select_n3A_469 : vector<16xi1>, vector<16xf32>
      %select_n3A_485 = arith.select %gt3A_478, %broadcast_in_dim3A_477, %select_n3A_470 : vector<16xi1>, vector<16xi32>
      %get3A_486 = arith.constant 2 : i32
      %get3A_487 = arith.index_cast %get3A_486 : i32 to index
      %get3A_488 = arith.index_cast %select_n3A : i32 to index
      %get3A_489 = arith.index_cast %multiple_of3A_136 : i32 to index
      %get3A_490 = tpu.vector_load %arg4[%get3A_487, %get3A_488, %get3A_489] {strides = array<i32>} : memref<64x2x128xf32, #tpu.memory_space<vmem>>, vector<16xf32>,
      %broadcast_in_dim3A_491 = arith.constant 2 : i32
      %broadcast_in_dim3A_492 = vector.broadcast %broadcast_in_dim3A_491 : i32 to vector<16xi32>
      %gt3A_493 = arith.cmpf ogt, %get3A_490, %select_n3A_484 : vector<16xf32>
      %gt3A_494 = arith.cmpf ogt, %get3A_490, %select_n3A_481 : vector<16xf32>
      %select_n3A_495 = arith.select %gt3A_494, %get3A_490, %select_n3A_481 : vector<16xi1>, vector<16xf32>
      %select_n3A_496 = arith.select %gt3A_493, %select_n3A_484, %select_n3A_495 : vector<16xi1>, vector<16xf32>
      %select_n3A_497 = arith.select %gt3A_494, %broadcast_in_dim3A_492, %select_n3A_483 : vector<16xi1>, vector<16xi32>
      %select_n3A_498 = arith.select %gt3A_493, %select_n3A_485, %select_n3A_497 : vector<16xi1>, vector<16xi32>
      %select_n3A_499 = arith.select %gt3A_493, %get3A_490, %select_n3A_484 : vector<16xi1>, vector<16xf32>
      %select_n3A_500 = arith.select %gt3A_493, %broadcast_in_dim3A_492, %select_n3A_485 : vector<16xi1>, vector<16xi32>
      %get3A_501 = arith.constant 3 : i32
      %get3A_502 = arith.index_cast %get3A_501 : i32 to index
      %get3A_503 = arith.index_cast %select_n3A : i32 to index
      %get3A_504 = arith.index_cast %multiple_of3A_136 : i32 to index
      %get3A_505 = tpu.vector_load %arg4[%get3A_502, %get3A_503, %get3A_504] {strides = array<i32>} : memref<64x2x128xf32, #tpu.memory_space<vmem>>, vector<16xf32>,
      %broadcast_in_dim3A_506 = arith.constant 3 : i32
      %broadcast_in_dim3A_507 = vector.broadcast %broadcast_in_dim3A_506 : i32 to vector<16xi32>
      %gt3A_508 = arith.cmpf ogt, %get3A_505, %select_n3A_499 : vector<16xf32>
      %gt3A_509 = arith.cmpf ogt, %get3A_505, %select_n3A_496 : vector<16xf32>
      %select_n3A_510 = arith.select %gt3A_509, %get3A_505, %select_n3A_496 : vector<16xi1>, vector<16xf32>
      %select_n3A_511 = arith.select %gt3A_508, %select_n3A_499, %select_n3A_510 : vector<16xi1>, vector<16xf32>
      %select_n3A_512 = arith.select %gt3A_509, %broadcast_in_dim3A_507, %select_n3A_498 : vector<16xi1>, vector<16xi32>
      %select_n3A_513 = arith.select %gt3A_508, %select_n3A_500, %select_n3A_512 : vector<16xi1>, vector<16xi32>
      %select_n3A_514 = arith.select %gt3A_508, %get3A_505, %select_n3A_499 : vector<16xi1>, vector<16xf32>
      %select_n3A_515 = arith.select %gt3A_508, %broadcast_in_dim3A_507, %select_n3A_500 : vector<16xi1>, vector<16xi32>
      %get3A_516 = arith.constant 4 : i32
      %get3A_517 = arith.index_cast %get3A_516 : i32 to index
      %get3A_518 = arith.index_cast %select_n3A : i32 to index
      %get3A_519 = arith.index_cast %multiple_of3A_136 : i32 to index
      %get3A_520 = tpu.vector_load %arg4[%get3A_517, %get3A_518, %get3A_519] {strides = array<i32>} : memref<64x2x128xf32, #tpu.memory_space<vmem>>, vector<16xf32>,
      %broadcast_in_dim3A_521 = arith.constant 4 : i32
      %broadcast_in_dim3A_522 = vector.broadcast %broadcast_in_dim3A_521 : i32 to vector<16xi32>
      %gt3A_523 = arith.cmpf ogt, %get3A_520, %select_n3A_514 : vector<16xf32>
      %gt3A_524 = arith.cmpf ogt, %get3A_520, %select_n3A_511 : vector<16xf32>
      %select_n3A_525 = arith.select %gt3A_524, %get3A_520, %select_n3A_511 : vector<16xi1>, vector<16xf32>
      %select_n3A_526 = arith.select %gt3A_523, %select_n3A_514, %select_n3A_525 : vector<16xi1>, vector<16xf32>
      %select_n3A_527 = arith.select %gt3A_524, %broadcast_in_dim3A_522, %select_n3A_513 : vector<16xi1>, vector<16xi32>
      %select_n3A_528 = arith.select %gt3A_523, %select_n3A_515, %select_n3A_527 : vector<16xi1>, vector<16xi32>
      %select_n3A_529 = arith.select %gt3A_523, %get3A_520, %select_n3A_514 : vector<16xi1>, vector<16xf32>
      %select_n3A_530 = arith.select %gt3A_523, %broadcast_in_dim3A_522, %select_n3A_515 : vector<16xi1>, vector<16xi32>
      %get3A_531 = arith.constant 5 : i32
      %get3A_532 = arith.index_cast %get3A_531 : i32 to index
      %get3A_533 = arith.index_cast %select_n3A : i32 to index
      %get3A_534 = arith.index_cast %multiple_of3A_136 : i32 to index
      %get3A_535 = tpu.vector_load %arg4[%get3A_532, %get3A_533, %get3A_534] {strides = array<i32>} : memref<64x2x128xf32, #tpu.memory_space<vmem>>, vector<16xf32>,
      %broadcast_in_dim3A_536 = arith.constant 5 : i32
      %broadcast_in_dim3A_537 = vector.broadcast %broadcast_in_dim3A_536 : i32 to vector<16xi32>
      %gt3A_538 = arith.cmpf ogt, %get3A_535, %select_n3A_529 : vector<16xf32>
      %gt3A_539 = arith.cmpf ogt, %get3A_535, %select_n3A_526 : vector<16xf32>
      %select_n3A_540 = arith.select %gt3A_539, %get3A_535, %select_n3A_526 : vector<16xi1>, vector<16xf32>
      %select_n3A_541 = arith.select %gt3A_538, %select_n3A_529, %select_n3A_540 : vector<16xi1>, vector<16xf32>
      %select_n3A_542 = arith.select %gt3A_539, %broadcast_in_dim3A_537, %select_n3A_528 : vector<16xi1>, vector<16xi32>
      %select_n3A_543 = arith.select %gt3A_538, %select_n3A_530, %select_n3A_542 : vector<16xi1>, vector<16xi32>
      %select_n3A_544 = arith.select %gt3A_538, %get3A_535, %select_n3A_529 : vector<16xi1>, vector<16xf32>
      %select_n3A_545 = arith.select %gt3A_538, %broadcast_in_dim3A_537, %select_n3A_530 : vector<16xi1>, vector<16xi32>
      %get3A_546 = arith.constant 6 : i32
      %get3A_547 = arith.index_cast %get3A_546 : i32 to index
      %get3A_548 = arith.index_cast %select_n3A : i32 to index
      %get3A_549 = arith.index_cast %multiple_of3A_136 : i32 to index
      %get3A_550 = tpu.vector_load %arg4[%get3A_547, %get3A_548, %get3A_549] {strides = array<i32>} : memref<64x2x128xf32, #tpu.memory_space<vmem>>, vector<16xf32>,
      %broadcast_in_dim3A_551 = arith.constant 6 : i32
      %broadcast_in_dim3A_552 = vector.broadcast %broadcast_in_dim3A_551 : i32 to vector<16xi32>
      %gt3A_553 = arith.cmpf ogt, %get3A_550, %select_n3A_544 : vector<16xf32>
      %gt3A_554 = arith.cmpf ogt, %get3A_550, %select_n3A_541 : vector<16xf32>
      %select_n3A_555 = arith.select %gt3A_554, %get3A_550, %select_n3A_541 : vector<16xi1>, vector<16xf32>
      %select_n3A_556 = arith.select %gt3A_553, %select_n3A_544, %select_n3A_555 : vector<16xi1>, vector<16xf32>
      %select_n3A_557 = arith.select %gt3A_554, %broadcast_in_dim3A_552, %select_n3A_543 : vector<16xi1>, vector<16xi32>
      %select_n3A_558 = arith.select %gt3A_553, %select_n3A_545, %select_n3A_557 : vector<16xi1>, vector<16xi32>
      %select_n3A_559 = arith.select %gt3A_553, %get3A_550, %select_n3A_544 : vector<16xi1>, vector<16xf32>
      %select_n3A_560 = arith.select %gt3A_553, %broadcast_in_dim3A_552, %select_n3A_545 : vector<16xi1>, vector<16xi32>
      %get3A_561 = arith.constant 7 : i32
      %get3A_562 = arith.index_cast %get3A_561 : i32 to index
      %get3A_563 = arith.index_cast %select_n3A : i32 to index
      %get3A_564 = arith.index_cast %multiple_of3A_136 : i32 to index
      %get3A_565 = tpu.vector_load %arg4[%get3A_562, %get3A_563, %get3A_564] {strides = array<i32>} : memref<64x2x128xf32, #tpu.memory_space<vmem>>, vector<16xf32>,
      %broadcast_in_dim3A_566 = arith.constant 7 : i32
      %broadcast_in_dim3A_567 = vector.broadcast %broadcast_in_dim3A_566 : i32 to vector<16xi32>
      %gt3A_568 = arith.cmpf ogt, %get3A_565, %select_n3A_559 : vector<16xf32>
      %gt3A_569 = arith.cmpf ogt, %get3A_565, %select_n3A_556 : vector<16xf32>
      %select_n3A_570 = arith.select %gt3A_569, %get3A_565, %select_n3A_556 : vector<16xi1>, vector<16xf32>
      %select_n3A_571 = arith.select %gt3A_568, %select_n3A_559, %select_n3A_570 : vector<16xi1>, vector<16xf32>
      %select_n3A_572 = arith.select %gt3A_569, %broadcast_in_dim3A_567, %select_n3A_558 : vector<16xi1>, vector<16xi32>
      %select_n3A_573 = arith.select %gt3A_568, %select_n3A_560, %select_n3A_572 : vector<16xi1>, vector<16xi32>
      %select_n3A_574 = arith.select %gt3A_568, %get3A_565, %select_n3A_559 : vector<16xi1>, vector<16xf32>
      %select_n3A_575 = arith.select %gt3A_568, %broadcast_in_dim3A_567, %select_n3A_560 : vector<16xi1>, vector<16xi32>
      %get3A_576 = arith.constant 8 : i32
      %get3A_577 = arith.index_cast %get3A_576 : i32 to index
      %get3A_578 = arith.index_cast %select_n3A : i32 to index
      %get3A_579 = arith.index_cast %multiple_of3A_136 : i32 to index
      %get3A_580 = tpu.vector_load %arg4[%get3A_577, %get3A_578, %get3A_579] {strides = array<i32>} : memref<64x2x128xf32, #tpu.memory_space<vmem>>, vector<16xf32>,
      %broadcast_in_dim3A_581 = arith.constant 8 : i32
      %broadcast_in_dim3A_582 = vector.broadcast %broadcast_in_dim3A_581 : i32 to vector<16xi32>
      %gt3A_583 = arith.cmpf ogt, %get3A_580, %select_n3A_574 : vector<16xf32>
      %gt3A_584 = arith.cmpf ogt, %get3A_580, %select_n3A_571 : vector<16xf32>
      %select_n3A_585 = arith.select %gt3A_584, %get3A_580, %select_n3A_571 : vector<16xi1>, vector<16xf32>
      %select_n3A_586 = arith.select %gt3A_583, %select_n3A_574, %select_n3A_585 : vector<16xi1>, vector<16xf32>
      %select_n3A_587 = arith.select %gt3A_584, %broadcast_in_dim3A_582, %select_n3A_573 : vector<16xi1>, vector<16xi32>
      %select_n3A_588 = arith.select %gt3A_583, %select_n3A_575, %select_n3A_587 : vector<16xi1>, vector<16xi32>
      %select_n3A_589 = arith.select %gt3A_583, %get3A_580, %select_n3A_574 : vector<16xi1>, vector<16xf32>
      %select_n3A_590 = arith.select %gt3A_583, %broadcast_in_dim3A_582, %select_n3A_575 : vector<16xi1>, vector<16xi32>
      %get3A_591 = arith.constant 9 : i32
      %get3A_592 = arith.index_cast %get3A_591 : i32 to index
      %get3A_593 = arith.index_cast %select_n3A : i32 to index
      %get3A_594 = arith.index_cast %multiple_of3A_136 : i32 to index
      %get3A_595 = tpu.vector_load %arg4[%get3A_592, %get3A_593, %get3A_594] {strides = array<i32>} : memref<64x2x128xf32, #tpu.memory_space<vmem>>, vector<16xf32>,
      %broadcast_in_dim3A_596 = arith.constant 9 : i32
      %broadcast_in_dim3A_597 = vector.broadcast %broadcast_in_dim3A_596 : i32 to vector<16xi32>
      %gt3A_598 = arith.cmpf ogt, %get3A_595, %select_n3A_589 : vector<16xf32>
      %gt3A_599 = arith.cmpf ogt, %get3A_595, %select_n3A_586 : vector<16xf32>
      %select_n3A_600 = arith.select %gt3A_599, %get3A_595, %select_n3A_586 : vector<16xi1>, vector<16xf32>
      %select_n3A_601 = arith.select %gt3A_598, %select_n3A_589, %select_n3A_600 : vector<16xi1>, vector<16xf32>
      %select_n3A_602 = arith.select %gt3A_599, %broadcast_in_dim3A_597, %select_n3A_588 : vector<16xi1>, vector<16xi32>
      %select_n3A_603 = arith.select %gt3A_598, %select_n3A_590, %select_n3A_602 : vector<16xi1>, vector<16xi32>
      %select_n3A_604 = arith.select %gt3A_598, %get3A_595, %select_n3A_589 : vector<16xi1>, vector<16xf32>
      %select_n3A_605 = arith.select %gt3A_598, %broadcast_in_dim3A_597, %select_n3A_590 : vector<16xi1>, vector<16xi32>
      %get3A_606 = arith.constant 10 : i32
      %get3A_607 = arith.index_cast %get3A_606 : i32 to index
      %get3A_608 = arith.index_cast %select_n3A : i32 to index
      %get3A_609 = arith.index_cast %multiple_of3A_136 : i32 to index
      %get3A_610 = tpu.vector_load %arg4[%get3A_607, %get3A_608, %get3A_609] {strides = array<i32>} : memref<64x2x128xf32, #tpu.memory_space<vmem>>, vector<16xf32>,
      %broadcast_in_dim3A_611 = arith.constant 10 : i32
      %broadcast_in_dim3A_612 = vector.broadcast %broadcast_in_dim3A_611 : i32 to vector<16xi32>
      %gt3A_613 = arith.cmpf ogt, %get3A_610, %select_n3A_604 : vector<16xf32>
      %gt3A_614 = arith.cmpf ogt, %get3A_610, %select_n3A_601 : vector<16xf32>
      %select_n3A_615 = arith.select %gt3A_614, %get3A_610, %select_n3A_601 : vector<16xi1>, vector<16xf32>
      %select_n3A_616 = arith.select %gt3A_613, %select_n3A_604, %select_n3A_615 : vector<16xi1>, vector<16xf32>
      %select_n3A_617 = arith.select %gt3A_614, %broadcast_in_dim3A_612, %select_n3A_603 : vector<16xi1>, vector<16xi32>
      %select_n3A_618 = arith.select %gt3A_613, %select_n3A_605, %select_n3A_617 : vector<16xi1>, vector<16xi32>
      %select_n3A_619 = arith.select %gt3A_613, %get3A_610, %select_n3A_604 : vector<16xi1>, vector<16xf32>
      %select_n3A_620 = arith.select %gt3A_613, %broadcast_in_dim3A_612, %select_n3A_605 : vector<16xi1>, vector<16xi32>
      %get3A_621 = arith.constant 11 : i32
      %get3A_622 = arith.index_cast %get3A_621 : i32 to index
      %get3A_623 = arith.index_cast %select_n3A : i32 to index
      %get3A_624 = arith.index_cast %multiple_of3A_136 : i32 to index
      %get3A_625 = tpu.vector_load %arg4[%get3A_622, %get3A_623, %get3A_624] {strides = array<i32>} : memref<64x2x128xf32, #tpu.memory_space<vmem>>, vector<16xf32>,
      %broadcast_in_dim3A_626 = arith.constant 11 : i32
      %broadcast_in_dim3A_627 = vector.broadcast %broadcast_in_dim3A_626 : i32 to vector<16xi32>
      %gt3A_628 = arith.cmpf ogt, %get3A_625, %select_n3A_619 : vector<16xf32>
      %gt3A_629 = arith.cmpf ogt, %get3A_625, %select_n3A_616 : vector<16xf32>
      %select_n3A_630 = arith.select %gt3A_629, %get3A_625, %select_n3A_616 : vector<16xi1>, vector<16xf32>
      %select_n3A_631 = arith.select %gt3A_628, %select_n3A_619, %select_n3A_630 : vector<16xi1>, vector<16xf32>
      %select_n3A_632 = arith.select %gt3A_629, %broadcast_in_dim3A_627, %select_n3A_618 : vector<16xi1>, vector<16xi32>
      %select_n3A_633 = arith.select %gt3A_628, %select_n3A_620, %select_n3A_632 : vector<16xi1>, vector<16xi32>
      %select_n3A_634 = arith.select %gt3A_628, %get3A_625, %select_n3A_619 : vector<16xi1>, vector<16xf32>
      %select_n3A_635 = arith.select %gt3A_628, %broadcast_in_dim3A_627, %select_n3A_620 : vector<16xi1>, vector<16xi32>
      %get3A_636 = arith.constant 12 : i32
      %get3A_637 = arith.index_cast %get3A_636 : i32 to index
      %get3A_638 = arith.index_cast %select_n3A : i32 to index
      %get3A_639 = arith.index_cast %multiple_of3A_136 : i32 to index
      %get3A_640 = tpu.vector_load %arg4[%get3A_637, %get3A_638, %get3A_639] {strides = array<i32>} : memref<64x2x128xf32, #tpu.memory_space<vmem>>, vector<16xf32>,
      %broadcast_in_dim3A_641 = arith.constant 12 : i32
      %broadcast_in_dim3A_642 = vector.broadcast %broadcast_in_dim3A_641 : i32 to vector<16xi32>
      %gt3A_643 = arith.cmpf ogt, %get3A_640, %select_n3A_634 : vector<16xf32>
      %gt3A_644 = arith.cmpf ogt, %get3A_640, %select_n3A_631 : vector<16xf32>
      %select_n3A_645 = arith.select %gt3A_644, %get3A_640, %select_n3A_631 : vector<16xi1>, vector<16xf32>
      %select_n3A_646 = arith.select %gt3A_643, %select_n3A_634, %select_n3A_645 : vector<16xi1>, vector<16xf32>
      %select_n3A_647 = arith.select %gt3A_644, %broadcast_in_dim3A_642, %select_n3A_633 : vector<16xi1>, vector<16xi32>
      %select_n3A_648 = arith.select %gt3A_643, %select_n3A_635, %select_n3A_647 : vector<16xi1>, vector<16xi32>
      %select_n3A_649 = arith.select %gt3A_643, %get3A_640, %select_n3A_634 : vector<16xi1>, vector<16xf32>
      %select_n3A_650 = arith.select %gt3A_643, %broadcast_in_dim3A_642, %select_n3A_635 : vector<16xi1>, vector<16xi32>
      %get3A_651 = arith.constant 13 : i32
      %get3A_652 = arith.index_cast %get3A_651 : i32 to index
      %get3A_653 = arith.index_cast %select_n3A : i32 to index
      %get3A_654 = arith.index_cast %multiple_of3A_136 : i32 to index
      %get3A_655 = tpu.vector_load %arg4[%get3A_652, %get3A_653, %get3A_654] {strides = array<i32>} : memref<64x2x128xf32, #tpu.memory_space<vmem>>, vector<16xf32>,
      %broadcast_in_dim3A_656 = arith.constant 13 : i32
      %broadcast_in_dim3A_657 = vector.broadcast %broadcast_in_dim3A_656 : i32 to vector<16xi32>
      %gt3A_658 = arith.cmpf ogt, %get3A_655, %select_n3A_649 : vector<16xf32>
      %gt3A_659 = arith.cmpf ogt, %get3A_655, %select_n3A_646 : vector<16xf32>
      %select_n3A_660 = arith.select %gt3A_659, %get3A_655, %select_n3A_646 : vector<16xi1>, vector<16xf32>
      %select_n3A_661 = arith.select %gt3A_658, %select_n3A_649, %select_n3A_660 : vector<16xi1>, vector<16xf32>
      %select_n3A_662 = arith.select %gt3A_659, %broadcast_in_dim3A_657, %select_n3A_648 : vector<16xi1>, vector<16xi32>
      %select_n3A_663 = arith.select %gt3A_658, %select_n3A_650, %select_n3A_662 : vector<16xi1>, vector<16xi32>
      %select_n3A_664 = arith.select %gt3A_658, %get3A_655, %select_n3A_649 : vector<16xi1>, vector<16xf32>
      %select_n3A_665 = arith.select %gt3A_658, %broadcast_in_dim3A_657, %select_n3A_650 : vector<16xi1>, vector<16xi32>
      %get3A_666 = arith.constant 14 : i32
      %get3A_667 = arith.index_cast %get3A_666 : i32 to index
      %get3A_668 = arith.index_cast %select_n3A : i32 to index
      %get3A_669 = arith.index_cast %multiple_of3A_136 : i32 to index
      %get3A_670 = tpu.vector_load %arg4[%get3A_667, %get3A_668, %get3A_669] {strides = array<i32>} : memref<64x2x128xf32, #tpu.memory_space<vmem>>, vector<16xf32>,
      %broadcast_in_dim3A_671 = arith.constant 14 : i32
      %broadcast_in_dim3A_672 = vector.broadcast %broadcast_in_dim3A_671 : i32 to vector<16xi32>
      %gt3A_673 = arith.cmpf ogt, %get3A_670, %select_n3A_664 : vector<16xf32>
      %gt3A_674 = arith.cmpf ogt, %get3A_670, %select_n3A_661 : vector<16xf32>
      %select_n3A_675 = arith.select %gt3A_674, %get3A_670, %select_n3A_661 : vector<16xi1>, vector<16xf32>
      %select_n3A_676 = arith.select %gt3A_673, %select_n3A_664, %select_n3A_675 : vector<16xi1>, vector<16xf32>
      %select_n3A_677 = arith.select %gt3A_674, %broadcast_in_dim3A_672, %select_n3A_663 : vector<16xi1>, vector<16xi32>
      %select_n3A_678 = arith.select %gt3A_673, %select_n3A_665, %select_n3A_677 : vector<16xi1>, vector<16xi32>
      %select_n3A_679 = arith.select %gt3A_673, %get3A_670, %select_n3A_664 : vector<16xi1>, vector<16xf32>
      %select_n3A_680 = arith.select %gt3A_673, %broadcast_in_dim3A_672, %select_n3A_665 : vector<16xi1>, vector<16xi32>
      %get3A_681 = arith.constant 15 : i32
      %get3A_682 = arith.index_cast %get3A_681 : i32 to index
      %get3A_683 = arith.index_cast %select_n3A : i32 to index
      %get3A_684 = arith.index_cast %multiple_of3A_136 : i32 to index
      %get3A_685 = tpu.vector_load %arg4[%get3A_682, %get3A_683, %get3A_684] {strides = array<i32>} : memref<64x2x128xf32, #tpu.memory_space<vmem>>, vector<16xf32>,
      %broadcast_in_dim3A_686 = arith.constant 15 : i32
      %broadcast_in_dim3A_687 = vector.broadcast %broadcast_in_dim3A_686 : i32 to vector<16xi32>
      %gt3A_688 = arith.cmpf ogt, %get3A_685, %select_n3A_679 : vector<16xf32>
      %gt3A_689 = arith.cmpf ogt, %get3A_685, %select_n3A_676 : vector<16xf32>
      %select_n3A_690 = arith.select %gt3A_689, %get3A_685, %select_n3A_676 : vector<16xi1>, vector<16xf32>
      %select_n3A_691 = arith.select %gt3A_688, %select_n3A_679, %select_n3A_690 : vector<16xi1>, vector<16xf32>
      %select_n3A_692 = arith.select %gt3A_689, %broadcast_in_dim3A_687, %select_n3A_678 : vector<16xi1>, vector<16xi32>
      %select_n3A_693 = arith.select %gt3A_688, %select_n3A_680, %select_n3A_692 : vector<16xi1>, vector<16xi32>
      %select_n3A_694 = arith.select %gt3A_688, %get3A_685, %select_n3A_679 : vector<16xi1>, vector<16xf32>
      %select_n3A_695 = arith.select %gt3A_688, %broadcast_in_dim3A_687, %select_n3A_680 : vector<16xi1>, vector<16xi32>
      %get3A_696 = arith.constant 16 : i32
      %get3A_697 = arith.index_cast %get3A_696 : i32 to index
      %get3A_698 = arith.index_cast %select_n3A : i32 to index
      %get3A_699 = arith.index_cast %multiple_of3A_136 : i32 to index
      %get3A_700 = tpu.vector_load %arg4[%get3A_697, %get3A_698, %get3A_699] {strides = array<i32>} : memref<64x2x128xf32, #tpu.memory_space<vmem>>, vector<16xf32>,
      %broadcast_in_dim3A_701 = arith.constant 16 : i32
      %broadcast_in_dim3A_702 = vector.broadcast %broadcast_in_dim3A_701 : i32 to vector<16xi32>
      %gt3A_703 = arith.cmpf ogt, %get3A_700, %broadcast_in_dim3A_51 : vector<16xf32>
      %gt3A_704 = arith.cmpf ogt, %get3A_700, %broadcast_in_dim3A_51 : vector<16xf32>
      %select_n3A_705 = arith.select %gt3A_704, %get3A_700, %broadcast_in_dim3A_51 : vector<16xi1>, vector<16xf32>
      %select_n3A_706 = arith.select %gt3A_703, %broadcast_in_dim3A_51, %select_n3A_705 : vector<16xi1>, vector<16xf32>
      %select_n3A_707 = arith.select %gt3A_704, %broadcast_in_dim3A_702, %broadcast_in_dim3A_53 : vector<16xi1>, vector<16xi32>
      %select_n3A_708 = arith.select %gt3A_703, %broadcast_in_dim3A_53, %select_n3A_707 : vector<16xi1>, vector<16xi32>
      %select_n3A_709 = arith.select %gt3A_703, %get3A_700, %broadcast_in_dim3A_51 : vector<16xi1>, vector<16xf32>
      %select_n3A_710 = arith.select %gt3A_703, %broadcast_in_dim3A_702, %broadcast_in_dim3A_53 : vector<16xi1>, vector<16xi32>
      %get3A_711 = arith.constant 17 : i32
      %get3A_712 = arith.index_cast %get3A_711 : i32 to index
      %get3A_713 = arith.index_cast %select_n3A : i32 to index
      %get3A_714 = arith.index_cast %multiple_of3A_136 : i32 to index
      %get3A_715 = tpu.vector_load %arg4[%get3A_712, %get3A_713, %get3A_714] {strides = array<i32>} : memref<64x2x128xf32, #tpu.memory_space<vmem>>, vector<16xf32>,
      %broadcast_in_dim3A_716 = arith.constant 17 : i32
      %broadcast_in_dim3A_717 = vector.broadcast %broadcast_in_dim3A_716 : i32 to vector<16xi32>
      %gt3A_718 = arith.cmpf ogt, %get3A_715, %select_n3A_709 : vector<16xf32>
      %gt3A_719 = arith.cmpf ogt, %get3A_715, %select_n3A_706 : vector<16xf32>
      %select_n3A_720 = arith.select %gt3A_719, %get3A_715, %select_n3A_706 : vector<16xi1>, vector<16xf32>
      %select_n3A_721 = arith.select %gt3A_718, %select_n3A_709, %select_n3A_720 : vector<16xi1>, vector<16xf32>
      %select_n3A_722 = arith.select %gt3A_719, %broadcast_in_dim3A_717, %select_n3A_708 : vector<16xi1>, vector<16xi32>
      %select_n3A_723 = arith.select %gt3A_718, %select_n3A_710, %select_n3A_722 : vector<16xi1>, vector<16xi32>
      %select_n3A_724 = arith.select %gt3A_718, %get3A_715, %select_n3A_709 : vector<16xi1>, vector<16xf32>
      %select_n3A_725 = arith.select %gt3A_718, %broadcast_in_dim3A_717, %select_n3A_710 : vector<16xi1>, vector<16xi32>
      %get3A_726 = arith.constant 18 : i32
      %get3A_727 = arith.index_cast %get3A_726 : i32 to index
      %get3A_728 = arith.index_cast %select_n3A : i32 to index
      %get3A_729 = arith.index_cast %multiple_of3A_136 : i32 to index
      %get3A_730 = tpu.vector_load %arg4[%get3A_727, %get3A_728, %get3A_729] {strides = array<i32>} : memref<64x2x128xf32, #tpu.memory_space<vmem>>, vector<16xf32>,
      %broadcast_in_dim3A_731 = arith.constant 18 : i32
      %broadcast_in_dim3A_732 = vector.broadcast %broadcast_in_dim3A_731 : i32 to vector<16xi32>
      %gt3A_733 = arith.cmpf ogt, %get3A_730, %select_n3A_724 : vector<16xf32>
      %gt3A_734 = arith.cmpf ogt, %get3A_730, %select_n3A_721 : vector<16xf32>
      %select_n3A_735 = arith.select %gt3A_734, %get3A_730, %select_n3A_721 : vector<16xi1>, vector<16xf32>
      %select_n3A_736 = arith.select %gt3A_733, %select_n3A_724, %select_n3A_735 : vector<16xi1>, vector<16xf32>
      %select_n3A_737 = arith.select %gt3A_734, %broadcast_in_dim3A_732, %select_n3A_723 : vector<16xi1>, vector<16xi32>
      %select_n3A_738 = arith.select %gt3A_733, %select_n3A_725, %select_n3A_737 : vector<16xi1>, vector<16xi32>
      %select_n3A_739 = arith.select %gt3A_733, %get3A_730, %select_n3A_724 : vector<16xi1>, vector<16xf32>
      %select_n3A_740 = arith.select %gt3A_733, %broadcast_in_dim3A_732, %select_n3A_725 : vector<16xi1>, vector<16xi32>
      %get3A_741 = arith.constant 19 : i32
      %get3A_742 = arith.index_cast %get3A_741 : i32 to index
      %get3A_743 = arith.index_cast %select_n3A : i32 to index
      %get3A_744 = arith.index_cast %multiple_of3A_136 : i32 to index
      %get3A_745 = tpu.vector_load %arg4[%get3A_742, %get3A_743, %get3A_744] {strides = array<i32>} : memref<64x2x128xf32, #tpu.memory_space<vmem>>, vector<16xf32>,
      %broadcast_in_dim3A_746 = arith.constant 19 : i32
      %broadcast_in_dim3A_747 = vector.broadcast %broadcast_in_dim3A_746 : i32 to vector<16xi32>
      %gt3A_748 = arith.cmpf ogt, %get3A_745, %select_n3A_739 : vector<16xf32>
      %gt3A_749 = arith.cmpf ogt, %get3A_745, %select_n3A_736 : vector<16xf32>
      %select_n3A_750 = arith.select %gt3A_749, %get3A_745, %select_n3A_736 : vector<16xi1>, vector<16xf32>
      %select_n3A_751 = arith.select %gt3A_748, %select_n3A_739, %select_n3A_750 : vector<16xi1>, vector<16xf32>
      %select_n3A_752 = arith.select %gt3A_749, %broadcast_in_dim3A_747, %select_n3A_738 : vector<16xi1>, vector<16xi32>
      %select_n3A_753 = arith.select %gt3A_748, %select_n3A_740, %select_n3A_752 : vector<16xi1>, vector<16xi32>
      %select_n3A_754 = arith.select %gt3A_748, %get3A_745, %select_n3A_739 : vector<16xi1>, vector<16xf32>
      %select_n3A_755 = arith.select %gt3A_748, %broadcast_in_dim3A_747, %select_n3A_740 : vector<16xi1>, vector<16xi32>
      %get3A_756 = arith.constant 20 : i32
      %get3A_757 = arith.index_cast %get3A_756 : i32 to index
      %get3A_758 = arith.index_cast %select_n3A : i32 to index
      %get3A_759 = arith.index_cast %multiple_of3A_136 : i32 to index
      %get3A_760 = tpu.vector_load %arg4[%get3A_757, %get3A_758, %get3A_759] {strides = array<i32>} : memref<64x2x128xf32, #tpu.memory_space<vmem>>, vector<16xf32>,
      %broadcast_in_dim3A_761 = arith.constant 20 : i32
      %broadcast_in_dim3A_762 = vector.broadcast %broadcast_in_dim3A_761 : i32 to vector<16xi32>
      %gt3A_763 = arith.cmpf ogt, %get3A_760, %select_n3A_754 : vector<16xf32>
      %gt3A_764 = arith.cmpf ogt, %get3A_760, %select_n3A_751 : vector<16xf32>
      %select_n3A_765 = arith.select %gt3A_764, %get3A_760, %select_n3A_751 : vector<16xi1>, vector<16xf32>
      %select_n3A_766 = arith.select %gt3A_763, %select_n3A_754, %select_n3A_765 : vector<16xi1>, vector<16xf32>
      %select_n3A_767 = arith.select %gt3A_764, %broadcast_in_dim3A_762, %select_n3A_753 : vector<16xi1>, vector<16xi32>
      %select_n3A_768 = arith.select %gt3A_763, %select_n3A_755, %select_n3A_767 : vector<16xi1>, vector<16xi32>
      %select_n3A_769 = arith.select %gt3A_763, %get3A_760, %select_n3A_754 : vector<16xi1>, vector<16xf32>
      %select_n3A_770 = arith.select %gt3A_763, %broadcast_in_dim3A_762, %select_n3A_755 : vector<16xi1>, vector<16xi32>
      %get3A_771 = arith.constant 21 : i32
      %get3A_772 = arith.index_cast %get3A_771 : i32 to index
      %get3A_773 = arith.index_cast %select_n3A : i32 to index
      %get3A_774 = arith.index_cast %multiple_of3A_136 : i32 to index
      %get3A_775 = tpu.vector_load %arg4[%get3A_772, %get3A_773, %get3A_774] {strides = array<i32>} : memref<64x2x128xf32, #tpu.memory_space<vmem>>, vector<16xf32>,
      %broadcast_in_dim3A_776 = arith.constant 21 : i32
      %broadcast_in_dim3A_777 = vector.broadcast %broadcast_in_dim3A_776 : i32 to vector<16xi32>
      %gt3A_778 = arith.cmpf ogt, %get3A_775, %select_n3A_769 : vector<16xf32>
      %gt3A_779 = arith.cmpf ogt, %get3A_775, %select_n3A_766 : vector<16xf32>
      %select_n3A_780 = arith.select %gt3A_779, %get3A_775, %select_n3A_766 : vector<16xi1>, vector<16xf32>
      %select_n3A_781 = arith.select %gt3A_778, %select_n3A_769, %select_n3A_780 : vector<16xi1>, vector<16xf32>
      %select_n3A_782 = arith.select %gt3A_779, %broadcast_in_dim3A_777, %select_n3A_768 : vector<16xi1>, vector<16xi32>
      %select_n3A_783 = arith.select %gt3A_778, %select_n3A_770, %select_n3A_782 : vector<16xi1>, vector<16xi32>
      %select_n3A_784 = arith.select %gt3A_778, %get3A_775, %select_n3A_769 : vector<16xi1>, vector<16xf32>
      %select_n3A_785 = arith.select %gt3A_778, %broadcast_in_dim3A_777, %select_n3A_770 : vector<16xi1>, vector<16xi32>
      %get3A_786 = arith.constant 22 : i32
      %get3A_787 = arith.index_cast %get3A_786 : i32 to index
      %get3A_788 = arith.index_cast %select_n3A : i32 to index
      %get3A_789 = arith.index_cast %multiple_of3A_136 : i32 to index
      %get3A_790 = tpu.vector_load %arg4[%get3A_787, %get3A_788, %get3A_789] {strides = array<i32>} : memref<64x2x128xf32, #tpu.memory_space<vmem>>, vector<16xf32>,
      %broadcast_in_dim3A_791 = arith.constant 22 : i32
      %broadcast_in_dim3A_792 = vector.broadcast %broadcast_in_dim3A_791 : i32 to vector<16xi32>
      %gt3A_793 = arith.cmpf ogt, %get3A_790, %select_n3A_784 : vector<16xf32>
      %gt3A_794 = arith.cmpf ogt, %get3A_790, %select_n3A_781 : vector<16xf32>
      %select_n3A_795 = arith.select %gt3A_794, %get3A_790, %select_n3A_781 : vector<16xi1>, vector<16xf32>
      %select_n3A_796 = arith.select %gt3A_793, %select_n3A_784, %select_n3A_795 : vector<16xi1>, vector<16xf32>
      %select_n3A_797 = arith.select %gt3A_794, %broadcast_in_dim3A_792, %select_n3A_783 : vector<16xi1>, vector<16xi32>
      %select_n3A_798 = arith.select %gt3A_793, %select_n3A_785, %select_n3A_797 : vector<16xi1>, vector<16xi32>
      %select_n3A_799 = arith.select %gt3A_793, %get3A_790, %select_n3A_784 : vector<16xi1>, vector<16xf32>
      %select_n3A_800 = arith.select %gt3A_793, %broadcast_in_dim3A_792, %select_n3A_785 : vector<16xi1>, vector<16xi32>
      %get3A_801 = arith.constant 23 : i32
      %get3A_802 = arith.index_cast %get3A_801 : i32 to index
      %get3A_803 = arith.index_cast %select_n3A : i32 to index
      %get3A_804 = arith.index_cast %multiple_of3A_136 : i32 to index
      %get3A_805 = tpu.vector_load %arg4[%get3A_802, %get3A_803, %get3A_804] {strides = array<i32>} : memref<64x2x128xf32, #tpu.memory_space<vmem>>, vector<16xf32>,
      %broadcast_in_dim3A_806 = arith.constant 23 : i32
      %broadcast_in_dim3A_807 = vector.broadcast %broadcast_in_dim3A_806 : i32 to vector<16xi32>
      %gt3A_808 = arith.cmpf ogt, %get3A_805, %select_n3A_799 : vector<16xf32>
      %gt3A_809 = arith.cmpf ogt, %get3A_805, %select_n3A_796 : vector<16xf32>
      %select_n3A_810 = arith.select %gt3A_809, %get3A_805, %select_n3A_796 : vector<16xi1>, vector<16xf32>
      %select_n3A_811 = arith.select %gt3A_808, %select_n3A_799, %select_n3A_810 : vector<16xi1>, vector<16xf32>
      %select_n3A_812 = arith.select %gt3A_809, %broadcast_in_dim3A_807, %select_n3A_798 : vector<16xi1>, vector<16xi32>
      %select_n3A_813 = arith.select %gt3A_808, %select_n3A_800, %select_n3A_812 : vector<16xi1>, vector<16xi32>
      %select_n3A_814 = arith.select %gt3A_808, %get3A_805, %select_n3A_799 : vector<16xi1>, vector<16xf32>
      %select_n3A_815 = arith.select %gt3A_808, %broadcast_in_dim3A_807, %select_n3A_800 : vector<16xi1>, vector<16xi32>
      %get3A_816 = arith.constant 24 : i32
      %get3A_817 = arith.index_cast %get3A_816 : i32 to index
      %get3A_818 = arith.index_cast %select_n3A : i32 to index
      %get3A_819 = arith.index_cast %multiple_of3A_136 : i32 to index
      %get3A_820 = tpu.vector_load %arg4[%get3A_817, %get3A_818, %get3A_819] {strides = array<i32>} : memref<64x2x128xf32, #tpu.memory_space<vmem>>, vector<16xf32>,
      %broadcast_in_dim3A_821 = arith.constant 24 : i32
      %broadcast_in_dim3A_822 = vector.broadcast %broadcast_in_dim3A_821 : i32 to vector<16xi32>
      %gt3A_823 = arith.cmpf ogt, %get3A_820, %select_n3A_814 : vector<16xf32>
      %gt3A_824 = arith.cmpf ogt, %get3A_820, %select_n3A_811 : vector<16xf32>
      %select_n3A_825 = arith.select %gt3A_824, %get3A_820, %select_n3A_811 : vector<16xi1>, vector<16xf32>
      %select_n3A_826 = arith.select %gt3A_823, %select_n3A_814, %select_n3A_825 : vector<16xi1>, vector<16xf32>
      %select_n3A_827 = arith.select %gt3A_824, %broadcast_in_dim3A_822, %select_n3A_813 : vector<16xi1>, vector<16xi32>
      %select_n3A_828 = arith.select %gt3A_823, %select_n3A_815, %select_n3A_827 : vector<16xi1>, vector<16xi32>
      %select_n3A_829 = arith.select %gt3A_823, %get3A_820, %select_n3A_814 : vector<16xi1>, vector<16xf32>
      %select_n3A_830 = arith.select %gt3A_823, %broadcast_in_dim3A_822, %select_n3A_815 : vector<16xi1>, vector<16xi32>
      %get3A_831 = arith.constant 25 : i32
      %get3A_832 = arith.index_cast %get3A_831 : i32 to index
      %get3A_833 = arith.index_cast %select_n3A : i32 to index
      %get3A_834 = arith.index_cast %multiple_of3A_136 : i32 to index
      %get3A_835 = tpu.vector_load %arg4[%get3A_832, %get3A_833, %get3A_834] {strides = array<i32>} : memref<64x2x128xf32, #tpu.memory_space<vmem>>, vector<16xf32>,
      %broadcast_in_dim3A_836 = arith.constant 25 : i32
      %broadcast_in_dim3A_837 = vector.broadcast %broadcast_in_dim3A_836 : i32 to vector<16xi32>
      %gt3A_838 = arith.cmpf ogt, %get3A_835, %select_n3A_829 : vector<16xf32>
      %gt3A_839 = arith.cmpf ogt, %get3A_835, %select_n3A_826 : vector<16xf32>
      %select_n3A_840 = arith.select %gt3A_839, %get3A_835, %select_n3A_826 : vector<16xi1>, vector<16xf32>
      %select_n3A_841 = arith.select %gt3A_838, %select_n3A_829, %select_n3A_840 : vector<16xi1>, vector<16xf32>
      %select_n3A_842 = arith.select %gt3A_839, %broadcast_in_dim3A_837, %select_n3A_828 : vector<16xi1>, vector<16xi32>
      %select_n3A_843 = arith.select %gt3A_838, %select_n3A_830, %select_n3A_842 : vector<16xi1>, vector<16xi32>
      %select_n3A_844 = arith.select %gt3A_838, %get3A_835, %select_n3A_829 : vector<16xi1>, vector<16xf32>
      %select_n3A_845 = arith.select %gt3A_838, %broadcast_in_dim3A_837, %select_n3A_830 : vector<16xi1>, vector<16xi32>
      %get3A_846 = arith.constant 26 : i32
      %get3A_847 = arith.index_cast %get3A_846 : i32 to index
      %get3A_848 = arith.index_cast %select_n3A : i32 to index
      %get3A_849 = arith.index_cast %multiple_of3A_136 : i32 to index
      %get3A_850 = tpu.vector_load %arg4[%get3A_847, %get3A_848, %get3A_849] {strides = array<i32>} : memref<64x2x128xf32, #tpu.memory_space<vmem>>, vector<16xf32>,
      %broadcast_in_dim3A_851 = arith.constant 26 : i32
      %broadcast_in_dim3A_852 = vector.broadcast %broadcast_in_dim3A_851 : i32 to vector<16xi32>
      %gt3A_853 = arith.cmpf ogt, %get3A_850, %select_n3A_844 : vector<16xf32>
      %gt3A_854 = arith.cmpf ogt, %get3A_850, %select_n3A_841 : vector<16xf32>
      %select_n3A_855 = arith.select %gt3A_854, %get3A_850, %select_n3A_841 : vector<16xi1>, vector<16xf32>
      %select_n3A_856 = arith.select %gt3A_853, %select_n3A_844, %select_n3A_855 : vector<16xi1>, vector<16xf32>
      %select_n3A_857 = arith.select %gt3A_854, %broadcast_in_dim3A_852, %select_n3A_843 : vector<16xi1>, vector<16xi32>
      %select_n3A_858 = arith.select %gt3A_853, %select_n3A_845, %select_n3A_857 : vector<16xi1>, vector<16xi32>
      %select_n3A_859 = arith.select %gt3A_853, %get3A_850, %select_n3A_844 : vector<16xi1>, vector<16xf32>
      %select_n3A_860 = arith.select %gt3A_853, %broadcast_in_dim3A_852, %select_n3A_845 : vector<16xi1>, vector<16xi32>
      %get3A_861 = arith.constant 27 : i32
      %get3A_862 = arith.index_cast %get3A_861 : i32 to index
      %get3A_863 = arith.index_cast %select_n3A : i32 to index
      %get3A_864 = arith.index_cast %multiple_of3A_136 : i32 to index
      %get3A_865 = tpu.vector_load %arg4[%get3A_862, %get3A_863, %get3A_864] {strides = array<i32>} : memref<64x2x128xf32, #tpu.memory_space<vmem>>, vector<16xf32>,
      %broadcast_in_dim3A_866 = arith.constant 27 : i32
      %broadcast_in_dim3A_867 = vector.broadcast %broadcast_in_dim3A_866 : i32 to vector<16xi32>
      %gt3A_868 = arith.cmpf ogt, %get3A_865, %select_n3A_859 : vector<16xf32>
      %gt3A_869 = arith.cmpf ogt, %get3A_865, %select_n3A_856 : vector<16xf32>
      %select_n3A_870 = arith.select %gt3A_869, %get3A_865, %select_n3A_856 : vector<16xi1>, vector<16xf32>
      %select_n3A_871 = arith.select %gt3A_868, %select_n3A_859, %select_n3A_870 : vector<16xi1>, vector<16xf32>
      %select_n3A_872 = arith.select %gt3A_869, %broadcast_in_dim3A_867, %select_n3A_858 : vector<16xi1>, vector<16xi32>
      %select_n3A_873 = arith.select %gt3A_868, %select_n3A_860, %select_n3A_872 : vector<16xi1>, vector<16xi32>
      %select_n3A_874 = arith.select %gt3A_868, %get3A_865, %select_n3A_859 : vector<16xi1>, vector<16xf32>
      %select_n3A_875 = arith.select %gt3A_868, %broadcast_in_dim3A_867, %select_n3A_860 : vector<16xi1>, vector<16xi32>
      %get3A_876 = arith.constant 28 : i32
      %get3A_877 = arith.index_cast %get3A_876 : i32 to index
      %get3A_878 = arith.index_cast %select_n3A : i32 to index
      %get3A_879 = arith.index_cast %multiple_of3A_136 : i32 to index
      %get3A_880 = tpu.vector_load %arg4[%get3A_877, %get3A_878, %get3A_879] {strides = array<i32>} : memref<64x2x128xf32, #tpu.memory_space<vmem>>, vector<16xf32>,
      %broadcast_in_dim3A_881 = arith.constant 28 : i32
      %broadcast_in_dim3A_882 = vector.broadcast %broadcast_in_dim3A_881 : i32 to vector<16xi32>
      %gt3A_883 = arith.cmpf ogt, %get3A_880, %select_n3A_874 : vector<16xf32>
      %gt3A_884 = arith.cmpf ogt, %get3A_880, %select_n3A_871 : vector<16xf32>
      %select_n3A_885 = arith.select %gt3A_884, %get3A_880, %select_n3A_871 : vector<16xi1>, vector<16xf32>
      %select_n3A_886 = arith.select %gt3A_883, %select_n3A_874, %select_n3A_885 : vector<16xi1>, vector<16xf32>
      %select_n3A_887 = arith.select %gt3A_884, %broadcast_in_dim3A_882, %select_n3A_873 : vector<16xi1>, vector<16xi32>
      %select_n3A_888 = arith.select %gt3A_883, %select_n3A_875, %select_n3A_887 : vector<16xi1>, vector<16xi32>
      %select_n3A_889 = arith.select %gt3A_883, %get3A_880, %select_n3A_874 : vector<16xi1>, vector<16xf32>
      %select_n3A_890 = arith.select %gt3A_883, %broadcast_in_dim3A_882, %select_n3A_875 : vector<16xi1>, vector<16xi32>
      %get3A_891 = arith.constant 29 : i32
      %get3A_892 = arith.index_cast %get3A_891 : i32 to index
      %get3A_893 = arith.index_cast %select_n3A : i32 to index
      %get3A_894 = arith.index_cast %multiple_of3A_136 : i32 to index
      %get3A_895 = tpu.vector_load %arg4[%get3A_892, %get3A_893, %get3A_894] {strides = array<i32>} : memref<64x2x128xf32, #tpu.memory_space<vmem>>, vector<16xf32>,
      %broadcast_in_dim3A_896 = arith.constant 29 : i32
      %broadcast_in_dim3A_897 = vector.broadcast %broadcast_in_dim3A_896 : i32 to vector<16xi32>
      %gt3A_898 = arith.cmpf ogt, %get3A_895, %select_n3A_889 : vector<16xf32>
      %gt3A_899 = arith.cmpf ogt, %get3A_895, %select_n3A_886 : vector<16xf32>
      %select_n3A_900 = arith.select %gt3A_899, %get3A_895, %select_n3A_886 : vector<16xi1>, vector<16xf32>
      %select_n3A_901 = arith.select %gt3A_898, %select_n3A_889, %select_n3A_900 : vector<16xi1>, vector<16xf32>
      %select_n3A_902 = arith.select %gt3A_899, %broadcast_in_dim3A_897, %select_n3A_888 : vector<16xi1>, vector<16xi32>
      %select_n3A_903 = arith.select %gt3A_898, %select_n3A_890, %select_n3A_902 : vector<16xi1>, vector<16xi32>
      %select_n3A_904 = arith.select %gt3A_898, %get3A_895, %select_n3A_889 : vector<16xi1>, vector<16xf32>
      %select_n3A_905 = arith.select %gt3A_898, %broadcast_in_dim3A_897, %select_n3A_890 : vector<16xi1>, vector<16xi32>
      %get3A_906 = arith.constant 30 : i32
      %get3A_907 = arith.index_cast %get3A_906 : i32 to index
      %get3A_908 = arith.index_cast %select_n3A : i32 to index
      %get3A_909 = arith.index_cast %multiple_of3A_136 : i32 to index
      %get3A_910 = tpu.vector_load %arg4[%get3A_907, %get3A_908, %get3A_909] {strides = array<i32>} : memref<64x2x128xf32, #tpu.memory_space<vmem>>, vector<16xf32>,
      %broadcast_in_dim3A_911 = arith.constant 30 : i32
      %broadcast_in_dim3A_912 = vector.broadcast %broadcast_in_dim3A_911 : i32 to vector<16xi32>
      %gt3A_913 = arith.cmpf ogt, %get3A_910, %select_n3A_904 : vector<16xf32>
      %gt3A_914 = arith.cmpf ogt, %get3A_910, %select_n3A_901 : vector<16xf32>
      %select_n3A_915 = arith.select %gt3A_914, %get3A_910, %select_n3A_901 : vector<16xi1>, vector<16xf32>
      %select_n3A_916 = arith.select %gt3A_913, %select_n3A_904, %select_n3A_915 : vector<16xi1>, vector<16xf32>
      %select_n3A_917 = arith.select %gt3A_914, %broadcast_in_dim3A_912, %select_n3A_903 : vector<16xi1>, vector<16xi32>
      %select_n3A_918 = arith.select %gt3A_913, %select_n3A_905, %select_n3A_917 : vector<16xi1>, vector<16xi32>
      %select_n3A_919 = arith.select %gt3A_913, %get3A_910, %select_n3A_904 : vector<16xi1>, vector<16xf32>
      %select_n3A_920 = arith.select %gt3A_913, %broadcast_in_dim3A_912, %select_n3A_905 : vector<16xi1>, vector<16xi32>
      %get3A_921 = arith.constant 31 : i32
      %get3A_922 = arith.index_cast %get3A_921 : i32 to index
      %get3A_923 = arith.index_cast %select_n3A : i32 to index
      %get3A_924 = arith.index_cast %multiple_of3A_136 : i32 to index
      %get3A_925 = tpu.vector_load %arg4[%get3A_922, %get3A_923, %get3A_924] {strides = array<i32>} : memref<64x2x128xf32, #tpu.memory_space<vmem>>, vector<16xf32>,
      %broadcast_in_dim3A_926 = arith.constant 31 : i32
      %broadcast_in_dim3A_927 = vector.broadcast %broadcast_in_dim3A_926 : i32 to vector<16xi32>
      %gt3A_928 = arith.cmpf ogt, %get3A_925, %select_n3A_919 : vector<16xf32>
      %gt3A_929 = arith.cmpf ogt, %get3A_925, %select_n3A_916 : vector<16xf32>
      %select_n3A_930 = arith.select %gt3A_929, %get3A_925, %select_n3A_916 : vector<16xi1>, vector<16xf32>
      %select_n3A_931 = arith.select %gt3A_928, %select_n3A_919, %select_n3A_930 : vector<16xi1>, vector<16xf32>
      %select_n3A_932 = arith.select %gt3A_929, %broadcast_in_dim3A_927, %select_n3A_918 : vector<16xi1>, vector<16xi32>
      %select_n3A_933 = arith.select %gt3A_928, %select_n3A_920, %select_n3A_932 : vector<16xi1>, vector<16xi32>
      %select_n3A_934 = arith.select %gt3A_928, %get3A_925, %select_n3A_919 : vector<16xi1>, vector<16xf32>
      %select_n3A_935 = arith.select %gt3A_928, %broadcast_in_dim3A_927, %select_n3A_920 : vector<16xi1>, vector<16xi32>
      %get3A_936 = arith.constant 32 : i32
      %get3A_937 = arith.index_cast %get3A_936 : i32 to index
      %get3A_938 = arith.index_cast %select_n3A : i32 to index
      %get3A_939 = arith.index_cast %multiple_of3A_136 : i32 to index
      %get3A_940 = tpu.vector_load %arg4[%get3A_937, %get3A_938, %get3A_939] {strides = array<i32>} : memref<64x2x128xf32, #tpu.memory_space<vmem>>, vector<16xf32>,
      %broadcast_in_dim3A_941 = arith.constant 32 : i32
      %broadcast_in_dim3A_942 = vector.broadcast %broadcast_in_dim3A_941 : i32 to vector<16xi32>
      %gt3A_943 = arith.cmpf ogt, %get3A_940, %broadcast_in_dim3A_51 : vector<16xf32>
      %gt3A_944 = arith.cmpf ogt, %get3A_940, %broadcast_in_dim3A_51 : vector<16xf32>
      %select_n3A_945 = arith.select %gt3A_944, %get3A_940, %broadcast_in_dim3A_51 : vector<16xi1>, vector<16xf32>
      %select_n3A_946 = arith.select %gt3A_943, %broadcast_in_dim3A_51, %select_n3A_945 : vector<16xi1>, vector<16xf32>
      %select_n3A_947 = arith.select %gt3A_944, %broadcast_in_dim3A_942, %broadcast_in_dim3A_53 : vector<16xi1>, vector<16xi32>
      %select_n3A_948 = arith.select %gt3A_943, %broadcast_in_dim3A_53, %select_n3A_947 : vector<16xi1>, vector<16xi32>
      %select_n3A_949 = arith.select %gt3A_943, %get3A_940, %broadcast_in_dim3A_51 : vector<16xi1>, vector<16xf32>
      %select_n3A_950 = arith.select %gt3A_943, %broadcast_in_dim3A_942, %broadcast_in_dim3A_53 : vector<16xi1>, vector<16xi32>
      %get3A_951 = arith.constant 33 : i32
      %get3A_952 = arith.index_cast %get3A_951 : i32 to index
      %get3A_953 = arith.index_cast %select_n3A : i32 to index
      %get3A_954 = arith.index_cast %multiple_of3A_136 : i32 to index
      %get3A_955 = tpu.vector_load %arg4[%get3A_952, %get3A_953, %get3A_954] {strides = array<i32>} : memref<64x2x128xf32, #tpu.memory_space<vmem>>, vector<16xf32>,
      %broadcast_in_dim3A_956 = arith.constant 33 : i32
      %broadcast_in_dim3A_957 = vector.broadcast %broadcast_in_dim3A_956 : i32 to vector<16xi32>
      %gt3A_958 = arith.cmpf ogt, %get3A_955, %select_n3A_949 : vector<16xf32>
      %gt3A_959 = arith.cmpf ogt, %get3A_955, %select_n3A_946 : vector<16xf32>
      %select_n3A_960 = arith.select %gt3A_959, %get3A_955, %select_n3A_946 : vector<16xi1>, vector<16xf32>
      %select_n3A_961 = arith.select %gt3A_958, %select_n3A_949, %select_n3A_960 : vector<16xi1>, vector<16xf32>
      %select_n3A_962 = arith.select %gt3A_959, %broadcast_in_dim3A_957, %select_n3A_948 : vector<16xi1>, vector<16xi32>
      %select_n3A_963 = arith.select %gt3A_958, %select_n3A_950, %select_n3A_962 : vector<16xi1>, vector<16xi32>
      %select_n3A_964 = arith.select %gt3A_958, %get3A_955, %select_n3A_949 : vector<16xi1>, vector<16xf32>
      %select_n3A_965 = arith.select %gt3A_958, %broadcast_in_dim3A_957, %select_n3A_950 : vector<16xi1>, vector<16xi32>
      %get3A_966 = arith.constant 34 : i32
      %get3A_967 = arith.index_cast %get3A_966 : i32 to index
      %get3A_968 = arith.index_cast %select_n3A : i32 to index
      %get3A_969 = arith.index_cast %multiple_of3A_136 : i32 to index
      %get3A_970 = tpu.vector_load %arg4[%get3A_967, %get3A_968, %get3A_969] {strides = array<i32>} : memref<64x2x128xf32, #tpu.memory_space<vmem>>, vector<16xf32>,
      %broadcast_in_dim3A_971 = arith.constant 34 : i32
      %broadcast_in_dim3A_972 = vector.broadcast %broadcast_in_dim3A_971 : i32 to vector<16xi32>
      %gt3A_973 = arith.cmpf ogt, %get3A_970, %select_n3A_964 : vector<16xf32>
      %gt3A_974 = arith.cmpf ogt, %get3A_970, %select_n3A_961 : vector<16xf32>
      %select_n3A_975 = arith.select %gt3A_974, %get3A_970, %select_n3A_961 : vector<16xi1>, vector<16xf32>
      %select_n3A_976 = arith.select %gt3A_973, %select_n3A_964, %select_n3A_975 : vector<16xi1>, vector<16xf32>
      %select_n3A_977 = arith.select %gt3A_974, %broadcast_in_dim3A_972, %select_n3A_963 : vector<16xi1>, vector<16xi32>
      %select_n3A_978 = arith.select %gt3A_973, %select_n3A_965, %select_n3A_977 : vector<16xi1>, vector<16xi32>
      %select_n3A_979 = arith.select %gt3A_973, %get3A_970, %select_n3A_964 : vector<16xi1>, vector<16xf32>
      %select_n3A_980 = arith.select %gt3A_973, %broadcast_in_dim3A_972, %select_n3A_965 : vector<16xi1>, vector<16xi32>
      %get3A_981 = arith.constant 35 : i32
      %get3A_982 = arith.index_cast %get3A_981 : i32 to index
      %get3A_983 = arith.index_cast %select_n3A : i32 to index
      %get3A_984 = arith.index_cast %multiple_of3A_136 : i32 to index
      %get3A_985 = tpu.vector_load %arg4[%get3A_982, %get3A_983, %get3A_984] {strides = array<i32>} : memref<64x2x128xf32, #tpu.memory_space<vmem>>, vector<16xf32>,
      %broadcast_in_dim3A_986 = arith.constant 35 : i32
      %broadcast_in_dim3A_987 = vector.broadcast %broadcast_in_dim3A_986 : i32 to vector<16xi32>
      %gt3A_988 = arith.cmpf ogt, %get3A_985, %select_n3A_979 : vector<16xf32>
      %gt3A_989 = arith.cmpf ogt, %get3A_985, %select_n3A_976 : vector<16xf32>
      %select_n3A_990 = arith.select %gt3A_989, %get3A_985, %select_n3A_976 : vector<16xi1>, vector<16xf32>
      %select_n3A_991 = arith.select %gt3A_988, %select_n3A_979, %select_n3A_990 : vector<16xi1>, vector<16xf32>
      %select_n3A_992 = arith.select %gt3A_989, %broadcast_in_dim3A_987, %select_n3A_978 : vector<16xi1>, vector<16xi32>
      %select_n3A_993 = arith.select %gt3A_988, %select_n3A_980, %select_n3A_992 : vector<16xi1>, vector<16xi32>
      %select_n3A_994 = arith.select %gt3A_988, %get3A_985, %select_n3A_979 : vector<16xi1>, vector<16xf32>
      %select_n3A_995 = arith.select %gt3A_988, %broadcast_in_dim3A_987, %select_n3A_980 : vector<16xi1>, vector<16xi32>
      %get3A_996 = arith.constant 36 : i32
      %get3A_997 = arith.index_cast %get3A_996 : i32 to index
      %get3A_998 = arith.index_cast %select_n3A : i32 to index
      %get3A_999 = arith.index_cast %multiple_of3A_136 : i32 to index
      %get3A_1000 = tpu.vector_load %arg4[%get3A_997, %get3A_998, %get3A_999] {strides = array<i32>} : memref<64x2x128xf32, #tpu.memory_space<vmem>>, vector<16xf32>,
      %broadcast_in_dim3A_1001 = arith.constant 36 : i32
      %broadcast_in_dim3A_1002 = vector.broadcast %broadcast_in_dim3A_1001 : i32 to vector<16xi32>
      %gt3A_1003 = arith.cmpf ogt, %get3A_1000, %select_n3A_994 : vector<16xf32>
      %gt3A_1004 = arith.cmpf ogt, %get3A_1000, %select_n3A_991 : vector<16xf32>
      %select_n3A_1005 = arith.select %gt3A_1004, %get3A_1000, %select_n3A_991 : vector<16xi1>, vector<16xf32>
      %select_n3A_1006 = arith.select %gt3A_1003, %select_n3A_994, %select_n3A_1005 : vector<16xi1>, vector<16xf32>
      %select_n3A_1007 = arith.select %gt3A_1004, %broadcast_in_dim3A_1002, %select_n3A_993 : vector<16xi1>, vector<16xi32>
      %select_n3A_1008 = arith.select %gt3A_1003, %select_n3A_995, %select_n3A_1007 : vector<16xi1>, vector<16xi32>
      %select_n3A_1009 = arith.select %gt3A_1003, %get3A_1000, %select_n3A_994 : vector<16xi1>, vector<16xf32>
      %select_n3A_1010 = arith.select %gt3A_1003, %broadcast_in_dim3A_1002, %select_n3A_995 : vector<16xi1>, vector<16xi32>
      %get3A_1011 = arith.constant 37 : i32
      %get3A_1012 = arith.index_cast %get3A_1011 : i32 to index
      %get3A_1013 = arith.index_cast %select_n3A : i32 to index
      %get3A_1014 = arith.index_cast %multiple_of3A_136 : i32 to index
      %get3A_1015 = tpu.vector_load %arg4[%get3A_1012, %get3A_1013, %get3A_1014] {strides = array<i32>} : memref<64x2x128xf32, #tpu.memory_space<vmem>>, vector<16xf32>,
      %broadcast_in_dim3A_1016 = arith.constant 37 : i32
      %broadcast_in_dim3A_1017 = vector.broadcast %broadcast_in_dim3A_1016 : i32 to vector<16xi32>
      %gt3A_1018 = arith.cmpf ogt, %get3A_1015, %select_n3A_1009 : vector<16xf32>
      %gt3A_1019 = arith.cmpf ogt, %get3A_1015, %select_n3A_1006 : vector<16xf32>
      %select_n3A_1020 = arith.select %gt3A_1019, %get3A_1015, %select_n3A_1006 : vector<16xi1>, vector<16xf32>
      %select_n3A_1021 = arith.select %gt3A_1018, %select_n3A_1009, %select_n3A_1020 : vector<16xi1>, vector<16xf32>
      %select_n3A_1022 = arith.select %gt3A_1019, %broadcast_in_dim3A_1017, %select_n3A_1008 : vector<16xi1>, vector<16xi32>
      %select_n3A_1023 = arith.select %gt3A_1018, %select_n3A_1010, %select_n3A_1022 : vector<16xi1>, vector<16xi32>
      %select_n3A_1024 = arith.select %gt3A_1018, %get3A_1015, %select_n3A_1009 : vector<16xi1>, vector<16xf32>
      %select_n3A_1025 = arith.select %gt3A_1018, %broadcast_in_dim3A_1017, %select_n3A_1010 : vector<16xi1>, vector<16xi32>
      %get3A_1026 = arith.constant 38 : i32
      %get3A_1027 = arith.index_cast %get3A_1026 : i32 to index
      %get3A_1028 = arith.index_cast %select_n3A : i32 to index
      %get3A_1029 = arith.index_cast %multiple_of3A_136 : i32 to index
      %get3A_1030 = tpu.vector_load %arg4[%get3A_1027, %get3A_1028, %get3A_1029] {strides = array<i32>} : memref<64x2x128xf32, #tpu.memory_space<vmem>>, vector<16xf32>,
      %broadcast_in_dim3A_1031 = arith.constant 38 : i32
      %broadcast_in_dim3A_1032 = vector.broadcast %broadcast_in_dim3A_1031 : i32 to vector<16xi32>
      %gt3A_1033 = arith.cmpf ogt, %get3A_1030, %select_n3A_1024 : vector<16xf32>
      %gt3A_1034 = arith.cmpf ogt, %get3A_1030, %select_n3A_1021 : vector<16xf32>
      %select_n3A_1035 = arith.select %gt3A_1034, %get3A_1030, %select_n3A_1021 : vector<16xi1>, vector<16xf32>
      %select_n3A_1036 = arith.select %gt3A_1033, %select_n3A_1024, %select_n3A_1035 : vector<16xi1>, vector<16xf32>
      %select_n3A_1037 = arith.select %gt3A_1034, %broadcast_in_dim3A_1032, %select_n3A_1023 : vector<16xi1>, vector<16xi32>
      %select_n3A_1038 = arith.select %gt3A_1033, %select_n3A_1025, %select_n3A_1037 : vector<16xi1>, vector<16xi32>
      %select_n3A_1039 = arith.select %gt3A_1033, %get3A_1030, %select_n3A_1024 : vector<16xi1>, vector<16xf32>
      %select_n3A_1040 = arith.select %gt3A_1033, %broadcast_in_dim3A_1032, %select_n3A_1025 : vector<16xi1>, vector<16xi32>
      %get3A_1041 = arith.constant 39 : i32
      %get3A_1042 = arith.index_cast %get3A_1041 : i32 to index
      %get3A_1043 = arith.index_cast %select_n3A : i32 to index
      %get3A_1044 = arith.index_cast %multiple_of3A_136 : i32 to index
      %get3A_1045 = tpu.vector_load %arg4[%get3A_1042, %get3A_1043, %get3A_1044] {strides = array<i32>} : memref<64x2x128xf32, #tpu.memory_space<vmem>>, vector<16xf32>,
      %broadcast_in_dim3A_1046 = arith.constant 39 : i32
      %broadcast_in_dim3A_1047 = vector.broadcast %broadcast_in_dim3A_1046 : i32 to vector<16xi32>
      %gt3A_1048 = arith.cmpf ogt, %get3A_1045, %select_n3A_1039 : vector<16xf32>
      %gt3A_1049 = arith.cmpf ogt, %get3A_1045, %select_n3A_1036 : vector<16xf32>
      %select_n3A_1050 = arith.select %gt3A_1049, %get3A_1045, %select_n3A_1036 : vector<16xi1>, vector<16xf32>
      %select_n3A_1051 = arith.select %gt3A_1048, %select_n3A_1039, %select_n3A_1050 : vector<16xi1>, vector<16xf32>
      %select_n3A_1052 = arith.select %gt3A_1049, %broadcast_in_dim3A_1047, %select_n3A_1038 : vector<16xi1>, vector<16xi32>
      %select_n3A_1053 = arith.select %gt3A_1048, %select_n3A_1040, %select_n3A_1052 : vector<16xi1>, vector<16xi32>
      %select_n3A_1054 = arith.select %gt3A_1048, %get3A_1045, %select_n3A_1039 : vector<16xi1>, vector<16xf32>
      %select_n3A_1055 = arith.select %gt3A_1048, %broadcast_in_dim3A_1047, %select_n3A_1040 : vector<16xi1>, vector<16xi32>
      %get3A_1056 = arith.constant 40 : i32
      %get3A_1057 = arith.index_cast %get3A_1056 : i32 to index
      %get3A_1058 = arith.index_cast %select_n3A : i32 to index
      %get3A_1059 = arith.index_cast %multiple_of3A_136 : i32 to index
      %get3A_1060 = tpu.vector_load %arg4[%get3A_1057, %get3A_1058, %get3A_1059] {strides = array<i32>} : memref<64x2x128xf32, #tpu.memory_space<vmem>>, vector<16xf32>,
      %broadcast_in_dim3A_1061 = arith.constant 40 : i32
      %broadcast_in_dim3A_1062 = vector.broadcast %broadcast_in_dim3A_1061 : i32 to vector<16xi32>
      %gt3A_1063 = arith.cmpf ogt, %get3A_1060, %select_n3A_1054 : vector<16xf32>
      %gt3A_1064 = arith.cmpf ogt, %get3A_1060, %select_n3A_1051 : vector<16xf32>
      %select_n3A_1065 = arith.select %gt3A_1064, %get3A_1060, %select_n3A_1051 : vector<16xi1>, vector<16xf32>
      %select_n3A_1066 = arith.select %gt3A_1063, %select_n3A_1054, %select_n3A_1065 : vector<16xi1>, vector<16xf32>
      %select_n3A_1067 = arith.select %gt3A_1064, %broadcast_in_dim3A_1062, %select_n3A_1053 : vector<16xi1>, vector<16xi32>
      %select_n3A_1068 = arith.select %gt3A_1063, %select_n3A_1055, %select_n3A_1067 : vector<16xi1>, vector<16xi32>
      %select_n3A_1069 = arith.select %gt3A_1063, %get3A_1060, %select_n3A_1054 : vector<16xi1>, vector<16xf32>
      %select_n3A_1070 = arith.select %gt3A_1063, %broadcast_in_dim3A_1062, %select_n3A_1055 : vector<16xi1>, vector<16xi32>
      %get3A_1071 = arith.constant 41 : i32
      %get3A_1072 = arith.index_cast %get3A_1071 : i32 to index
      %get3A_1073 = arith.index_cast %select_n3A : i32 to index
      %get3A_1074 = arith.index_cast %multiple_of3A_136 : i32 to index
      %get3A_1075 = tpu.vector_load %arg4[%get3A_1072, %get3A_1073, %get3A_1074] {strides = array<i32>} : memref<64x2x128xf32, #tpu.memory_space<vmem>>, vector<16xf32>,
      %broadcast_in_dim3A_1076 = arith.constant 41 : i32
      %broadcast_in_dim3A_1077 = vector.broadcast %broadcast_in_dim3A_1076 : i32 to vector<16xi32>
      %gt3A_1078 = arith.cmpf ogt, %get3A_1075, %select_n3A_1069 : vector<16xf32>
      %gt3A_1079 = arith.cmpf ogt, %get3A_1075, %select_n3A_1066 : vector<16xf32>
      %select_n3A_1080 = arith.select %gt3A_1079, %get3A_1075, %select_n3A_1066 : vector<16xi1>, vector<16xf32>
      %select_n3A_1081 = arith.select %gt3A_1078, %select_n3A_1069, %select_n3A_1080 : vector<16xi1>, vector<16xf32>
      %select_n3A_1082 = arith.select %gt3A_1079, %broadcast_in_dim3A_1077, %select_n3A_1068 : vector<16xi1>, vector<16xi32>
      %select_n3A_1083 = arith.select %gt3A_1078, %select_n3A_1070, %select_n3A_1082 : vector<16xi1>, vector<16xi32>
      %select_n3A_1084 = arith.select %gt3A_1078, %get3A_1075, %select_n3A_1069 : vector<16xi1>, vector<16xf32>
      %select_n3A_1085 = arith.select %gt3A_1078, %broadcast_in_dim3A_1077, %select_n3A_1070 : vector<16xi1>, vector<16xi32>
      %get3A_1086 = arith.constant 42 : i32
      %get3A_1087 = arith.index_cast %get3A_1086 : i32 to index
      %get3A_1088 = arith.index_cast %select_n3A : i32 to index
      %get3A_1089 = arith.index_cast %multiple_of3A_136 : i32 to index
      %get3A_1090 = tpu.vector_load %arg4[%get3A_1087, %get3A_1088, %get3A_1089] {strides = array<i32>} : memref<64x2x128xf32, #tpu.memory_space<vmem>>, vector<16xf32>,
      %broadcast_in_dim3A_1091 = arith.constant 42 : i32
      %broadcast_in_dim3A_1092 = vector.broadcast %broadcast_in_dim3A_1091 : i32 to vector<16xi32>
      %gt3A_1093 = arith.cmpf ogt, %get3A_1090, %select_n3A_1084 : vector<16xf32>
      %gt3A_1094 = arith.cmpf ogt, %get3A_1090, %select_n3A_1081 : vector<16xf32>
      %select_n3A_1095 = arith.select %gt3A_1094, %get3A_1090, %select_n3A_1081 : vector<16xi1>, vector<16xf32>
      %select_n3A_1096 = arith.select %gt3A_1093, %select_n3A_1084, %select_n3A_1095 : vector<16xi1>, vector<16xf32>
      %select_n3A_1097 = arith.select %gt3A_1094, %broadcast_in_dim3A_1092, %select_n3A_1083 : vector<16xi1>, vector<16xi32>
      %select_n3A_1098 = arith.select %gt3A_1093, %select_n3A_1085, %select_n3A_1097 : vector<16xi1>, vector<16xi32>
      %select_n3A_1099 = arith.select %gt3A_1093, %get3A_1090, %select_n3A_1084 : vector<16xi1>, vector<16xf32>
      %select_n3A_1100 = arith.select %gt3A_1093, %broadcast_in_dim3A_1092, %select_n3A_1085 : vector<16xi1>, vector<16xi32>
      %get3A_1101 = arith.constant 43 : i32
      %get3A_1102 = arith.index_cast %get3A_1101 : i32 to index
      %get3A_1103 = arith.index_cast %select_n3A : i32 to index
      %get3A_1104 = arith.index_cast %multiple_of3A_136 : i32 to index
      %get3A_1105 = tpu.vector_load %arg4[%get3A_1102, %get3A_1103, %get3A_1104] {strides = array<i32>} : memref<64x2x128xf32, #tpu.memory_space<vmem>>, vector<16xf32>,
      %broadcast_in_dim3A_1106 = arith.constant 43 : i32
      %broadcast_in_dim3A_1107 = vector.broadcast %broadcast_in_dim3A_1106 : i32 to vector<16xi32>
      %gt3A_1108 = arith.cmpf ogt, %get3A_1105, %select_n3A_1099 : vector<16xf32>
      %gt3A_1109 = arith.cmpf ogt, %get3A_1105, %select_n3A_1096 : vector<16xf32>
      %select_n3A_1110 = arith.select %gt3A_1109, %get3A_1105, %select_n3A_1096 : vector<16xi1>, vector<16xf32>
      %select_n3A_1111 = arith.select %gt3A_1108, %select_n3A_1099, %select_n3A_1110 : vector<16xi1>, vector<16xf32>
      %select_n3A_1112 = arith.select %gt3A_1109, %broadcast_in_dim3A_1107, %select_n3A_1098 : vector<16xi1>, vector<16xi32>
      %select_n3A_1113 = arith.select %gt3A_1108, %select_n3A_1100, %select_n3A_1112 : vector<16xi1>, vector<16xi32>
      %select_n3A_1114 = arith.select %gt3A_1108, %get3A_1105, %select_n3A_1099 : vector<16xi1>, vector<16xf32>
      %select_n3A_1115 = arith.select %gt3A_1108, %broadcast_in_dim3A_1107, %select_n3A_1100 : vector<16xi1>, vector<16xi32>
      %get3A_1116 = arith.constant 44 : i32
      %get3A_1117 = arith.index_cast %get3A_1116 : i32 to index
      %get3A_1118 = arith.index_cast %select_n3A : i32 to index
      %get3A_1119 = arith.index_cast %multiple_of3A_136 : i32 to index
      %get3A_1120 = tpu.vector_load %arg4[%get3A_1117, %get3A_1118, %get3A_1119] {strides = array<i32>} : memref<64x2x128xf32, #tpu.memory_space<vmem>>, vector<16xf32>,
      %broadcast_in_dim3A_1121 = arith.constant 44 : i32
      %broadcast_in_dim3A_1122 = vector.broadcast %broadcast_in_dim3A_1121 : i32 to vector<16xi32>
      %gt3A_1123 = arith.cmpf ogt, %get3A_1120, %select_n3A_1114 : vector<16xf32>
      %gt3A_1124 = arith.cmpf ogt, %get3A_1120, %select_n3A_1111 : vector<16xf32>
      %select_n3A_1125 = arith.select %gt3A_1124, %get3A_1120, %select_n3A_1111 : vector<16xi1>, vector<16xf32>
      %select_n3A_1126 = arith.select %gt3A_1123, %select_n3A_1114, %select_n3A_1125 : vector<16xi1>, vector<16xf32>
      %select_n3A_1127 = arith.select %gt3A_1124, %broadcast_in_dim3A_1122, %select_n3A_1113 : vector<16xi1>, vector<16xi32>
      %select_n3A_1128 = arith.select %gt3A_1123, %select_n3A_1115, %select_n3A_1127 : vector<16xi1>, vector<16xi32>
      %select_n3A_1129 = arith.select %gt3A_1123, %get3A_1120, %select_n3A_1114 : vector<16xi1>, vector<16xf32>
      %select_n3A_1130 = arith.select %gt3A_1123, %broadcast_in_dim3A_1122, %select_n3A_1115 : vector<16xi1>, vector<16xi32>
      %get3A_1131 = arith.constant 45 : i32
      %get3A_1132 = arith.index_cast %get3A_1131 : i32 to index
      %get3A_1133 = arith.index_cast %select_n3A : i32 to index
      %get3A_1134 = arith.index_cast %multiple_of3A_136 : i32 to index
      %get3A_1135 = tpu.vector_load %arg4[%get3A_1132, %get3A_1133, %get3A_1134] {strides = array<i32>} : memref<64x2x128xf32, #tpu.memory_space<vmem>>, vector<16xf32>,
      %broadcast_in_dim3A_1136 = arith.constant 45 : i32
      %broadcast_in_dim3A_1137 = vector.broadcast %broadcast_in_dim3A_1136 : i32 to vector<16xi32>
      %gt3A_1138 = arith.cmpf ogt, %get3A_1135, %select_n3A_1129 : vector<16xf32>
      %gt3A_1139 = arith.cmpf ogt, %get3A_1135, %select_n3A_1126 : vector<16xf32>
      %select_n3A_1140 = arith.select %gt3A_1139, %get3A_1135, %select_n3A_1126 : vector<16xi1>, vector<16xf32>
      %select_n3A_1141 = arith.select %gt3A_1138, %select_n3A_1129, %select_n3A_1140 : vector<16xi1>, vector<16xf32>
      %select_n3A_1142 = arith.select %gt3A_1139, %broadcast_in_dim3A_1137, %select_n3A_1128 : vector<16xi1>, vector<16xi32>
      %select_n3A_1143 = arith.select %gt3A_1138, %select_n3A_1130, %select_n3A_1142 : vector<16xi1>, vector<16xi32>
      %select_n3A_1144 = arith.select %gt3A_1138, %get3A_1135, %select_n3A_1129 : vector<16xi1>, vector<16xf32>
      %select_n3A_1145 = arith.select %gt3A_1138, %broadcast_in_dim3A_1137, %select_n3A_1130 : vector<16xi1>, vector<16xi32>
      %get3A_1146 = arith.constant 46 : i32
      %get3A_1147 = arith.index_cast %get3A_1146 : i32 to index
      %get3A_1148 = arith.index_cast %select_n3A : i32 to index
      %get3A_1149 = arith.index_cast %multiple_of3A_136 : i32 to index
      %get3A_1150 = tpu.vector_load %arg4[%get3A_1147, %get3A_1148, %get3A_1149] {strides = array<i32>} : memref<64x2x128xf32, #tpu.memory_space<vmem>>, vector<16xf32>,
      %broadcast_in_dim3A_1151 = arith.constant 46 : i32
      %broadcast_in_dim3A_1152 = vector.broadcast %broadcast_in_dim3A_1151 : i32 to vector<16xi32>
      %gt3A_1153 = arith.cmpf ogt, %get3A_1150, %select_n3A_1144 : vector<16xf32>
      %gt3A_1154 = arith.cmpf ogt, %get3A_1150, %select_n3A_1141 : vector<16xf32>
      %select_n3A_1155 = arith.select %gt3A_1154, %get3A_1150, %select_n3A_1141 : vector<16xi1>, vector<16xf32>
      %select_n3A_1156 = arith.select %gt3A_1153, %select_n3A_1144, %select_n3A_1155 : vector<16xi1>, vector<16xf32>
      %select_n3A_1157 = arith.select %gt3A_1154, %broadcast_in_dim3A_1152, %select_n3A_1143 : vector<16xi1>, vector<16xi32>
      %select_n3A_1158 = arith.select %gt3A_1153, %select_n3A_1145, %select_n3A_1157 : vector<16xi1>, vector<16xi32>
      %select_n3A_1159 = arith.select %gt3A_1153, %get3A_1150, %select_n3A_1144 : vector<16xi1>, vector<16xf32>
      %select_n3A_1160 = arith.select %gt3A_1153, %broadcast_in_dim3A_1152, %select_n3A_1145 : vector<16xi1>, vector<16xi32>
      %get3A_1161 = arith.constant 47 : i32
      %get3A_1162 = arith.index_cast %get3A_1161 : i32 to index
      %get3A_1163 = arith.index_cast %select_n3A : i32 to index
      %get3A_1164 = arith.index_cast %multiple_of3A_136 : i32 to index
      %get3A_1165 = tpu.vector_load %arg4[%get3A_1162, %get3A_1163, %get3A_1164] {strides = array<i32>} : memref<64x2x128xf32, #tpu.memory_space<vmem>>, vector<16xf32>,
      %broadcast_in_dim3A_1166 = arith.constant 47 : i32
      %broadcast_in_dim3A_1167 = vector.broadcast %broadcast_in_dim3A_1166 : i32 to vector<16xi32>
      %gt3A_1168 = arith.cmpf ogt, %get3A_1165, %select_n3A_1159 : vector<16xf32>
      %gt3A_1169 = arith.cmpf ogt, %get3A_1165, %select_n3A_1156 : vector<16xf32>
      %select_n3A_1170 = arith.select %gt3A_1169, %get3A_1165, %select_n3A_1156 : vector<16xi1>, vector<16xf32>
      %select_n3A_1171 = arith.select %gt3A_1168, %select_n3A_1159, %select_n3A_1170 : vector<16xi1>, vector<16xf32>
      %select_n3A_1172 = arith.select %gt3A_1169, %broadcast_in_dim3A_1167, %select_n3A_1158 : vector<16xi1>, vector<16xi32>
      %select_n3A_1173 = arith.select %gt3A_1168, %select_n3A_1160, %select_n3A_1172 : vector<16xi1>, vector<16xi32>
      %select_n3A_1174 = arith.select %gt3A_1168, %get3A_1165, %select_n3A_1159 : vector<16xi1>, vector<16xf32>
      %select_n3A_1175 = arith.select %gt3A_1168, %broadcast_in_dim3A_1167, %select_n3A_1160 : vector<16xi1>, vector<16xi32>
      %get3A_1176 = arith.constant 48 : i32
      %get3A_1177 = arith.index_cast %get3A_1176 : i32 to index
      %get3A_1178 = arith.index_cast %select_n3A : i32 to index
      %get3A_1179 = arith.index_cast %multiple_of3A_136 : i32 to index
      %get3A_1180 = tpu.vector_load %arg4[%get3A_1177, %get3A_1178, %get3A_1179] {strides = array<i32>} : memref<64x2x128xf32, #tpu.memory_space<vmem>>, vector<16xf32>,
      %broadcast_in_dim3A_1181 = arith.constant 48 : i32
      %broadcast_in_dim3A_1182 = vector.broadcast %broadcast_in_dim3A_1181 : i32 to vector<16xi32>
      %gt3A_1183 = arith.cmpf ogt, %get3A_1180, %broadcast_in_dim3A_51 : vector<16xf32>
      %gt3A_1184 = arith.cmpf ogt, %get3A_1180, %broadcast_in_dim3A_51 : vector<16xf32>
      %select_n3A_1185 = arith.select %gt3A_1184, %get3A_1180, %broadcast_in_dim3A_51 : vector<16xi1>, vector<16xf32>
      %select_n3A_1186 = arith.select %gt3A_1183, %broadcast_in_dim3A_51, %select_n3A_1185 : vector<16xi1>, vector<16xf32>
      %select_n3A_1187 = arith.select %gt3A_1184, %broadcast_in_dim3A_1182, %broadcast_in_dim3A_53 : vector<16xi1>, vector<16xi32>
      %select_n3A_1188 = arith.select %gt3A_1183, %broadcast_in_dim3A_53, %select_n3A_1187 : vector<16xi1>, vector<16xi32>
      %select_n3A_1189 = arith.select %gt3A_1183, %get3A_1180, %broadcast_in_dim3A_51 : vector<16xi1>, vector<16xf32>
      %select_n3A_1190 = arith.select %gt3A_1183, %broadcast_in_dim3A_1182, %broadcast_in_dim3A_53 : vector<16xi1>, vector<16xi32>
      %get3A_1191 = arith.constant 49 : i32
      %get3A_1192 = arith.index_cast %get3A_1191 : i32 to index
      %get3A_1193 = arith.index_cast %select_n3A : i32 to index
      %get3A_1194 = arith.index_cast %multiple_of3A_136 : i32 to index
      %get3A_1195 = tpu.vector_load %arg4[%get3A_1192, %get3A_1193, %get3A_1194] {strides = array<i32>} : memref<64x2x128xf32, #tpu.memory_space<vmem>>, vector<16xf32>,
      %broadcast_in_dim3A_1196 = arith.constant 49 : i32
      %broadcast_in_dim3A_1197 = vector.broadcast %broadcast_in_dim3A_1196 : i32 to vector<16xi32>
      %gt3A_1198 = arith.cmpf ogt, %get3A_1195, %select_n3A_1189 : vector<16xf32>
      %gt3A_1199 = arith.cmpf ogt, %get3A_1195, %select_n3A_1186 : vector<16xf32>
      %select_n3A_1200 = arith.select %gt3A_1199, %get3A_1195, %select_n3A_1186 : vector<16xi1>, vector<16xf32>
      %select_n3A_1201 = arith.select %gt3A_1198, %select_n3A_1189, %select_n3A_1200 : vector<16xi1>, vector<16xf32>
      %select_n3A_1202 = arith.select %gt3A_1199, %broadcast_in_dim3A_1197, %select_n3A_1188 : vector<16xi1>, vector<16xi32>
      %select_n3A_1203 = arith.select %gt3A_1198, %select_n3A_1190, %select_n3A_1202 : vector<16xi1>, vector<16xi32>
      %select_n3A_1204 = arith.select %gt3A_1198, %get3A_1195, %select_n3A_1189 : vector<16xi1>, vector<16xf32>
      %select_n3A_1205 = arith.select %gt3A_1198, %broadcast_in_dim3A_1197, %select_n3A_1190 : vector<16xi1>, vector<16xi32>
      %get3A_1206 = arith.constant 50 : i32
      %get3A_1207 = arith.index_cast %get3A_1206 : i32 to index
      %get3A_1208 = arith.index_cast %select_n3A : i32 to index
      %get3A_1209 = arith.index_cast %multiple_of3A_136 : i32 to index
      %get3A_1210 = tpu.vector_load %arg4[%get3A_1207, %get3A_1208, %get3A_1209] {strides = array<i32>} : memref<64x2x128xf32, #tpu.memory_space<vmem>>, vector<16xf32>,
      %broadcast_in_dim3A_1211 = arith.constant 50 : i32
      %broadcast_in_dim3A_1212 = vector.broadcast %broadcast_in_dim3A_1211 : i32 to vector<16xi32>
      %gt3A_1213 = arith.cmpf ogt, %get3A_1210, %select_n3A_1204 : vector<16xf32>
      %gt3A_1214 = arith.cmpf ogt, %get3A_1210, %select_n3A_1201 : vector<16xf32>
      %select_n3A_1215 = arith.select %gt3A_1214, %get3A_1210, %select_n3A_1201 : vector<16xi1>, vector<16xf32>
      %select_n3A_1216 = arith.select %gt3A_1213, %select_n3A_1204, %select_n3A_1215 : vector<16xi1>, vector<16xf32>
      %select_n3A_1217 = arith.select %gt3A_1214, %broadcast_in_dim3A_1212, %select_n3A_1203 : vector<16xi1>, vector<16xi32>
      %select_n3A_1218 = arith.select %gt3A_1213, %select_n3A_1205, %select_n3A_1217 : vector<16xi1>, vector<16xi32>
      %select_n3A_1219 = arith.select %gt3A_1213, %get3A_1210, %select_n3A_1204 : vector<16xi1>, vector<16xf32>
      %select_n3A_1220 = arith.select %gt3A_1213, %broadcast_in_dim3A_1212, %select_n3A_1205 : vector<16xi1>, vector<16xi32>
      %get3A_1221 = arith.constant 51 : i32
      %get3A_1222 = arith.index_cast %get3A_1221 : i32 to index
      %get3A_1223 = arith.index_cast %select_n3A : i32 to index
      %get3A_1224 = arith.index_cast %multiple_of3A_136 : i32 to index
      %get3A_1225 = tpu.vector_load %arg4[%get3A_1222, %get3A_1223, %get3A_1224] {strides = array<i32>} : memref<64x2x128xf32, #tpu.memory_space<vmem>>, vector<16xf32>,
      %broadcast_in_dim3A_1226 = arith.constant 51 : i32
      %broadcast_in_dim3A_1227 = vector.broadcast %broadcast_in_dim3A_1226 : i32 to vector<16xi32>
      %gt3A_1228 = arith.cmpf ogt, %get3A_1225, %select_n3A_1219 : vector<16xf32>
      %gt3A_1229 = arith.cmpf ogt, %get3A_1225, %select_n3A_1216 : vector<16xf32>
      %select_n3A_1230 = arith.select %gt3A_1229, %get3A_1225, %select_n3A_1216 : vector<16xi1>, vector<16xf32>
      %select_n3A_1231 = arith.select %gt3A_1228, %select_n3A_1219, %select_n3A_1230 : vector<16xi1>, vector<16xf32>
      %select_n3A_1232 = arith.select %gt3A_1229, %broadcast_in_dim3A_1227, %select_n3A_1218 : vector<16xi1>, vector<16xi32>
      %select_n3A_1233 = arith.select %gt3A_1228, %select_n3A_1220, %select_n3A_1232 : vector<16xi1>, vector<16xi32>
      %select_n3A_1234 = arith.select %gt3A_1228, %get3A_1225, %select_n3A_1219 : vector<16xi1>, vector<16xf32>
      %select_n3A_1235 = arith.select %gt3A_1228, %broadcast_in_dim3A_1227, %select_n3A_1220 : vector<16xi1>, vector<16xi32>
      %get3A_1236 = arith.constant 52 : i32
      %get3A_1237 = arith.index_cast %get3A_1236 : i32 to index
      %get3A_1238 = arith.index_cast %select_n3A : i32 to index
      %get3A_1239 = arith.index_cast %multiple_of3A_136 : i32 to index
      %get3A_1240 = tpu.vector_load %arg4[%get3A_1237, %get3A_1238, %get3A_1239] {strides = array<i32>} : memref<64x2x128xf32, #tpu.memory_space<vmem>>, vector<16xf32>,
      %broadcast_in_dim3A_1241 = arith.constant 52 : i32
      %broadcast_in_dim3A_1242 = vector.broadcast %broadcast_in_dim3A_1241 : i32 to vector<16xi32>
      %gt3A_1243 = arith.cmpf ogt, %get3A_1240, %select_n3A_1234 : vector<16xf32>
      %gt3A_1244 = arith.cmpf ogt, %get3A_1240, %select_n3A_1231 : vector<16xf32>
      %select_n3A_1245 = arith.select %gt3A_1244, %get3A_1240, %select_n3A_1231 : vector<16xi1>, vector<16xf32>
      %select_n3A_1246 = arith.select %gt3A_1243, %select_n3A_1234, %select_n3A_1245 : vector<16xi1>, vector<16xf32>
      %select_n3A_1247 = arith.select %gt3A_1244, %broadcast_in_dim3A_1242, %select_n3A_1233 : vector<16xi1>, vector<16xi32>
      %select_n3A_1248 = arith.select %gt3A_1243, %select_n3A_1235, %select_n3A_1247 : vector<16xi1>, vector<16xi32>
      %select_n3A_1249 = arith.select %gt3A_1243, %get3A_1240, %select_n3A_1234 : vector<16xi1>, vector<16xf32>
      %select_n3A_1250 = arith.select %gt3A_1243, %broadcast_in_dim3A_1242, %select_n3A_1235 : vector<16xi1>, vector<16xi32>
      %get3A_1251 = arith.constant 53 : i32
      %get3A_1252 = arith.index_cast %get3A_1251 : i32 to index
      %get3A_1253 = arith.index_cast %select_n3A : i32 to index
      %get3A_1254 = arith.index_cast %multiple_of3A_136 : i32 to index
      %get3A_1255 = tpu.vector_load %arg4[%get3A_1252, %get3A_1253, %get3A_1254] {strides = array<i32>} : memref<64x2x128xf32, #tpu.memory_space<vmem>>, vector<16xf32>,
      %broadcast_in_dim3A_1256 = arith.constant 53 : i32
      %broadcast_in_dim3A_1257 = vector.broadcast %broadcast_in_dim3A_1256 : i32 to vector<16xi32>
      %gt3A_1258 = arith.cmpf ogt, %get3A_1255, %select_n3A_1249 : vector<16xf32>
      %gt3A_1259 = arith.cmpf ogt, %get3A_1255, %select_n3A_1246 : vector<16xf32>
      %select_n3A_1260 = arith.select %gt3A_1259, %get3A_1255, %select_n3A_1246 : vector<16xi1>, vector<16xf32>
      %select_n3A_1261 = arith.select %gt3A_1258, %select_n3A_1249, %select_n3A_1260 : vector<16xi1>, vector<16xf32>
      %select_n3A_1262 = arith.select %gt3A_1259, %broadcast_in_dim3A_1257, %select_n3A_1248 : vector<16xi1>, vector<16xi32>
      %select_n3A_1263 = arith.select %gt3A_1258, %select_n3A_1250, %select_n3A_1262 : vector<16xi1>, vector<16xi32>
      %select_n3A_1264 = arith.select %gt3A_1258, %get3A_1255, %select_n3A_1249 : vector<16xi1>, vector<16xf32>
      %select_n3A_1265 = arith.select %gt3A_1258, %broadcast_in_dim3A_1257, %select_n3A_1250 : vector<16xi1>, vector<16xi32>
      %get3A_1266 = arith.constant 54 : i32
      %get3A_1267 = arith.index_cast %get3A_1266 : i32 to index
      %get3A_1268 = arith.index_cast %select_n3A : i32 to index
      %get3A_1269 = arith.index_cast %multiple_of3A_136 : i32 to index
      %get3A_1270 = tpu.vector_load %arg4[%get3A_1267, %get3A_1268, %get3A_1269] {strides = array<i32>} : memref<64x2x128xf32, #tpu.memory_space<vmem>>, vector<16xf32>,
      %broadcast_in_dim3A_1271 = arith.constant 54 : i32
      %broadcast_in_dim3A_1272 = vector.broadcast %broadcast_in_dim3A_1271 : i32 to vector<16xi32>
      %gt3A_1273 = arith.cmpf ogt, %get3A_1270, %select_n3A_1264 : vector<16xf32>
      %gt3A_1274 = arith.cmpf ogt, %get3A_1270, %select_n3A_1261 : vector<16xf32>
      %select_n3A_1275 = arith.select %gt3A_1274, %get3A_1270, %select_n3A_1261 : vector<16xi1>, vector<16xf32>
      %select_n3A_1276 = arith.select %gt3A_1273, %select_n3A_1264, %select_n3A_1275 : vector<16xi1>, vector<16xf32>
      %select_n3A_1277 = arith.select %gt3A_1274, %broadcast_in_dim3A_1272, %select_n3A_1263 : vector<16xi1>, vector<16xi32>
      %select_n3A_1278 = arith.select %gt3A_1273, %select_n3A_1265, %select_n3A_1277 : vector<16xi1>, vector<16xi32>
      %select_n3A_1279 = arith.select %gt3A_1273, %get3A_1270, %select_n3A_1264 : vector<16xi1>, vector<16xf32>
      %select_n3A_1280 = arith.select %gt3A_1273, %broadcast_in_dim3A_1272, %select_n3A_1265 : vector<16xi1>, vector<16xi32>
      %get3A_1281 = arith.constant 55 : i32
      %get3A_1282 = arith.index_cast %get3A_1281 : i32 to index
      %get3A_1283 = arith.index_cast %select_n3A : i32 to index
      %get3A_1284 = arith.index_cast %multiple_of3A_136 : i32 to index
      %get3A_1285 = tpu.vector_load %arg4[%get3A_1282, %get3A_1283, %get3A_1284] {strides = array<i32>} : memref<64x2x128xf32, #tpu.memory_space<vmem>>, vector<16xf32>,
      %broadcast_in_dim3A_1286 = arith.constant 55 : i32
      %broadcast_in_dim3A_1287 = vector.broadcast %broadcast_in_dim3A_1286 : i32 to vector<16xi32>
      %gt3A_1288 = arith.cmpf ogt, %get3A_1285, %select_n3A_1279 : vector<16xf32>
      %gt3A_1289 = arith.cmpf ogt, %get3A_1285, %select_n3A_1276 : vector<16xf32>
      %select_n3A_1290 = arith.select %gt3A_1289, %get3A_1285, %select_n3A_1276 : vector<16xi1>, vector<16xf32>
      %select_n3A_1291 = arith.select %gt3A_1288, %select_n3A_1279, %select_n3A_1290 : vector<16xi1>, vector<16xf32>
      %select_n3A_1292 = arith.select %gt3A_1289, %broadcast_in_dim3A_1287, %select_n3A_1278 : vector<16xi1>, vector<16xi32>
      %select_n3A_1293 = arith.select %gt3A_1288, %select_n3A_1280, %select_n3A_1292 : vector<16xi1>, vector<16xi32>
      %select_n3A_1294 = arith.select %gt3A_1288, %get3A_1285, %select_n3A_1279 : vector<16xi1>, vector<16xf32>
      %select_n3A_1295 = arith.select %gt3A_1288, %broadcast_in_dim3A_1287, %select_n3A_1280 : vector<16xi1>, vector<16xi32>
      %get3A_1296 = arith.constant 56 : i32
      %get3A_1297 = arith.index_cast %get3A_1296 : i32 to index
      %get3A_1298 = arith.index_cast %select_n3A : i32 to index
      %get3A_1299 = arith.index_cast %multiple_of3A_136 : i32 to index
      %get3A_1300 = tpu.vector_load %arg4[%get3A_1297, %get3A_1298, %get3A_1299] {strides = array<i32>} : memref<64x2x128xf32, #tpu.memory_space<vmem>>, vector<16xf32>,
      %broadcast_in_dim3A_1301 = arith.constant 56 : i32
      %broadcast_in_dim3A_1302 = vector.broadcast %broadcast_in_dim3A_1301 : i32 to vector<16xi32>
      %gt3A_1303 = arith.cmpf ogt, %get3A_1300, %select_n3A_1294 : vector<16xf32>
      %gt3A_1304 = arith.cmpf ogt, %get3A_1300, %select_n3A_1291 : vector<16xf32>
      %select_n3A_1305 = arith.select %gt3A_1304, %get3A_1300, %select_n3A_1291 : vector<16xi1>, vector<16xf32>
      %select_n3A_1306 = arith.select %gt3A_1303, %select_n3A_1294, %select_n3A_1305 : vector<16xi1>, vector<16xf32>
      %select_n3A_1307 = arith.select %gt3A_1304, %broadcast_in_dim3A_1302, %select_n3A_1293 : vector<16xi1>, vector<16xi32>
      %select_n3A_1308 = arith.select %gt3A_1303, %select_n3A_1295, %select_n3A_1307 : vector<16xi1>, vector<16xi32>
      %select_n3A_1309 = arith.select %gt3A_1303, %get3A_1300, %select_n3A_1294 : vector<16xi1>, vector<16xf32>
      %select_n3A_1310 = arith.select %gt3A_1303, %broadcast_in_dim3A_1302, %select_n3A_1295 : vector<16xi1>, vector<16xi32>
      %get3A_1311 = arith.constant 57 : i32
      %get3A_1312 = arith.index_cast %get3A_1311 : i32 to index
      %get3A_1313 = arith.index_cast %select_n3A : i32 to index
      %get3A_1314 = arith.index_cast %multiple_of3A_136 : i32 to index
      %get3A_1315 = tpu.vector_load %arg4[%get3A_1312, %get3A_1313, %get3A_1314] {strides = array<i32>} : memref<64x2x128xf32, #tpu.memory_space<vmem>>, vector<16xf32>,
      %broadcast_in_dim3A_1316 = arith.constant 57 : i32
      %broadcast_in_dim3A_1317 = vector.broadcast %broadcast_in_dim3A_1316 : i32 to vector<16xi32>
      %gt3A_1318 = arith.cmpf ogt, %get3A_1315, %select_n3A_1309 : vector<16xf32>
      %gt3A_1319 = arith.cmpf ogt, %get3A_1315, %select_n3A_1306 : vector<16xf32>
      %select_n3A_1320 = arith.select %gt3A_1319, %get3A_1315, %select_n3A_1306 : vector<16xi1>, vector<16xf32>
      %select_n3A_1321 = arith.select %gt3A_1318, %select_n3A_1309, %select_n3A_1320 : vector<16xi1>, vector<16xf32>
      %select_n3A_1322 = arith.select %gt3A_1319, %broadcast_in_dim3A_1317, %select_n3A_1308 : vector<16xi1>, vector<16xi32>
      %select_n3A_1323 = arith.select %gt3A_1318, %select_n3A_1310, %select_n3A_1322 : vector<16xi1>, vector<16xi32>
      %select_n3A_1324 = arith.select %gt3A_1318, %get3A_1315, %select_n3A_1309 : vector<16xi1>, vector<16xf32>
      %select_n3A_1325 = arith.select %gt3A_1318, %broadcast_in_dim3A_1317, %select_n3A_1310 : vector<16xi1>, vector<16xi32>
      %get3A_1326 = arith.constant 58 : i32
      %get3A_1327 = arith.index_cast %get3A_1326 : i32 to index
      %get3A_1328 = arith.index_cast %select_n3A : i32 to index
      %get3A_1329 = arith.index_cast %multiple_of3A_136 : i32 to index
      %get3A_1330 = tpu.vector_load %arg4[%get3A_1327, %get3A_1328, %get3A_1329] {strides = array<i32>} : memref<64x2x128xf32, #tpu.memory_space<vmem>>, vector<16xf32>,
      %broadcast_in_dim3A_1331 = arith.constant 58 : i32
      %broadcast_in_dim3A_1332 = vector.broadcast %broadcast_in_dim3A_1331 : i32 to vector<16xi32>
      %gt3A_1333 = arith.cmpf ogt, %get3A_1330, %select_n3A_1324 : vector<16xf32>
      %gt3A_1334 = arith.cmpf ogt, %get3A_1330, %select_n3A_1321 : vector<16xf32>
      %select_n3A_1335 = arith.select %gt3A_1334, %get3A_1330, %select_n3A_1321 : vector<16xi1>, vector<16xf32>
      %select_n3A_1336 = arith.select %gt3A_1333, %select_n3A_1324, %select_n3A_1335 : vector<16xi1>, vector<16xf32>
      %select_n3A_1337 = arith.select %gt3A_1334, %broadcast_in_dim3A_1332, %select_n3A_1323 : vector<16xi1>, vector<16xi32>
      %select_n3A_1338 = arith.select %gt3A_1333, %select_n3A_1325, %select_n3A_1337 : vector<16xi1>, vector<16xi32>
      %select_n3A_1339 = arith.select %gt3A_1333, %get3A_1330, %select_n3A_1324 : vector<16xi1>, vector<16xf32>
      %select_n3A_1340 = arith.select %gt3A_1333, %broadcast_in_dim3A_1332, %select_n3A_1325 : vector<16xi1>, vector<16xi32>
      %get3A_1341 = arith.constant 59 : i32
      %get3A_1342 = arith.index_cast %get3A_1341 : i32 to index
      %get3A_1343 = arith.index_cast %select_n3A : i32 to index
      %get3A_1344 = arith.index_cast %multiple_of3A_136 : i32 to index
      %get3A_1345 = tpu.vector_load %arg4[%get3A_1342, %get3A_1343, %get3A_1344] {strides = array<i32>} : memref<64x2x128xf32, #tpu.memory_space<vmem>>, vector<16xf32>,
      %broadcast_in_dim3A_1346 = arith.constant 59 : i32
      %broadcast_in_dim3A_1347 = vector.broadcast %broadcast_in_dim3A_1346 : i32 to vector<16xi32>
      %gt3A_1348 = arith.cmpf ogt, %get3A_1345, %select_n3A_1339 : vector<16xf32>
      %gt3A_1349 = arith.cmpf ogt, %get3A_1345, %select_n3A_1336 : vector<16xf32>
      %select_n3A_1350 = arith.select %gt3A_1349, %get3A_1345, %select_n3A_1336 : vector<16xi1>, vector<16xf32>
      %select_n3A_1351 = arith.select %gt3A_1348, %select_n3A_1339, %select_n3A_1350 : vector<16xi1>, vector<16xf32>
      %select_n3A_1352 = arith.select %gt3A_1349, %broadcast_in_dim3A_1347, %select_n3A_1338 : vector<16xi1>, vector<16xi32>
      %select_n3A_1353 = arith.select %gt3A_1348, %select_n3A_1340, %select_n3A_1352 : vector<16xi1>, vector<16xi32>
      %select_n3A_1354 = arith.select %gt3A_1348, %get3A_1345, %select_n3A_1339 : vector<16xi1>, vector<16xf32>
      %select_n3A_1355 = arith.select %gt3A_1348, %broadcast_in_dim3A_1347, %select_n3A_1340 : vector<16xi1>, vector<16xi32>
      %get3A_1356 = arith.constant 60 : i32
      %get3A_1357 = arith.index_cast %get3A_1356 : i32 to index
      %get3A_1358 = arith.index_cast %select_n3A : i32 to index
      %get3A_1359 = arith.index_cast %multiple_of3A_136 : i32 to index
      %get3A_1360 = tpu.vector_load %arg4[%get3A_1357, %get3A_1358, %get3A_1359] {strides = array<i32>} : memref<64x2x128xf32, #tpu.memory_space<vmem>>, vector<16xf32>,
      %broadcast_in_dim3A_1361 = arith.constant 60 : i32
      %broadcast_in_dim3A_1362 = vector.broadcast %broadcast_in_dim3A_1361 : i32 to vector<16xi32>
      %gt3A_1363 = arith.cmpf ogt, %get3A_1360, %select_n3A_1354 : vector<16xf32>
      %gt3A_1364 = arith.cmpf ogt, %get3A_1360, %select_n3A_1351 : vector<16xf32>
      %select_n3A_1365 = arith.select %gt3A_1364, %get3A_1360, %select_n3A_1351 : vector<16xi1>, vector<16xf32>
      %select_n3A_1366 = arith.select %gt3A_1363, %select_n3A_1354, %select_n3A_1365 : vector<16xi1>, vector<16xf32>
      %select_n3A_1367 = arith.select %gt3A_1364, %broadcast_in_dim3A_1362, %select_n3A_1353 : vector<16xi1>, vector<16xi32>
      %select_n3A_1368 = arith.select %gt3A_1363, %select_n3A_1355, %select_n3A_1367 : vector<16xi1>, vector<16xi32>
      %select_n3A_1369 = arith.select %gt3A_1363, %get3A_1360, %select_n3A_1354 : vector<16xi1>, vector<16xf32>
      %select_n3A_1370 = arith.select %gt3A_1363, %broadcast_in_dim3A_1362, %select_n3A_1355 : vector<16xi1>, vector<16xi32>
      %get3A_1371 = arith.constant 61 : i32
      %get3A_1372 = arith.index_cast %get3A_1371 : i32 to index
      %get3A_1373 = arith.index_cast %select_n3A : i32 to index
      %get3A_1374 = arith.index_cast %multiple_of3A_136 : i32 to index
      %get3A_1375 = tpu.vector_load %arg4[%get3A_1372, %get3A_1373, %get3A_1374] {strides = array<i32>} : memref<64x2x128xf32, #tpu.memory_space<vmem>>, vector<16xf32>,
      %broadcast_in_dim3A_1376 = arith.constant 61 : i32
      %broadcast_in_dim3A_1377 = vector.broadcast %broadcast_in_dim3A_1376 : i32 to vector<16xi32>
      %gt3A_1378 = arith.cmpf ogt, %get3A_1375, %select_n3A_1369 : vector<16xf32>
      %gt3A_1379 = arith.cmpf ogt, %get3A_1375, %select_n3A_1366 : vector<16xf32>
      %select_n3A_1380 = arith.select %gt3A_1379, %get3A_1375, %select_n3A_1366 : vector<16xi1>, vector<16xf32>
      %select_n3A_1381 = arith.select %gt3A_1378, %select_n3A_1369, %select_n3A_1380 : vector<16xi1>, vector<16xf32>
      %select_n3A_1382 = arith.select %gt3A_1379, %broadcast_in_dim3A_1377, %select_n3A_1368 : vector<16xi1>, vector<16xi32>
      %select_n3A_1383 = arith.select %gt3A_1378, %select_n3A_1370, %select_n3A_1382 : vector<16xi1>, vector<16xi32>
      %select_n3A_1384 = arith.select %gt3A_1378, %get3A_1375, %select_n3A_1369 : vector<16xi1>, vector<16xf32>
      %select_n3A_1385 = arith.select %gt3A_1378, %broadcast_in_dim3A_1377, %select_n3A_1370 : vector<16xi1>, vector<16xi32>
      %get3A_1386 = arith.constant 62 : i32
      %get3A_1387 = arith.index_cast %get3A_1386 : i32 to index
      %get3A_1388 = arith.index_cast %select_n3A : i32 to index
      %get3A_1389 = arith.index_cast %multiple_of3A_136 : i32 to index
      %get3A_1390 = tpu.vector_load %arg4[%get3A_1387, %get3A_1388, %get3A_1389] {strides = array<i32>} : memref<64x2x128xf32, #tpu.memory_space<vmem>>, vector<16xf32>,
      %broadcast_in_dim3A_1391 = arith.constant 62 : i32
      %broadcast_in_dim3A_1392 = vector.broadcast %broadcast_in_dim3A_1391 : i32 to vector<16xi32>
      %gt3A_1393 = arith.cmpf ogt, %get3A_1390, %select_n3A_1384 : vector<16xf32>
      %gt3A_1394 = arith.cmpf ogt, %get3A_1390, %select_n3A_1381 : vector<16xf32>
      %select_n3A_1395 = arith.select %gt3A_1394, %get3A_1390, %select_n3A_1381 : vector<16xi1>, vector<16xf32>
      %select_n3A_1396 = arith.select %gt3A_1393, %select_n3A_1384, %select_n3A_1395 : vector<16xi1>, vector<16xf32>
      %select_n3A_1397 = arith.select %gt3A_1394, %broadcast_in_dim3A_1392, %select_n3A_1383 : vector<16xi1>, vector<16xi32>
      %select_n3A_1398 = arith.select %gt3A_1393, %select_n3A_1385, %select_n3A_1397 : vector<16xi1>, vector<16xi32>
      %select_n3A_1399 = arith.select %gt3A_1393, %get3A_1390, %select_n3A_1384 : vector<16xi1>, vector<16xf32>
      %select_n3A_1400 = arith.select %gt3A_1393, %broadcast_in_dim3A_1392, %select_n3A_1385 : vector<16xi1>, vector<16xi32>
      %get3A_1401 = arith.constant 63 : i32
      %get3A_1402 = arith.index_cast %get3A_1401 : i32 to index
      %get3A_1403 = arith.index_cast %select_n3A : i32 to index
      %get3A_1404 = arith.index_cast %multiple_of3A_136 : i32 to index
      %get3A_1405 = tpu.vector_load %arg4[%get3A_1402, %get3A_1403, %get3A_1404] {strides = array<i32>} : memref<64x2x128xf32, #tpu.memory_space<vmem>>, vector<16xf32>,
      %broadcast_in_dim3A_1406 = arith.constant 63 : i32
      %broadcast_in_dim3A_1407 = vector.broadcast %broadcast_in_dim3A_1406 : i32 to vector<16xi32>
      %gt3A_1408 = arith.cmpf ogt, %get3A_1405, %select_n3A_1399 : vector<16xf32>
      %gt3A_1409 = arith.cmpf ogt, %get3A_1405, %select_n3A_1396 : vector<16xf32>
      %select_n3A_1410 = arith.select %gt3A_1409, %get3A_1405, %select_n3A_1396 : vector<16xi1>, vector<16xf32>
      %select_n3A_1411 = arith.select %gt3A_1408, %select_n3A_1399, %select_n3A_1410 : vector<16xi1>, vector<16xf32>
      %select_n3A_1412 = arith.select %gt3A_1409, %broadcast_in_dim3A_1407, %select_n3A_1398 : vector<16xi1>, vector<16xi32>
      %select_n3A_1413 = arith.select %gt3A_1408, %select_n3A_1400, %select_n3A_1412 : vector<16xi1>, vector<16xi32>
      %select_n3A_1414 = arith.select %gt3A_1408, %get3A_1405, %select_n3A_1399 : vector<16xi1>, vector<16xf32>
      %select_n3A_1415 = arith.select %gt3A_1408, %broadcast_in_dim3A_1407, %select_n3A_1400 : vector<16xi1>, vector<16xi32>
      %gt3A_1416 = arith.cmpf ogt, %select_n3A_934, %select_n3A_694 : vector<16xf32>
      %select_n3A_1417 = arith.select %gt3A_1416, %select_n3A_934, %select_n3A_694 : vector<16xi1>, vector<16xf32>
      %select_n3A_1418 = arith.select %gt3A_1416, %select_n3A_935, %select_n3A_695 : vector<16xi1>, vector<16xi32>
      %select_n3A_1419 = arith.select %gt3A_1416, %select_n3A_694, %select_n3A_691 : vector<16xi1>, vector<16xf32>
      %select_n3A_1420 = arith.select %gt3A_1416, %select_n3A_695, %select_n3A_693 : vector<16xi1>, vector<16xi32>
      %select_n3A_1421 = arith.select %gt3A_1416, %select_n3A_931, %select_n3A_934 : vector<16xi1>, vector<16xf32>
      %select_n3A_1422 = arith.select %gt3A_1416, %select_n3A_933, %select_n3A_935 : vector<16xi1>, vector<16xi32>
      %gt3A_1423 = arith.cmpf ogt, %select_n3A_1421, %select_n3A_1419 : vector<16xf32>
      %select_n3A_1424 = arith.select %gt3A_1423, %select_n3A_1421, %select_n3A_1419 : vector<16xi1>, vector<16xf32>
      %select_n3A_1425 = arith.select %gt3A_1423, %select_n3A_1422, %select_n3A_1420 : vector<16xi1>, vector<16xi32>
      %gt3A_1426 = arith.cmpf ogt, %select_n3A_1414, %select_n3A_1174 : vector<16xf32>
      %select_n3A_1427 = arith.select %gt3A_1426, %select_n3A_1414, %select_n3A_1174 : vector<16xi1>, vector<16xf32>
      %select_n3A_1428 = arith.select %gt3A_1426, %select_n3A_1415, %select_n3A_1175 : vector<16xi1>, vector<16xi32>
      %select_n3A_1429 = arith.select %gt3A_1426, %select_n3A_1174, %select_n3A_1171 : vector<16xi1>, vector<16xf32>
      %select_n3A_1430 = arith.select %gt3A_1426, %select_n3A_1175, %select_n3A_1173 : vector<16xi1>, vector<16xi32>
      %select_n3A_1431 = arith.select %gt3A_1426, %select_n3A_1411, %select_n3A_1414 : vector<16xi1>, vector<16xf32>
      %select_n3A_1432 = arith.select %gt3A_1426, %select_n3A_1413, %select_n3A_1415 : vector<16xi1>, vector<16xi32>
      %gt3A_1433 = arith.cmpf ogt, %select_n3A_1431, %select_n3A_1429 : vector<16xf32>
      %select_n3A_1434 = arith.select %gt3A_1433, %select_n3A_1431, %select_n3A_1429 : vector<16xi1>, vector<16xf32>
      %select_n3A_1435 = arith.select %gt3A_1433, %select_n3A_1432, %select_n3A_1430 : vector<16xi1>, vector<16xi32>
      %gt3A_1436 = arith.cmpf ogt, %select_n3A_1427, %select_n3A_1417 : vector<16xf32>
      %select_n3A_1437 = arith.select %gt3A_1436, %select_n3A_1427, %select_n3A_1417 : vector<16xi1>, vector<16xf32>
      %select_n3A_1438 = arith.select %gt3A_1436, %select_n3A_1428, %select_n3A_1418 : vector<16xi1>, vector<16xi32>
      %select_n3A_1439 = arith.select %gt3A_1436, %select_n3A_1417, %select_n3A_1424 : vector<16xi1>, vector<16xf32>
      %select_n3A_1440 = arith.select %gt3A_1436, %select_n3A_1418, %select_n3A_1425 : vector<16xi1>, vector<16xi32>
      %select_n3A_1441 = arith.select %gt3A_1436, %select_n3A_1434, %select_n3A_1427 : vector<16xi1>, vector<16xf32>
      %select_n3A_1442 = arith.select %gt3A_1436, %select_n3A_1435, %select_n3A_1428 : vector<16xi1>, vector<16xi32>
      %gt3A_1443 = arith.cmpf ogt, %select_n3A_1441, %select_n3A_1439 : vector<16xf32>
      %select_n3A_1444 = arith.select %gt3A_1443, %select_n3A_1441, %select_n3A_1439 : vector<16xi1>, vector<16xf32>
      %select_n3A_1445 = arith.select %gt3A_1443, %select_n3A_1442, %select_n3A_1440 : vector<16xi1>, vector<16xi32>
      %sub3A_1446 = arith.subf %select_n3A_1444, %select_n3A_1437 : vector<16xf32>
      %exp3A = math.exp %sub3A_1446 : vector<16xf32>
      %add3A_1447 = arith.constant 1.000000e+00 : f32
      %add3A_1448 = vector.broadcast %add3A_1447 : f32 to vector<16xf32>
      %add3A_1449 = arith.addf %add3A_1448, %exp3A : vector<16xf32>
      %div3A_1450 = arith.constant 1.000000e+00 : f32
      %div3A_1451 = vector.broadcast %div3A_1450 : f32 to vector<16xf32>
      %div3A_1452 = arith.divf %div3A_1451, %add3A_1449 : vector<16xf32>
      tpu.vector_store_idx %arg5[%add3A_138, %select_n3A_1438], %div3A_1452 : memref<256x64xf32, #tpu.memory_space<vmem>>[vector<16xi32>, vector<16xi32>], vector<16xf32>,
      %div3A_1453 = arith.divf %exp3A, %add3A_1449 : vector<16xf32>
      tpu.vector_store_idx %arg5[%add3A_138, %select_n3A_1445], %div3A_1453 : memref<256x64xf32, #tpu.memory_space<vmem>>[vector<16xi32>, vector<16xi32>], vector<16xf32>,
    }
    %scan3A_58 = arith.constant 8 : i32
    %dma_start3A_59 = arith.constant 0 : i32
    %dma_start3A_60 = arith.constant 0 : i32
    %dma_start3A_61 = tpu.memref_slice %arg5[%dma_start3A_59, %dma_start3A_60] : memref<256x64xf32, #tpu.memory_space<vmem>> -> memref<128x64xf32, #tpu.memory_space<vmem>>
    %dma_start3A_62 = arith.constant 0 : i32
    %dma_start3A_63 = tpu.memref_slice %arg3[%mul3A_2, %dma_start3A_62] : memref<8192x64xf32, #tpu.memory_space<hbm>> -> memref<128x64xf32, #tpu.memory_space<hbm>>
    %dma_start3A_64 = arith.constant 0 : i32
    %dma_start3A_65 = tpu.memref_slice %arg3[%mul3A_2, %dma_start3A_64] : memref<8192x64xf32, #tpu.memory_space<hbm>> -> memref<128x64xf32, #tpu.memory_space<hbm>>
    %dma_start3A_66 = arith.constant 0 : i32
    %dma_start3A_67 = arith.constant 0 : i32
    %dma_start3A_68 = tpu.memref_slice %arg5[%dma_start3A_66, %dma_start3A_67] : memref<256x64xf32, #tpu.memory_space<vmem>> -> memref<128x64xf32, #tpu.memory_space<vmem>>
    tpu.enqueue_dma source(%dma_start3A_68 : memref<128x64xf32, #tpu.memory_space<vmem>>) target(%dma_start3A_65 : memref<128x64xf32, #tpu.memory_space<hbm>>) target_semaphore(%arg8 : memref<!tpu.dma_semaphore, #tpu.memory_space<semaphore_mem>>)
    %dma_wait3A_69 = arith.constant 0 : i32
    %dma_wait3A_70 = arith.constant 1 : i32
    %dma_wait3A_71 = arith.constant 0 : i32
    %dma_wait3A_72 = tpu.memref_slice %arg4[%dma_wait3A_69, %dma_wait3A_70, %dma_wait3A_71] : memref<64x2x128xf32, #tpu.memory_space<vmem>> -> memref<64x1x128xf32, #tpu.memory_space<vmem>>
    %dma_wait3A_73 = arith.constant 0 : i32
    %dma_wait3A_74 = arith.constant 0 : i32
    %dma_wait3A_75 = tpu.memref_slice %arg2[%dma_wait3A_73, %add3A_8, %dma_wait3A_74] : memref<64x64x128xf32, #tpu.memory_space<hbm>> -> memref<64x1x128xf32, #tpu.memory_space<hbm>>
    %dma_wait3A_76 = arith.constant 0 : i32
    %dma_wait3A_77 = arith.constant 1 : i32
    %dma_wait3A_78 = arith.constant 0 : i32
    %dma_wait3A_79 = tpu.memref_slice %arg4[%dma_wait3A_76, %dma_wait3A_77, %dma_wait3A_78] : memref<64x2x128xf32, #tpu.memory_space<vmem>> -> memref<64x1x128xf32, #tpu.memory_space<vmem>>
    %dma_wait3A_80 = arith.constant 0 : i32
    %dma_wait3A_81 = arith.constant 0 : i32
    %dma_wait3A_82 = tpu.memref_slice %arg2[%dma_wait3A_80, %add3A_8, %dma_wait3A_81] : memref<64x64x128xf32, #tpu.memory_space<hbm>> -> memref<64x1x128xf32, #tpu.memory_space<hbm>>
    tpu.wait_dma2 semaphore(%arg7 : memref<!tpu.dma_semaphore, #tpu.memory_space<semaphore_mem>>) src(%dma_wait3A_82 : memref<64x1x128xf32, #tpu.memory_space<hbm>>) dst(%dma_wait3A_79 : memref<64x1x128xf32, #tpu.memory_space<vmem>>)
    %scan3A_83 = arith.constant 0 : i32
    %scan3A_84 = arith.constant 8 : i32
    %scan3A_85 = arith.constant 8 : i32
    %scan3A_86 = arith.addi %scan3A_84, %scan3A_85 : i32
    %scan3A_87 = arith.constant 1 : i32
    scf.for %scan3A_101 = %scan3A_84 to %scan3A_86 step %scan3A_87  : i32 {
      %mul3A_102 = arith.constant 16 : i32
      %mul3A_103 = arith.muli %scan3A_101, %mul3A_102 : i32
      %multiple_of3A = tpu.assume_multiple %mul3A_103, 16 : i32
      %jit3A = arith.constant 8 : i32
      %div3A = arith.divsi %scan3A_101, %jit3A : i32
      %sign3A = arith.constant 0 : i32
      %sign3A_104 = arith.cmpi sgt, %scan3A_101, %sign3A : i32
      %sign3A_105 = arith.extui %sign3A_104 : i1 to i32
      %sign3A_106 = arith.constant 0 : i32
      %sign3A_107 = arith.cmpi slt, %scan3A_101, %sign3A_106 : i32
      %sign3A_108 = arith.extui %sign3A_107 : i1 to i32
      %sign3A_109 = arith.subi %sign3A_105, %sign3A_108 : i32
      %sign3A_110 = arith.constant 0 : i32
      %sign3A_111 = arith.cmpi sgt, %jit3A, %sign3A_110 : i32
      %sign3A_112 = arith.extui %sign3A_111 : i1 to i32
      %sign3A_113 = arith.constant 0 : i32
      %sign3A_114 = arith.cmpi slt, %jit3A, %sign3A_113 : i32
      %sign3A_115 = arith.extui %sign3A_114 : i1 to i32
      %sign3A_116 = arith.subi %sign3A_112, %sign3A_115 : i32
      %ne3A = arith.cmpi ne, %sign3A_109, %sign3A_116 : i32
      %rem3A = arith.remsi %scan3A_101, %jit3A : i32
      %ne3A_117 = arith.constant 0 : i32
      %ne3A_118 = arith.cmpi ne, %rem3A, %ne3A_117 : i32
      %and3A = arith.andi %ne3A, %ne3A_118 : i1
      %sub3A = arith.constant 1 : i32
      %sub3A_119 = arith.subi %div3A, %sub3A : i32
      %select_n3A = arith.select %and3A, %sub3A_119, %div3A : i32
      %jit3A_120 = arith.constant 8 : i32
      %eq3A = arith.constant 0 : i32
      %eq3A_121 = arith.cmpi eq, %jit3A_120, %eq3A : i32
      %jit3A_122 = arith.constant 1 : i32
      %select_n3A_123 = arith.select %eq3A_121, %jit3A_122, %jit3A_120 : i32
      %rem3A_124 = arith.remsi %scan3A_101, %select_n3A_123 : i32
      %ne3A_125 = arith.constant 0 : i32
      %ne3A_126 = arith.cmpi ne, %rem3A_124, %ne3A_125 : i32
      %lt3A = arith.constant 0 : i32
      %lt3A_127 = arith.cmpi slt, %rem3A_124, %lt3A : i32
      %lt3A_128 = arith.constant 0 : i32
      %lt3A_129 = arith.cmpi slt, %select_n3A_123, %lt3A_128 : i32
      %ne3A_130 = arith.xori %lt3A_127, %lt3A_129 : i1
      %and3A_131 = arith.andi %ne3A_130, %ne3A_126 : i1
      %add3A_132 = arith.addi %rem3A_124, %select_n3A_123 : i32
      %select_n3A_133 = arith.select %and3A_131, %add3A_132, %rem3A_124 : i32
      %mul3A_134 = arith.constant 16 : i32
      %mul3A_135 = arith.muli %select_n3A_133, %mul3A_134 : i32
      %multiple_of3A_136 = tpu.assume_multiple %mul3A_135, 16 : i32
      %add3A_137 = vector.broadcast %multiple_of3A : i32 to vector<16xi32>
      %add3A_138 = arith.addi %add3A_137, %iota3A : vector<16xi32>
      %add3A_139 = arith.constant 0 : i32
      %add3A_140 = arith.addi %multiple_of3A, %add3A_139 : i32
      %swap3A = arith.index_cast %add3A_140 : i32 to index
      %swap3A_141 = arith.constant 0 : index
      %swap3A_142 = tpu.vector_load %arg5[%swap3A, %swap3A_141] {strides = array<i32>} : memref<256x64xf32, #tpu.memory_space<vmem>>, vector<16xf32>,
      tpu.vector_store %arg5[%swap3A, %swap3A_141], %broadcast_in_dim3A_49 {strides = array<i32>} : memref<256x64xf32, #tpu.memory_space<vmem>>, vector<16xf32>,
      %add3A_143 = arith.constant 0 : i32
      %add3A_144 = arith.addi %multiple_of3A, %add3A_143 : i32
      %swap3A_145 = arith.index_cast %add3A_144 : i32 to index
      %swap3A_146 = arith.constant 16 : index
      %swap3A_147 = tpu.vector_load %arg5[%swap3A_145, %swap3A_146] {strides = array<i32>} : memref<256x64xf32, #tpu.memory_space<vmem>>, vector<16xf32>,
      tpu.vector_store %arg5[%swap3A_145, %swap3A_146], %broadcast_in_dim3A_49 {strides = array<i32>} : memref<256x64xf32, #tpu.memory_space<vmem>>, vector<16xf32>,
      %add3A_148 = arith.constant 0 : i32
      %add3A_149 = arith.addi %multiple_of3A, %add3A_148 : i32
      %swap3A_150 = arith.index_cast %add3A_149 : i32 to index
      %swap3A_151 = arith.constant 32 : index
      %swap3A_152 = tpu.vector_load %arg5[%swap3A_150, %swap3A_151] {strides = array<i32>} : memref<256x64xf32, #tpu.memory_space<vmem>>, vector<16xf32>,
      tpu.vector_store %arg5[%swap3A_150, %swap3A_151], %broadcast_in_dim3A_49 {strides = array<i32>} : memref<256x64xf32, #tpu.memory_space<vmem>>, vector<16xf32>,
      %add3A_153 = arith.constant 0 : i32
      %add3A_154 = arith.addi %multiple_of3A, %add3A_153 : i32
      %swap3A_155 = arith.index_cast %add3A_154 : i32 to index
      %swap3A_156 = arith.constant 48 : index
      %swap3A_157 = tpu.vector_load %arg5[%swap3A_155, %swap3A_156] {strides = array<i32>} : memref<256x64xf32, #tpu.memory_space<vmem>>, vector<16xf32>,
      tpu.vector_store %arg5[%swap3A_155, %swap3A_156], %broadcast_in_dim3A_49 {strides = array<i32>} : memref<256x64xf32, #tpu.memory_space<vmem>>, vector<16xf32>,
      %add3A_158 = arith.constant 1 : i32
      %add3A_159 = arith.addi %multiple_of3A, %add3A_158 : i32
      %swap3A_160 = arith.index_cast %add3A_159 : i32 to index
      %swap3A_161 = arith.constant 0 : index
      %swap3A_162 = tpu.vector_load %arg5[%swap3A_160, %swap3A_161] {strides = array<i32>} : memref<256x64xf32, #tpu.memory_space<vmem>>, vector<16xf32>,
      tpu.vector_store %arg5[%swap3A_160, %swap3A_161], %broadcast_in_dim3A_49 {strides = array<i32>} : memref<256x64xf32, #tpu.memory_space<vmem>>, vector<16xf32>,
      %add3A_163 = arith.constant 1 : i32
      %add3A_164 = arith.addi %multiple_of3A, %add3A_163 : i32
      %swap3A_165 = arith.index_cast %add3A_164 : i32 to index
      %swap3A_166 = arith.constant 16 : index
      %swap3A_167 = tpu.vector_load %arg5[%swap3A_165, %swap3A_166] {strides = array<i32>} : memref<256x64xf32, #tpu.memory_space<vmem>>, vector<16xf32>,
      tpu.vector_store %arg5[%swap3A_165, %swap3A_166], %broadcast_in_dim3A_49 {strides = array<i32>} : memref<256x64xf32, #tpu.memory_space<vmem>>, vector<16xf32>,
      %add3A_168 = arith.constant 1 : i32
      %add3A_169 = arith.addi %multiple_of3A, %add3A_168 : i32
      %swap3A_170 = arith.index_cast %add3A_169 : i32 to index
      %swap3A_171 = arith.constant 32 : index
      %swap3A_172 = tpu.vector_load %arg5[%swap3A_170, %swap3A_171] {strides = array<i32>} : memref<256x64xf32, #tpu.memory_space<vmem>>, vector<16xf32>,
      tpu.vector_store %arg5[%swap3A_170, %swap3A_171], %broadcast_in_dim3A_49 {strides = array<i32>} : memref<256x64xf32, #tpu.memory_space<vmem>>, vector<16xf32>,
      %add3A_173 = arith.constant 1 : i32
      %add3A_174 = arith.addi %multiple_of3A, %add3A_173 : i32
      %swap3A_175 = arith.index_cast %add3A_174 : i32 to index
      %swap3A_176 = arith.constant 48 : index
      %swap3A_177 = tpu.vector_load %arg5[%swap3A_175, %swap3A_176] {strides = array<i32>} : memref<256x64xf32, #tpu.memory_space<vmem>>, vector<16xf32>,
      tpu.vector_store %arg5[%swap3A_175, %swap3A_176], %broadcast_in_dim3A_49 {strides = array<i32>} : memref<256x64xf32, #tpu.memory_space<vmem>>, vector<16xf32>,
      %add3A_178 = arith.constant 2 : i32
      %add3A_179 = arith.addi %multiple_of3A, %add3A_178 : i32
      %swap3A_180 = arith.index_cast %add3A_179 : i32 to index
      %swap3A_181 = arith.constant 0 : index
      %swap3A_182 = tpu.vector_load %arg5[%swap3A_180, %swap3A_181] {strides = array<i32>} : memref<256x64xf32, #tpu.memory_space<vmem>>, vector<16xf32>,
      tpu.vector_store %arg5[%swap3A_180, %swap3A_181], %broadcast_in_dim3A_49 {strides = array<i32>} : memref<256x64xf32, #tpu.memory_space<vmem>>, vector<16xf32>,
      %add3A_183 = arith.constant 2 : i32
      %add3A_184 = arith.addi %multiple_of3A, %add3A_183 : i32
      %swap3A_185 = arith.index_cast %add3A_184 : i32 to index
      %swap3A_186 = arith.constant 16 : index
      %swap3A_187 = tpu.vector_load %arg5[%swap3A_185, %swap3A_186] {strides = array<i32>} : memref<256x64xf32, #tpu.memory_space<vmem>>, vector<16xf32>,
      tpu.vector_store %arg5[%swap3A_185, %swap3A_186], %broadcast_in_dim3A_49 {strides = array<i32>} : memref<256x64xf32, #tpu.memory_space<vmem>>, vector<16xf32>,
      %add3A_188 = arith.constant 2 : i32
      %add3A_189 = arith.addi %multiple_of3A, %add3A_188 : i32
      %swap3A_190 = arith.index_cast %add3A_189 : i32 to index
      %swap3A_191 = arith.constant 32 : index
      %swap3A_192 = tpu.vector_load %arg5[%swap3A_190, %swap3A_191] {strides = array<i32>} : memref<256x64xf32, #tpu.memory_space<vmem>>, vector<16xf32>,
      tpu.vector_store %arg5[%swap3A_190, %swap3A_191], %broadcast_in_dim3A_49 {strides = array<i32>} : memref<256x64xf32, #tpu.memory_space<vmem>>, vector<16xf32>,
      %add3A_193 = arith.constant 2 : i32
      %add3A_194 = arith.addi %multiple_of3A, %add3A_193 : i32
      %swap3A_195 = arith.index_cast %add3A_194 : i32 to index
      %swap3A_196 = arith.constant 48 : index
      %swap3A_197 = tpu.vector_load %arg5[%swap3A_195, %swap3A_196] {strides = array<i32>} : memref<256x64xf32, #tpu.memory_space<vmem>>, vector<16xf32>,
      tpu.vector_store %arg5[%swap3A_195, %swap3A_196], %broadcast_in_dim3A_49 {strides = array<i32>} : memref<256x64xf32, #tpu.memory_space<vmem>>, vector<16xf32>,
      %add3A_198 = arith.constant 3 : i32
      %add3A_199 = arith.addi %multiple_of3A, %add3A_198 : i32
      %swap3A_200 = arith.index_cast %add3A_199 : i32 to index
      %swap3A_201 = arith.constant 0 : index
      %swap3A_202 = tpu.vector_load %arg5[%swap3A_200, %swap3A_201] {strides = array<i32>} : memref<256x64xf32, #tpu.memory_space<vmem>>, vector<16xf32>,
      tpu.vector_store %arg5[%swap3A_200, %swap3A_201], %broadcast_in_dim3A_49 {strides = array<i32>} : memref<256x64xf32, #tpu.memory_space<vmem>>, vector<16xf32>,
      %add3A_203 = arith.constant 3 : i32
      %add3A_204 = arith.addi %multiple_of3A, %add3A_203 : i32
      %swap3A_205 = arith.index_cast %add3A_204 : i32 to index
      %swap3A_206 = arith.constant 16 : index
      %swap3A_207 = tpu.vector_load %arg5[%swap3A_205, %swap3A_206] {strides = array<i32>} : memref<256x64xf32, #tpu.memory_space<vmem>>, vector<16xf32>,
      tpu.vector_store %arg5[%swap3A_205, %swap3A_206], %broadcast_in_dim3A_49 {strides = array<i32>} : memref<256x64xf32, #tpu.memory_space<vmem>>, vector<16xf32>,
      %add3A_208 = arith.constant 3 : i32
      %add3A_209 = arith.addi %multiple_of3A, %add3A_208 : i32
      %swap3A_210 = arith.index_cast %add3A_209 : i32 to index
      %swap3A_211 = arith.constant 32 : index
      %swap3A_212 = tpu.vector_load %arg5[%swap3A_210, %swap3A_211] {strides = array<i32>} : memref<256x64xf32, #tpu.memory_space<vmem>>, vector<16xf32>,
      tpu.vector_store %arg5[%swap3A_210, %swap3A_211], %broadcast_in_dim3A_49 {strides = array<i32>} : memref<256x64xf32, #tpu.memory_space<vmem>>, vector<16xf32>,
      %add3A_213 = arith.constant 3 : i32
      %add3A_214 = arith.addi %multiple_of3A, %add3A_213 : i32
      %swap3A_215 = arith.index_cast %add3A_214 : i32 to index
      %swap3A_216 = arith.constant 48 : index
      %swap3A_217 = tpu.vector_load %arg5[%swap3A_215, %swap3A_216] {strides = array<i32>} : memref<256x64xf32, #tpu.memory_space<vmem>>, vector<16xf32>,
      tpu.vector_store %arg5[%swap3A_215, %swap3A_216], %broadcast_in_dim3A_49 {strides = array<i32>} : memref<256x64xf32, #tpu.memory_space<vmem>>, vector<16xf32>,
      %add3A_218 = arith.constant 4 : i32
      %add3A_219 = arith.addi %multiple_of3A, %add3A_218 : i32
      %swap3A_220 = arith.index_cast %add3A_219 : i32 to index
      %swap3A_221 = arith.constant 0 : index
      %swap3A_222 = tpu.vector_load %arg5[%swap3A_220, %swap3A_221] {strides = array<i32>} : memref<256x64xf32, #tpu.memory_space<vmem>>, vector<16xf32>,
      tpu.vector_store %arg5[%swap3A_220, %swap3A_221], %broadcast_in_dim3A_49 {strides = array<i32>} : memref<256x64xf32, #tpu.memory_space<vmem>>, vector<16xf32>,
      %add3A_223 = arith.constant 4 : i32
      %add3A_224 = arith.addi %multiple_of3A, %add3A_223 : i32
      %swap3A_225 = arith.index_cast %add3A_224 : i32 to index
      %swap3A_226 = arith.constant 16 : index
      %swap3A_227 = tpu.vector_load %arg5[%swap3A_225, %swap3A_226] {strides = array<i32>} : memref<256x64xf32, #tpu.memory_space<vmem>>, vector<16xf32>,
      tpu.vector_store %arg5[%swap3A_225, %swap3A_226], %broadcast_in_dim3A_49 {strides = array<i32>} : memref<256x64xf32, #tpu.memory_space<vmem>>, vector<16xf32>,
      %add3A_228 = arith.constant 4 : i32
      %add3A_229 = arith.addi %multiple_of3A, %add3A_228 : i32
      %swap3A_230 = arith.index_cast %add3A_229 : i32 to index
      %swap3A_231 = arith.constant 32 : index
      %swap3A_232 = tpu.vector_load %arg5[%swap3A_230, %swap3A_231] {strides = array<i32>} : memref<256x64xf32, #tpu.memory_space<vmem>>, vector<16xf32>,
      tpu.vector_store %arg5[%swap3A_230, %swap3A_231], %broadcast_in_dim3A_49 {strides = array<i32>} : memref<256x64xf32, #tpu.memory_space<vmem>>, vector<16xf32>,
      %add3A_233 = arith.constant 4 : i32
      %add3A_234 = arith.addi %multiple_of3A, %add3A_233 : i32
      %swap3A_235 = arith.index_cast %add3A_234 : i32 to index
      %swap3A_236 = arith.constant 48 : index
      %swap3A_237 = tpu.vector_load %arg5[%swap3A_235, %swap3A_236] {strides = array<i32>} : memref<256x64xf32, #tpu.memory_space<vmem>>, vector<16xf32>,
      tpu.vector_store %arg5[%swap3A_235, %swap3A_236], %broadcast_in_dim3A_49 {strides = array<i32>} : memref<256x64xf32, #tpu.memory_space<vmem>>, vector<16xf32>,
      %add3A_238 = arith.constant 5 : i32
      %add3A_239 = arith.addi %multiple_of3A, %add3A_238 : i32
      %swap3A_240 = arith.index_cast %add3A_239 : i32 to index
      %swap3A_241 = arith.constant 0 : index
      %swap3A_242 = tpu.vector_load %arg5[%swap3A_240, %swap3A_241] {strides = array<i32>} : memref<256x64xf32, #tpu.memory_space<vmem>>, vector<16xf32>,
      tpu.vector_store %arg5[%swap3A_240, %swap3A_241], %broadcast_in_dim3A_49 {strides = array<i32>} : memref<256x64xf32, #tpu.memory_space<vmem>>, vector<16xf32>,
      %add3A_243 = arith.constant 5 : i32
      %add3A_244 = arith.addi %multiple_of3A, %add3A_243 : i32
      %swap3A_245 = arith.index_cast %add3A_244 : i32 to index
      %swap3A_246 = arith.constant 16 : index
      %swap3A_247 = tpu.vector_load %arg5[%swap3A_245, %swap3A_246] {strides = array<i32>} : memref<256x64xf32, #tpu.memory_space<vmem>>, vector<16xf32>,
      tpu.vector_store %arg5[%swap3A_245, %swap3A_246], %broadcast_in_dim3A_49 {strides = array<i32>} : memref<256x64xf32, #tpu.memory_space<vmem>>, vector<16xf32>,
      %add3A_248 = arith.constant 5 : i32
      %add3A_249 = arith.addi %multiple_of3A, %add3A_248 : i32
      %swap3A_250 = arith.index_cast %add3A_249 : i32 to index
      %swap3A_251 = arith.constant 32 : index
      %swap3A_252 = tpu.vector_load %arg5[%swap3A_250, %swap3A_251] {strides = array<i32>} : memref<256x64xf32, #tpu.memory_space<vmem>>, vector<16xf32>,
      tpu.vector_store %arg5[%swap3A_250, %swap3A_251], %broadcast_in_dim3A_49 {strides = array<i32>} : memref<256x64xf32, #tpu.memory_space<vmem>>, vector<16xf32>,
      %add3A_253 = arith.constant 5 : i32
      %add3A_254 = arith.addi %multiple_of3A, %add3A_253 : i32
      %swap3A_255 = arith.index_cast %add3A_254 : i32 to index
      %swap3A_256 = arith.constant 48 : index
      %swap3A_257 = tpu.vector_load %arg5[%swap3A_255, %swap3A_256] {strides = array<i32>} : memref<256x64xf32, #tpu.memory_space<vmem>>, vector<16xf32>,
      tpu.vector_store %arg5[%swap3A_255, %swap3A_256], %broadcast_in_dim3A_49 {strides = array<i32>} : memref<256x64xf32, #tpu.memory_space<vmem>>, vector<16xf32>,
      %add3A_258 = arith.constant 6 : i32
      %add3A_259 = arith.addi %multiple_of3A, %add3A_258 : i32
      %swap3A_260 = arith.index_cast %add3A_259 : i32 to index
      %swap3A_261 = arith.constant 0 : index
      %swap3A_262 = tpu.vector_load %arg5[%swap3A_260, %swap3A_261] {strides = array<i32>} : memref<256x64xf32, #tpu.memory_space<vmem>>, vector<16xf32>,
      tpu.vector_store %arg5[%swap3A_260, %swap3A_261], %broadcast_in_dim3A_49 {strides = array<i32>} : memref<256x64xf32, #tpu.memory_space<vmem>>, vector<16xf32>,
      %add3A_263 = arith.constant 6 : i32
      %add3A_264 = arith.addi %multiple_of3A, %add3A_263 : i32
      %swap3A_265 = arith.index_cast %add3A_264 : i32 to index
      %swap3A_266 = arith.constant 16 : index
      %swap3A_267 = tpu.vector_load %arg5[%swap3A_265, %swap3A_266] {strides = array<i32>} : memref<256x64xf32, #tpu.memory_space<vmem>>, vector<16xf32>,
      tpu.vector_store %arg5[%swap3A_265, %swap3A_266], %broadcast_in_dim3A_49 {strides = array<i32>} : memref<256x64xf32, #tpu.memory_space<vmem>>, vector<16xf32>,
      %add3A_268 = arith.constant 6 : i32
      %add3A_269 = arith.addi %multiple_of3A, %add3A_268 : i32
      %swap3A_270 = arith.index_cast %add3A_269 : i32 to index
      %swap3A_271 = arith.constant 32 : index
      %swap3A_272 = tpu.vector_load %arg5[%swap3A_270, %swap3A_271] {strides = array<i32>} : memref<256x64xf32, #tpu.memory_space<vmem>>, vector<16xf32>,
      tpu.vector_store %arg5[%swap3A_270, %swap3A_271], %broadcast_in_dim3A_49 {strides = array<i32>} : memref<256x64xf32, #tpu.memory_space<vmem>>, vector<16xf32>,
      %add3A_273 = arith.constant 6 : i32
      %add3A_274 = arith.addi %multiple_of3A, %add3A_273 : i32
      %swap3A_275 = arith.index_cast %add3A_274 : i32 to index
      %swap3A_276 = arith.constant 48 : index
      %swap3A_277 = tpu.vector_load %arg5[%swap3A_275, %swap3A_276] {strides = array<i32>} : memref<256x64xf32, #tpu.memory_space<vmem>>, vector<16xf32>,
      tpu.vector_store %arg5[%swap3A_275, %swap3A_276], %broadcast_in_dim3A_49 {strides = array<i32>} : memref<256x64xf32, #tpu.memory_space<vmem>>, vector<16xf32>,
      %add3A_278 = arith.constant 7 : i32
      %add3A_279 = arith.addi %multiple_of3A, %add3A_278 : i32
      %swap3A_280 = arith.index_cast %add3A_279 : i32 to index
      %swap3A_281 = arith.constant 0 : index
      %swap3A_282 = tpu.vector_load %arg5[%swap3A_280, %swap3A_281] {strides = array<i32>} : memref<256x64xf32, #tpu.memory_space<vmem>>, vector<16xf32>,
      tpu.vector_store %arg5[%swap3A_280, %swap3A_281], %broadcast_in_dim3A_49 {strides = array<i32>} : memref<256x64xf32, #tpu.memory_space<vmem>>, vector<16xf32>,
      %add3A_283 = arith.constant 7 : i32
      %add3A_284 = arith.addi %multiple_of3A, %add3A_283 : i32
      %swap3A_285 = arith.index_cast %add3A_284 : i32 to index
      %swap3A_286 = arith.constant 16 : index
      %swap3A_287 = tpu.vector_load %arg5[%swap3A_285, %swap3A_286] {strides = array<i32>} : memref<256x64xf32, #tpu.memory_space<vmem>>, vector<16xf32>,
      tpu.vector_store %arg5[%swap3A_285, %swap3A_286], %broadcast_in_dim3A_49 {strides = array<i32>} : memref<256x64xf32, #tpu.memory_space<vmem>>, vector<16xf32>,
      %add3A_288 = arith.constant 7 : i32
      %add3A_289 = arith.addi %multiple_of3A, %add3A_288 : i32
      %swap3A_290 = arith.index_cast %add3A_289 : i32 to index
      %swap3A_291 = arith.constant 32 : index
      %swap3A_292 = tpu.vector_load %arg5[%swap3A_290, %swap3A_291] {strides = array<i32>} : memref<256x64xf32, #tpu.memory_space<vmem>>, vector<16xf32>,
      tpu.vector_store %arg5[%swap3A_290, %swap3A_291], %broadcast_in_dim3A_49 {strides = array<i32>} : memref<256x64xf32, #tpu.memory_space<vmem>>, vector<16xf32>,
      %add3A_293 = arith.constant 7 : i32
      %add3A_294 = arith.addi %multiple_of3A, %add3A_293 : i32
      %swap3A_295 = arith.index_cast %add3A_294 : i32 to index
      %swap3A_296 = arith.constant 48 : index
      %swap3A_297 = tpu.vector_load %arg5[%swap3A_295, %swap3A_296] {strides = array<i32>} : memref<256x64xf32, #tpu.memory_space<vmem>>, vector<16xf32>,
      tpu.vector_store %arg5[%swap3A_295, %swap3A_296], %broadcast_in_dim3A_49 {strides = array<i32>} : memref<256x64xf32, #tpu.memory_space<vmem>>, vector<16xf32>,
      %add3A_298 = arith.constant 8 : i32
      %add3A_299 = arith.addi %multiple_of3A, %add3A_298 : i32
      %swap3A_300 = arith.index_cast %add3A_299 : i32 to index
      %swap3A_301 = arith.constant 0 : index
      %swap3A_302 = tpu.vector_load %arg5[%swap3A_300, %swap3A_301] {strides = array<i32>} : memref<256x64xf32, #tpu.memory_space<vmem>>, vector<16xf32>,
      tpu.vector_store %arg5[%swap3A_300, %swap3A_301], %broadcast_in_dim3A_49 {strides = array<i32>} : memref<256x64xf32, #tpu.memory_space<vmem>>, vector<16xf32>,
      %add3A_303 = arith.constant 8 : i32
      %add3A_304 = arith.addi %multiple_of3A, %add3A_303 : i32
      %swap3A_305 = arith.index_cast %add3A_304 : i32 to index
      %swap3A_306 = arith.constant 16 : index
      %swap3A_307 = tpu.vector_load %arg5[%swap3A_305, %swap3A_306] {strides = array<i32>} : memref<256x64xf32, #tpu.memory_space<vmem>>, vector<16xf32>,
      tpu.vector_store %arg5[%swap3A_305, %swap3A_306], %broadcast_in_dim3A_49 {strides = array<i32>} : memref<256x64xf32, #tpu.memory_space<vmem>>, vector<16xf32>,
      %add3A_308 = arith.constant 8 : i32
      %add3A_309 = arith.addi %multiple_of3A, %add3A_308 : i32
      %swap3A_310 = arith.index_cast %add3A_309 : i32 to index
      %swap3A_311 = arith.constant 32 : index
      %swap3A_312 = tpu.vector_load %arg5[%swap3A_310, %swap3A_311] {strides = array<i32>} : memref<256x64xf32, #tpu.memory_space<vmem>>, vector<16xf32>,
      tpu.vector_store %arg5[%swap3A_310, %swap3A_311], %broadcast_in_dim3A_49 {strides = array<i32>} : memref<256x64xf32, #tpu.memory_space<vmem>>, vector<16xf32>,
      %add3A_313 = arith.constant 8 : i32
      %add3A_314 = arith.addi %multiple_of3A, %add3A_313 : i32
      %swap3A_315 = arith.index_cast %add3A_314 : i32 to index
      %swap3A_316 = arith.constant 48 : index
      %swap3A_317 = tpu.vector_load %arg5[%swap3A_315, %swap3A_316] {strides = array<i32>} : memref<256x64xf32, #tpu.memory_space<vmem>>, vector<16xf32>,
      tpu.vector_store %arg5[%swap3A_315, %swap3A_316], %broadcast_in_dim3A_49 {strides = array<i32>} : memref<256x64xf32, #tpu.memory_space<vmem>>, vector<16xf32>,
      %add3A_318 = arith.constant 9 : i32
      %add3A_319 = arith.addi %multiple_of3A, %add3A_318 : i32
      %swap3A_320 = arith.index_cast %add3A_319 : i32 to index
      %swap3A_321 = arith.constant 0 : index
      %swap3A_322 = tpu.vector_load %arg5[%swap3A_320, %swap3A_321] {strides = array<i32>} : memref<256x64xf32, #tpu.memory_space<vmem>>, vector<16xf32>,
      tpu.vector_store %arg5[%swap3A_320, %swap3A_321], %broadcast_in_dim3A_49 {strides = array<i32>} : memref<256x64xf32, #tpu.memory_space<vmem>>, vector<16xf32>,
      %add3A_323 = arith.constant 9 : i32
      %add3A_324 = arith.addi %multiple_of3A, %add3A_323 : i32
      %swap3A_325 = arith.index_cast %add3A_324 : i32 to index
      %swap3A_326 = arith.constant 16 : index
      %swap3A_327 = tpu.vector_load %arg5[%swap3A_325, %swap3A_326] {strides = array<i32>} : memref<256x64xf32, #tpu.memory_space<vmem>>, vector<16xf32>,
      tpu.vector_store %arg5[%swap3A_325, %swap3A_326], %broadcast_in_dim3A_49 {strides = array<i32>} : memref<256x64xf32, #tpu.memory_space<vmem>>, vector<16xf32>,
      %add3A_328 = arith.constant 9 : i32
      %add3A_329 = arith.addi %multiple_of3A, %add3A_328 : i32
      %swap3A_330 = arith.index_cast %add3A_329 : i32 to index
      %swap3A_331 = arith.constant 32 : index
      %swap3A_332 = tpu.vector_load %arg5[%swap3A_330, %swap3A_331] {strides = array<i32>} : memref<256x64xf32, #tpu.memory_space<vmem>>, vector<16xf32>,
      tpu.vector_store %arg5[%swap3A_330, %swap3A_331], %broadcast_in_dim3A_49 {strides = array<i32>} : memref<256x64xf32, #tpu.memory_space<vmem>>, vector<16xf32>,
      %add3A_333 = arith.constant 9 : i32
      %add3A_334 = arith.addi %multiple_of3A, %add3A_333 : i32
      %swap3A_335 = arith.index_cast %add3A_334 : i32 to index
      %swap3A_336 = arith.constant 48 : index
      %swap3A_337 = tpu.vector_load %arg5[%swap3A_335, %swap3A_336] {strides = array<i32>} : memref<256x64xf32, #tpu.memory_space<vmem>>, vector<16xf32>,
      tpu.vector_store %arg5[%swap3A_335, %swap3A_336], %broadcast_in_dim3A_49 {strides = array<i32>} : memref<256x64xf32, #tpu.memory_space<vmem>>, vector<16xf32>,
      %add3A_338 = arith.constant 10 : i32
      %add3A_339 = arith.addi %multiple_of3A, %add3A_338 : i32
      %swap3A_340 = arith.index_cast %add3A_339 : i32 to index
      %swap3A_341 = arith.constant 0 : index
      %swap3A_342 = tpu.vector_load %arg5[%swap3A_340, %swap3A_341] {strides = array<i32>} : memref<256x64xf32, #tpu.memory_space<vmem>>, vector<16xf32>,
      tpu.vector_store %arg5[%swap3A_340, %swap3A_341], %broadcast_in_dim3A_49 {strides = array<i32>} : memref<256x64xf32, #tpu.memory_space<vmem>>, vector<16xf32>,
      %add3A_343 = arith.constant 10 : i32
      %add3A_344 = arith.addi %multiple_of3A, %add3A_343 : i32
      %swap3A_345 = arith.index_cast %add3A_344 : i32 to index
      %swap3A_346 = arith.constant 16 : index
      %swap3A_347 = tpu.vector_load %arg5[%swap3A_345, %swap3A_346] {strides = array<i32>} : memref<256x64xf32, #tpu.memory_space<vmem>>, vector<16xf32>,
      tpu.vector_store %arg5[%swap3A_345, %swap3A_346], %broadcast_in_dim3A_49 {strides = array<i32>} : memref<256x64xf32, #tpu.memory_space<vmem>>, vector<16xf32>,
      %add3A_348 = arith.constant 10 : i32
      %add3A_349 = arith.addi %multiple_of3A, %add3A_348 : i32
      %swap3A_350 = arith.index_cast %add3A_349 : i32 to index
      %swap3A_351 = arith.constant 32 : index
      %swap3A_352 = tpu.vector_load %arg5[%swap3A_350, %swap3A_351] {strides = array<i32>} : memref<256x64xf32, #tpu.memory_space<vmem>>, vector<16xf32>,
      tpu.vector_store %arg5[%swap3A_350, %swap3A_351], %broadcast_in_dim3A_49 {strides = array<i32>} : memref<256x64xf32, #tpu.memory_space<vmem>>, vector<16xf32>,
      %add3A_353 = arith.constant 10 : i32
      %add3A_354 = arith.addi %multiple_of3A, %add3A_353 : i32
      %swap3A_355 = arith.index_cast %add3A_354 : i32 to index
      %swap3A_356 = arith.constant 48 : index
      %swap3A_357 = tpu.vector_load %arg5[%swap3A_355, %swap3A_356] {strides = array<i32>} : memref<256x64xf32, #tpu.memory_space<vmem>>, vector<16xf32>,
      tpu.vector_store %arg5[%swap3A_355, %swap3A_356], %broadcast_in_dim3A_49 {strides = array<i32>} : memref<256x64xf32, #tpu.memory_space<vmem>>, vector<16xf32>,
      %add3A_358 = arith.constant 11 : i32
      %add3A_359 = arith.addi %multiple_of3A, %add3A_358 : i32
      %swap3A_360 = arith.index_cast %add3A_359 : i32 to index
      %swap3A_361 = arith.constant 0 : index
      %swap3A_362 = tpu.vector_load %arg5[%swap3A_360, %swap3A_361] {strides = array<i32>} : memref<256x64xf32, #tpu.memory_space<vmem>>, vector<16xf32>,
      tpu.vector_store %arg5[%swap3A_360, %swap3A_361], %broadcast_in_dim3A_49 {strides = array<i32>} : memref<256x64xf32, #tpu.memory_space<vmem>>, vector<16xf32>,
      %add3A_363 = arith.constant 11 : i32
      %add3A_364 = arith.addi %multiple_of3A, %add3A_363 : i32
      %swap3A_365 = arith.index_cast %add3A_364 : i32 to index
      %swap3A_366 = arith.constant 16 : index
      %swap3A_367 = tpu.vector_load %arg5[%swap3A_365, %swap3A_366] {strides = array<i32>} : memref<256x64xf32, #tpu.memory_space<vmem>>, vector<16xf32>,
      tpu.vector_store %arg5[%swap3A_365, %swap3A_366], %broadcast_in_dim3A_49 {strides = array<i32>} : memref<256x64xf32, #tpu.memory_space<vmem>>, vector<16xf32>,
      %add3A_368 = arith.constant 11 : i32
      %add3A_369 = arith.addi %multiple_of3A, %add3A_368 : i32
      %swap3A_370 = arith.index_cast %add3A_369 : i32 to index
      %swap3A_371 = arith.constant 32 : index
      %swap3A_372 = tpu.vector_load %arg5[%swap3A_370, %swap3A_371] {strides = array<i32>} : memref<256x64xf32, #tpu.memory_space<vmem>>, vector<16xf32>,
      tpu.vector_store %arg5[%swap3A_370, %swap3A_371], %broadcast_in_dim3A_49 {strides = array<i32>} : memref<256x64xf32, #tpu.memory_space<vmem>>, vector<16xf32>,
      %add3A_373 = arith.constant 11 : i32
      %add3A_374 = arith.addi %multiple_of3A, %add3A_373 : i32
      %swap3A_375 = arith.index_cast %add3A_374 : i32 to index
      %swap3A_376 = arith.constant 48 : index
      %swap3A_377 = tpu.vector_load %arg5[%swap3A_375, %swap3A_376] {strides = array<i32>} : memref<256x64xf32, #tpu.memory_space<vmem>>, vector<16xf32>,
      tpu.vector_store %arg5[%swap3A_375, %swap3A_376], %broadcast_in_dim3A_49 {strides = array<i32>} : memref<256x64xf32, #tpu.memory_space<vmem>>, vector<16xf32>,
      %add3A_378 = arith.constant 12 : i32
      %add3A_379 = arith.addi %multiple_of3A, %add3A_378 : i32
      %swap3A_380 = arith.index_cast %add3A_379 : i32 to index
      %swap3A_381 = arith.constant 0 : index
      %swap3A_382 = tpu.vector_load %arg5[%swap3A_380, %swap3A_381] {strides = array<i32>} : memref<256x64xf32, #tpu.memory_space<vmem>>, vector<16xf32>,
      tpu.vector_store %arg5[%swap3A_380, %swap3A_381], %broadcast_in_dim3A_49 {strides = array<i32>} : memref<256x64xf32, #tpu.memory_space<vmem>>, vector<16xf32>,
      %add3A_383 = arith.constant 12 : i32
      %add3A_384 = arith.addi %multiple_of3A, %add3A_383 : i32
      %swap3A_385 = arith.index_cast %add3A_384 : i32 to index
      %swap3A_386 = arith.constant 16 : index
      %swap3A_387 = tpu.vector_load %arg5[%swap3A_385, %swap3A_386] {strides = array<i32>} : memref<256x64xf32, #tpu.memory_space<vmem>>, vector<16xf32>,
      tpu.vector_store %arg5[%swap3A_385, %swap3A_386], %broadcast_in_dim3A_49 {strides = array<i32>} : memref<256x64xf32, #tpu.memory_space<vmem>>, vector<16xf32>,
      %add3A_388 = arith.constant 12 : i32
      %add3A_389 = arith.addi %multiple_of3A, %add3A_388 : i32
      %swap3A_390 = arith.index_cast %add3A_389 : i32 to index
      %swap3A_391 = arith.constant 32 : index
      %swap3A_392 = tpu.vector_load %arg5[%swap3A_390, %swap3A_391] {strides = array<i32>} : memref<256x64xf32, #tpu.memory_space<vmem>>, vector<16xf32>,
      tpu.vector_store %arg5[%swap3A_390, %swap3A_391], %broadcast_in_dim3A_49 {strides = array<i32>} : memref<256x64xf32, #tpu.memory_space<vmem>>, vector<16xf32>,
      %add3A_393 = arith.constant 12 : i32
      %add3A_394 = arith.addi %multiple_of3A, %add3A_393 : i32
      %swap3A_395 = arith.index_cast %add3A_394 : i32 to index
      %swap3A_396 = arith.constant 48 : index
      %swap3A_397 = tpu.vector_load %arg5[%swap3A_395, %swap3A_396] {strides = array<i32>} : memref<256x64xf32, #tpu.memory_space<vmem>>, vector<16xf32>,
      tpu.vector_store %arg5[%swap3A_395, %swap3A_396], %broadcast_in_dim3A_49 {strides = array<i32>} : memref<256x64xf32, #tpu.memory_space<vmem>>, vector<16xf32>,
      %add3A_398 = arith.constant 13 : i32
      %add3A_399 = arith.addi %multiple_of3A, %add3A_398 : i32
      %swap3A_400 = arith.index_cast %add3A_399 : i32 to index
      %swap3A_401 = arith.constant 0 : index
      %swap3A_402 = tpu.vector_load %arg5[%swap3A_400, %swap3A_401] {strides = array<i32>} : memref<256x64xf32, #tpu.memory_space<vmem>>, vector<16xf32>,
      tpu.vector_store %arg5[%swap3A_400, %swap3A_401], %broadcast_in_dim3A_49 {strides = array<i32>} : memref<256x64xf32, #tpu.memory_space<vmem>>, vector<16xf32>,
      %add3A_403 = arith.constant 13 : i32
      %add3A_404 = arith.addi %multiple_of3A, %add3A_403 : i32
      %swap3A_405 = arith.index_cast %add3A_404 : i32 to index
      %swap3A_406 = arith.constant 16 : index
      %swap3A_407 = tpu.vector_load %arg5[%swap3A_405, %swap3A_406] {strides = array<i32>} : memref<256x64xf32, #tpu.memory_space<vmem>>, vector<16xf32>,
      tpu.vector_store %arg5[%swap3A_405, %swap3A_406], %broadcast_in_dim3A_49 {strides = array<i32>} : memref<256x64xf32, #tpu.memory_space<vmem>>, vector<16xf32>,
      %add3A_408 = arith.constant 13 : i32
      %add3A_409 = arith.addi %multiple_of3A, %add3A_408 : i32
      %swap3A_410 = arith.index_cast %add3A_409 : i32 to index
      %swap3A_411 = arith.constant 32 : index
      %swap3A_412 = tpu.vector_load %arg5[%swap3A_410, %swap3A_411] {strides = array<i32>} : memref<256x64xf32, #tpu.memory_space<vmem>>, vector<16xf32>,
      tpu.vector_store %arg5[%swap3A_410, %swap3A_411], %broadcast_in_dim3A_49 {strides = array<i32>} : memref<256x64xf32, #tpu.memory_space<vmem>>, vector<16xf32>,
      %add3A_413 = arith.constant 13 : i32
      %add3A_414 = arith.addi %multiple_of3A, %add3A_413 : i32
      %swap3A_415 = arith.index_cast %add3A_414 : i32 to index
      %swap3A_416 = arith.constant 48 : index
      %swap3A_417 = tpu.vector_load %arg5[%swap3A_415, %swap3A_416] {strides = array<i32>} : memref<256x64xf32, #tpu.memory_space<vmem>>, vector<16xf32>,
      tpu.vector_store %arg5[%swap3A_415, %swap3A_416], %broadcast_in_dim3A_49 {strides = array<i32>} : memref<256x64xf32, #tpu.memory_space<vmem>>, vector<16xf32>,
      %add3A_418 = arith.constant 14 : i32
      %add3A_419 = arith.addi %multiple_of3A, %add3A_418 : i32
      %swap3A_420 = arith.index_cast %add3A_419 : i32 to index
      %swap3A_421 = arith.constant 0 : index
      %swap3A_422 = tpu.vector_load %arg5[%swap3A_420, %swap3A_421] {strides = array<i32>} : memref<256x64xf32, #tpu.memory_space<vmem>>, vector<16xf32>,
      tpu.vector_store %arg5[%swap3A_420, %swap3A_421], %broadcast_in_dim3A_49 {strides = array<i32>} : memref<256x64xf32, #tpu.memory_space<vmem>>, vector<16xf32>,
      %add3A_423 = arith.constant 14 : i32
      %add3A_424 = arith.addi %multiple_of3A, %add3A_423 : i32
      %swap3A_425 = arith.index_cast %add3A_424 : i32 to index
      %swap3A_426 = arith.constant 16 : index
      %swap3A_427 = tpu.vector_load %arg5[%swap3A_425, %swap3A_426] {strides = array<i32>} : memref<256x64xf32, #tpu.memory_space<vmem>>, vector<16xf32>,
      tpu.vector_store %arg5[%swap3A_425, %swap3A_426], %broadcast_in_dim3A_49 {strides = array<i32>} : memref<256x64xf32, #tpu.memory_space<vmem>>, vector<16xf32>,
      %add3A_428 = arith.constant 14 : i32
      %add3A_429 = arith.addi %multiple_of3A, %add3A_428 : i32
      %swap3A_430 = arith.index_cast %add3A_429 : i32 to index
      %swap3A_431 = arith.constant 32 : index
      %swap3A_432 = tpu.vector_load %arg5[%swap3A_430, %swap3A_431] {strides = array<i32>} : memref<256x64xf32, #tpu.memory_space<vmem>>, vector<16xf32>,
      tpu.vector_store %arg5[%swap3A_430, %swap3A_431], %broadcast_in_dim3A_49 {strides = array<i32>} : memref<256x64xf32, #tpu.memory_space<vmem>>, vector<16xf32>,
      %add3A_433 = arith.constant 14 : i32
      %add3A_434 = arith.addi %multiple_of3A, %add3A_433 : i32
      %swap3A_435 = arith.index_cast %add3A_434 : i32 to index
      %swap3A_436 = arith.constant 48 : index
      %swap3A_437 = tpu.vector_load %arg5[%swap3A_435, %swap3A_436] {strides = array<i32>} : memref<256x64xf32, #tpu.memory_space<vmem>>, vector<16xf32>,
      tpu.vector_store %arg5[%swap3A_435, %swap3A_436], %broadcast_in_dim3A_49 {strides = array<i32>} : memref<256x64xf32, #tpu.memory_space<vmem>>, vector<16xf32>,
      %add3A_438 = arith.constant 15 : i32
      %add3A_439 = arith.addi %multiple_of3A, %add3A_438 : i32
      %swap3A_440 = arith.index_cast %add3A_439 : i32 to index
      %swap3A_441 = arith.constant 0 : index
      %swap3A_442 = tpu.vector_load %arg5[%swap3A_440, %swap3A_441] {strides = array<i32>} : memref<256x64xf32, #tpu.memory_space<vmem>>, vector<16xf32>,
      tpu.vector_store %arg5[%swap3A_440, %swap3A_441], %broadcast_in_dim3A_49 {strides = array<i32>} : memref<256x64xf32, #tpu.memory_space<vmem>>, vector<16xf32>,
      %add3A_443 = arith.constant 15 : i32
      %add3A_444 = arith.addi %multiple_of3A, %add3A_443 : i32
      %swap3A_445 = arith.index_cast %add3A_444 : i32 to index
      %swap3A_446 = arith.constant 16 : index
      %swap3A_447 = tpu.vector_load %arg5[%swap3A_445, %swap3A_446] {strides = array<i32>} : memref<256x64xf32, #tpu.memory_space<vmem>>, vector<16xf32>,
      tpu.vector_store %arg5[%swap3A_445, %swap3A_446], %broadcast_in_dim3A_49 {strides = array<i32>} : memref<256x64xf32, #tpu.memory_space<vmem>>, vector<16xf32>,
      %add3A_448 = arith.constant 15 : i32
      %add3A_449 = arith.addi %multiple_of3A, %add3A_448 : i32
      %swap3A_450 = arith.index_cast %add3A_449 : i32 to index
      %swap3A_451 = arith.constant 32 : index
      %swap3A_452 = tpu.vector_load %arg5[%swap3A_450, %swap3A_451] {strides = array<i32>} : memref<256x64xf32, #tpu.memory_space<vmem>>, vector<16xf32>,
      tpu.vector_store %arg5[%swap3A_450, %swap3A_451], %broadcast_in_dim3A_49 {strides = array<i32>} : memref<256x64xf32, #tpu.memory_space<vmem>>, vector<16xf32>,
      %add3A_453 = arith.constant 15 : i32
      %add3A_454 = arith.addi %multiple_of3A, %add3A_453 : i32
      %swap3A_455 = arith.index_cast %add3A_454 : i32 to index
      %swap3A_456 = arith.constant 48 : index
      %swap3A_457 = tpu.vector_load %arg5[%swap3A_455, %swap3A_456] {strides = array<i32>} : memref<256x64xf32, #tpu.memory_space<vmem>>, vector<16xf32>,
      tpu.vector_store %arg5[%swap3A_455, %swap3A_456], %broadcast_in_dim3A_49 {strides = array<i32>} : memref<256x64xf32, #tpu.memory_space<vmem>>, vector<16xf32>,
      %get3A = arith.constant 0 : i32
      %get3A_458 = arith.index_cast %get3A : i32 to index
      %get3A_459 = arith.index_cast %select_n3A : i32 to index
      %get3A_460 = arith.index_cast %multiple_of3A_136 : i32 to index
      %get3A_461 = tpu.vector_load %arg4[%get3A_458, %get3A_459, %get3A_460] {strides = array<i32>} : memref<64x2x128xf32, #tpu.memory_space<vmem>>, vector<16xf32>,
      %broadcast_in_dim3A_462 = arith.constant 0 : i32
      %broadcast_in_dim3A_463 = vector.broadcast %broadcast_in_dim3A_462 : i32 to vector<16xi32>
      %gt3A = arith.cmpf ogt, %get3A_461, %broadcast_in_dim3A_51 : vector<16xf32>
      %gt3A_464 = arith.cmpf ogt, %get3A_461, %broadcast_in_dim3A_51 : vector<16xf32>
      %select_n3A_465 = arith.select %gt3A_464, %get3A_461, %broadcast_in_dim3A_51 : vector<16xi1>, vector<16xf32>
      %select_n3A_466 = arith.select %gt3A, %broadcast_in_dim3A_51, %select_n3A_465 : vector<16xi1>, vector<16xf32>
      %select_n3A_467 = arith.select %gt3A_464, %broadcast_in_dim3A_463, %broadcast_in_dim3A_53 : vector<16xi1>, vector<16xi32>
      %select_n3A_468 = arith.select %gt3A, %broadcast_in_dim3A_53, %select_n3A_467 : vector<16xi1>, vector<16xi32>
      %select_n3A_469 = arith.select %gt3A, %get3A_461, %broadcast_in_dim3A_51 : vector<16xi1>, vector<16xf32>
      %select_n3A_470 = arith.select %gt3A, %broadcast_in_dim3A_463, %broadcast_in_dim3A_53 : vector<16xi1>, vector<16xi32>
      %get3A_471 = arith.constant 1 : i32
      %get3A_472 = arith.index_cast %get3A_471 : i32 to index
      %get3A_473 = arith.index_cast %select_n3A : i32 to index
      %get3A_474 = arith.index_cast %multiple_of3A_136 : i32 to index
      %get3A_475 = tpu.vector_load %arg4[%get3A_472, %get3A_473, %get3A_474] {strides = array<i32>} : memref<64x2x128xf32, #tpu.memory_space<vmem>>, vector<16xf32>,
      %broadcast_in_dim3A_476 = arith.constant 1 : i32
      %broadcast_in_dim3A_477 = vector.broadcast %broadcast_in_dim3A_476 : i32 to vector<16xi32>
      %gt3A_478 = arith.cmpf ogt, %get3A_475, %select_n3A_469 : vector<16xf32>
      %gt3A_479 = arith.cmpf ogt, %get3A_475, %select_n3A_466 : vector<16xf32>
      %select_n3A_480 = arith.select %gt3A_479, %get3A_475, %select_n3A_466 : vector<16xi1>, vector<16xf32>
      %select_n3A_481 = arith.select %gt3A_478, %select_n3A_469, %select_n3A_480 : vector<16xi1>, vector<16xf32>
      %select_n3A_482 = arith.select %gt3A_479, %broadcast_in_dim3A_477, %select_n3A_468 : vector<16xi1>, vector<16xi32>
      %select_n3A_483 = arith.select %gt3A_478, %select_n3A_470, %select_n3A_482 : vector<16xi1>, vector<16xi32>
      %select_n3A_484 = arith.select %gt3A_478, %get3A_475, %select_n3A_469 : vector<16xi1>, vector<16xf32>
      %select_n3A_485 = arith.select %gt3A_478, %broadcast_in_dim3A_477, %select_n3A_470 : vector<16xi1>, vector<16xi32>
      %get3A_486 = arith.constant 2 : i32
      %get3A_487 = arith.index_cast %get3A_486 : i32 to index
      %get3A_488 = arith.index_cast %select_n3A : i32 to index
      %get3A_489 = arith.index_cast %multiple_of3A_136 : i32 to index
      %get3A_490 = tpu.vector_load %arg4[%get3A_487, %get3A_488, %get3A_489] {strides = array<i32>} : memref<64x2x128xf32, #tpu.memory_space<vmem>>, vector<16xf32>,
      %broadcast_in_dim3A_491 = arith.constant 2 : i32
      %broadcast_in_dim3A_492 = vector.broadcast %broadcast_in_dim3A_491 : i32 to vector<16xi32>
      %gt3A_493 = arith.cmpf ogt, %get3A_490, %select_n3A_484 : vector<16xf32>
      %gt3A_494 = arith.cmpf ogt, %get3A_490, %select_n3A_481 : vector<16xf32>
      %select_n3A_495 = arith.select %gt3A_494, %get3A_490, %select_n3A_481 : vector<16xi1>, vector<16xf32>
      %select_n3A_496 = arith.select %gt3A_493, %select_n3A_484, %select_n3A_495 : vector<16xi1>, vector<16xf32>
      %select_n3A_497 = arith.select %gt3A_494, %broadcast_in_dim3A_492, %select_n3A_483 : vector<16xi1>, vector<16xi32>
      %select_n3A_498 = arith.select %gt3A_493, %select_n3A_485, %select_n3A_497 : vector<16xi1>, vector<16xi32>
      %select_n3A_499 = arith.select %gt3A_493, %get3A_490, %select_n3A_484 : vector<16xi1>, vector<16xf32>
      %select_n3A_500 = arith.select %gt3A_493, %broadcast_in_dim3A_492, %select_n3A_485 : vector<16xi1>, vector<16xi32>
      %get3A_501 = arith.constant 3 : i32
      %get3A_502 = arith.index_cast %get3A_501 : i32 to index
      %get3A_503 = arith.index_cast %select_n3A : i32 to index
      %get3A_504 = arith.index_cast %multiple_of3A_136 : i32 to index
      %get3A_505 = tpu.vector_load %arg4[%get3A_502, %get3A_503, %get3A_504] {strides = array<i32>} : memref<64x2x128xf32, #tpu.memory_space<vmem>>, vector<16xf32>,
      %broadcast_in_dim3A_506 = arith.constant 3 : i32
      %broadcast_in_dim3A_507 = vector.broadcast %broadcast_in_dim3A_506 : i32 to vector<16xi32>
      %gt3A_508 = arith.cmpf ogt, %get3A_505, %select_n3A_499 : vector<16xf32>
      %gt3A_509 = arith.cmpf ogt, %get3A_505, %select_n3A_496 : vector<16xf32>
      %select_n3A_510 = arith.select %gt3A_509, %get3A_505, %select_n3A_496 : vector<16xi1>, vector<16xf32>
      %select_n3A_511 = arith.select %gt3A_508, %select_n3A_499, %select_n3A_510 : vector<16xi1>, vector<16xf32>
      %select_n3A_512 = arith.select %gt3A_509, %broadcast_in_dim3A_507, %select_n3A_498 : vector<16xi1>, vector<16xi32>
      %select_n3A_513 = arith.select %gt3A_508, %select_n3A_500, %select_n3A_512 : vector<16xi1>, vector<16xi32>
      %select_n3A_514 = arith.select %gt3A_508, %get3A_505, %select_n3A_499 : vector<16xi1>, vector<16xf32>
      %select_n3A_515 = arith.select %gt3A_508, %broadcast_in_dim3A_507, %select_n3A_500 : vector<16xi1>, vector<16xi32>
      %get3A_516 = arith.constant 4 : i32
      %get3A_517 = arith.index_cast %get3A_516 : i32 to index
      %get3A_518 = arith.index_cast %select_n3A : i32 to index
      %get3A_519 = arith.index_cast %multiple_of3A_136 : i32 to index
      %get3A_520 = tpu.vector_load %arg4[%get3A_517, %get3A_518, %get3A_519] {strides = array<i32>} : memref<64x2x128xf32, #tpu.memory_space<vmem>>, vector<16xf32>,
      %broadcast_in_dim3A_521 = arith.constant 4 : i32
      %broadcast_in_dim3A_522 = vector.broadcast %broadcast_in_dim3A_521 : i32 to vector<16xi32>
      %gt3A_523 = arith.cmpf ogt, %get3A_520, %select_n3A_514 : vector<16xf32>
      %gt3A_524 = arith.cmpf ogt, %get3A_520, %select_n3A_511 : vector<16xf32>
      %select_n3A_525 = arith.select %gt3A_524, %get3A_520, %select_n3A_511 : vector<16xi1>, vector<16xf32>
      %select_n3A_526 = arith.select %gt3A_523, %select_n3A_514, %select_n3A_525 : vector<16xi1>, vector<16xf32>
      %select_n3A_527 = arith.select %gt3A_524, %broadcast_in_dim3A_522, %select_n3A_513 : vector<16xi1>, vector<16xi32>
      %select_n3A_528 = arith.select %gt3A_523, %select_n3A_515, %select_n3A_527 : vector<16xi1>, vector<16xi32>
      %select_n3A_529 = arith.select %gt3A_523, %get3A_520, %select_n3A_514 : vector<16xi1>, vector<16xf32>
      %select_n3A_530 = arith.select %gt3A_523, %broadcast_in_dim3A_522, %select_n3A_515 : vector<16xi1>, vector<16xi32>
      %get3A_531 = arith.constant 5 : i32
      %get3A_532 = arith.index_cast %get3A_531 : i32 to index
      %get3A_533 = arith.index_cast %select_n3A : i32 to index
      %get3A_534 = arith.index_cast %multiple_of3A_136 : i32 to index
      %get3A_535 = tpu.vector_load %arg4[%get3A_532, %get3A_533, %get3A_534] {strides = array<i32>} : memref<64x2x128xf32, #tpu.memory_space<vmem>>, vector<16xf32>,
      %broadcast_in_dim3A_536 = arith.constant 5 : i32
      %broadcast_in_dim3A_537 = vector.broadcast %broadcast_in_dim3A_536 : i32 to vector<16xi32>
      %gt3A_538 = arith.cmpf ogt, %get3A_535, %select_n3A_529 : vector<16xf32>
      %gt3A_539 = arith.cmpf ogt, %get3A_535, %select_n3A_526 : vector<16xf32>
      %select_n3A_540 = arith.select %gt3A_539, %get3A_535, %select_n3A_526 : vector<16xi1>, vector<16xf32>
      %select_n3A_541 = arith.select %gt3A_538, %select_n3A_529, %select_n3A_540 : vector<16xi1>, vector<16xf32>
      %select_n3A_542 = arith.select %gt3A_539, %broadcast_in_dim3A_537, %select_n3A_528 : vector<16xi1>, vector<16xi32>
      %select_n3A_543 = arith.select %gt3A_538, %select_n3A_530, %select_n3A_542 : vector<16xi1>, vector<16xi32>
      %select_n3A_544 = arith.select %gt3A_538, %get3A_535, %select_n3A_529 : vector<16xi1>, vector<16xf32>
      %select_n3A_545 = arith.select %gt3A_538, %broadcast_in_dim3A_537, %select_n3A_530 : vector<16xi1>, vector<16xi32>
      %get3A_546 = arith.constant 6 : i32
      %get3A_547 = arith.index_cast %get3A_546 : i32 to index
      %get3A_548 = arith.index_cast %select_n3A : i32 to index
      %get3A_549 = arith.index_cast %multiple_of3A_136 : i32 to index
      %get3A_550 = tpu.vector_load %arg4[%get3A_547, %get3A_548, %get3A_549] {strides = array<i32>} : memref<64x2x128xf32, #tpu.memory_space<vmem>>, vector<16xf32>,
      %broadcast_in_dim3A_551 = arith.constant 6 : i32
      %broadcast_in_dim3A_552 = vector.broadcast %broadcast_in_dim3A_551 : i32 to vector<16xi32>
      %gt3A_553 = arith.cmpf ogt, %get3A_550, %select_n3A_544 : vector<16xf32>
      %gt3A_554 = arith.cmpf ogt, %get3A_550, %select_n3A_541 : vector<16xf32>
      %select_n3A_555 = arith.select %gt3A_554, %get3A_550, %select_n3A_541 : vector<16xi1>, vector<16xf32>
      %select_n3A_556 = arith.select %gt3A_553, %select_n3A_544, %select_n3A_555 : vector<16xi1>, vector<16xf32>
      %select_n3A_557 = arith.select %gt3A_554, %broadcast_in_dim3A_552, %select_n3A_543 : vector<16xi1>, vector<16xi32>
      %select_n3A_558 = arith.select %gt3A_553, %select_n3A_545, %select_n3A_557 : vector<16xi1>, vector<16xi32>
      %select_n3A_559 = arith.select %gt3A_553, %get3A_550, %select_n3A_544 : vector<16xi1>, vector<16xf32>
      %select_n3A_560 = arith.select %gt3A_553, %broadcast_in_dim3A_552, %select_n3A_545 : vector<16xi1>, vector<16xi32>
      %get3A_561 = arith.constant 7 : i32
      %get3A_562 = arith.index_cast %get3A_561 : i32 to index
      %get3A_563 = arith.index_cast %select_n3A : i32 to index
      %get3A_564 = arith.index_cast %multiple_of3A_136 : i32 to index
      %get3A_565 = tpu.vector_load %arg4[%get3A_562, %get3A_563, %get3A_564] {strides = array<i32>} : memref<64x2x128xf32, #tpu.memory_space<vmem>>, vector<16xf32>,
      %broadcast_in_dim3A_566 = arith.constant 7 : i32
      %broadcast_in_dim3A_567 = vector.broadcast %broadcast_in_dim3A_566 : i32 to vector<16xi32>
      %gt3A_568 = arith.cmpf ogt, %get3A_565, %select_n3A_559 : vector<16xf32>
      %gt3A_569 = arith.cmpf ogt, %get3A_565, %select_n3A_556 : vector<16xf32>
      %select_n3A_570 = arith.select %gt3A_569, %get3A_565, %select_n3A_556 : vector<16xi1>, vector<16xf32>
      %select_n3A_571 = arith.select %gt3A_568, %select_n3A_559, %select_n3A_570 : vector<16xi1>, vector<16xf32>
      %select_n3A_572 = arith.select %gt3A_569, %broadcast_in_dim3A_567, %select_n3A_558 : vector<16xi1>, vector<16xi32>
      %select_n3A_573 = arith.select %gt3A_568, %select_n3A_560, %select_n3A_572 : vector<16xi1>, vector<16xi32>
      %select_n3A_574 = arith.select %gt3A_568, %get3A_565, %select_n3A_559 : vector<16xi1>, vector<16xf32>
      %select_n3A_575 = arith.select %gt3A_568, %broadcast_in_dim3A_567, %select_n3A_560 : vector<16xi1>, vector<16xi32>
      %get3A_576 = arith.constant 8 : i32
      %get3A_577 = arith.index_cast %get3A_576 : i32 to index
      %get3A_578 = arith.index_cast %select_n3A : i32 to index
      %get3A_579 = arith.index_cast %multiple_of3A_136 : i32 to index
      %get3A_580 = tpu.vector_load %arg4[%get3A_577, %get3A_578, %get3A_579] {strides = array<i32>} : memref<64x2x128xf32, #tpu.memory_space<vmem>>, vector<16xf32>,
      %broadcast_in_dim3A_581 = arith.constant 8 : i32
      %broadcast_in_dim3A_582 = vector.broadcast %broadcast_in_dim3A_581 : i32 to vector<16xi32>
      %gt3A_583 = arith.cmpf ogt, %get3A_580, %select_n3A_574 : vector<16xf32>
      %gt3A_584 = arith.cmpf ogt, %get3A_580, %select_n3A_571 : vector<16xf32>
      %select_n3A_585 = arith.select %gt3A_584, %get3A_580, %select_n3A_571 : vector<16xi1>, vector<16xf32>
      %select_n3A_586 = arith.select %gt3A_583, %select_n3A_574, %select_n3A_585 : vector<16xi1>, vector<16xf32>
      %select_n3A_587 = arith.select %gt3A_584, %broadcast_in_dim3A_582, %select_n3A_573 : vector<16xi1>, vector<16xi32>
      %select_n3A_588 = arith.select %gt3A_583, %select_n3A_575, %select_n3A_587 : vector<16xi1>, vector<16xi32>
      %select_n3A_589 = arith.select %gt3A_583, %get3A_580, %select_n3A_574 : vector<16xi1>, vector<16xf32>
      %select_n3A_590 = arith.select %gt3A_583, %broadcast_in_dim3A_582, %select_n3A_575 : vector<16xi1>, vector<16xi32>
      %get3A_591 = arith.constant 9 : i32
      %get3A_592 = arith.index_cast %get3A_591 : i32 to index
      %get3A_593 = arith.index_cast %select_n3A : i32 to index
      %get3A_594 = arith.index_cast %multiple_of3A_136 : i32 to index
      %get3A_595 = tpu.vector_load %arg4[%get3A_592, %get3A_593, %get3A_594] {strides = array<i32>} : memref<64x2x128xf32, #tpu.memory_space<vmem>>, vector<16xf32>,
      %broadcast_in_dim3A_596 = arith.constant 9 : i32
      %broadcast_in_dim3A_597 = vector.broadcast %broadcast_in_dim3A_596 : i32 to vector<16xi32>
      %gt3A_598 = arith.cmpf ogt, %get3A_595, %select_n3A_589 : vector<16xf32>
      %gt3A_599 = arith.cmpf ogt, %get3A_595, %select_n3A_586 : vector<16xf32>
      %select_n3A_600 = arith.select %gt3A_599, %get3A_595, %select_n3A_586 : vector<16xi1>, vector<16xf32>
      %select_n3A_601 = arith.select %gt3A_598, %select_n3A_589, %select_n3A_600 : vector<16xi1>, vector<16xf32>
      %select_n3A_602 = arith.select %gt3A_599, %broadcast_in_dim3A_597, %select_n3A_588 : vector<16xi1>, vector<16xi32>
      %select_n3A_603 = arith.select %gt3A_598, %select_n3A_590, %select_n3A_602 : vector<16xi1>, vector<16xi32>
      %select_n3A_604 = arith.select %gt3A_598, %get3A_595, %select_n3A_589 : vector<16xi1>, vector<16xf32>
      %select_n3A_605 = arith.select %gt3A_598, %broadcast_in_dim3A_597, %select_n3A_590 : vector<16xi1>, vector<16xi32>
      %get3A_606 = arith.constant 10 : i32
      %get3A_607 = arith.index_cast %get3A_606 : i32 to index
      %get3A_608 = arith.index_cast %select_n3A : i32 to index
      %get3A_609 = arith.index_cast %multiple_of3A_136 : i32 to index
      %get3A_610 = tpu.vector_load %arg4[%get3A_607, %get3A_608, %get3A_609] {strides = array<i32>} : memref<64x2x128xf32, #tpu.memory_space<vmem>>, vector<16xf32>,
      %broadcast_in_dim3A_611 = arith.constant 10 : i32
      %broadcast_in_dim3A_612 = vector.broadcast %broadcast_in_dim3A_611 : i32 to vector<16xi32>
      %gt3A_613 = arith.cmpf ogt, %get3A_610, %select_n3A_604 : vector<16xf32>
      %gt3A_614 = arith.cmpf ogt, %get3A_610, %select_n3A_601 : vector<16xf32>
      %select_n3A_615 = arith.select %gt3A_614, %get3A_610, %select_n3A_601 : vector<16xi1>, vector<16xf32>
      %select_n3A_616 = arith.select %gt3A_613, %select_n3A_604, %select_n3A_615 : vector<16xi1>, vector<16xf32>
      %select_n3A_617 = arith.select %gt3A_614, %broadcast_in_dim3A_612, %select_n3A_603 : vector<16xi1>, vector<16xi32>
      %select_n3A_618 = arith.select %gt3A_613, %select_n3A_605, %select_n3A_617 : vector<16xi1>, vector<16xi32>
      %select_n3A_619 = arith.select %gt3A_613, %get3A_610, %select_n3A_604 : vector<16xi1>, vector<16xf32>
      %select_n3A_620 = arith.select %gt3A_613, %broadcast_in_dim3A_612, %select_n3A_605 : vector<16xi1>, vector<16xi32>
      %get3A_621 = arith.constant 11 : i32
      %get3A_622 = arith.index_cast %get3A_621 : i32 to index
      %get3A_623 = arith.index_cast %select_n3A : i32 to index
      %get3A_624 = arith.index_cast %multiple_of3A_136 : i32 to index
      %get3A_625 = tpu.vector_load %arg4[%get3A_622, %get3A_623, %get3A_624] {strides = array<i32>} : memref<64x2x128xf32, #tpu.memory_space<vmem>>, vector<16xf32>,
      %broadcast_in_dim3A_626 = arith.constant 11 : i32
      %broadcast_in_dim3A_627 = vector.broadcast %broadcast_in_dim3A_626 : i32 to vector<16xi32>
      %gt3A_628 = arith.cmpf ogt, %get3A_625, %select_n3A_619 : vector<16xf32>
      %gt3A_629 = arith.cmpf ogt, %get3A_625, %select_n3A_616 : vector<16xf32>
      %select_n3A_630 = arith.select %gt3A_629, %get3A_625, %select_n3A_616 : vector<16xi1>, vector<16xf32>
      %select_n3A_631 = arith.select %gt3A_628, %select_n3A_619, %select_n3A_630 : vector<16xi1>, vector<16xf32>
      %select_n3A_632 = arith.select %gt3A_629, %broadcast_in_dim3A_627, %select_n3A_618 : vector<16xi1>, vector<16xi32>
      %select_n3A_633 = arith.select %gt3A_628, %select_n3A_620, %select_n3A_632 : vector<16xi1>, vector<16xi32>
      %select_n3A_634 = arith.select %gt3A_628, %get3A_625, %select_n3A_619 : vector<16xi1>, vector<16xf32>
      %select_n3A_635 = arith.select %gt3A_628, %broadcast_in_dim3A_627, %select_n3A_620 : vector<16xi1>, vector<16xi32>
      %get3A_636 = arith.constant 12 : i32
      %get3A_637 = arith.index_cast %get3A_636 : i32 to index
      %get3A_638 = arith.index_cast %select_n3A : i32 to index
      %get3A_639 = arith.index_cast %multiple_of3A_136 : i32 to index
      %get3A_640 = tpu.vector_load %arg4[%get3A_637, %get3A_638, %get3A_639] {strides = array<i32>} : memref<64x2x128xf32, #tpu.memory_space<vmem>>, vector<16xf32>,
      %broadcast_in_dim3A_641 = arith.constant 12 : i32
      %broadcast_in_dim3A_642 = vector.broadcast %broadcast_in_dim3A_641 : i32 to vector<16xi32>
      %gt3A_643 = arith.cmpf ogt, %get3A_640, %select_n3A_634 : vector<16xf32>
      %gt3A_644 = arith.cmpf ogt, %get3A_640, %select_n3A_631 : vector<16xf32>
      %select_n3A_645 = arith.select %gt3A_644, %get3A_640, %select_n3A_631 : vector<16xi1>, vector<16xf32>
      %select_n3A_646 = arith.select %gt3A_643, %select_n3A_634, %select_n3A_645 : vector<16xi1>, vector<16xf32>
      %select_n3A_647 = arith.select %gt3A_644, %broadcast_in_dim3A_642, %select_n3A_633 : vector<16xi1>, vector<16xi32>
      %select_n3A_648 = arith.select %gt3A_643, %select_n3A_635, %select_n3A_647 : vector<16xi1>, vector<16xi32>
      %select_n3A_649 = arith.select %gt3A_643, %get3A_640, %select_n3A_634 : vector<16xi1>, vector<16xf32>
      %select_n3A_650 = arith.select %gt3A_643, %broadcast_in_dim3A_642, %select_n3A_635 : vector<16xi1>, vector<16xi32>
      %get3A_651 = arith.constant 13 : i32
      %get3A_652 = arith.index_cast %get3A_651 : i32 to index
      %get3A_653 = arith.index_cast %select_n3A : i32 to index
      %get3A_654 = arith.index_cast %multiple_of3A_136 : i32 to index
      %get3A_655 = tpu.vector_load %arg4[%get3A_652, %get3A_653, %get3A_654] {strides = array<i32>} : memref<64x2x128xf32, #tpu.memory_space<vmem>>, vector<16xf32>,
      %broadcast_in_dim3A_656 = arith.constant 13 : i32
      %broadcast_in_dim3A_657 = vector.broadcast %broadcast_in_dim3A_656 : i32 to vector<16xi32>
      %gt3A_658 = arith.cmpf ogt, %get3A_655, %select_n3A_649 : vector<16xf32>
      %gt3A_659 = arith.cmpf ogt, %get3A_655, %select_n3A_646 : vector<16xf32>
      %select_n3A_660 = arith.select %gt3A_659, %get3A_655, %select_n3A_646 : vector<16xi1>, vector<16xf32>
      %select_n3A_661 = arith.select %gt3A_658, %select_n3A_649, %select_n3A_660 : vector<16xi1>, vector<16xf32>
      %select_n3A_662 = arith.select %gt3A_659, %broadcast_in_dim3A_657, %select_n3A_648 : vector<16xi1>, vector<16xi32>
      %select_n3A_663 = arith.select %gt3A_658, %select_n3A_650, %select_n3A_662 : vector<16xi1>, vector<16xi32>
      %select_n3A_664 = arith.select %gt3A_658, %get3A_655, %select_n3A_649 : vector<16xi1>, vector<16xf32>
      %select_n3A_665 = arith.select %gt3A_658, %broadcast_in_dim3A_657, %select_n3A_650 : vector<16xi1>, vector<16xi32>
      %get3A_666 = arith.constant 14 : i32
      %get3A_667 = arith.index_cast %get3A_666 : i32 to index
      %get3A_668 = arith.index_cast %select_n3A : i32 to index
      %get3A_669 = arith.index_cast %multiple_of3A_136 : i32 to index
      %get3A_670 = tpu.vector_load %arg4[%get3A_667, %get3A_668, %get3A_669] {strides = array<i32>} : memref<64x2x128xf32, #tpu.memory_space<vmem>>, vector<16xf32>,
      %broadcast_in_dim3A_671 = arith.constant 14 : i32
      %broadcast_in_dim3A_672 = vector.broadcast %broadcast_in_dim3A_671 : i32 to vector<16xi32>
      %gt3A_673 = arith.cmpf ogt, %get3A_670, %select_n3A_664 : vector<16xf32>
      %gt3A_674 = arith.cmpf ogt, %get3A_670, %select_n3A_661 : vector<16xf32>
      %select_n3A_675 = arith.select %gt3A_674, %get3A_670, %select_n3A_661 : vector<16xi1>, vector<16xf32>
      %select_n3A_676 = arith.select %gt3A_673, %select_n3A_664, %select_n3A_675 : vector<16xi1>, vector<16xf32>
      %select_n3A_677 = arith.select %gt3A_674, %broadcast_in_dim3A_672, %select_n3A_663 : vector<16xi1>, vector<16xi32>
      %select_n3A_678 = arith.select %gt3A_673, %select_n3A_665, %select_n3A_677 : vector<16xi1>, vector<16xi32>
      %select_n3A_679 = arith.select %gt3A_673, %get3A_670, %select_n3A_664 : vector<16xi1>, vector<16xf32>
      %select_n3A_680 = arith.select %gt3A_673, %broadcast_in_dim3A_672, %select_n3A_665 : vector<16xi1>, vector<16xi32>
      %get3A_681 = arith.constant 15 : i32
      %get3A_682 = arith.index_cast %get3A_681 : i32 to index
      %get3A_683 = arith.index_cast %select_n3A : i32 to index
      %get3A_684 = arith.index_cast %multiple_of3A_136 : i32 to index
      %get3A_685 = tpu.vector_load %arg4[%get3A_682, %get3A_683, %get3A_684] {strides = array<i32>} : memref<64x2x128xf32, #tpu.memory_space<vmem>>, vector<16xf32>,
      %broadcast_in_dim3A_686 = arith.constant 15 : i32
      %broadcast_in_dim3A_687 = vector.broadcast %broadcast_in_dim3A_686 : i32 to vector<16xi32>
      %gt3A_688 = arith.cmpf ogt, %get3A_685, %select_n3A_679 : vector<16xf32>
      %gt3A_689 = arith.cmpf ogt, %get3A_685, %select_n3A_676 : vector<16xf32>
      %select_n3A_690 = arith.select %gt3A_689, %get3A_685, %select_n3A_676 : vector<16xi1>, vector<16xf32>
      %select_n3A_691 = arith.select %gt3A_688, %select_n3A_679, %select_n3A_690 : vector<16xi1>, vector<16xf32>
      %select_n3A_692 = arith.select %gt3A_689, %broadcast_in_dim3A_687, %select_n3A_678 : vector<16xi1>, vector<16xi32>
      %select_n3A_693 = arith.select %gt3A_688, %select_n3A_680, %select_n3A_692 : vector<16xi1>, vector<16xi32>
      %select_n3A_694 = arith.select %gt3A_688, %get3A_685, %select_n3A_679 : vector<16xi1>, vector<16xf32>
      %select_n3A_695 = arith.select %gt3A_688, %broadcast_in_dim3A_687, %select_n3A_680 : vector<16xi1>, vector<16xi32>
      %get3A_696 = arith.constant 16 : i32
      %get3A_697 = arith.index_cast %get3A_696 : i32 to index
      %get3A_698 = arith.index_cast %select_n3A : i32 to index
      %get3A_699 = arith.index_cast %multiple_of3A_136 : i32 to index
      %get3A_700 = tpu.vector_load %arg4[%get3A_697, %get3A_698, %get3A_699] {strides = array<i32>} : memref<64x2x128xf32, #tpu.memory_space<vmem>>, vector<16xf32>,
      %broadcast_in_dim3A_701 = arith.constant 16 : i32
      %broadcast_in_dim3A_702 = vector.broadcast %broadcast_in_dim3A_701 : i32 to vector<16xi32>
      %gt3A_703 = arith.cmpf ogt, %get3A_700, %broadcast_in_dim3A_51 : vector<16xf32>
      %gt3A_704 = arith.cmpf ogt, %get3A_700, %broadcast_in_dim3A_51 : vector<16xf32>
      %select_n3A_705 = arith.select %gt3A_704, %get3A_700, %broadcast_in_dim3A_51 : vector<16xi1>, vector<16xf32>
      %select_n3A_706 = arith.select %gt3A_703, %broadcast_in_dim3A_51, %select_n3A_705 : vector<16xi1>, vector<16xf32>
      %select_n3A_707 = arith.select %gt3A_704, %broadcast_in_dim3A_702, %broadcast_in_dim3A_53 : vector<16xi1>, vector<16xi32>
      %select_n3A_708 = arith.select %gt3A_703, %broadcast_in_dim3A_53, %select_n3A_707 : vector<16xi1>, vector<16xi32>
      %select_n3A_709 = arith.select %gt3A_703, %get3A_700, %broadcast_in_dim3A_51 : vector<16xi1>, vector<16xf32>
      %select_n3A_710 = arith.select %gt3A_703, %broadcast_in_dim3A_702, %broadcast_in_dim3A_53 : vector<16xi1>, vector<16xi32>
      %get3A_711 = arith.constant 17 : i32
      %get3A_712 = arith.index_cast %get3A_711 : i32 to index
      %get3A_713 = arith.index_cast %select_n3A : i32 to index
      %get3A_714 = arith.index_cast %multiple_of3A_136 : i32 to index
      %get3A_715 = tpu.vector_load %arg4[%get3A_712, %get3A_713, %get3A_714] {strides = array<i32>} : memref<64x2x128xf32, #tpu.memory_space<vmem>>, vector<16xf32>,
      %broadcast_in_dim3A_716 = arith.constant 17 : i32
      %broadcast_in_dim3A_717 = vector.broadcast %broadcast_in_dim3A_716 : i32 to vector<16xi32>
      %gt3A_718 = arith.cmpf ogt, %get3A_715, %select_n3A_709 : vector<16xf32>
      %gt3A_719 = arith.cmpf ogt, %get3A_715, %select_n3A_706 : vector<16xf32>
      %select_n3A_720 = arith.select %gt3A_719, %get3A_715, %select_n3A_706 : vector<16xi1>, vector<16xf32>
      %select_n3A_721 = arith.select %gt3A_718, %select_n3A_709, %select_n3A_720 : vector<16xi1>, vector<16xf32>
      %select_n3A_722 = arith.select %gt3A_719, %broadcast_in_dim3A_717, %select_n3A_708 : vector<16xi1>, vector<16xi32>
      %select_n3A_723 = arith.select %gt3A_718, %select_n3A_710, %select_n3A_722 : vector<16xi1>, vector<16xi32>
      %select_n3A_724 = arith.select %gt3A_718, %get3A_715, %select_n3A_709 : vector<16xi1>, vector<16xf32>
      %select_n3A_725 = arith.select %gt3A_718, %broadcast_in_dim3A_717, %select_n3A_710 : vector<16xi1>, vector<16xi32>
      %get3A_726 = arith.constant 18 : i32
      %get3A_727 = arith.index_cast %get3A_726 : i32 to index
      %get3A_728 = arith.index_cast %select_n3A : i32 to index
      %get3A_729 = arith.index_cast %multiple_of3A_136 : i32 to index
      %get3A_730 = tpu.vector_load %arg4[%get3A_727, %get3A_728, %get3A_729] {strides = array<i32>} : memref<64x2x128xf32, #tpu.memory_space<vmem>>, vector<16xf32>,
      %broadcast_in_dim3A_731 = arith.constant 18 : i32
      %broadcast_in_dim3A_732 = vector.broadcast %broadcast_in_dim3A_731 : i32 to vector<16xi32>
      %gt3A_733 = arith.cmpf ogt, %get3A_730, %select_n3A_724 : vector<16xf32>
      %gt3A_734 = arith.cmpf ogt, %get3A_730, %select_n3A_721 : vector<16xf32>
      %select_n3A_735 = arith.select %gt3A_734, %get3A_730, %select_n3A_721 : vector<16xi1>, vector<16xf32>
      %select_n3A_736 = arith.select %gt3A_733, %select_n3A_724, %select_n3A_735 : vector<16xi1>, vector<16xf32>
      %select_n3A_737 = arith.select %gt3A_734, %broadcast_in_dim3A_732, %select_n3A_723 : vector<16xi1>, vector<16xi32>
      %select_n3A_738 = arith.select %gt3A_733, %select_n3A_725, %select_n3A_737 : vector<16xi1>, vector<16xi32>
      %select_n3A_739 = arith.select %gt3A_733, %get3A_730, %select_n3A_724 : vector<16xi1>, vector<16xf32>
      %select_n3A_740 = arith.select %gt3A_733, %broadcast_in_dim3A_732, %select_n3A_725 : vector<16xi1>, vector<16xi32>
      %get3A_741 = arith.constant 19 : i32
      %get3A_742 = arith.index_cast %get3A_741 : i32 to index
      %get3A_743 = arith.index_cast %select_n3A : i32 to index
      %get3A_744 = arith.index_cast %multiple_of3A_136 : i32 to index
      %get3A_745 = tpu.vector_load %arg4[%get3A_742, %get3A_743, %get3A_744] {strides = array<i32>} : memref<64x2x128xf32, #tpu.memory_space<vmem>>, vector<16xf32>,
      %broadcast_in_dim3A_746 = arith.constant 19 : i32
      %broadcast_in_dim3A_747 = vector.broadcast %broadcast_in_dim3A_746 : i32 to vector<16xi32>
      %gt3A_748 = arith.cmpf ogt, %get3A_745, %select_n3A_739 : vector<16xf32>
      %gt3A_749 = arith.cmpf ogt, %get3A_745, %select_n3A_736 : vector<16xf32>
      %select_n3A_750 = arith.select %gt3A_749, %get3A_745, %select_n3A_736 : vector<16xi1>, vector<16xf32>
      %select_n3A_751 = arith.select %gt3A_748, %select_n3A_739, %select_n3A_750 : vector<16xi1>, vector<16xf32>
      %select_n3A_752 = arith.select %gt3A_749, %broadcast_in_dim3A_747, %select_n3A_738 : vector<16xi1>, vector<16xi32>
      %select_n3A_753 = arith.select %gt3A_748, %select_n3A_740, %select_n3A_752 : vector<16xi1>, vector<16xi32>
      %select_n3A_754 = arith.select %gt3A_748, %get3A_745, %select_n3A_739 : vector<16xi1>, vector<16xf32>
      %select_n3A_755 = arith.select %gt3A_748, %broadcast_in_dim3A_747, %select_n3A_740 : vector<16xi1>, vector<16xi32>
      %get3A_756 = arith.constant 20 : i32
      %get3A_757 = arith.index_cast %get3A_756 : i32 to index
      %get3A_758 = arith.index_cast %select_n3A : i32 to index
      %get3A_759 = arith.index_cast %multiple_of3A_136 : i32 to index
      %get3A_760 = tpu.vector_load %arg4[%get3A_757, %get3A_758, %get3A_759] {strides = array<i32>} : memref<64x2x128xf32, #tpu.memory_space<vmem>>, vector<16xf32>,
      %broadcast_in_dim3A_761 = arith.constant 20 : i32
      %broadcast_in_dim3A_762 = vector.broadcast %broadcast_in_dim3A_761 : i32 to vector<16xi32>
      %gt3A_763 = arith.cmpf ogt, %get3A_760, %select_n3A_754 : vector<16xf32>
      %gt3A_764 = arith.cmpf ogt, %get3A_760, %select_n3A_751 : vector<16xf32>
      %select_n3A_765 = arith.select %gt3A_764, %get3A_760, %select_n3A_751 : vector<16xi1>, vector<16xf32>
      %select_n3A_766 = arith.select %gt3A_763, %select_n3A_754, %select_n3A_765 : vector<16xi1>, vector<16xf32>
      %select_n3A_767 = arith.select %gt3A_764, %broadcast_in_dim3A_762, %select_n3A_753 : vector<16xi1>, vector<16xi32>
      %select_n3A_768 = arith.select %gt3A_763, %select_n3A_755, %select_n3A_767 : vector<16xi1>, vector<16xi32>
      %select_n3A_769 = arith.select %gt3A_763, %get3A_760, %select_n3A_754 : vector<16xi1>, vector<16xf32>
      %select_n3A_770 = arith.select %gt3A_763, %broadcast_in_dim3A_762, %select_n3A_755 : vector<16xi1>, vector<16xi32>
      %get3A_771 = arith.constant 21 : i32
      %get3A_772 = arith.index_cast %get3A_771 : i32 to index
      %get3A_773 = arith.index_cast %select_n3A : i32 to index
      %get3A_774 = arith.index_cast %multiple_of3A_136 : i32 to index
      %get3A_775 = tpu.vector_load %arg4[%get3A_772, %get3A_773, %get3A_774] {strides = array<i32>} : memref<64x2x128xf32, #tpu.memory_space<vmem>>, vector<16xf32>,
      %broadcast_in_dim3A_776 = arith.constant 21 : i32
      %broadcast_in_dim3A_777 = vector.broadcast %broadcast_in_dim3A_776 : i32 to vector<16xi32>
      %gt3A_778 = arith.cmpf ogt, %get3A_775, %select_n3A_769 : vector<16xf32>
      %gt3A_779 = arith.cmpf ogt, %get3A_775, %select_n3A_766 : vector<16xf32>
      %select_n3A_780 = arith.select %gt3A_779, %get3A_775, %select_n3A_766 : vector<16xi1>, vector<16xf32>
      %select_n3A_781 = arith.select %gt3A_778, %select_n3A_769, %select_n3A_780 : vector<16xi1>, vector<16xf32>
      %select_n3A_782 = arith.select %gt3A_779, %broadcast_in_dim3A_777, %select_n3A_768 : vector<16xi1>, vector<16xi32>
      %select_n3A_783 = arith.select %gt3A_778, %select_n3A_770, %select_n3A_782 : vector<16xi1>, vector<16xi32>
      %select_n3A_784 = arith.select %gt3A_778, %get3A_775, %select_n3A_769 : vector<16xi1>, vector<16xf32>
      %select_n3A_785 = arith.select %gt3A_778, %broadcast_in_dim3A_777, %select_n3A_770 : vector<16xi1>, vector<16xi32>
      %get3A_786 = arith.constant 22 : i32
      %get3A_787 = arith.index_cast %get3A_786 : i32 to index
      %get3A_788 = arith.index_cast %select_n3A : i32 to index
      %get3A_789 = arith.index_cast %multiple_of3A_136 : i32 to index
      %get3A_790 = tpu.vector_load %arg4[%get3A_787, %get3A_788, %get3A_789] {strides = array<i32>} : memref<64x2x128xf32, #tpu.memory_space<vmem>>, vector<16xf32>,
      %broadcast_in_dim3A_791 = arith.constant 22 : i32
      %broadcast_in_dim3A_792 = vector.broadcast %broadcast_in_dim3A_791 : i32 to vector<16xi32>
      %gt3A_793 = arith.cmpf ogt, %get3A_790, %select_n3A_784 : vector<16xf32>
      %gt3A_794 = arith.cmpf ogt, %get3A_790, %select_n3A_781 : vector<16xf32>
      %select_n3A_795 = arith.select %gt3A_794, %get3A_790, %select_n3A_781 : vector<16xi1>, vector<16xf32>
      %select_n3A_796 = arith.select %gt3A_793, %select_n3A_784, %select_n3A_795 : vector<16xi1>, vector<16xf32>
      %select_n3A_797 = arith.select %gt3A_794, %broadcast_in_dim3A_792, %select_n3A_783 : vector<16xi1>, vector<16xi32>
      %select_n3A_798 = arith.select %gt3A_793, %select_n3A_785, %select_n3A_797 : vector<16xi1>, vector<16xi32>
      %select_n3A_799 = arith.select %gt3A_793, %get3A_790, %select_n3A_784 : vector<16xi1>, vector<16xf32>
      %select_n3A_800 = arith.select %gt3A_793, %broadcast_in_dim3A_792, %select_n3A_785 : vector<16xi1>, vector<16xi32>
      %get3A_801 = arith.constant 23 : i32
      %get3A_802 = arith.index_cast %get3A_801 : i32 to index
      %get3A_803 = arith.index_cast %select_n3A : i32 to index
      %get3A_804 = arith.index_cast %multiple_of3A_136 : i32 to index
      %get3A_805 = tpu.vector_load %arg4[%get3A_802, %get3A_803, %get3A_804] {strides = array<i32>} : memref<64x2x128xf32, #tpu.memory_space<vmem>>, vector<16xf32>,
      %broadcast_in_dim3A_806 = arith.constant 23 : i32
      %broadcast_in_dim3A_807 = vector.broadcast %broadcast_in_dim3A_806 : i32 to vector<16xi32>
      %gt3A_808 = arith.cmpf ogt, %get3A_805, %select_n3A_799 : vector<16xf32>
      %gt3A_809 = arith.cmpf ogt, %get3A_805, %select_n3A_796 : vector<16xf32>
      %select_n3A_810 = arith.select %gt3A_809, %get3A_805, %select_n3A_796 : vector<16xi1>, vector<16xf32>
      %select_n3A_811 = arith.select %gt3A_808, %select_n3A_799, %select_n3A_810 : vector<16xi1>, vector<16xf32>
      %select_n3A_812 = arith.select %gt3A_809, %broadcast_in_dim3A_807, %select_n3A_798 : vector<16xi1>, vector<16xi32>
      %select_n3A_813 = arith.select %gt3A_808, %select_n3A_800, %select_n3A_812 : vector<16xi1>, vector<16xi32>
      %select_n3A_814 = arith.select %gt3A_808, %get3A_805, %select_n3A_799 : vector<16xi1>, vector<16xf32>
      %select_n3A_815 = arith.select %gt3A_808, %broadcast_in_dim3A_807, %select_n3A_800 : vector<16xi1>, vector<16xi32>
      %get3A_816 = arith.constant 24 : i32
      %get3A_817 = arith.index_cast %get3A_816 : i32 to index
      %get3A_818 = arith.index_cast %select_n3A : i32 to index
      %get3A_819 = arith.index_cast %multiple_of3A_136 : i32 to index
      %get3A_820 = tpu.vector_load %arg4[%get3A_817, %get3A_818, %get3A_819] {strides = array<i32>} : memref<64x2x128xf32, #tpu.memory_space<vmem>>, vector<16xf32>,
      %broadcast_in_dim3A_821 = arith.constant 24 : i32
      %broadcast_in_dim3A_822 = vector.broadcast %broadcast_in_dim3A_821 : i32 to vector<16xi32>
      %gt3A_823 = arith.cmpf ogt, %get3A_820, %select_n3A_814 : vector<16xf32>
      %gt3A_824 = arith.cmpf ogt, %get3A_820, %select_n3A_811 : vector<16xf32>
      %select_n3A_825 = arith.select %gt3A_824, %get3A_820, %select_n3A_811 : vector<16xi1>, vector<16xf32>
      %select_n3A_826 = arith.select %gt3A_823, %select_n3A_814, %select_n3A_825 : vector<16xi1>, vector<16xf32>
      %select_n3A_827 = arith.select %gt3A_824, %broadcast_in_dim3A_822, %select_n3A_813 : vector<16xi1>, vector<16xi32>
      %select_n3A_828 = arith.select %gt3A_823, %select_n3A_815, %select_n3A_827 : vector<16xi1>, vector<16xi32>
      %select_n3A_829 = arith.select %gt3A_823, %get3A_820, %select_n3A_814 : vector<16xi1>, vector<16xf32>
      %select_n3A_830 = arith.select %gt3A_823, %broadcast_in_dim3A_822, %select_n3A_815 : vector<16xi1>, vector<16xi32>
      %get3A_831 = arith.constant 25 : i32
      %get3A_832 = arith.index_cast %get3A_831 : i32 to index
      %get3A_833 = arith.index_cast %select_n3A : i32 to index
      %get3A_834 = arith.index_cast %multiple_of3A_136 : i32 to index
      %get3A_835 = tpu.vector_load %arg4[%get3A_832, %get3A_833, %get3A_834] {strides = array<i32>} : memref<64x2x128xf32, #tpu.memory_space<vmem>>, vector<16xf32>,
      %broadcast_in_dim3A_836 = arith.constant 25 : i32
      %broadcast_in_dim3A_837 = vector.broadcast %broadcast_in_dim3A_836 : i32 to vector<16xi32>
      %gt3A_838 = arith.cmpf ogt, %get3A_835, %select_n3A_829 : vector<16xf32>
      %gt3A_839 = arith.cmpf ogt, %get3A_835, %select_n3A_826 : vector<16xf32>
      %select_n3A_840 = arith.select %gt3A_839, %get3A_835, %select_n3A_826 : vector<16xi1>, vector<16xf32>
      %select_n3A_841 = arith.select %gt3A_838, %select_n3A_829, %select_n3A_840 : vector<16xi1>, vector<16xf32>
      %select_n3A_842 = arith.select %gt3A_839, %broadcast_in_dim3A_837, %select_n3A_828 : vector<16xi1>, vector<16xi32>
      %select_n3A_843 = arith.select %gt3A_838, %select_n3A_830, %select_n3A_842 : vector<16xi1>, vector<16xi32>
      %select_n3A_844 = arith.select %gt3A_838, %get3A_835, %select_n3A_829 : vector<16xi1>, vector<16xf32>
      %select_n3A_845 = arith.select %gt3A_838, %broadcast_in_dim3A_837, %select_n3A_830 : vector<16xi1>, vector<16xi32>
      %get3A_846 = arith.constant 26 : i32
      %get3A_847 = arith.index_cast %get3A_846 : i32 to index
      %get3A_848 = arith.index_cast %select_n3A : i32 to index
      %get3A_849 = arith.index_cast %multiple_of3A_136 : i32 to index
      %get3A_850 = tpu.vector_load %arg4[%get3A_847, %get3A_848, %get3A_849] {strides = array<i32>} : memref<64x2x128xf32, #tpu.memory_space<vmem>>, vector<16xf32>,
      %broadcast_in_dim3A_851 = arith.constant 26 : i32
      %broadcast_in_dim3A_852 = vector.broadcast %broadcast_in_dim3A_851 : i32 to vector<16xi32>
      %gt3A_853 = arith.cmpf ogt, %get3A_850, %select_n3A_844 : vector<16xf32>
      %gt3A_854 = arith.cmpf ogt, %get3A_850, %select_n3A_841 : vector<16xf32>
      %select_n3A_855 = arith.select %gt3A_854, %get3A_850, %select_n3A_841 : vector<16xi1>, vector<16xf32>
      %select_n3A_856 = arith.select %gt3A_853, %select_n3A_844, %select_n3A_855 : vector<16xi1>, vector<16xf32>
      %select_n3A_857 = arith.select %gt3A_854, %broadcast_in_dim3A_852, %select_n3A_843 : vector<16xi1>, vector<16xi32>
      %select_n3A_858 = arith.select %gt3A_853, %select_n3A_845, %select_n3A_857 : vector<16xi1>, vector<16xi32>
      %select_n3A_859 = arith.select %gt3A_853, %get3A_850, %select_n3A_844 : vector<16xi1>, vector<16xf32>
      %select_n3A_860 = arith.select %gt3A_853, %broadcast_in_dim3A_852, %select_n3A_845 : vector<16xi1>, vector<16xi32>
      %get3A_861 = arith.constant 27 : i32
      %get3A_862 = arith.index_cast %get3A_861 : i32 to index
      %get3A_863 = arith.index_cast %select_n3A : i32 to index
      %get3A_864 = arith.index_cast %multiple_of3A_136 : i32 to index
      %get3A_865 = tpu.vector_load %arg4[%get3A_862, %get3A_863, %get3A_864] {strides = array<i32>} : memref<64x2x128xf32, #tpu.memory_space<vmem>>, vector<16xf32>,
      %broadcast_in_dim3A_866 = arith.constant 27 : i32
      %broadcast_in_dim3A_867 = vector.broadcast %broadcast_in_dim3A_866 : i32 to vector<16xi32>
      %gt3A_868 = arith.cmpf ogt, %get3A_865, %select_n3A_859 : vector<16xf32>
      %gt3A_869 = arith.cmpf ogt, %get3A_865, %select_n3A_856 : vector<16xf32>
      %select_n3A_870 = arith.select %gt3A_869, %get3A_865, %select_n3A_856 : vector<16xi1>, vector<16xf32>
      %select_n3A_871 = arith.select %gt3A_868, %select_n3A_859, %select_n3A_870 : vector<16xi1>, vector<16xf32>
      %select_n3A_872 = arith.select %gt3A_869, %broadcast_in_dim3A_867, %select_n3A_858 : vector<16xi1>, vector<16xi32>
      %select_n3A_873 = arith.select %gt3A_868, %select_n3A_860, %select_n3A_872 : vector<16xi1>, vector<16xi32>
      %select_n3A_874 = arith.select %gt3A_868, %get3A_865, %select_n3A_859 : vector<16xi1>, vector<16xf32>
      %select_n3A_875 = arith.select %gt3A_868, %broadcast_in_dim3A_867, %select_n3A_860 : vector<16xi1>, vector<16xi32>
      %get3A_876 = arith.constant 28 : i32
      %get3A_877 = arith.index_cast %get3A_876 : i32 to index
      %get3A_878 = arith.index_cast %select_n3A : i32 to index
      %get3A_879 = arith.index_cast %multiple_of3A_136 : i32 to index
      %get3A_880 = tpu.vector_load %arg4[%get3A_877, %get3A_878, %get3A_879] {strides = array<i32>} : memref<64x2x128xf32, #tpu.memory_space<vmem>>, vector<16xf32>,
      %broadcast_in_dim3A_881 = arith.constant 28 : i32
      %broadcast_in_dim3A_882 = vector.broadcast %broadcast_in_dim3A_881 : i32 to vector<16xi32>
      %gt3A_883 = arith.cmpf ogt, %get3A_880, %select_n3A_874 : vector<16xf32>
      %gt3A_884 = arith.cmpf ogt, %get3A_880, %select_n3A_871 : vector<16xf32>
      %select_n3A_885 = arith.select %gt3A_884, %get3A_880, %select_n3A_871 : vector<16xi1>, vector<16xf32>
      %select_n3A_886 = arith.select %gt3A_883, %select_n3A_874, %select_n3A_885 : vector<16xi1>, vector<16xf32>
      %select_n3A_887 = arith.select %gt3A_884, %broadcast_in_dim3A_882, %select_n3A_873 : vector<16xi1>, vector<16xi32>
      %select_n3A_888 = arith.select %gt3A_883, %select_n3A_875, %select_n3A_887 : vector<16xi1>, vector<16xi32>
      %select_n3A_889 = arith.select %gt3A_883, %get3A_880, %select_n3A_874 : vector<16xi1>, vector<16xf32>
      %select_n3A_890 = arith.select %gt3A_883, %broadcast_in_dim3A_882, %select_n3A_875 : vector<16xi1>, vector<16xi32>
      %get3A_891 = arith.constant 29 : i32
      %get3A_892 = arith.index_cast %get3A_891 : i32 to index
      %get3A_893 = arith.index_cast %select_n3A : i32 to index
      %get3A_894 = arith.index_cast %multiple_of3A_136 : i32 to index
      %get3A_895 = tpu.vector_load %arg4[%get3A_892, %get3A_893, %get3A_894] {strides = array<i32>} : memref<64x2x128xf32, #tpu.memory_space<vmem>>, vector<16xf32>,
      %broadcast_in_dim3A_896 = arith.constant 29 : i32
      %broadcast_in_dim3A_897 = vector.broadcast %broadcast_in_dim3A_896 : i32 to vector<16xi32>
      %gt3A_898 = arith.cmpf ogt, %get3A_895, %select_n3A_889 : vector<16xf32>
      %gt3A_899 = arith.cmpf ogt, %get3A_895, %select_n3A_886 : vector<16xf32>
      %select_n3A_900 = arith.select %gt3A_899, %get3A_895, %select_n3A_886 : vector<16xi1>, vector<16xf32>
      %select_n3A_901 = arith.select %gt3A_898, %select_n3A_889, %select_n3A_900 : vector<16xi1>, vector<16xf32>
      %select_n3A_902 = arith.select %gt3A_899, %broadcast_in_dim3A_897, %select_n3A_888 : vector<16xi1>, vector<16xi32>
      %select_n3A_903 = arith.select %gt3A_898, %select_n3A_890, %select_n3A_902 : vector<16xi1>, vector<16xi32>
      %select_n3A_904 = arith.select %gt3A_898, %get3A_895, %select_n3A_889 : vector<16xi1>, vector<16xf32>
      %select_n3A_905 = arith.select %gt3A_898, %broadcast_in_dim3A_897, %select_n3A_890 : vector<16xi1>, vector<16xi32>
      %get3A_906 = arith.constant 30 : i32
      %get3A_907 = arith.index_cast %get3A_906 : i32 to index
      %get3A_908 = arith.index_cast %select_n3A : i32 to index
      %get3A_909 = arith.index_cast %multiple_of3A_136 : i32 to index
      %get3A_910 = tpu.vector_load %arg4[%get3A_907, %get3A_908, %get3A_909] {strides = array<i32>} : memref<64x2x128xf32, #tpu.memory_space<vmem>>, vector<16xf32>,
      %broadcast_in_dim3A_911 = arith.constant 30 : i32
      %broadcast_in_dim3A_912 = vector.broadcast %broadcast_in_dim3A_911 : i32 to vector<16xi32>
      %gt3A_913 = arith.cmpf ogt, %get3A_910, %select_n3A_904 : vector<16xf32>
      %gt3A_914 = arith.cmpf ogt, %get3A_910, %select_n3A_901 : vector<16xf32>
      %select_n3A_915 = arith.select %gt3A_914, %get3A_910, %select_n3A_901 : vector<16xi1>, vector<16xf32>
      %select_n3A_916 = arith.select %gt3A_913, %select_n3A_904, %select_n3A_915 : vector<16xi1>, vector<16xf32>
      %select_n3A_917 = arith.select %gt3A_914, %broadcast_in_dim3A_912, %select_n3A_903 : vector<16xi1>, vector<16xi32>
      %select_n3A_918 = arith.select %gt3A_913, %select_n3A_905, %select_n3A_917 : vector<16xi1>, vector<16xi32>
      %select_n3A_919 = arith.select %gt3A_913, %get3A_910, %select_n3A_904 : vector<16xi1>, vector<16xf32>
      %select_n3A_920 = arith.select %gt3A_913, %broadcast_in_dim3A_912, %select_n3A_905 : vector<16xi1>, vector<16xi32>
      %get3A_921 = arith.constant 31 : i32
      %get3A_922 = arith.index_cast %get3A_921 : i32 to index
      %get3A_923 = arith.index_cast %select_n3A : i32 to index
      %get3A_924 = arith.index_cast %multiple_of3A_136 : i32 to index
      %get3A_925 = tpu.vector_load %arg4[%get3A_922, %get3A_923, %get3A_924] {strides = array<i32>} : memref<64x2x128xf32, #tpu.memory_space<vmem>>, vector<16xf32>,
      %broadcast_in_dim3A_926 = arith.constant 31 : i32
      %broadcast_in_dim3A_927 = vector.broadcast %broadcast_in_dim3A_926 : i32 to vector<16xi32>
      %gt3A_928 = arith.cmpf ogt, %get3A_925, %select_n3A_919 : vector<16xf32>
      %gt3A_929 = arith.cmpf ogt, %get3A_925, %select_n3A_916 : vector<16xf32>
      %select_n3A_930 = arith.select %gt3A_929, %get3A_925, %select_n3A_916 : vector<16xi1>, vector<16xf32>
      %select_n3A_931 = arith.select %gt3A_928, %select_n3A_919, %select_n3A_930 : vector<16xi1>, vector<16xf32>
      %select_n3A_932 = arith.select %gt3A_929, %broadcast_in_dim3A_927, %select_n3A_918 : vector<16xi1>, vector<16xi32>
      %select_n3A_933 = arith.select %gt3A_928, %select_n3A_920, %select_n3A_932 : vector<16xi1>, vector<16xi32>
      %select_n3A_934 = arith.select %gt3A_928, %get3A_925, %select_n3A_919 : vector<16xi1>, vector<16xf32>
      %select_n3A_935 = arith.select %gt3A_928, %broadcast_in_dim3A_927, %select_n3A_920 : vector<16xi1>, vector<16xi32>
      %get3A_936 = arith.constant 32 : i32
      %get3A_937 = arith.index_cast %get3A_936 : i32 to index
      %get3A_938 = arith.index_cast %select_n3A : i32 to index
      %get3A_939 = arith.index_cast %multiple_of3A_136 : i32 to index
      %get3A_940 = tpu.vector_load %arg4[%get3A_937, %get3A_938, %get3A_939] {strides = array<i32>} : memref<64x2x128xf32, #tpu.memory_space<vmem>>, vector<16xf32>,
      %broadcast_in_dim3A_941 = arith.constant 32 : i32
      %broadcast_in_dim3A_942 = vector.broadcast %broadcast_in_dim3A_941 : i32 to vector<16xi32>
      %gt3A_943 = arith.cmpf ogt, %get3A_940, %broadcast_in_dim3A_51 : vector<16xf32>
      %gt3A_944 = arith.cmpf ogt, %get3A_940, %broadcast_in_dim3A_51 : vector<16xf32>
      %select_n3A_945 = arith.select %gt3A_944, %get3A_940, %broadcast_in_dim3A_51 : vector<16xi1>, vector<16xf32>
      %select_n3A_946 = arith.select %gt3A_943, %broadcast_in_dim3A_51, %select_n3A_945 : vector<16xi1>, vector<16xf32>
      %select_n3A_947 = arith.select %gt3A_944, %broadcast_in_dim3A_942, %broadcast_in_dim3A_53 : vector<16xi1>, vector<16xi32>
      %select_n3A_948 = arith.select %gt3A_943, %broadcast_in_dim3A_53, %select_n3A_947 : vector<16xi1>, vector<16xi32>
      %select_n3A_949 = arith.select %gt3A_943, %get3A_940, %broadcast_in_dim3A_51 : vector<16xi1>, vector<16xf32>
      %select_n3A_950 = arith.select %gt3A_943, %broadcast_in_dim3A_942, %broadcast_in_dim3A_53 : vector<16xi1>, vector<16xi32>
      %get3A_951 = arith.constant 33 : i32
      %get3A_952 = arith.index_cast %get3A_951 : i32 to index
      %get3A_953 = arith.index_cast %select_n3A : i32 to index
      %get3A_954 = arith.index_cast %multiple_of3A_136 : i32 to index
      %get3A_955 = tpu.vector_load %arg4[%get3A_952, %get3A_953, %get3A_954] {strides = array<i32>} : memref<64x2x128xf32, #tpu.memory_space<vmem>>, vector<16xf32>,
      %broadcast_in_dim3A_956 = arith.constant 33 : i32
      %broadcast_in_dim3A_957 = vector.broadcast %broadcast_in_dim3A_956 : i32 to vector<16xi32>
      %gt3A_958 = arith.cmpf ogt, %get3A_955, %select_n3A_949 : vector<16xf32>
      %gt3A_959 = arith.cmpf ogt, %get3A_955, %select_n3A_946 : vector<16xf32>
      %select_n3A_960 = arith.select %gt3A_959, %get3A_955, %select_n3A_946 : vector<16xi1>, vector<16xf32>
      %select_n3A_961 = arith.select %gt3A_958, %select_n3A_949, %select_n3A_960 : vector<16xi1>, vector<16xf32>
      %select_n3A_962 = arith.select %gt3A_959, %broadcast_in_dim3A_957, %select_n3A_948 : vector<16xi1>, vector<16xi32>
      %select_n3A_963 = arith.select %gt3A_958, %select_n3A_950, %select_n3A_962 : vector<16xi1>, vector<16xi32>
      %select_n3A_964 = arith.select %gt3A_958, %get3A_955, %select_n3A_949 : vector<16xi1>, vector<16xf32>
      %select_n3A_965 = arith.select %gt3A_958, %broadcast_in_dim3A_957, %select_n3A_950 : vector<16xi1>, vector<16xi32>
      %get3A_966 = arith.constant 34 : i32
      %get3A_967 = arith.index_cast %get3A_966 : i32 to index
      %get3A_968 = arith.index_cast %select_n3A : i32 to index
      %get3A_969 = arith.index_cast %multiple_of3A_136 : i32 to index
      %get3A_970 = tpu.vector_load %arg4[%get3A_967, %get3A_968, %get3A_969] {strides = array<i32>} : memref<64x2x128xf32, #tpu.memory_space<vmem>>, vector<16xf32>,
      %broadcast_in_dim3A_971 = arith.constant 34 : i32
      %broadcast_in_dim3A_972 = vector.broadcast %broadcast_in_dim3A_971 : i32 to vector<16xi32>
      %gt3A_973 = arith.cmpf ogt, %get3A_970, %select_n3A_964 : vector<16xf32>
      %gt3A_974 = arith.cmpf ogt, %get3A_970, %select_n3A_961 : vector<16xf32>
      %select_n3A_975 = arith.select %gt3A_974, %get3A_970, %select_n3A_961 : vector<16xi1>, vector<16xf32>
      %select_n3A_976 = arith.select %gt3A_973, %select_n3A_964, %select_n3A_975 : vector<16xi1>, vector<16xf32>
      %select_n3A_977 = arith.select %gt3A_974, %broadcast_in_dim3A_972, %select_n3A_963 : vector<16xi1>, vector<16xi32>
      %select_n3A_978 = arith.select %gt3A_973, %select_n3A_965, %select_n3A_977 : vector<16xi1>, vector<16xi32>
      %select_n3A_979 = arith.select %gt3A_973, %get3A_970, %select_n3A_964 : vector<16xi1>, vector<16xf32>
      %select_n3A_980 = arith.select %gt3A_973, %broadcast_in_dim3A_972, %select_n3A_965 : vector<16xi1>, vector<16xi32>
      %get3A_981 = arith.constant 35 : i32
      %get3A_982 = arith.index_cast %get3A_981 : i32 to index
      %get3A_983 = arith.index_cast %select_n3A : i32 to index
      %get3A_984 = arith.index_cast %multiple_of3A_136 : i32 to index
      %get3A_985 = tpu.vector_load %arg4[%get3A_982, %get3A_983, %get3A_984] {strides = array<i32>} : memref<64x2x128xf32, #tpu.memory_space<vmem>>, vector<16xf32>,
      %broadcast_in_dim3A_986 = arith.constant 35 : i32
      %broadcast_in_dim3A_987 = vector.broadcast %broadcast_in_dim3A_986 : i32 to vector<16xi32>
      %gt3A_988 = arith.cmpf ogt, %get3A_985, %select_n3A_979 : vector<16xf32>
      %gt3A_989 = arith.cmpf ogt, %get3A_985, %select_n3A_976 : vector<16xf32>
      %select_n3A_990 = arith.select %gt3A_989, %get3A_985, %select_n3A_976 : vector<16xi1>, vector<16xf32>
      %select_n3A_991 = arith.select %gt3A_988, %select_n3A_979, %select_n3A_990 : vector<16xi1>, vector<16xf32>
      %select_n3A_992 = arith.select %gt3A_989, %broadcast_in_dim3A_987, %select_n3A_978 : vector<16xi1>, vector<16xi32>
      %select_n3A_993 = arith.select %gt3A_988, %select_n3A_980, %select_n3A_992 : vector<16xi1>, vector<16xi32>
      %select_n3A_994 = arith.select %gt3A_988, %get3A_985, %select_n3A_979 : vector<16xi1>, vector<16xf32>
      %select_n3A_995 = arith.select %gt3A_988, %broadcast_in_dim3A_987, %select_n3A_980 : vector<16xi1>, vector<16xi32>
      %get3A_996 = arith.constant 36 : i32
      %get3A_997 = arith.index_cast %get3A_996 : i32 to index
      %get3A_998 = arith.index_cast %select_n3A : i32 to index
      %get3A_999 = arith.index_cast %multiple_of3A_136 : i32 to index
      %get3A_1000 = tpu.vector_load %arg4[%get3A_997, %get3A_998, %get3A_999] {strides = array<i32>} : memref<64x2x128xf32, #tpu.memory_space<vmem>>, vector<16xf32>,
      %broadcast_in_dim3A_1001 = arith.constant 36 : i32
      %broadcast_in_dim3A_1002 = vector.broadcast %broadcast_in_dim3A_1001 : i32 to vector<16xi32>
      %gt3A_1003 = arith.cmpf ogt, %get3A_1000, %select_n3A_994 : vector<16xf32>
      %gt3A_1004 = arith.cmpf ogt, %get3A_1000, %select_n3A_991 : vector<16xf32>
      %select_n3A_1005 = arith.select %gt3A_1004, %get3A_1000, %select_n3A_991 : vector<16xi1>, vector<16xf32>
      %select_n3A_1006 = arith.select %gt3A_1003, %select_n3A_994, %select_n3A_1005 : vector<16xi1>, vector<16xf32>
      %select_n3A_1007 = arith.select %gt3A_1004, %broadcast_in_dim3A_1002, %select_n3A_993 : vector<16xi1>, vector<16xi32>
      %select_n3A_1008 = arith.select %gt3A_1003, %select_n3A_995, %select_n3A_1007 : vector<16xi1>, vector<16xi32>
      %select_n3A_1009 = arith.select %gt3A_1003, %get3A_1000, %select_n3A_994 : vector<16xi1>, vector<16xf32>
      %select_n3A_1010 = arith.select %gt3A_1003, %broadcast_in_dim3A_1002, %select_n3A_995 : vector<16xi1>, vector<16xi32>
      %get3A_1011 = arith.constant 37 : i32
      %get3A_1012 = arith.index_cast %get3A_1011 : i32 to index
      %get3A_1013 = arith.index_cast %select_n3A : i32 to index
      %get3A_1014 = arith.index_cast %multiple_of3A_136 : i32 to index
      %get3A_1015 = tpu.vector_load %arg4[%get3A_1012, %get3A_1013, %get3A_1014] {strides = array<i32>} : memref<64x2x128xf32, #tpu.memory_space<vmem>>, vector<16xf32>,
      %broadcast_in_dim3A_1016 = arith.constant 37 : i32
      %broadcast_in_dim3A_1017 = vector.broadcast %broadcast_in_dim3A_1016 : i32 to vector<16xi32>
      %gt3A_1018 = arith.cmpf ogt, %get3A_1015, %select_n3A_1009 : vector<16xf32>
      %gt3A_1019 = arith.cmpf ogt, %get3A_1015, %select_n3A_1006 : vector<16xf32>
      %select_n3A_1020 = arith.select %gt3A_1019, %get3A_1015, %select_n3A_1006 : vector<16xi1>, vector<16xf32>
      %select_n3A_1021 = arith.select %gt3A_1018, %select_n3A_1009, %select_n3A_1020 : vector<16xi1>, vector<16xf32>
      %select_n3A_1022 = arith.select %gt3A_1019, %broadcast_in_dim3A_1017, %select_n3A_1008 : vector<16xi1>, vector<16xi32>
      %select_n3A_1023 = arith.select %gt3A_1018, %select_n3A_1010, %select_n3A_1022 : vector<16xi1>, vector<16xi32>
      %select_n3A_1024 = arith.select %gt3A_1018, %get3A_1015, %select_n3A_1009 : vector<16xi1>, vector<16xf32>
      %select_n3A_1025 = arith.select %gt3A_1018, %broadcast_in_dim3A_1017, %select_n3A_1010 : vector<16xi1>, vector<16xi32>
      %get3A_1026 = arith.constant 38 : i32
      %get3A_1027 = arith.index_cast %get3A_1026 : i32 to index
      %get3A_1028 = arith.index_cast %select_n3A : i32 to index
      %get3A_1029 = arith.index_cast %multiple_of3A_136 : i32 to index
      %get3A_1030 = tpu.vector_load %arg4[%get3A_1027, %get3A_1028, %get3A_1029] {strides = array<i32>} : memref<64x2x128xf32, #tpu.memory_space<vmem>>, vector<16xf32>,
      %broadcast_in_dim3A_1031 = arith.constant 38 : i32
      %broadcast_in_dim3A_1032 = vector.broadcast %broadcast_in_dim3A_1031 : i32 to vector<16xi32>
      %gt3A_1033 = arith.cmpf ogt, %get3A_1030, %select_n3A_1024 : vector<16xf32>
      %gt3A_1034 = arith.cmpf ogt, %get3A_1030, %select_n3A_1021 : vector<16xf32>
      %select_n3A_1035 = arith.select %gt3A_1034, %get3A_1030, %select_n3A_1021 : vector<16xi1>, vector<16xf32>
      %select_n3A_1036 = arith.select %gt3A_1033, %select_n3A_1024, %select_n3A_1035 : vector<16xi1>, vector<16xf32>
      %select_n3A_1037 = arith.select %gt3A_1034, %broadcast_in_dim3A_1032, %select_n3A_1023 : vector<16xi1>, vector<16xi32>
      %select_n3A_1038 = arith.select %gt3A_1033, %select_n3A_1025, %select_n3A_1037 : vector<16xi1>, vector<16xi32>
      %select_n3A_1039 = arith.select %gt3A_1033, %get3A_1030, %select_n3A_1024 : vector<16xi1>, vector<16xf32>
      %select_n3A_1040 = arith.select %gt3A_1033, %broadcast_in_dim3A_1032, %select_n3A_1025 : vector<16xi1>, vector<16xi32>
      %get3A_1041 = arith.constant 39 : i32
      %get3A_1042 = arith.index_cast %get3A_1041 : i32 to index
      %get3A_1043 = arith.index_cast %select_n3A : i32 to index
      %get3A_1044 = arith.index_cast %multiple_of3A_136 : i32 to index
      %get3A_1045 = tpu.vector_load %arg4[%get3A_1042, %get3A_1043, %get3A_1044] {strides = array<i32>} : memref<64x2x128xf32, #tpu.memory_space<vmem>>, vector<16xf32>,
      %broadcast_in_dim3A_1046 = arith.constant 39 : i32
      %broadcast_in_dim3A_1047 = vector.broadcast %broadcast_in_dim3A_1046 : i32 to vector<16xi32>
      %gt3A_1048 = arith.cmpf ogt, %get3A_1045, %select_n3A_1039 : vector<16xf32>
      %gt3A_1049 = arith.cmpf ogt, %get3A_1045, %select_n3A_1036 : vector<16xf32>
      %select_n3A_1050 = arith.select %gt3A_1049, %get3A_1045, %select_n3A_1036 : vector<16xi1>, vector<16xf32>
      %select_n3A_1051 = arith.select %gt3A_1048, %select_n3A_1039, %select_n3A_1050 : vector<16xi1>, vector<16xf32>
      %select_n3A_1052 = arith.select %gt3A_1049, %broadcast_in_dim3A_1047, %select_n3A_1038 : vector<16xi1>, vector<16xi32>
      %select_n3A_1053 = arith.select %gt3A_1048, %select_n3A_1040, %select_n3A_1052 : vector<16xi1>, vector<16xi32>
      %select_n3A_1054 = arith.select %gt3A_1048, %get3A_1045, %select_n3A_1039 : vector<16xi1>, vector<16xf32>
      %select_n3A_1055 = arith.select %gt3A_1048, %broadcast_in_dim3A_1047, %select_n3A_1040 : vector<16xi1>, vector<16xi32>
      %get3A_1056 = arith.constant 40 : i32
      %get3A_1057 = arith.index_cast %get3A_1056 : i32 to index
      %get3A_1058 = arith.index_cast %select_n3A : i32 to index
      %get3A_1059 = arith.index_cast %multiple_of3A_136 : i32 to index
      %get3A_1060 = tpu.vector_load %arg4[%get3A_1057, %get3A_1058, %get3A_1059] {strides = array<i32>} : memref<64x2x128xf32, #tpu.memory_space<vmem>>, vector<16xf32>,
      %broadcast_in_dim3A_1061 = arith.constant 40 : i32
      %broadcast_in_dim3A_1062 = vector.broadcast %broadcast_in_dim3A_1061 : i32 to vector<16xi32>
      %gt3A_1063 = arith.cmpf ogt, %get3A_1060, %select_n3A_1054 : vector<16xf32>
      %gt3A_1064 = arith.cmpf ogt, %get3A_1060, %select_n3A_1051 : vector<16xf32>
      %select_n3A_1065 = arith.select %gt3A_1064, %get3A_1060, %select_n3A_1051 : vector<16xi1>, vector<16xf32>
      %select_n3A_1066 = arith.select %gt3A_1063, %select_n3A_1054, %select_n3A_1065 : vector<16xi1>, vector<16xf32>
      %select_n3A_1067 = arith.select %gt3A_1064, %broadcast_in_dim3A_1062, %select_n3A_1053 : vector<16xi1>, vector<16xi32>
      %select_n3A_1068 = arith.select %gt3A_1063, %select_n3A_1055, %select_n3A_1067 : vector<16xi1>, vector<16xi32>
      %select_n3A_1069 = arith.select %gt3A_1063, %get3A_1060, %select_n3A_1054 : vector<16xi1>, vector<16xf32>
      %select_n3A_1070 = arith.select %gt3A_1063, %broadcast_in_dim3A_1062, %select_n3A_1055 : vector<16xi1>, vector<16xi32>
      %get3A_1071 = arith.constant 41 : i32
      %get3A_1072 = arith.index_cast %get3A_1071 : i32 to index
      %get3A_1073 = arith.index_cast %select_n3A : i32 to index
      %get3A_1074 = arith.index_cast %multiple_of3A_136 : i32 to index
      %get3A_1075 = tpu.vector_load %arg4[%get3A_1072, %get3A_1073, %get3A_1074] {strides = array<i32>} : memref<64x2x128xf32, #tpu.memory_space<vmem>>, vector<16xf32>,
      %broadcast_in_dim3A_1076 = arith.constant 41 : i32
      %broadcast_in_dim3A_1077 = vector.broadcast %broadcast_in_dim3A_1076 : i32 to vector<16xi32>
      %gt3A_1078 = arith.cmpf ogt, %get3A_1075, %select_n3A_1069 : vector<16xf32>
      %gt3A_1079 = arith.cmpf ogt, %get3A_1075, %select_n3A_1066 : vector<16xf32>
      %select_n3A_1080 = arith.select %gt3A_1079, %get3A_1075, %select_n3A_1066 : vector<16xi1>, vector<16xf32>
      %select_n3A_1081 = arith.select %gt3A_1078, %select_n3A_1069, %select_n3A_1080 : vector<16xi1>, vector<16xf32>
      %select_n3A_1082 = arith.select %gt3A_1079, %broadcast_in_dim3A_1077, %select_n3A_1068 : vector<16xi1>, vector<16xi32>
      %select_n3A_1083 = arith.select %gt3A_1078, %select_n3A_1070, %select_n3A_1082 : vector<16xi1>, vector<16xi32>
      %select_n3A_1084 = arith.select %gt3A_1078, %get3A_1075, %select_n3A_1069 : vector<16xi1>, vector<16xf32>
      %select_n3A_1085 = arith.select %gt3A_1078, %broadcast_in_dim3A_1077, %select_n3A_1070 : vector<16xi1>, vector<16xi32>
      %get3A_1086 = arith.constant 42 : i32
      %get3A_1087 = arith.index_cast %get3A_1086 : i32 to index
      %get3A_1088 = arith.index_cast %select_n3A : i32 to index
      %get3A_1089 = arith.index_cast %multiple_of3A_136 : i32 to index
      %get3A_1090 = tpu.vector_load %arg4[%get3A_1087, %get3A_1088, %get3A_1089] {strides = array<i32>} : memref<64x2x128xf32, #tpu.memory_space<vmem>>, vector<16xf32>,
      %broadcast_in_dim3A_1091 = arith.constant 42 : i32
      %broadcast_in_dim3A_1092 = vector.broadcast %broadcast_in_dim3A_1091 : i32 to vector<16xi32>
      %gt3A_1093 = arith.cmpf ogt, %get3A_1090, %select_n3A_1084 : vector<16xf32>
      %gt3A_1094 = arith.cmpf ogt, %get3A_1090, %select_n3A_1081 : vector<16xf32>
      %select_n3A_1095 = arith.select %gt3A_1094, %get3A_1090, %select_n3A_1081 : vector<16xi1>, vector<16xf32>
      %select_n3A_1096 = arith.select %gt3A_1093, %select_n3A_1084, %select_n3A_1095 : vector<16xi1>, vector<16xf32>
      %select_n3A_1097 = arith.select %gt3A_1094, %broadcast_in_dim3A_1092, %select_n3A_1083 : vector<16xi1>, vector<16xi32>
      %select_n3A_1098 = arith.select %gt3A_1093, %select_n3A_1085, %select_n3A_1097 : vector<16xi1>, vector<16xi32>
      %select_n3A_1099 = arith.select %gt3A_1093, %get3A_1090, %select_n3A_1084 : vector<16xi1>, vector<16xf32>
      %select_n3A_1100 = arith.select %gt3A_1093, %broadcast_in_dim3A_1092, %select_n3A_1085 : vector<16xi1>, vector<16xi32>
      %get3A_1101 = arith.constant 43 : i32
      %get3A_1102 = arith.index_cast %get3A_1101 : i32 to index
      %get3A_1103 = arith.index_cast %select_n3A : i32 to index
      %get3A_1104 = arith.index_cast %multiple_of3A_136 : i32 to index
      %get3A_1105 = tpu.vector_load %arg4[%get3A_1102, %get3A_1103, %get3A_1104] {strides = array<i32>} : memref<64x2x128xf32, #tpu.memory_space<vmem>>, vector<16xf32>,
      %broadcast_in_dim3A_1106 = arith.constant 43 : i32
      %broadcast_in_dim3A_1107 = vector.broadcast %broadcast_in_dim3A_1106 : i32 to vector<16xi32>
      %gt3A_1108 = arith.cmpf ogt, %get3A_1105, %select_n3A_1099 : vector<16xf32>
      %gt3A_1109 = arith.cmpf ogt, %get3A_1105, %select_n3A_1096 : vector<16xf32>
      %select_n3A_1110 = arith.select %gt3A_1109, %get3A_1105, %select_n3A_1096 : vector<16xi1>, vector<16xf32>
      %select_n3A_1111 = arith.select %gt3A_1108, %select_n3A_1099, %select_n3A_1110 : vector<16xi1>, vector<16xf32>
      %select_n3A_1112 = arith.select %gt3A_1109, %broadcast_in_dim3A_1107, %select_n3A_1098 : vector<16xi1>, vector<16xi32>
      %select_n3A_1113 = arith.select %gt3A_1108, %select_n3A_1100, %select_n3A_1112 : vector<16xi1>, vector<16xi32>
      %select_n3A_1114 = arith.select %gt3A_1108, %get3A_1105, %select_n3A_1099 : vector<16xi1>, vector<16xf32>
      %select_n3A_1115 = arith.select %gt3A_1108, %broadcast_in_dim3A_1107, %select_n3A_1100 : vector<16xi1>, vector<16xi32>
      %get3A_1116 = arith.constant 44 : i32
      %get3A_1117 = arith.index_cast %get3A_1116 : i32 to index
      %get3A_1118 = arith.index_cast %select_n3A : i32 to index
      %get3A_1119 = arith.index_cast %multiple_of3A_136 : i32 to index
      %get3A_1120 = tpu.vector_load %arg4[%get3A_1117, %get3A_1118, %get3A_1119] {strides = array<i32>} : memref<64x2x128xf32, #tpu.memory_space<vmem>>, vector<16xf32>,
      %broadcast_in_dim3A_1121 = arith.constant 44 : i32
      %broadcast_in_dim3A_1122 = vector.broadcast %broadcast_in_dim3A_1121 : i32 to vector<16xi32>
      %gt3A_1123 = arith.cmpf ogt, %get3A_1120, %select_n3A_1114 : vector<16xf32>
      %gt3A_1124 = arith.cmpf ogt, %get3A_1120, %select_n3A_1111 : vector<16xf32>
      %select_n3A_1125 = arith.select %gt3A_1124, %get3A_1120, %select_n3A_1111 : vector<16xi1>, vector<16xf32>
      %select_n3A_1126 = arith.select %gt3A_1123, %select_n3A_1114, %select_n3A_1125 : vector<16xi1>, vector<16xf32>
      %select_n3A_1127 = arith.select %gt3A_1124, %broadcast_in_dim3A_1122, %select_n3A_1113 : vector<16xi1>, vector<16xi32>
      %select_n3A_1128 = arith.select %gt3A_1123, %select_n3A_1115, %select_n3A_1127 : vector<16xi1>, vector<16xi32>
      %select_n3A_1129 = arith.select %gt3A_1123, %get3A_1120, %select_n3A_1114 : vector<16xi1>, vector<16xf32>
      %select_n3A_1130 = arith.select %gt3A_1123, %broadcast_in_dim3A_1122, %select_n3A_1115 : vector<16xi1>, vector<16xi32>
      %get3A_1131 = arith.constant 45 : i32
      %get3A_1132 = arith.index_cast %get3A_1131 : i32 to index
      %get3A_1133 = arith.index_cast %select_n3A : i32 to index
      %get3A_1134 = arith.index_cast %multiple_of3A_136 : i32 to index
      %get3A_1135 = tpu.vector_load %arg4[%get3A_1132, %get3A_1133, %get3A_1134] {strides = array<i32>} : memref<64x2x128xf32, #tpu.memory_space<vmem>>, vector<16xf32>,
      %broadcast_in_dim3A_1136 = arith.constant 45 : i32
      %broadcast_in_dim3A_1137 = vector.broadcast %broadcast_in_dim3A_1136 : i32 to vector<16xi32>
      %gt3A_1138 = arith.cmpf ogt, %get3A_1135, %select_n3A_1129 : vector<16xf32>
      %gt3A_1139 = arith.cmpf ogt, %get3A_1135, %select_n3A_1126 : vector<16xf32>
      %select_n3A_1140 = arith.select %gt3A_1139, %get3A_1135, %select_n3A_1126 : vector<16xi1>, vector<16xf32>
      %select_n3A_1141 = arith.select %gt3A_1138, %select_n3A_1129, %select_n3A_1140 : vector<16xi1>, vector<16xf32>
      %select_n3A_1142 = arith.select %gt3A_1139, %broadcast_in_dim3A_1137, %select_n3A_1128 : vector<16xi1>, vector<16xi32>
      %select_n3A_1143 = arith.select %gt3A_1138, %select_n3A_1130, %select_n3A_1142 : vector<16xi1>, vector<16xi32>
      %select_n3A_1144 = arith.select %gt3A_1138, %get3A_1135, %select_n3A_1129 : vector<16xi1>, vector<16xf32>
      %select_n3A_1145 = arith.select %gt3A_1138, %broadcast_in_dim3A_1137, %select_n3A_1130 : vector<16xi1>, vector<16xi32>
      %get3A_1146 = arith.constant 46 : i32
      %get3A_1147 = arith.index_cast %get3A_1146 : i32 to index
      %get3A_1148 = arith.index_cast %select_n3A : i32 to index
      %get3A_1149 = arith.index_cast %multiple_of3A_136 : i32 to index
      %get3A_1150 = tpu.vector_load %arg4[%get3A_1147, %get3A_1148, %get3A_1149] {strides = array<i32>} : memref<64x2x128xf32, #tpu.memory_space<vmem>>, vector<16xf32>,
      %broadcast_in_dim3A_1151 = arith.constant 46 : i32
      %broadcast_in_dim3A_1152 = vector.broadcast %broadcast_in_dim3A_1151 : i32 to vector<16xi32>
      %gt3A_1153 = arith.cmpf ogt, %get3A_1150, %select_n3A_1144 : vector<16xf32>
      %gt3A_1154 = arith.cmpf ogt, %get3A_1150, %select_n3A_1141 : vector<16xf32>
      %select_n3A_1155 = arith.select %gt3A_1154, %get3A_1150, %select_n3A_1141 : vector<16xi1>, vector<16xf32>
      %select_n3A_1156 = arith.select %gt3A_1153, %select_n3A_1144, %select_n3A_1155 : vector<16xi1>, vector<16xf32>
      %select_n3A_1157 = arith.select %gt3A_1154, %broadcast_in_dim3A_1152, %select_n3A_1143 : vector<16xi1>, vector<16xi32>
      %select_n3A_1158 = arith.select %gt3A_1153, %select_n3A_1145, %select_n3A_1157 : vector<16xi1>, vector<16xi32>
      %select_n3A_1159 = arith.select %gt3A_1153, %get3A_1150, %select_n3A_1144 : vector<16xi1>, vector<16xf32>
      %select_n3A_1160 = arith.select %gt3A_1153, %broadcast_in_dim3A_1152, %select_n3A_1145 : vector<16xi1>, vector<16xi32>
      %get3A_1161 = arith.constant 47 : i32
      %get3A_1162 = arith.index_cast %get3A_1161 : i32 to index
      %get3A_1163 = arith.index_cast %select_n3A : i32 to index
      %get3A_1164 = arith.index_cast %multiple_of3A_136 : i32 to index
      %get3A_1165 = tpu.vector_load %arg4[%get3A_1162, %get3A_1163, %get3A_1164] {strides = array<i32>} : memref<64x2x128xf32, #tpu.memory_space<vmem>>, vector<16xf32>,
      %broadcast_in_dim3A_1166 = arith.constant 47 : i32
      %broadcast_in_dim3A_1167 = vector.broadcast %broadcast_in_dim3A_1166 : i32 to vector<16xi32>
      %gt3A_1168 = arith.cmpf ogt, %get3A_1165, %select_n3A_1159 : vector<16xf32>
      %gt3A_1169 = arith.cmpf ogt, %get3A_1165, %select_n3A_1156 : vector<16xf32>
      %select_n3A_1170 = arith.select %gt3A_1169, %get3A_1165, %select_n3A_1156 : vector<16xi1>, vector<16xf32>
      %select_n3A_1171 = arith.select %gt3A_1168, %select_n3A_1159, %select_n3A_1170 : vector<16xi1>, vector<16xf32>
      %select_n3A_1172 = arith.select %gt3A_1169, %broadcast_in_dim3A_1167, %select_n3A_1158 : vector<16xi1>, vector<16xi32>
      %select_n3A_1173 = arith.select %gt3A_1168, %select_n3A_1160, %select_n3A_1172 : vector<16xi1>, vector<16xi32>
      %select_n3A_1174 = arith.select %gt3A_1168, %get3A_1165, %select_n3A_1159 : vector<16xi1>, vector<16xf32>
      %select_n3A_1175 = arith.select %gt3A_1168, %broadcast_in_dim3A_1167, %select_n3A_1160 : vector<16xi1>, vector<16xi32>
      %get3A_1176 = arith.constant 48 : i32
      %get3A_1177 = arith.index_cast %get3A_1176 : i32 to index
      %get3A_1178 = arith.index_cast %select_n3A : i32 to index
      %get3A_1179 = arith.index_cast %multiple_of3A_136 : i32 to index
      %get3A_1180 = tpu.vector_load %arg4[%get3A_1177, %get3A_1178, %get3A_1179] {strides = array<i32>} : memref<64x2x128xf32, #tpu.memory_space<vmem>>, vector<16xf32>,
      %broadcast_in_dim3A_1181 = arith.constant 48 : i32
      %broadcast_in_dim3A_1182 = vector.broadcast %broadcast_in_dim3A_1181 : i32 to vector<16xi32>
      %gt3A_1183 = arith.cmpf ogt, %get3A_1180, %broadcast_in_dim3A_51 : vector<16xf32>
      %gt3A_1184 = arith.cmpf ogt, %get3A_1180, %broadcast_in_dim3A_51 : vector<16xf32>
      %select_n3A_1185 = arith.select %gt3A_1184, %get3A_1180, %broadcast_in_dim3A_51 : vector<16xi1>, vector<16xf32>
      %select_n3A_1186 = arith.select %gt3A_1183, %broadcast_in_dim3A_51, %select_n3A_1185 : vector<16xi1>, vector<16xf32>
      %select_n3A_1187 = arith.select %gt3A_1184, %broadcast_in_dim3A_1182, %broadcast_in_dim3A_53 : vector<16xi1>, vector<16xi32>
      %select_n3A_1188 = arith.select %gt3A_1183, %broadcast_in_dim3A_53, %select_n3A_1187 : vector<16xi1>, vector<16xi32>
      %select_n3A_1189 = arith.select %gt3A_1183, %get3A_1180, %broadcast_in_dim3A_51 : vector<16xi1>, vector<16xf32>
      %select_n3A_1190 = arith.select %gt3A_1183, %broadcast_in_dim3A_1182, %broadcast_in_dim3A_53 : vector<16xi1>, vector<16xi32>
      %get3A_1191 = arith.constant 49 : i32
      %get3A_1192 = arith.index_cast %get3A_1191 : i32 to index
      %get3A_1193 = arith.index_cast %select_n3A : i32 to index
      %get3A_1194 = arith.index_cast %multiple_of3A_136 : i32 to index
      %get3A_1195 = tpu.vector_load %arg4[%get3A_1192, %get3A_1193, %get3A_1194] {strides = array<i32>} : memref<64x2x128xf32, #tpu.memory_space<vmem>>, vector<16xf32>,
      %broadcast_in_dim3A_1196 = arith.constant 49 : i32
      %broadcast_in_dim3A_1197 = vector.broadcast %broadcast_in_dim3A_1196 : i32 to vector<16xi32>
      %gt3A_1198 = arith.cmpf ogt, %get3A_1195, %select_n3A_1189 : vector<16xf32>
      %gt3A_1199 = arith.cmpf ogt, %get3A_1195, %select_n3A_1186 : vector<16xf32>
      %select_n3A_1200 = arith.select %gt3A_1199, %get3A_1195, %select_n3A_1186 : vector<16xi1>, vector<16xf32>
      %select_n3A_1201 = arith.select %gt3A_1198, %select_n3A_1189, %select_n3A_1200 : vector<16xi1>, vector<16xf32>
      %select_n3A_1202 = arith.select %gt3A_1199, %broadcast_in_dim3A_1197, %select_n3A_1188 : vector<16xi1>, vector<16xi32>
      %select_n3A_1203 = arith.select %gt3A_1198, %select_n3A_1190, %select_n3A_1202 : vector<16xi1>, vector<16xi32>
      %select_n3A_1204 = arith.select %gt3A_1198, %get3A_1195, %select_n3A_1189 : vector<16xi1>, vector<16xf32>
      %select_n3A_1205 = arith.select %gt3A_1198, %broadcast_in_dim3A_1197, %select_n3A_1190 : vector<16xi1>, vector<16xi32>
      %get3A_1206 = arith.constant 50 : i32
      %get3A_1207 = arith.index_cast %get3A_1206 : i32 to index
      %get3A_1208 = arith.index_cast %select_n3A : i32 to index
      %get3A_1209 = arith.index_cast %multiple_of3A_136 : i32 to index
      %get3A_1210 = tpu.vector_load %arg4[%get3A_1207, %get3A_1208, %get3A_1209] {strides = array<i32>} : memref<64x2x128xf32, #tpu.memory_space<vmem>>, vector<16xf32>,
      %broadcast_in_dim3A_1211 = arith.constant 50 : i32
      %broadcast_in_dim3A_1212 = vector.broadcast %broadcast_in_dim3A_1211 : i32 to vector<16xi32>
      %gt3A_1213 = arith.cmpf ogt, %get3A_1210, %select_n3A_1204 : vector<16xf32>
      %gt3A_1214 = arith.cmpf ogt, %get3A_1210, %select_n3A_1201 : vector<16xf32>
      %select_n3A_1215 = arith.select %gt3A_1214, %get3A_1210, %select_n3A_1201 : vector<16xi1>, vector<16xf32>
      %select_n3A_1216 = arith.select %gt3A_1213, %select_n3A_1204, %select_n3A_1215 : vector<16xi1>, vector<16xf32>
      %select_n3A_1217 = arith.select %gt3A_1214, %broadcast_in_dim3A_1212, %select_n3A_1203 : vector<16xi1>, vector<16xi32>
      %select_n3A_1218 = arith.select %gt3A_1213, %select_n3A_1205, %select_n3A_1217 : vector<16xi1>, vector<16xi32>
      %select_n3A_1219 = arith.select %gt3A_1213, %get3A_1210, %select_n3A_1204 : vector<16xi1>, vector<16xf32>
      %select_n3A_1220 = arith.select %gt3A_1213, %broadcast_in_dim3A_1212, %select_n3A_1205 : vector<16xi1>, vector<16xi32>
      %get3A_1221 = arith.constant 51 : i32
      %get3A_1222 = arith.index_cast %get3A_1221 : i32 to index
      %get3A_1223 = arith.index_cast %select_n3A : i32 to index
      %get3A_1224 = arith.index_cast %multiple_of3A_136 : i32 to index
      %get3A_1225 = tpu.vector_load %arg4[%get3A_1222, %get3A_1223, %get3A_1224] {strides = array<i32>} : memref<64x2x128xf32, #tpu.memory_space<vmem>>, vector<16xf32>,
      %broadcast_in_dim3A_1226 = arith.constant 51 : i32
      %broadcast_in_dim3A_1227 = vector.broadcast %broadcast_in_dim3A_1226 : i32 to vector<16xi32>
      %gt3A_1228 = arith.cmpf ogt, %get3A_1225, %select_n3A_1219 : vector<16xf32>
      %gt3A_1229 = arith.cmpf ogt, %get3A_1225, %select_n3A_1216 : vector<16xf32>
      %select_n3A_1230 = arith.select %gt3A_1229, %get3A_1225, %select_n3A_1216 : vector<16xi1>, vector<16xf32>
      %select_n3A_1231 = arith.select %gt3A_1228, %select_n3A_1219, %select_n3A_1230 : vector<16xi1>, vector<16xf32>
      %select_n3A_1232 = arith.select %gt3A_1229, %broadcast_in_dim3A_1227, %select_n3A_1218 : vector<16xi1>, vector<16xi32>
      %select_n3A_1233 = arith.select %gt3A_1228, %select_n3A_1220, %select_n3A_1232 : vector<16xi1>, vector<16xi32>
      %select_n3A_1234 = arith.select %gt3A_1228, %get3A_1225, %select_n3A_1219 : vector<16xi1>, vector<16xf32>
      %select_n3A_1235 = arith.select %gt3A_1228, %broadcast_in_dim3A_1227, %select_n3A_1220 : vector<16xi1>, vector<16xi32>
      %get3A_1236 = arith.constant 52 : i32
      %get3A_1237 = arith.index_cast %get3A_1236 : i32 to index
      %get3A_1238 = arith.index_cast %select_n3A : i32 to index
      %get3A_1239 = arith.index_cast %multiple_of3A_136 : i32 to index
      %get3A_1240 = tpu.vector_load %arg4[%get3A_1237, %get3A_1238, %get3A_1239] {strides = array<i32>} : memref<64x2x128xf32, #tpu.memory_space<vmem>>, vector<16xf32>,
      %broadcast_in_dim3A_1241 = arith.constant 52 : i32
      %broadcast_in_dim3A_1242 = vector.broadcast %broadcast_in_dim3A_1241 : i32 to vector<16xi32>
      %gt3A_1243 = arith.cmpf ogt, %get3A_1240, %select_n3A_1234 : vector<16xf32>
      %gt3A_1244 = arith.cmpf ogt, %get3A_1240, %select_n3A_1231 : vector<16xf32>
      %select_n3A_1245 = arith.select %gt3A_1244, %get3A_1240, %select_n3A_1231 : vector<16xi1>, vector<16xf32>
      %select_n3A_1246 = arith.select %gt3A_1243, %select_n3A_1234, %select_n3A_1245 : vector<16xi1>, vector<16xf32>
      %select_n3A_1247 = arith.select %gt3A_1244, %broadcast_in_dim3A_1242, %select_n3A_1233 : vector<16xi1>, vector<16xi32>
      %select_n3A_1248 = arith.select %gt3A_1243, %select_n3A_1235, %select_n3A_1247 : vector<16xi1>, vector<16xi32>
      %select_n3A_1249 = arith.select %gt3A_1243, %get3A_1240, %select_n3A_1234 : vector<16xi1>, vector<16xf32>
      %select_n3A_1250 = arith.select %gt3A_1243, %broadcast_in_dim3A_1242, %select_n3A_1235 : vector<16xi1>, vector<16xi32>
      %get3A_1251 = arith.constant 53 : i32
      %get3A_1252 = arith.index_cast %get3A_1251 : i32 to index
      %get3A_1253 = arith.index_cast %select_n3A : i32 to index
      %get3A_1254 = arith.index_cast %multiple_of3A_136 : i32 to index
      %get3A_1255 = tpu.vector_load %arg4[%get3A_1252, %get3A_1253, %get3A_1254] {strides = array<i32>} : memref<64x2x128xf32, #tpu.memory_space<vmem>>, vector<16xf32>,
      %broadcast_in_dim3A_1256 = arith.constant 53 : i32
      %broadcast_in_dim3A_1257 = vector.broadcast %broadcast_in_dim3A_1256 : i32 to vector<16xi32>
      %gt3A_1258 = arith.cmpf ogt, %get3A_1255, %select_n3A_1249 : vector<16xf32>
      %gt3A_1259 = arith.cmpf ogt, %get3A_1255, %select_n3A_1246 : vector<16xf32>
      %select_n3A_1260 = arith.select %gt3A_1259, %get3A_1255, %select_n3A_1246 : vector<16xi1>, vector<16xf32>
      %select_n3A_1261 = arith.select %gt3A_1258, %select_n3A_1249, %select_n3A_1260 : vector<16xi1>, vector<16xf32>
      %select_n3A_1262 = arith.select %gt3A_1259, %broadcast_in_dim3A_1257, %select_n3A_1248 : vector<16xi1>, vector<16xi32>
      %select_n3A_1263 = arith.select %gt3A_1258, %select_n3A_1250, %select_n3A_1262 : vector<16xi1>, vector<16xi32>
      %select_n3A_1264 = arith.select %gt3A_1258, %get3A_1255, %select_n3A_1249 : vector<16xi1>, vector<16xf32>
      %select_n3A_1265 = arith.select %gt3A_1258, %broadcast_in_dim3A_1257, %select_n3A_1250 : vector<16xi1>, vector<16xi32>
      %get3A_1266 = arith.constant 54 : i32
      %get3A_1267 = arith.index_cast %get3A_1266 : i32 to index
      %get3A_1268 = arith.index_cast %select_n3A : i32 to index
      %get3A_1269 = arith.index_cast %multiple_of3A_136 : i32 to index
      %get3A_1270 = tpu.vector_load %arg4[%get3A_1267, %get3A_1268, %get3A_1269] {strides = array<i32>} : memref<64x2x128xf32, #tpu.memory_space<vmem>>, vector<16xf32>,
      %broadcast_in_dim3A_1271 = arith.constant 54 : i32
      %broadcast_in_dim3A_1272 = vector.broadcast %broadcast_in_dim3A_1271 : i32 to vector<16xi32>
      %gt3A_1273 = arith.cmpf ogt, %get3A_1270, %select_n3A_1264 : vector<16xf32>
      %gt3A_1274 = arith.cmpf ogt, %get3A_1270, %select_n3A_1261 : vector<16xf32>
      %select_n3A_1275 = arith.select %gt3A_1274, %get3A_1270, %select_n3A_1261 : vector<16xi1>, vector<16xf32>
      %select_n3A_1276 = arith.select %gt3A_1273, %select_n3A_1264, %select_n3A_1275 : vector<16xi1>, vector<16xf32>
      %select_n3A_1277 = arith.select %gt3A_1274, %broadcast_in_dim3A_1272, %select_n3A_1263 : vector<16xi1>, vector<16xi32>
      %select_n3A_1278 = arith.select %gt3A_1273, %select_n3A_1265, %select_n3A_1277 : vector<16xi1>, vector<16xi32>
      %select_n3A_1279 = arith.select %gt3A_1273, %get3A_1270, %select_n3A_1264 : vector<16xi1>, vector<16xf32>
      %select_n3A_1280 = arith.select %gt3A_1273, %broadcast_in_dim3A_1272, %select_n3A_1265 : vector<16xi1>, vector<16xi32>
      %get3A_1281 = arith.constant 55 : i32
      %get3A_1282 = arith.index_cast %get3A_1281 : i32 to index
      %get3A_1283 = arith.index_cast %select_n3A : i32 to index
      %get3A_1284 = arith.index_cast %multiple_of3A_136 : i32 to index
      %get3A_1285 = tpu.vector_load %arg4[%get3A_1282, %get3A_1283, %get3A_1284] {strides = array<i32>} : memref<64x2x128xf32, #tpu.memory_space<vmem>>, vector<16xf32>,
      %broadcast_in_dim3A_1286 = arith.constant 55 : i32
      %broadcast_in_dim3A_1287 = vector.broadcast %broadcast_in_dim3A_1286 : i32 to vector<16xi32>
      %gt3A_1288 = arith.cmpf ogt, %get3A_1285, %select_n3A_1279 : vector<16xf32>
      %gt3A_1289 = arith.cmpf ogt, %get3A_1285, %select_n3A_1276 : vector<16xf32>
      %select_n3A_1290 = arith.select %gt3A_1289, %get3A_1285, %select_n3A_1276 : vector<16xi1>, vector<16xf32>
      %select_n3A_1291 = arith.select %gt3A_1288, %select_n3A_1279, %select_n3A_1290 : vector<16xi1>, vector<16xf32>
      %select_n3A_1292 = arith.select %gt3A_1289, %broadcast_in_dim3A_1287, %select_n3A_1278 : vector<16xi1>, vector<16xi32>
      %select_n3A_1293 = arith.select %gt3A_1288, %select_n3A_1280, %select_n3A_1292 : vector<16xi1>, vector<16xi32>
      %select_n3A_1294 = arith.select %gt3A_1288, %get3A_1285, %select_n3A_1279 : vector<16xi1>, vector<16xf32>
      %select_n3A_1295 = arith.select %gt3A_1288, %broadcast_in_dim3A_1287, %select_n3A_1280 : vector<16xi1>, vector<16xi32>
      %get3A_1296 = arith.constant 56 : i32
      %get3A_1297 = arith.index_cast %get3A_1296 : i32 to index
      %get3A_1298 = arith.index_cast %select_n3A : i32 to index
      %get3A_1299 = arith.index_cast %multiple_of3A_136 : i32 to index
      %get3A_1300 = tpu.vector_load %arg4[%get3A_1297, %get3A_1298, %get3A_1299] {strides = array<i32>} : memref<64x2x128xf32, #tpu.memory_space<vmem>>, vector<16xf32>,
      %broadcast_in_dim3A_1301 = arith.constant 56 : i32
      %broadcast_in_dim3A_1302 = vector.broadcast %broadcast_in_dim3A_1301 : i32 to vector<16xi32>
      %gt3A_1303 = arith.cmpf ogt, %get3A_1300, %select_n3A_1294 : vector<16xf32>
      %gt3A_1304 = arith.cmpf ogt, %get3A_1300, %select_n3A_1291 : vector<16xf32>
      %select_n3A_1305 = arith.select %gt3A_1304, %get3A_1300, %select_n3A_1291 : vector<16xi1>, vector<16xf32>
      %select_n3A_1306 = arith.select %gt3A_1303, %select_n3A_1294, %select_n3A_1305 : vector<16xi1>, vector<16xf32>
      %select_n3A_1307 = arith.select %gt3A_1304, %broadcast_in_dim3A_1302, %select_n3A_1293 : vector<16xi1>, vector<16xi32>
      %select_n3A_1308 = arith.select %gt3A_1303, %select_n3A_1295, %select_n3A_1307 : vector<16xi1>, vector<16xi32>
      %select_n3A_1309 = arith.select %gt3A_1303, %get3A_1300, %select_n3A_1294 : vector<16xi1>, vector<16xf32>
      %select_n3A_1310 = arith.select %gt3A_1303, %broadcast_in_dim3A_1302, %select_n3A_1295 : vector<16xi1>, vector<16xi32>
      %get3A_1311 = arith.constant 57 : i32
      %get3A_1312 = arith.index_cast %get3A_1311 : i32 to index
      %get3A_1313 = arith.index_cast %select_n3A : i32 to index
      %get3A_1314 = arith.index_cast %multiple_of3A_136 : i32 to index
      %get3A_1315 = tpu.vector_load %arg4[%get3A_1312, %get3A_1313, %get3A_1314] {strides = array<i32>} : memref<64x2x128xf32, #tpu.memory_space<vmem>>, vector<16xf32>,
      %broadcast_in_dim3A_1316 = arith.constant 57 : i32
      %broadcast_in_dim3A_1317 = vector.broadcast %broadcast_in_dim3A_1316 : i32 to vector<16xi32>
      %gt3A_1318 = arith.cmpf ogt, %get3A_1315, %select_n3A_1309 : vector<16xf32>
      %gt3A_1319 = arith.cmpf ogt, %get3A_1315, %select_n3A_1306 : vector<16xf32>
      %select_n3A_1320 = arith.select %gt3A_1319, %get3A_1315, %select_n3A_1306 : vector<16xi1>, vector<16xf32>
      %select_n3A_1321 = arith.select %gt3A_1318, %select_n3A_1309, %select_n3A_1320 : vector<16xi1>, vector<16xf32>
      %select_n3A_1322 = arith.select %gt3A_1319, %broadcast_in_dim3A_1317, %select_n3A_1308 : vector<16xi1>, vector<16xi32>
      %select_n3A_1323 = arith.select %gt3A_1318, %select_n3A_1310, %select_n3A_1322 : vector<16xi1>, vector<16xi32>
      %select_n3A_1324 = arith.select %gt3A_1318, %get3A_1315, %select_n3A_1309 : vector<16xi1>, vector<16xf32>
      %select_n3A_1325 = arith.select %gt3A_1318, %broadcast_in_dim3A_1317, %select_n3A_1310 : vector<16xi1>, vector<16xi32>
      %get3A_1326 = arith.constant 58 : i32
      %get3A_1327 = arith.index_cast %get3A_1326 : i32 to index
      %get3A_1328 = arith.index_cast %select_n3A : i32 to index
      %get3A_1329 = arith.index_cast %multiple_of3A_136 : i32 to index
      %get3A_1330 = tpu.vector_load %arg4[%get3A_1327, %get3A_1328, %get3A_1329] {strides = array<i32>} : memref<64x2x128xf32, #tpu.memory_space<vmem>>, vector<16xf32>,
      %broadcast_in_dim3A_1331 = arith.constant 58 : i32
      %broadcast_in_dim3A_1332 = vector.broadcast %broadcast_in_dim3A_1331 : i32 to vector<16xi32>
      %gt3A_1333 = arith.cmpf ogt, %get3A_1330, %select_n3A_1324 : vector<16xf32>
      %gt3A_1334 = arith.cmpf ogt, %get3A_1330, %select_n3A_1321 : vector<16xf32>
      %select_n3A_1335 = arith.select %gt3A_1334, %get3A_1330, %select_n3A_1321 : vector<16xi1>, vector<16xf32>
      %select_n3A_1336 = arith.select %gt3A_1333, %select_n3A_1324, %select_n3A_1335 : vector<16xi1>, vector<16xf32>
      %select_n3A_1337 = arith.select %gt3A_1334, %broadcast_in_dim3A_1332, %select_n3A_1323 : vector<16xi1>, vector<16xi32>
      %select_n3A_1338 = arith.select %gt3A_1333, %select_n3A_1325, %select_n3A_1337 : vector<16xi1>, vector<16xi32>
      %select_n3A_1339 = arith.select %gt3A_1333, %get3A_1330, %select_n3A_1324 : vector<16xi1>, vector<16xf32>
      %select_n3A_1340 = arith.select %gt3A_1333, %broadcast_in_dim3A_1332, %select_n3A_1325 : vector<16xi1>, vector<16xi32>
      %get3A_1341 = arith.constant 59 : i32
      %get3A_1342 = arith.index_cast %get3A_1341 : i32 to index
      %get3A_1343 = arith.index_cast %select_n3A : i32 to index
      %get3A_1344 = arith.index_cast %multiple_of3A_136 : i32 to index
      %get3A_1345 = tpu.vector_load %arg4[%get3A_1342, %get3A_1343, %get3A_1344] {strides = array<i32>} : memref<64x2x128xf32, #tpu.memory_space<vmem>>, vector<16xf32>,
      %broadcast_in_dim3A_1346 = arith.constant 59 : i32
      %broadcast_in_dim3A_1347 = vector.broadcast %broadcast_in_dim3A_1346 : i32 to vector<16xi32>
      %gt3A_1348 = arith.cmpf ogt, %get3A_1345, %select_n3A_1339 : vector<16xf32>
      %gt3A_1349 = arith.cmpf ogt, %get3A_1345, %select_n3A_1336 : vector<16xf32>
      %select_n3A_1350 = arith.select %gt3A_1349, %get3A_1345, %select_n3A_1336 : vector<16xi1>, vector<16xf32>
      %select_n3A_1351 = arith.select %gt3A_1348, %select_n3A_1339, %select_n3A_1350 : vector<16xi1>, vector<16xf32>
      %select_n3A_1352 = arith.select %gt3A_1349, %broadcast_in_dim3A_1347, %select_n3A_1338 : vector<16xi1>, vector<16xi32>
      %select_n3A_1353 = arith.select %gt3A_1348, %select_n3A_1340, %select_n3A_1352 : vector<16xi1>, vector<16xi32>
      %select_n3A_1354 = arith.select %gt3A_1348, %get3A_1345, %select_n3A_1339 : vector<16xi1>, vector<16xf32>
      %select_n3A_1355 = arith.select %gt3A_1348, %broadcast_in_dim3A_1347, %select_n3A_1340 : vector<16xi1>, vector<16xi32>
      %get3A_1356 = arith.constant 60 : i32
      %get3A_1357 = arith.index_cast %get3A_1356 : i32 to index
      %get3A_1358 = arith.index_cast %select_n3A : i32 to index
      %get3A_1359 = arith.index_cast %multiple_of3A_136 : i32 to index
      %get3A_1360 = tpu.vector_load %arg4[%get3A_1357, %get3A_1358, %get3A_1359] {strides = array<i32>} : memref<64x2x128xf32, #tpu.memory_space<vmem>>, vector<16xf32>,
      %broadcast_in_dim3A_1361 = arith.constant 60 : i32
      %broadcast_in_dim3A_1362 = vector.broadcast %broadcast_in_dim3A_1361 : i32 to vector<16xi32>
      %gt3A_1363 = arith.cmpf ogt, %get3A_1360, %select_n3A_1354 : vector<16xf32>
      %gt3A_1364 = arith.cmpf ogt, %get3A_1360, %select_n3A_1351 : vector<16xf32>
      %select_n3A_1365 = arith.select %gt3A_1364, %get3A_1360, %select_n3A_1351 : vector<16xi1>, vector<16xf32>
      %select_n3A_1366 = arith.select %gt3A_1363, %select_n3A_1354, %select_n3A_1365 : vector<16xi1>, vector<16xf32>
      %select_n3A_1367 = arith.select %gt3A_1364, %broadcast_in_dim3A_1362, %select_n3A_1353 : vector<16xi1>, vector<16xi32>
      %select_n3A_1368 = arith.select %gt3A_1363, %select_n3A_1355, %select_n3A_1367 : vector<16xi1>, vector<16xi32>
      %select_n3A_1369 = arith.select %gt3A_1363, %get3A_1360, %select_n3A_1354 : vector<16xi1>, vector<16xf32>
      %select_n3A_1370 = arith.select %gt3A_1363, %broadcast_in_dim3A_1362, %select_n3A_1355 : vector<16xi1>, vector<16xi32>
      %get3A_1371 = arith.constant 61 : i32
      %get3A_1372 = arith.index_cast %get3A_1371 : i32 to index
      %get3A_1373 = arith.index_cast %select_n3A : i32 to index
      %get3A_1374 = arith.index_cast %multiple_of3A_136 : i32 to index
      %get3A_1375 = tpu.vector_load %arg4[%get3A_1372, %get3A_1373, %get3A_1374] {strides = array<i32>} : memref<64x2x128xf32, #tpu.memory_space<vmem>>, vector<16xf32>,
      %broadcast_in_dim3A_1376 = arith.constant 61 : i32
      %broadcast_in_dim3A_1377 = vector.broadcast %broadcast_in_dim3A_1376 : i32 to vector<16xi32>
      %gt3A_1378 = arith.cmpf ogt, %get3A_1375, %select_n3A_1369 : vector<16xf32>
      %gt3A_1379 = arith.cmpf ogt, %get3A_1375, %select_n3A_1366 : vector<16xf32>
      %select_n3A_1380 = arith.select %gt3A_1379, %get3A_1375, %select_n3A_1366 : vector<16xi1>, vector<16xf32>
      %select_n3A_1381 = arith.select %gt3A_1378, %select_n3A_1369, %select_n3A_1380 : vector<16xi1>, vector<16xf32>
      %select_n3A_1382 = arith.select %gt3A_1379, %broadcast_in_dim3A_1377, %select_n3A_1368 : vector<16xi1>, vector<16xi32>
      %select_n3A_1383 = arith.select %gt3A_1378, %select_n3A_1370, %select_n3A_1382 : vector<16xi1>, vector<16xi32>
      %select_n3A_1384 = arith.select %gt3A_1378, %get3A_1375, %select_n3A_1369 : vector<16xi1>, vector<16xf32>
      %select_n3A_1385 = arith.select %gt3A_1378, %broadcast_in_dim3A_1377, %select_n3A_1370 : vector<16xi1>, vector<16xi32>
      %get3A_1386 = arith.constant 62 : i32
      %get3A_1387 = arith.index_cast %get3A_1386 : i32 to index
      %get3A_1388 = arith.index_cast %select_n3A : i32 to index
      %get3A_1389 = arith.index_cast %multiple_of3A_136 : i32 to index
      %get3A_1390 = tpu.vector_load %arg4[%get3A_1387, %get3A_1388, %get3A_1389] {strides = array<i32>} : memref<64x2x128xf32, #tpu.memory_space<vmem>>, vector<16xf32>,
      %broadcast_in_dim3A_1391 = arith.constant 62 : i32
      %broadcast_in_dim3A_1392 = vector.broadcast %broadcast_in_dim3A_1391 : i32 to vector<16xi32>
      %gt3A_1393 = arith.cmpf ogt, %get3A_1390, %select_n3A_1384 : vector<16xf32>
      %gt3A_1394 = arith.cmpf ogt, %get3A_1390, %select_n3A_1381 : vector<16xf32>
      %select_n3A_1395 = arith.select %gt3A_1394, %get3A_1390, %select_n3A_1381 : vector<16xi1>, vector<16xf32>
      %select_n3A_1396 = arith.select %gt3A_1393, %select_n3A_1384, %select_n3A_1395 : vector<16xi1>, vector<16xf32>
      %select_n3A_1397 = arith.select %gt3A_1394, %broadcast_in_dim3A_1392, %select_n3A_1383 : vector<16xi1>, vector<16xi32>
      %select_n3A_1398 = arith.select %gt3A_1393, %select_n3A_1385, %select_n3A_1397 : vector<16xi1>, vector<16xi32>
      %select_n3A_1399 = arith.select %gt3A_1393, %get3A_1390, %select_n3A_1384 : vector<16xi1>, vector<16xf32>
      %select_n3A_1400 = arith.select %gt3A_1393, %broadcast_in_dim3A_1392, %select_n3A_1385 : vector<16xi1>, vector<16xi32>
      %get3A_1401 = arith.constant 63 : i32
      %get3A_1402 = arith.index_cast %get3A_1401 : i32 to index
      %get3A_1403 = arith.index_cast %select_n3A : i32 to index
      %get3A_1404 = arith.index_cast %multiple_of3A_136 : i32 to index
      %get3A_1405 = tpu.vector_load %arg4[%get3A_1402, %get3A_1403, %get3A_1404] {strides = array<i32>} : memref<64x2x128xf32, #tpu.memory_space<vmem>>, vector<16xf32>,
      %broadcast_in_dim3A_1406 = arith.constant 63 : i32
      %broadcast_in_dim3A_1407 = vector.broadcast %broadcast_in_dim3A_1406 : i32 to vector<16xi32>
      %gt3A_1408 = arith.cmpf ogt, %get3A_1405, %select_n3A_1399 : vector<16xf32>
      %gt3A_1409 = arith.cmpf ogt, %get3A_1405, %select_n3A_1396 : vector<16xf32>
      %select_n3A_1410 = arith.select %gt3A_1409, %get3A_1405, %select_n3A_1396 : vector<16xi1>, vector<16xf32>
      %select_n3A_1411 = arith.select %gt3A_1408, %select_n3A_1399, %select_n3A_1410 : vector<16xi1>, vector<16xf32>
      %select_n3A_1412 = arith.select %gt3A_1409, %broadcast_in_dim3A_1407, %select_n3A_1398 : vector<16xi1>, vector<16xi32>
      %select_n3A_1413 = arith.select %gt3A_1408, %select_n3A_1400, %select_n3A_1412 : vector<16xi1>, vector<16xi32>
      %select_n3A_1414 = arith.select %gt3A_1408, %get3A_1405, %select_n3A_1399 : vector<16xi1>, vector<16xf32>
      %select_n3A_1415 = arith.select %gt3A_1408, %broadcast_in_dim3A_1407, %select_n3A_1400 : vector<16xi1>, vector<16xi32>
      %gt3A_1416 = arith.cmpf ogt, %select_n3A_934, %select_n3A_694 : vector<16xf32>
      %select_n3A_1417 = arith.select %gt3A_1416, %select_n3A_934, %select_n3A_694 : vector<16xi1>, vector<16xf32>
      %select_n3A_1418 = arith.select %gt3A_1416, %select_n3A_935, %select_n3A_695 : vector<16xi1>, vector<16xi32>
      %select_n3A_1419 = arith.select %gt3A_1416, %select_n3A_694, %select_n3A_691 : vector<16xi1>, vector<16xf32>
      %select_n3A_1420 = arith.select %gt3A_1416, %select_n3A_695, %select_n3A_693 : vector<16xi1>, vector<16xi32>
      %select_n3A_1421 = arith.select %gt3A_1416, %select_n3A_931, %select_n3A_934 : vector<16xi1>, vector<16xf32>
      %select_n3A_1422 = arith.select %gt3A_1416, %select_n3A_933, %select_n3A_935 : vector<16xi1>, vector<16xi32>
      %gt3A_1423 = arith.cmpf ogt, %select_n3A_1421, %select_n3A_1419 : vector<16xf32>
      %select_n3A_1424 = arith.select %gt3A_1423, %select_n3A_1421, %select_n3A_1419 : vector<16xi1>, vector<16xf32>
      %select_n3A_1425 = arith.select %gt3A_1423, %select_n3A_1422, %select_n3A_1420 : vector<16xi1>, vector<16xi32>
      %gt3A_1426 = arith.cmpf ogt, %select_n3A_1414, %select_n3A_1174 : vector<16xf32>
      %select_n3A_1427 = arith.select %gt3A_1426, %select_n3A_1414, %select_n3A_1174 : vector<16xi1>, vector<16xf32>
      %select_n3A_1428 = arith.select %gt3A_1426, %select_n3A_1415, %select_n3A_1175 : vector<16xi1>, vector<16xi32>
      %select_n3A_1429 = arith.select %gt3A_1426, %select_n3A_1174, %select_n3A_1171 : vector<16xi1>, vector<16xf32>
      %select_n3A_1430 = arith.select %gt3A_1426, %select_n3A_1175, %select_n3A_1173 : vector<16xi1>, vector<16xi32>
      %select_n3A_1431 = arith.select %gt3A_1426, %select_n3A_1411, %select_n3A_1414 : vector<16xi1>, vector<16xf32>
      %select_n3A_1432 = arith.select %gt3A_1426, %select_n3A_1413, %select_n3A_1415 : vector<16xi1>, vector<16xi32>
      %gt3A_1433 = arith.cmpf ogt, %select_n3A_1431, %select_n3A_1429 : vector<16xf32>
      %select_n3A_1434 = arith.select %gt3A_1433, %select_n3A_1431, %select_n3A_1429 : vector<16xi1>, vector<16xf32>
      %select_n3A_1435 = arith.select %gt3A_1433, %select_n3A_1432, %select_n3A_1430 : vector<16xi1>, vector<16xi32>
      %gt3A_1436 = arith.cmpf ogt, %select_n3A_1427, %select_n3A_1417 : vector<16xf32>
      %select_n3A_1437 = arith.select %gt3A_1436, %select_n3A_1427, %select_n3A_1417 : vector<16xi1>, vector<16xf32>
      %select_n3A_1438 = arith.select %gt3A_1436, %select_n3A_1428, %select_n3A_1418 : vector<16xi1>, vector<16xi32>
      %select_n3A_1439 = arith.select %gt3A_1436, %select_n3A_1417, %select_n3A_1424 : vector<16xi1>, vector<16xf32>
      %select_n3A_1440 = arith.select %gt3A_1436, %select_n3A_1418, %select_n3A_1425 : vector<16xi1>, vector<16xi32>
      %select_n3A_1441 = arith.select %gt3A_1436, %select_n3A_1434, %select_n3A_1427 : vector<16xi1>, vector<16xf32>
      %select_n3A_1442 = arith.select %gt3A_1436, %select_n3A_1435, %select_n3A_1428 : vector<16xi1>, vector<16xi32>
      %gt3A_1443 = arith.cmpf ogt, %select_n3A_1441, %select_n3A_1439 : vector<16xf32>
      %select_n3A_1444 = arith.select %gt3A_1443, %select_n3A_1441, %select_n3A_1439 : vector<16xi1>, vector<16xf32>
      %select_n3A_1445 = arith.select %gt3A_1443, %select_n3A_1442, %select_n3A_1440 : vector<16xi1>, vector<16xi32>
      %sub3A_1446 = arith.subf %select_n3A_1444, %select_n3A_1437 : vector<16xf32>
      %exp3A = math.exp %sub3A_1446 : vector<16xf32>
      %add3A_1447 = arith.constant 1.000000e+00 : f32
      %add3A_1448 = vector.broadcast %add3A_1447 : f32 to vector<16xf32>
      %add3A_1449 = arith.addf %add3A_1448, %exp3A : vector<16xf32>
      %div3A_1450 = arith.constant 1.000000e+00 : f32
      %div3A_1451 = vector.broadcast %div3A_1450 : f32 to vector<16xf32>
      %div3A_1452 = arith.divf %div3A_1451, %add3A_1449 : vector<16xf32>
      tpu.vector_store_idx %arg5[%add3A_138, %select_n3A_1438], %div3A_1452 : memref<256x64xf32, #tpu.memory_space<vmem>>[vector<16xi32>, vector<16xi32>], vector<16xf32>,
      %div3A_1453 = arith.divf %exp3A, %add3A_1449 : vector<16xf32>
      tpu.vector_store_idx %arg5[%add3A_138, %select_n3A_1445], %div3A_1453 : memref<256x64xf32, #tpu.memory_space<vmem>>[vector<16xi32>, vector<16xi32>], vector<16xf32>,
    }
    %scan3A_88 = arith.constant 8 : i32
    %dma_wait3A_89 = arith.constant 0 : i32
    %dma_wait3A_90 = arith.constant 0 : i32
    %dma_wait3A_91 = tpu.memref_slice %arg5[%dma_wait3A_89, %dma_wait3A_90] : memref<256x64xf32, #tpu.memory_space<vmem>> -> memref<128x64xf32, #tpu.memory_space<vmem>>
    %dma_wait3A_92 = arith.constant 0 : i32
    %dma_wait3A_93 = tpu.memref_slice %arg3[%mul3A_2, %dma_wait3A_92] : memref<8192x64xf32, #tpu.memory_space<hbm>> -> memref<128x64xf32, #tpu.memory_space<hbm>>
    %dma_wait3A_94 = arith.constant 0 : i32
    %dma_wait3A_95 = tpu.memref_slice %arg3[%mul3A_2, %dma_wait3A_94] : memref<8192x64xf32, #tpu.memory_space<hbm>> -> memref<128x64xf32, #tpu.memory_space<hbm>>
    %dma_wait3A_96 = arith.constant 0 : i32
    %dma_wait3A_97 = arith.constant 0 : i32
    %dma_wait3A_98 = tpu.memref_slice %arg5[%dma_wait3A_96, %dma_wait3A_97] : memref<256x64xf32, #tpu.memory_space<vmem>> -> memref<128x64xf32, #tpu.memory_space<vmem>>
    tpu.wait_dma2 semaphore(%arg8 : memref<!tpu.dma_semaphore, #tpu.memory_space<semaphore_mem>>) src(%dma_wait3A_98 : memref<128x64xf32, #tpu.memory_space<vmem>>) dst(%dma_wait3A_95 : memref<128x64xf32, #tpu.memory_space<hbm>>)
    %add3A_99 = arith.constant 128 : i32
    %add3A_100 = arith.addi %mul3A_2, %add3A_99 : i32
    "tpu.region"() ({
      %run_scoped3A = tpu.sem_alloc : memref<!tpu.dma_semaphore, #tpu.memory_space<semaphore_mem>>
      %dma_start3A_101 = arith.constant 128 : i32
      %dma_start3A_102 = arith.constant 0 : i32
      %dma_start3A_103 = tpu.memref_slice %arg5[%dma_start3A_101, %dma_start3A_102] : memref<256x64xf32, #tpu.memory_space<vmem>> -> memref<128x64xf32, #tpu.memory_space<vmem>>
      %dma_start3A_104 = arith.constant 0 : i32
      %dma_start3A_105 = tpu.memref_slice %arg3[%add3A_100, %dma_start3A_104] : memref<8192x64xf32, #tpu.memory_space<hbm>> -> memref<128x64xf32, #tpu.memory_space<hbm>>
      %dma_start3A_106 = arith.constant 0 : i32
      %dma_start3A_107 = tpu.memref_slice %arg3[%add3A_100, %dma_start3A_106] : memref<8192x64xf32, #tpu.memory_space<hbm>> -> memref<128x64xf32, #tpu.memory_space<hbm>>
      %dma_start3A_108 = arith.constant 128 : i32
      %dma_start3A_109 = arith.constant 0 : i32
      %dma_start3A_110 = tpu.memref_slice %arg5[%dma_start3A_108, %dma_start3A_109] : memref<256x64xf32, #tpu.memory_space<vmem>> -> memref<128x64xf32, #tpu.memory_space<vmem>>
      tpu.enqueue_dma source(%dma_start3A_110 : memref<128x64xf32, #tpu.memory_space<vmem>>) target(%dma_start3A_107 : memref<128x64xf32, #tpu.memory_space<hbm>>) target_semaphore(%run_scoped3A : memref<!tpu.dma_semaphore, #tpu.memory_space<semaphore_mem>>)
      %dma_wait3A_111 = arith.constant 128 : i32
      %dma_wait3A_112 = arith.constant 0 : i32
      %dma_wait3A_113 = tpu.memref_slice %arg5[%dma_wait3A_111, %dma_wait3A_112] : memref<256x64xf32, #tpu.memory_space<vmem>> -> memref<128x64xf32, #tpu.memory_space<vmem>>
      %dma_wait3A_114 = arith.constant 0 : i32
      %dma_wait3A_115 = tpu.memref_slice %arg3[%add3A_100, %dma_wait3A_114] : memref<8192x64xf32, #tpu.memory_space<hbm>> -> memref<128x64xf32, #tpu.memory_space<hbm>>
      %dma_wait3A_116 = arith.constant 0 : i32
      %dma_wait3A_117 = tpu.memref_slice %arg3[%add3A_100, %dma_wait3A_116] : memref<8192x64xf32, #tpu.memory_space<hbm>> -> memref<128x64xf32, #tpu.memory_space<hbm>>
      %dma_wait3A_118 = arith.constant 128 : i32
      %dma_wait3A_119 = arith.constant 0 : i32
      %dma_wait3A_120 = tpu.memref_slice %arg5[%dma_wait3A_118, %dma_wait3A_119] : memref<256x64xf32, #tpu.memory_space<vmem>> -> memref<128x64xf32, #tpu.memory_space<vmem>>
      tpu.wait_dma2 semaphore(%run_scoped3A : memref<!tpu.dma_semaphore, #tpu.memory_space<semaphore_mem>>) src(%dma_wait3A_120 : memref<128x64xf32, #tpu.memory_space<vmem>>) dst(%dma_wait3A_117 : memref<128x64xf32, #tpu.memory_space<hbm>>)
      tpu.yield
    }) : () -> ()
    return
  }
}

module attributes {stable_mosaic.version = 14 : i64} {
  func.func @_logits_block(%arg0: i32, %arg1: memref<1024x2048xf32, #tpu.memory_space<vmem>>, %arg2: memref<64x2048xf32, #tpu.memory_space<vmem>>, %arg3: memref<64x8x128xf32, #tpu.memory_space<vmem>>, %arg4: memref<1024x64xf32, #tpu.memory_space<vmem>>) attributes {dimension_semantics = [#tpu.dimension_semantics<arbitrary>], iteration_bounds = array<i64: 8>, scalar_prefetch = 0 : i64, scratch_operands = 0 : i64, tpu.core_type = #tpu.core_type<tc>, window_params = [{transform_indices = @transform_0, window_bounds = array<i64: 1024, 2048>}, {pipeline_mode = #tpu.pipeline_mode<synchronous>, transform_indices = @transform_1, window_bounds = array<i64: 64, 2048>}, {transform_indices = @transform_2, window_bounds = array<i64: 64, 8, 128>}, {transform_indices = @transform_3, window_bounds = array<i64: 1024, 64>}]} {
    %get3A = arith.constant 0 : index
    %get3A_0 = arith.constant 0 : index
    %get3A_1 = vector.load %arg1[%get3A, %get3A_0] : memref<1024x2048xf32, #tpu.memory_space<vmem>>, vector<1024x2048xf32>
    %get3A_2 = arith.constant 0 : index
    %get3A_3 = arith.constant 0 : index
    %get3A_4 = vector.load %arg2[%get3A_2, %get3A_3] : memref<64x2048xf32, #tpu.memory_space<vmem>>, vector<64x2048xf32>
    %dot_general3A = arith.constant dense<0.000000e+00> : vector<1024x64xf32>
    %dot_general3A_5 = tpu.matmul %get3A_1, %get3A_4, %dot_general3A {dimension_numbers = #tpu.dot_dimension_numbers<[1], [1], [0], [0], [0, 0, 1, 0], [], []>, transpose_lhs_hint = false} : vector<1024x2048xf32>, vector<64x2048xf32>, vector<1024x64xf32> -> vector<1024x64xf32>
    %transpose3A = tpu.transpose %dot_general3A_5, [1, 0] : vector<1024x64xf32> -> vector<64x1024xf32>
    %reshape3A = vector.shape_cast %transpose3A : vector<64x1024xf32> to vector<64x8x128xf32>
    %swap3A = arith.constant 0 : index
    %swap3A_6 = arith.constant 0 : index
    %swap3A_7 = arith.constant 0 : index
    %swap3A_8 = vector.load %arg3[%swap3A, %swap3A_6, %swap3A_7] : memref<64x8x128xf32, #tpu.memory_space<vmem>>, vector<64x8x128xf32>
    tpu.vector_store %arg3[%swap3A, %swap3A_6, %swap3A_7], %reshape3A {strides = array<i32>} : memref<64x8x128xf32, #tpu.memory_space<vmem>>, vector<64x8x128xf32>,
    %reduce_max3A = arith.constant dense<0xFF800000> : vector<1024xf32>
    %reduce_max3A_9 = vector.multi_reduction <maximumf>, %dot_general3A_5, %reduce_max3A [1] : vector<1024x64xf32> to vector<1024xf32>
    %broadcast_in_dim3A = vector.shape_cast %reduce_max3A_9 : vector<1024xf32> to vector<1024x1xf32>
    %sub3A = vector.broadcast %broadcast_in_dim3A : vector<1024x1xf32> to vector<1024x64xf32>
    %sub3A_10 = arith.subf %dot_general3A_5, %sub3A : vector<1024x64xf32>
    %exp3A = math.exp %sub3A_10 : vector<1024x64xf32>
    %reduce_sum3A = arith.constant dense<0.000000e+00> : vector<1024xf32>
    %reduce_sum3A_11 = vector.multi_reduction <add>, %exp3A, %reduce_sum3A [1] : vector<1024x64xf32> to vector<1024xf32>
    %broadcast_in_dim3A_12 = vector.shape_cast %reduce_sum3A_11 : vector<1024xf32> to vector<1024x1xf32>
    %div3A = vector.broadcast %broadcast_in_dim3A_12 : vector<1024x1xf32> to vector<1024x64xf32>
    %div3A_13 = arith.divf %exp3A, %div3A : vector<1024x64xf32>
    %swap3A_14 = arith.constant 0 : index
    %swap3A_15 = arith.constant 0 : index
    %swap3A_16 = vector.load %arg4[%swap3A_14, %swap3A_15] : memref<1024x64xf32, #tpu.memory_space<vmem>>, vector<1024x64xf32>
    tpu.vector_store %arg4[%swap3A_14, %swap3A_15], %div3A_13 {strides = array<i32>} : memref<1024x64xf32, #tpu.memory_space<vmem>>, vector<1024x64xf32>,
    return
  }
  func.func @transform_0(%arg0: i32) -> (i32, i32) {
    %c0_i32 = arith.constant 0 : i32
    %c0_i32_0 = arith.constant 0 : i32
    return %arg0, %c0_i32 : i32, i32
  }
  func.func @transform_1(%arg0: i32) -> (i32, i32) {
    %c0_i32 = arith.constant 0 : i32
    %c0_i32_0 = arith.constant 0 : i32
    %c0_i32_1 = arith.constant 0 : i32
    return %c0_i32, %c0_i32_0 : i32, i32
  }
  func.func @transform_2(%arg0: i32) -> (i32, i32, i32) {
    %c0_i32 = arith.constant 0 : i32
    %c0_i32_0 = arith.constant 0 : i32
    %c0_i32_1 = arith.constant 0 : i32
    return %c0_i32, %arg0, %c0_i32_0 : i32, i32, i32
  }
  func.func @transform_3(%arg0: i32) -> (i32, i32) {
    %c0_i32 = arith.constant 0 : i32
    %c0_i32_0 = arith.constant 0 : i32
    return %arg0, %c0_i32 : i32, i32
  }
}

</mosaic_0001>

<sc_bundles>
// kernel: kernel.4.cloned.1.call-start
scs
__scs_entry_jumppad:
0x0: {  	(pc) =	sbr.rel $0x88, $3  }
0x1: {  	(tag) =	ssettag $0x0;
	lr =	simm.s32 $0x1  }
0x2: {  	[smem:$0x3F9F] =	sst lr;
	_ =	strace $0xD0000000  }
0x3: {  	_ = 	snop  }
0x4: {  	_ = 	snop  }
0x5: {  	_ = 	snop  }
0x6: {  	_ = 	snop  }
0x7: {  	_ = 	snop  }
__scs_overlays_trampoline_lowered:
0x8: {  	[smem:$0x3FAE] =	sst s0  }
0x9: {  	[smem:$0x3FAF] =	sst s1  }
0xa: {  	[smem:$0x3FB0] =	sst s2  }
0xb: {  	[smem:$0x3FB1] =	sst s3  }
0xc: {  	[smem:$0x3FB2] =	sst s4  }
0xd: {  	[smem:$0x3FB3] =	sst s5  }
0xe: {  	[smem:$0x3FB4] =	sst s6  }
0xf: {  	[smem:$0x3FB5] =	sst s7  }
0x10: {  	[smem:$0x3FB6] =	sst s8  }
0x11: {  	[smem:$0x3FB7] =	sst s9;
	s0 =	simm.s32 @!p0 $0x0  }
0x12: {  	s1 =	sld [smem:$0x3F9D];
	s0 =	simm.s32 @p0 $0x1  }
0x13: {  	[smem:$0x3FB8] =	sst s0;
	s0 =	simm.s32 @!p1 $0x0  }
0x14: {  	s2 =	sld [smem:$0x3F9C];
	s0 =	simm.s32 @p1 $0x1  }
0x15: {  	[smem:$0x3FB9] =	sst s0;
	s0 =	simm.s32 @!p2 $0x0  }
0x16: {  	s3 =	sld [smem:$0x3FDB];
	s0 =	simm.s32 @p2 $0x1  }
0x17: {  	s4 =	simm.s32 $0x1BF5;
	[smem:$0x3FBB] =	sst s0  }
0x18: {  	s0 =	sld [smem:$0x3F9E];
	_ =	swait.ge [sflag:s4], $0x0  }
0x19: {  	s7 =	sld [smem:$0x3F9F]  }
0x1a: {  	s8 =	sadd.s32 $0xFFFFE003, lr  }
0x1b: {  	s9 =	sadd.s32 $0xFFFFFEF7, lr;
	s5 =	simm.s32 $0xFFFFFFFF;
	p2 =	slt.u32 s8, $0xFFFFF086  }
0x1c: {  	p1 =	slt.u32 s9, $0xF7A;
	s5 =	simm.s32 @!p2 $0x0  }
0x1d: {  	s5 =	simm.s32 @p1 $0x1;
	p0 =	seq.s32 s7, s2  }
0x1e: {  	s7 =	smul.u32 @!p0 $0xF7A, s2;
	p2 =	seq.s32 @!p0 s5, $0x0  }
0x1f: {  	s9 =	smul.u32 $0xF7A, s1;
	s8 =	simm.s32 @!p0 $0x1BF5;
	p2 =	por !p2, p0  }
0x20: {  	[sflag:s8] =	ssyncset.s32 @!p0 $0xFFFFF086;
	s6 =	sadd.s32 @!p0 s3, s7;
	s7 =	simm.s32 @!p0 $0x108  }
0x21: {  	s3 =	sadd.s32 s3, s9;
	s6 =	sadd.s32 @!p0 $0x88, s6;
	s7 =	simm.s32 @p2 $0x1082  }
0x22: {  	[simem:s7], [sflag:s8] =	dma.local @!p0 [hbm:s6], $0xF7A  }
0x23: {  	s9 =	sor.u32 $0xD0000000, s2;
	s6 =	simm.s32 $0x108;
	_ =	swait.ge @!p0 [sflag:s8], $0x0  }
0x24: {  	s3 =	sadd.s32 $0x88, s3;
	s6 =	simm.s32 @!p1 $0x1082;
	[sflag:s4] =	ssyncset.s32 $0xFFFFF086  }
0x25: {  	[simem:s6], [sflag:s4] =	dma.local [hbm:s3], $0xF7A  }
0x26: {  	[smem:$0x3F9F] =	sst s1;
	(tag) =	ssettag s2;
	_ =	strace s9  }
0x27: {  	s1 =	sld [smem:$0x3FAF]  }
0x28: {  	s2 =	sld [smem:$0x3FB0]  }
0x29: {  	s4 =	sld [smem:$0x3FB2]  }
0x2a: {  	p0 =	seq.s32 s5, $0x0;
	s5 =	sld [smem:$0x3FB3]  }
0x2b: {  	s6 =	sld [smem:$0x3FB4]  }
0x2c: {  	s7 =	sld [smem:$0x3FB5]  }
0x2d: {  	s3 =	simm.s32 $0x108;
	s8 =	sld [smem:$0x3FB6]  }
0x2e: {  	s3 =	simm.s32 @!p0 $0x1082;
	s9 =	sld [smem:$0x3FB7]  }
0x2f: {  	lr =	sadd.s32 s0, s3;
	s0 =	sld [smem:$0x3FAE]  }
0x30: {  	s3 =	sld [smem:$0x3FB1]  }
0x31: {  	[smem:$0x3FBA] =	sst s10  }
0x32: {  	s10 =	sld [smem:$0x3FB8];
	_ =	sdelay $0x3  }
0x33: {  	p0 =	seq.s32 s10, $0x1;
	s10 =	sld [smem:$0x3FBA];
	_ =	sdelay $0x3  }
0x34: {  	[smem:$0x3FBA] =	sst s10  }
0x35: {  	s10 =	sld [smem:$0x3FB9];
	_ =	sdelay $0x3  }
0x36: {  	p1 =	seq.s32 s10, $0x1;
	s10 =	sld [smem:$0x3FBA];
	_ =	sdelay $0x3  }
0x37: {  	[smem:$0x3FBA] =	sst s10  }
0x38: {  	s10 =	sld [smem:$0x3FBB]  }
0x39: {  	_ = 	snop;
	(pc) =	sbr.ind lr, $3  }
0x3a: {  	_ = 	snop  }
0x3b: {  	_ = 	snop  }
0x3c: {  	p2 =	seq.s32 s10, $0x1;
	s10 =	sld [smem:$0x3FBA]  }
0x3d: {  	_ =	shalt  }
0x3e: {  	_ =	shalt  }
0x3f: {  	_ =	shalt  }
0x40: {  	_ =	shalt  }
0x41: {  	_ =	shalt  }
0x42: {  	_ =	shalt  }
0x43: {  	_ =	shalt  }
0x44: {  	_ =	shalt  }
0x45: {  	_ =	shalt  }
0x46: {  	_ =	shalt  }
0x47: {  	_ =	shalt  }
0x48: {  	_ =	shalt  }
0x49: {  	_ =	shalt  }
0x4a: {  	_ =	shalt  }
0x4b: {  	_ =	shalt  }
0x4c: {  	_ =	shalt  }
0x4d: {  	_ =	shalt  }
0x4e: {  	_ =	shalt  }
0x4f: {  	_ =	shalt  }
0x50: {  	_ =	shalt  }
0x51: {  	_ =	shalt  }
0x52: {  	_ =	shalt  }
0x53: {  	_ =	shalt  }
0x54: {  	_ =	shalt  }
0x55: {  	_ =	shalt  }
0x56: {  	_ =	shalt  }
0x57: {  	_ =	shalt  }
0x58: {  	_ =	shalt  }
0x59: {  	_ =	shalt  }
0x5a: {  	_ =	shalt  }
0x5b: {  	_ =	shalt  }
0x5c: {  	_ =	shalt  }
0x5d: {  	_ =	shalt  }
0x5e: {  	_ =	shalt  }
0x5f: {  	_ =	shalt  }
0x60: {  	_ =	shalt  }
0x61: {  	_ =	shalt  }
0x62: {  	_ =	shalt  }
0x63: {  	_ =	shalt  }
0x64: {  	_ =	shalt  }
0x65: {  	_ =	shalt  }
0x66: {  	_ =	shalt  }
0x67: {  	_ =	shalt  }
0x68: {  	_ =	shalt  }
0x69: {  	_ =	shalt  }
0x6a: {  	_ =	shalt  }
0x6b: {  	_ =	shalt  }
0x6c: {  	_ =	shalt  }
0x6d: {  	_ =	shalt  }
0x6e: {  	_ =	shalt  }
0x6f: {  	_ =	shalt  }
0x70: {  	_ =	shalt  }
0x71: {  	_ =	shalt  }
0x72: {  	_ =	shalt  }
0x73: {  	_ =	shalt  }
0x74: {  	_ =	shalt  }
0x75: {  	_ =	shalt  }
0x76: {  	_ =	shalt  }
0x77: {  	_ =	shalt  }
0x78: {  	_ =	shalt  }
0x79: {  	_ =	shalt  }
0x7a: {  	_ =	shalt  }
0x7b: {  	_ =	shalt  }
0x7c: {  	_ =	shalt  }
0x7d: {  	_ =	shalt  }
0x7e: {  	_ =	shalt  }
0x7f: {  	_ =	shalt  }
0x80: {  	_ =	shalt  }
0x81: {  	_ =	shalt  }
0x82: {  	_ =	shalt  }
0x83: {  	_ =	shalt  }
0x84: {  	_ =	shalt  }
0x85: {  	_ =	shalt  }
0x86: {  	_ =	shalt  }
0x87: {  	_ =	shalt  }
.Lfunc_end0:
.L_simem_size_0:
called_computation_lowered:
.L_overlay_start_0:
0x88: {  	s2 =	sld [smem:$0x3FD9]  }
0x89: {  	s3 =	sld [smem:$0x3FFE];
	_ =	sdelay $0x1  }
0x8a: {  	s1 =	srdreg.scid  }
0x8b: {  	s0 =	sand.u32 $0x1, s1  }
0x8c: {  	s14 =	sshll.u32 s0, $0xA;
	s2 =	sadd.s32 s3, s2  }
0x8d: {  	s2 =	sadd.s32 s2, s14  }
0x8e: {  	[smem:$0x3FC6] =	sst s2  }
0x8f: {  	_ = 	snop  }
0x90: {  	s2 =	sld [smem:$0x3FD0];
	_ =	sdelay $0x2  }
0x91: {  	s15 =	simm.s32 $0xA;
	s4 =	simm.s32 $0x10  }
0x92: {  	[smem:s4], [sflag:s15] =	dma.local [hbm:s2], $0x1  }
0x93: {  	_ =	swait.eq [sflag:s15], $0x1  }
0x94: {  	[sflag:s15] =	ssyncset.done $0x0  }
0x95: {  	[sflag:s15] =	ssyncadd.s32 $0xFFFFFFFF  }
0x96: {  	s16 =	sld [smem:$0x10];
	(tm) =	ssettm $0x1  }
0x97: {  	s17 =	sld [smem:$0x3FFB];
	_ =	sdelay $0x3  }
0x98: {  	_ =	strace s17  }
0x99: {  	s3 =	sld [smem:$0x3FFC];
	_ =	sdelay $0x3  }
0x9a: {  	_ =	strace s3  }
0x9b: {  	s3 =	sld [smem:$0x3FFD];
	_ =	sdelay $0x3  }
0x9c: {  	_ =	strace s3  }
0x9d: {  	_ =	strace $0x8FFFFFFF  }
0x9e: {  	s18 =	sld [smem:$0x3FDB];
	_ =	sdelay $0x1  }
0x9f: {  	s19 =	simm.s32 $_scs_section_size  }
0xa0: {  	s5 =	simm.s32 $_size__tile_overlayer_lowered;
	s6 =	simm.s32 $_tile_overlayer_lowered  }
0xa1: {  	s22 =	simm.s32 $0x1BFF;
	s21 =	sshll.u32 s6, $0x1;
	s3 =	sadd.s32 s19, s18  }
0xa2: {  	s7 =	simm.s32 $0x0;
	s20 =	sshll.u32 s5, $0x1;
	s5 =	sadd.s32 s21, s3  }
0xa3: {  	[timem:s7], [sflag:s22] =	dma.local [hbm:s5], s20  }
0xa4: {  	_ =	swait.ge [sflag:s22], s20  }
0xa5: {  	s4 =	ssub.s32 $0x0, s20;
	[sflag:s22] =	ssyncset.done $0x0  }
0xa6: {  	[sflag:s22] =	ssyncadd.s32 s4;
	_ =	sdelay $0x1  }
0xa7: {  	s23 =	simm.s32 $0x1B8B  }
0xa8: {  	_ =	swait.ge [sflag:s23], $0x1  }
0xa9: {  	[sflag:s23] =	ssyncset.done $0x0  }
0xaa: {  	s25 =	simm.s32 $0x1B8E;
	s24 =	sld [smem:$0x3FFE];
	[sflag:s23] =	ssyncadd.s32 $0xFFFFFFFF  }
0xab: {  	s26 =	simm.s32 $execute0_lowered;
	[smem:$0x3FD2] =	sst s25  }
0xac: {  	s5 =	sshll.u32 s26, $0x1;
	_ =	strace $0x80000046;
	[dreg:$0x1] =	wrdreg $0xFFFFFFFF  }
0xad: {  	s28 =	simm.s32 $_size_execute0_lowered;
	s3 =	sadd.s32 s3, s5;
	[dreg:$0x0] =	wrdreg $0x0  }
0xae: {  	s5 =	sshll.u32 s28, $0x1;
	[dreg:$0x2] =	wrdreg s3  }
0xaf: {  	[dreg:$0x3] =	wrdreg s5  }
0xb0: {  	[dreg:$0x4] =	wrdreg $0xC0  }
0xb1: {  	_ =	task [dreg:s7], $0x5FFFF  }
0xb2: {  	[dreg:$0x1] =	wrdreg $0xFFFFFFFF  }
0xb3: {  	[dreg:$0x0] =	wrdreg $0x60  }
0xb4: {  	[dreg:$0x2] =	wrdreg s16  }
0xb5: {  	[dreg:$0x3] =	wrdreg s24  }
0xb6: {  	[dreg:$0x4] =	wrdreg $0x9  }
0xb7: {  	_ =	task.clear_ibuf [dreg:s7], $0x5FFFF;
	_ =	strace $0x90000046  }
0xb8: {  	s29 =	simm.s32 $0x9;
	_ =	strace $0x80000048  }
0xb9: {  	_ =	swait.ge [sflag:s29], $0x1  }
0xba: {  	[sflag:s29] =	ssyncadd.s32 $0xFFFFFFFF  }
0xbb: {  	_ =	strace $0x90000048  }
0xbc: {  	_ =	sfence  }
0xbd: {  	s30 =	sld [smem:$0x0];
	_ =	sdelay $0x2  }
0xbe: {  	s31 =	sshll.u32 s1, $0xD;
	s1 =	sshrl.u32 s1, $0x2  }
0xbf: {  	s3 =	sand.u32 $0x4000, s31;
	s1 =	sadd.s32 s1, s30  }
0xc0: {  	s0 =	sor.u32 s3, s0;
	s1 =	sshll.u32 s1, $0x11  }
0xc1: {  	s0 =	sor.u32 s1, s0  }
0xc2: {  	s0 =	sadd.s32 $0x8F2B, s0  }
0xc3: {  	[sflag:s0] =	ssyncadd.remote.s32 $0x1  }
0xc4: {  	_ =	sfence.sel $0xFFFF  }
0xc5: {  	[dreg:$0x0] =	wrdreg $0xFFFFFFFF;
	(pc) =	sbr.abs _section_cstart, $3  }
0xc6: {  	[dreg:$0x1] =	wrdreg $0xFFFFFFFF  }
0xc7: {  	_ =	task.clear_ibuf [dreg:s7], $0x2FFFF;
	_ =	strace $0x9FFFFFFF  }
0xc8: {  	(tm) =	ssettm $0x7FFFFFFF  }
0xc9: {  	_ =	shalt  }
tec
execute0_lowered:
.L_overlay_start_1:
0x0: {  	(tag) =	ssettag $0x1  }
0x1: {  	s3 =	rddreg [dreg:$0x0]  }
0x2: {  	s4 =	rddreg [dreg:$0x1]  }
0x3: {  	s0 =	rddreg [dreg:$0x2];
	s2 =	simm.s32 $0x0;
	s5 =	srdreg.scid  }
0x4: {  	s1 =	stileid.u32;
	s9 =	simm.s32 $0x4000;
	s10 =	simm.s32 $0x2  }
0x5: {  	s11 =	simm.s32 $0x3;
	s12 =	simm.s32 $0x8000;
	s13 =	simm.s32 $0x4  }
0x6: {  	[smem:$0x7FF] =	sst s2;
	s5 =	sand.u32 $0x1, s5;
	s6 =	sshll.u32 s1, $0x1  }
0x7: {  	s14 =	simm.s32 $0x0;
	_ =	strace $0x80000047;
	s6 =	sor.u32 s5, s6  }
0x8: {  	s5 =	ssub.s32 $0x2, s5;
	s7 =	sshll.u32 s6, $0xC;
	s6 =	sshll.u32 s6, $0x5  }
0x9: {  	s31 =	sshrl.u32 s5, $0x1;
	s7 =	sadd.s32 s7, s4;
	s3 =	sadd.s32 s3, s6  }
0xa: {  	v2 =	vlaneseq.u32;
	s8 =	ssub.s32 s5, s31;
	s4 =	sadd.s32 $0x10, s3;
	s5 =	sadd.s32 $0xA00, s7  }
0xb: {  	v0 =	vimm.f32 $0.0e+00;
	v1 =	vimm.s32 $0x0;
	v2 =	vmul.u32 $0x80, v2;
	s6 =	sadd.s32 $0x1200, s7;
	s7 =	smax.u32 s8, $0x1;
	s8 =	simm.s32 $0x1  }
.LBB2_1:
0xc: {  	s15 =	simm.s32 $0x400;
	s16 =	sadd.s32 $0x0, s3;
	s17 =	simm.s32 $0x0  }
.LBB2_2:
0xd: {  	[tilespmem:s17], [sflag:$0x1] =	stream.linear.gather [hbm4b:s16+s2], $0x80, $0x38;
	[tilespmem:$0xC000] =	vst v63  }
0xe: {  	s17 =	smov.u32 s15;
	p0 =	sne.s32 s15, $0xFC00  }
.Ltmp0:
0xf: {  	s15 =	sadd.s32 $0x400, s15;
	(pc) =	sbr.rel @p0 .LBB2_2-.Ltmp0, $2  }
0x10: {  	_ =	sdelay $0x2  }
0x11: {  	s16 =	sadd.s32 s17, s3;
	s17 =	sshra.s32 s17, $0x2  }
0x12: {  	[tilespmem:s17], [sflag:$0x1] =	stream.linear.gather [hbm4b:s16+s2], $0x80, $0x38;
	[tilespmem:$0xC000] =	vst v63  }
0x13: {  	s15 =	simm.s32 $0x400;
	s16 =	sadd.s32 $0x0, s4;
	s17 =	simm.s32 $0x80  }
.LBB2_4:
0x14: {  	[tilespmem:s17], [sflag:$0x2] =	stream.linear.gather [hbm4b:s16+s2], $0x80, $0x38;
	[tilespmem:$0xC000] =	vst v63  }
0x15: {  	s16 =	smov.u32 s15;
	p0 =	sne.s32 s15, $0xFC00  }
.Ltmp1:
0x16: {  	s15 =	sadd.s32 $0x400, s15;
	(pc) =	sbr.rel @p0 .LBB2_4-.Ltmp1, $3  }
0x17: {  	_ =	sdelay $0x1  }
0x18: {  	s17 =	sshra.s32 s16, $0x2  }
0x19: {  	s16 =	sadd.s32 s16, s4;
	s17 =	sadd.s32 $0x80, s17  }
0x1a: {  	[tilespmem:s17], [sflag:$0x2] =	stream.linear.gather [hbm4b:s16+s2], $0x80, $0x38;
	[tilespmem:$0xC000] =	vst v63  }
0x1b: {  	_ =	swait.ge [sflag:s8], $0x2000  }
0x1c: {  	s15 =	simm.s32 $0x0;
	[sflag:s8] =	ssyncset.done $0x0  }
0x1d: {  	s16 =	simm.s32 $0x4400;
	s17 =	simm.s32 $0x2000;
	[sflag:s8] =	ssyncadd.s32 $0xFFFFE000  }
.LBB2_6:
0x1e: {  	[tilespmem:s16+$0xFFFFFC00] =	vst v0  }
0x1f: {  	[tilespmem:s16+$0xFFFFFC10] =	vst v0  }
0x20: {  	[tilespmem:s16+$0xFFFFFC20] =	vst v0  }
0x21: {  	[tilespmem:s16+$0xFFFFFC30] =	vst v0  }
0x22: {  	[tilespmem:s16+$0xFFFFFC80] =	vst v0  }
0x23: {  	[tilespmem:s16+$0xFFFFFC90] =	vst v0  }
0x24: {  	[tilespmem:s16+$0xFFFFFCA0] =	vst v0  }
0x25: {  	[tilespmem:s16+$0xFFFFFCB0] =	vst v0  }
0x26: {  	[tilespmem:s16+$0xFFFFFD00] =	vst v0  }
0x27: {  	[tilespmem:s16+$0xFFFFFD10] =	vst v0  }
0x28: {  	[tilespmem:s16+$0xFFFFFD20] =	vst v0  }
0x29: {  	[tilespmem:s16+$0xFFFFFD30] =	vst v0  }
0x2a: {  	[tilespmem:s16+$0xFFFFFD80] =	vst v0  }
0x2b: {  	[tilespmem:s16+$0xFFFFFD90] =	vst v0  }
0x2c: {  	[tilespmem:s16+$0xFFFFFDA0] =	vst v0  }
0x2d: {  	[tilespmem:s16+$0xFFFFFDB0] =	vst v0  }
0x2e: {  	[tilespmem:s16+$0xFFFFFE00] =	vst v0  }
0x2f: {  	[tilespmem:s16+$0xFFFFFE10] =	vst v0  }
0x30: {  	[tilespmem:s16+$0xFFFFFE20] =	vst v0  }
0x31: {  	[tilespmem:s16+$0xFFFFFE30] =	vst v0  }
0x32: {  	[tilespmem:s16+$0xFFFFFE80] =	vst v0  }
0x33: {  	[tilespmem:s16+$0xFFFFFE90] =	vst v0  }
0x34: {  	[tilespmem:s16+$0xFFFFFEA0] =	vst v0  }
0x35: {  	[tilespmem:s16+$0xFFFFFEB0] =	vst v0  }
0x36: {  	[tilespmem:s16+$0xFFFFFF00] =	vst v0  }
0x37: {  	[tilespmem:s16+$0xFFFFFF10] =	vst v0  }
0x38: {  	[tilespmem:s16+$0xFFFFFF20] =	vst v0  }
0x39: {  	[tilespmem:s16+$0xFFFFFF30] =	vst v0  }
0x3a: {  	[tilespmem:s16+$0xFFFFFF80] =	vst v0  }
0x3b: {  	[tilespmem:s16+$0xFFFFFF90] =	vst v0  }
0x3c: {  	[tilespmem:s16+$0xFFFFFFA0] =	vst v0  }
0x3d: {  	[tilespmem:s16+$0xFFFFFFB0] =	vst v0  }
0x3e: {  	[tilespmem:s16+$0x0] =	vst v0  }
0x3f: {  	[tilespmem:s16+$0x10] =	vst v0  }
0x40: {  	[tilespmem:s16+$0x20] =	vst v0  }
0x41: {  	[tilespmem:s16+$0x30] =	vst v0  }
0x42: {  	[tilespmem:s16+$0x80] =	vst v0  }
0x43: {  	[tilespmem:s16+$0x90] =	vst v0  }
0x44: {  	[tilespmem:s16+$0xA0] =	vst v0  }
0x45: {  	[tilespmem:s16+$0xB0] =	vst v0  }
0x46: {  	[tilespmem:s16+$0x100] =	vst v0  }
0x47: {  	[tilespmem:s16+$0x110] =	vst v0  }
0x48: {  	[tilespmem:s16+$0x120] =	vst v0  }
0x49: {  	[tilespmem:s16+$0x130] =	vst v0  }
0x4a: {  	[tilespmem:s16+$0x180] =	vst v0  }
0x4b: {  	[tilespmem:s16+$0x190] =	vst v0  }
0x4c: {  	[tilespmem:s16+$0x1A0] =	vst v0  }
0x4d: {  	[tilespmem:s16+$0x1B0] =	vst v0  }
0x4e: {  	[tilespmem:s16+$0x200] =	vst v0  }
0x4f: {  	[tilespmem:s16+$0x210] =	vst v0  }
0x50: {  	[tilespmem:s16+$0x220] =	vst v0  }
0x51: {  	[tilespmem:s16+$0x230] =	vst v0  }
0x52: {  	[tilespmem:s16+$0x280] =	vst v0  }
0x53: {  	[tilespmem:s16+$0x290] =	vst v0  }
0x54: {  	[tilespmem:s16+$0x2A0] =	vst v0  }
0x55: {  	[tilespmem:s16+$0x2B0] =	vst v0  }
0x56: {  	[tilespmem:s16+$0x300] =	vst v0  }
0x57: {  	[tilespmem:s16+$0x310] =	vst v0  }
0x58: {  	[tilespmem:s16+$0x320] =	vst v0  }
0x59: {  	[tilespmem:s16+$0x330] =	vst v0  }
0x5a: {  	[tilespmem:s16+$0x380] =	vst v0  }
0x5b: {  	[tilespmem:s16+$0x390] =	vst v0  }
0x5c: {  	[tilespmem:s16+$0x3A0] =	vst v0  }
0x5d: {  	[tilespmem:s16+$0x3B0] =	vst v0  }
0x5e: {  	v3 =	vld [tilespmem:s17+$0xFFFFE000]  }
0x5f: {  	v4 =	vld [tilespmem:s17+$0xFFFFE100];
	_ =	sdelay $0x3  }
0x60: {  	v5 =	vld [tilespmem:s17+$0xFFFFE200];
	vm0 =	vgt.f32 v3, $-Inf  }
0x61: {  	vm1 =	vlt.f32 v4, $-Inf;
	vm2 =	vgt.f32 v4, $-Inf;
	v3 =	vnsel vm0, $0xFF800000, v3  }
0x62: {  	vm1 =	vmor vm2, vm1;
	vm0 =	vgt.f32 v4, v3  }
0x63: {  	v7 =	vld [tilespmem:s17+$0xFFFFE300];
	v6 =	vnsel vm1, $0xFF800000, v4;
	vm3 =	vmneg vm0  }
0x64: {  	v47 =	vsel vm0, $0x1, v1;
	v6 =	vsel vm3, v6, v3  }
0x65: {  	vm1 =	vmand vm1, vm3;
	v3 =	vsel vm3, v3, v4;
	vm4 =	vgt.f32 v5, v6  }
0x66: {  	v9 =	vld [tilespmem:s17+$0xFFFFE400];
	v8 =	vsel vm1, $0x1, v1;
	vm5 =	vgt.f32 v5, v3;
	v6 =	vsel vm4, v5, v6  }
0x67: {  	v8 =	vsel vm4, $0x2, v8;
	v4 =	vsel vm5, $0x2, v47;
	v6 =	vsel vm5, v3, v6  }
0x68: {  	v8 =	vsel vm5, v47, v8;
	v3 =	vsel vm5, v5, v3;
	vm6 =	vgt.f32 v7, v6  }
0x69: {  	v50 =	vld [tilespmem:s17+$0xFFFFE500];
	vm7 =	vgt.f32 v7, v3;
	v48 =	vsel vm6, v7, v6;
	v49 =	vsel vm6, $0x3, v8  }
0x6a: {  	v5 =	vsel vm7, v3, v48;
	v6 =	vsel vm7, v4, v49  }
0x6b: {  	v3 =	vsel vm7, v7, v3;
	v4 =	vsel vm7, $0x3, v4;
	vm8 =	vgt.f32 v9, v5  }
0x6c: {  	v51 =	vld [tilespmem:s17+$0xFFFFE600];
	vm9 =	vgt.f32 v9, v3;
	v5 =	vsel vm8, v9, v5;
	v6 =	vsel vm8, $0x4, v6  }
0x6d: {  	v5 =	vsel vm9, v3, v5;
	v6 =	vsel vm9, v4, v6  }
0x6e: {  	v3 =	vsel vm9, v9, v3;
	v4 =	vsel vm9, $0x4, v4;
	vm10 =	vgt.f32 v50, v5  }
0x6f: {  	v52 =	vld [tilespmem:s17+$0xFFFFE700];
	vm11 =	vgt.f32 v50, v3;
	v5 =	vsel vm10, v50, v5;
	v6 =	vsel vm10, $0x5, v6  }
0x70: {  	v5 =	vsel vm11, v3, v5;
	v6 =	vsel vm11, v4, v6  }
0x71: {  	v3 =	vsel vm11, v50, v3;
	v4 =	vsel vm11, $0x5, v4;
	vm12 =	vgt.f32 v51, v5  }
0x72: {  	v53 =	vld [tilespmem:s17+$0xFFFFE800];
	vm13 =	vgt.f32 v51, v3;
	v5 =	vsel vm12, v51, v5;
	v6 =	vsel vm12, $0x6, v6  }
0x73: {  	v5 =	vsel vm13, v3, v5;
	v6 =	vsel vm13, v4, v6  }
0x74: {  	v3 =	vsel vm13, v51, v3;
	v4 =	vsel vm13, $0x6, v4;
	vm14 =	vgt.f32 v52, v5  }
0x75: {  	v54 =	vld [tilespmem:s17+$0xFFFFE900];
	vm15 =	vgt.f32 v52, v3;
	v5 =	vsel vm14, v52, v5;
	v6 =	vsel vm14, $0x7, v6  }
0x76: {  	v5 =	vsel vm15, v3, v5;
	v6 =	vsel vm15, v4, v6  }
0x77: {  	v11 =	vld [tilespmem:s17+$0xFFFFF100];
	v3 =	vsel vm15, v52, v3;
	v4 =	vsel vm15, $0x7, v4;
	vm4 =	vgt.f32 v53, v5  }
0x78: {  	v55 =	vld [tilespmem:s17+$0xFFFFEA00];
	vm5 =	vgt.f32 v53, v3;
	v5 =	vsel vm4, v53, v5;
	v6 =	vsel vm4, $0x8, v6  }
0x79: {  	v10 =	vld [tilespmem:s17+$0xFFFFF000];
	v5 =	vsel vm5, v3, v5;
	v6 =	vsel vm5, v4, v6  }
0x7a: {  	v3 =	vsel vm5, v53, v3;
	v4 =	vsel vm5, $0x8, v4;
	vm6 =	vgt.f32 v54, v5  }
0x7b: {  	vm7 =	vgt.f32 v54, v3;
	v5 =	vsel vm6, v54, v5;
	v6 =	vsel vm6, $0x9, v6  }
0x7c: {  	v56 =	vld [tilespmem:s17+$0xFFFFEB00];
	vm4 =	vgt.f32 v11, $-Inf;
	v5 =	vsel vm7, v3, v5;
	v6 =	vsel vm7, v4, v6  }
0x7d: {  	v3 =	vsel vm7, v54, v3;
	v4 =	vsel vm7, $0x9, v4;
	vm8 =	vgt.f32 v55, v5  }
0x7e: {  	vm7 =	vlt.f32 v10, $-Inf;
	vm9 =	vgt.f32 v55, v3;
	v5 =	vsel vm8, v55, v5  }
0x7f: {  	v6 =	vsel vm8, $0xA, v6;
	vm8 =	vgt.f32 v10, $-Inf;
	v5 =	vsel vm9, v3, v5  }
0x80: {  	v6 =	vsel vm9, v4, v6;
	v3 =	vsel vm9, v55, v3;
	v4 =	vsel vm9, $0xA, v4  }
0x81: {  	vm2 =	vmor vm8, vm7;
	vm9 =	vlt.f32 v11, $-Inf;
	vm10 =	vgt.f32 v56, v5  }
0x82: {  	vm11 =	vgt.f32 v56, v3;
	v61 =	vnsel vm2, $0xFF800000, v10;
	vm3 =	vmor vm4, vm9  }
0x83: {  	v57 =	vld [tilespmem:s17+$0xFFFFEC00];
	v13 =	vsel vm2, $0x10, v1;
	v5 =	vsel vm10, v56, v5;
	v6 =	vsel vm10, $0xB, v6  }
0x84: {  	v60 =	vld [tilespmem:s17+$0xFFFFF200];
	vm10 =	vgt.f32 v11, v61;
	v62 =	vnsel vm3, $0xFF800000, v11;
	v63 =	vsel vm3, $0x11, v1  }
0x85: {  	v5 =	vsel vm11, v3, v5;
	v6 =	vsel vm11, v4, v6;
	v3 =	vsel vm11, v56, v3  }
0x86: {  	v4 =	vsel vm11, $0xB, v4;
	v10 =	vsel vm10, v61, v62;
	v9 =	vsel vm10, v11, v61  }
0x87: {  	v11 =	vsel vm10, v13, v63;
	v13 =	vsel vm10, $0x11, v13;
	v61 =	vimm.s32 $0x0  }
0x88: {  	v63 =	vimm.s32 $0x0;
	vm12 =	vgt.f32 v57, v5;
	vm13 =	vgt.f32 v57, v3  }
0x89: {  	v58 =	vld [tilespmem:s17+$0xFFFFED00];
	vm11 =	vgt.f32 v60, v10;
	v5 =	vsel vm12, v57, v5;
	v6 =	vsel vm12, $0xC, v6  }
0x8a: {  	v12 =	vld [tilespmem:s17+$0xFFFFF300];
	vm12 =	vgt.f32 v60, v9;
	v10 =	vsel vm11, v60, v10;
	v15 =	vsel vm11, $0x12, v11  }
0x8b: {  	v5 =	vsel vm13, v3, v5;
	v6 =	vsel vm13, v4, v6;
	v3 =	vsel vm13, v57, v3  }
0x8c: {  	v4 =	vsel vm13, $0xC, v4;
	v10 =	vsel vm12, v9, v10;
	v7 =	vsel vm12, v60, v9  }
0x8d: {  	v59 =	vld [tilespmem:s17+$0xFFFFEE00];
	v9 =	vsel vm12, v13, v15;
	v13 =	vsel vm12, $0x12, v13;
	v57 =	vimm.s32 $0x0  }
0x8e: {  	v14 =	vld [tilespmem:s17+$0xFFFFF400];
	v60 =	vimm.s32 $0x0;
	vm14 =	vgt.f32 v58, v5;
	vm15 =	vgt.f32 v58, v3  }
0x8f: {  	vm13 =	vgt.f32 v12, v10;
	v5 =	vsel vm14, v58, v5;
	v6 =	vsel vm14, $0xD, v6  }
0x90: {  	vm14 =	vgt.f32 v12, v7;
	v10 =	vsel vm13, v12, v10;
	v9 =	vsel vm13, $0x13, v9  }
0x91: {  	v5 =	vsel vm15, v3, v5;
	v6 =	vsel vm15, v4, v6;
	v3 =	vsel vm15, v58, v3  }
0x92: {  	v16 =	vld [tilespmem:s17+$0xFFFFF500];
	v4 =	vsel vm15, $0xD, v4;
	v10 =	vsel vm14, v7, v10;
	v7 =	vsel vm14, v12, v7  }
0x93: {  	v19 =	vld [tilespmem:s17+$0xFFFFEF00];
	vm0 =	vgt.f32 v59, v3;
	vm5 =	vgt.f32 v59, v5;
	vm15 =	vgt.f32 v14, v10  }
0x94: {  	vm6 =	vgt.f32 v14, v7;
	v5 =	vsel vm5, v59, v5;
	v6 =	vsel vm5, $0xE, v6  }
0x95: {  	v10 =	vsel vm15, v14, v10;
	v8 =	vsel vm0, v59, v3;
	v5 =	vsel vm0, v3, v5  }
0x96: {  	v17 =	vld [tilespmem:s17+$0xFFFFF600];
	v6 =	vsel vm0, v4, v6;
	v3 =	vsel vm14, v13, v9;
	v18 =	vsel vm6, v7, v10  }
0x97: {  	v13 =	vsel vm14, $0x13, v13;
	v7 =	vsel vm6, v14, v7;
	v4 =	vsel vm0, $0xE, v4  }
0x98: {  	vm0 =	vgt.f32 v19, v8;
	vm7 =	vgt.f32 v16, v18;
	v3 =	vsel vm15, $0x14, v3  }
0x99: {  	v20 =	vld [tilespmem:s17+$0xFFFFF700];
	vm8 =	vgt.f32 v16, v7;
	vm13 =	vgt.f32 v19, v5;
	v9 =	vsel vm7, v16, v18  }
0x9a: {  	v3 =	vsel vm6, v13, v3;
	v13 =	vsel vm6, $0x14, v13;
	v9 =	vsel vm8, v7, v9  }
0x9b: {  	v5 =	vsel vm13, v19, v5;
	v7 =	vsel vm8, v16, v7;
	vm9 =	vgt.f32 v17, v9  }
0x9c: {  	v21 =	vld [tilespmem:s17+$0xFFFFF800];
	v3 =	vsel vm7, $0x15, v3;
	vm10 =	vgt.f32 v17, v7;
	v9 =	vsel vm9, v17, v9  }
0x9d: {  	v6 =	vsel vm13, $0xF, v6;
	v3 =	vsel vm8, v13, v3;
	v9 =	vsel vm10, v7, v9  }
0x9e: {  	v13 =	vsel vm8, $0x15, v13;
	v7 =	vsel vm10, v17, v7;
	vm11 =	vgt.f32 v20, v9  }
0x9f: {  	v22 =	vld [tilespmem:s17+$0xFFFFF900];
	v3 =	vsel vm9, $0x16, v3;
	vm12 =	vgt.f32 v20, v7;
	v9 =	vsel vm11, v20, v9  }
0xa0: {  	v5 =	vsel vm0, v8, v5;
	v3 =	vsel vm10, v13, v3;
	v9 =	vsel vm12, v7, v9  }
0xa1: {  	v13 =	vsel vm10, $0x16, v13;
	v7 =	vsel vm12, v20, v7;
	vm14 =	vgt.f32 v21, v9  }
0xa2: {  	v23 =	vld [tilespmem:s17+$0xFFFFFA00];
	v3 =	vsel vm11, $0x17, v3;
	vm15 =	vgt.f32 v21, v7;
	v9 =	vsel vm14, v21, v9  }
0xa3: {  	v32 =	vld [tilespmem:s17+$0x0];
	v3 =	vsel vm12, v13, v3;
	v13 =	vsel vm12, $0x17, v13;
	v9 =	vsel vm15, v7, v9  }
0xa4: {  	v3 =	vsel vm14, $0x18, v3;
	v7 =	vsel vm15, v21, v7;
	vm6 =	vgt.f32 v22, v9  }
0xa5: {  	v3 =	vsel vm15, v13, v3;
	vm7 =	vgt.f32 v22, v7;
	v9 =	vsel vm6, v22, v9  }
0xa6: {  	v13 =	vsel vm15, $0x18, v13;
	v3 =	vsel vm6, $0x19, v3;
	v9 =	vsel vm7, v7, v9  }
0xa7: {  	v33 =	vld [tilespmem:s17+$0x100];
	v7 =	vsel vm7, v22, v7;
	v3 =	vsel vm7, v13, v3;
	v13 =	vsel vm7, $0x19, v13  }
0xa8: {  	v24 =	vld [tilespmem:s17+$0xFFFFFB00];
	vm7 =	vlt.f32 v32, $-Inf;
	vm8 =	vgt.f32 v23, v9;
	vm9 =	vgt.f32 v23, v7  }
0xa9: {  	v9 =	vsel vm8, v23, v9;
	v26 =	vsel vm8, $0x1A, v3;
	v3 =	vsel vm0, v4, v6  }
0xaa: {  	v6 =	vsel vm0, v19, v8;
	v4 =	vsel vm0, $0xF, v4;
	vm8 =	vgt.f32 v32, $-Inf  }
0xab: {  	v9 =	vsel vm9, v7, v9;
	v7 =	vsel vm9, v23, v7;
	v27 =	vsel vm9, v13, v26  }
0xac: {  	v25 =	vld [tilespmem:s17+$0xFFFFFC00];
	v13 =	vsel vm9, $0x1A, v13;
	vm1 =	vmor vm8, vm7;
	vm9 =	vlt.f32 v33, $-Inf  }
0xad: {  	vm10 =	vgt.f32 v24, v9;
	vm11 =	vgt.f32 v24, v7;
	v35 =	vnsel vm1, $0xFF800000, v32  }
0xae: {  	v36 =	vsel vm1, $0x20, v1;
	v9 =	vsel vm10, v24, v9;
	v28 =	vsel vm10, $0x1B, v27  }
0xaf: {  	v31 =	vsel vm11, $0x1B, v13;
	vm10 =	vgt.f32 v33, $-Inf;
	v9 =	vsel vm11, v7, v9  }
0xb0: {  	v7 =	vsel vm11, v24, v7;
	v30 =	vsel vm11, v13, v28;
	vm11 =	vmor vm10, vm9  }
0xb1: {  	v24 =	vimm.s32 $0x0;
	vm12 =	vgt.f32 v25, v9;
	vm13 =	vgt.f32 v25, v7  }
0xb2: {  	v15 =	vld [tilespmem:s17+$0xFFFFFD00];
	v37 =	vnsel vm11, $0xFF800000, v33;
	v17 =	vsel vm11, $0x21, v1;
	v9 =	vsel vm12, v25, v9  }
0xb3: {  	v16 =	vld [tilespmem:s17+$0x200];
	v8 =	vsel vm12, $0x1C, v30;
	v10 =	vsel vm13, $0x1C, v31;
	vm12 =	vgt.f32 v33, v35  }
0xb4: {  	v30 =	vimm.s32 $0x0;
	v9 =	vsel vm13, v7, v9;
	v7 =	vsel vm13, v25, v7  }
0xb5: {  	v8 =	vsel vm13, v31, v8;
	v11 =	vsel vm12, v35, v37;
	v17 =	vsel vm12, v36, v17  }
0xb6: {  	v12 =	vsel vm12, v33, v35;
	v19 =	vsel vm12, $0x21, v36;
	v31 =	vimm.s32 $0x0  }
0xb7: {  	v29 =	vld [tilespmem:s17+$0xFFFFFE00];
	v36 =	vimm.s32 $0x0;
	vm14 =	vgt.f32 v15, v9;
	vm15 =	vgt.f32 v15, v7  }
0xb8: {  	v18 =	vld [tilespmem:s17+$0x300];
	vm13 =	vgt.f32 v16, v11;
	v9 =	vsel vm14, v15, v9;
	v8 =	vsel vm14, $0x1D, v8  }
0xb9: {  	v34 =	vsel vm15, $0x1D, v10;
	vm14 =	vgt.f32 v16, v12;
	v38 =	vsel vm13, v16, v11  }
0xba: {  	v39 =	vsel vm13, $0x22, v17;
	v9 =	vsel vm15, v7, v9;
	v7 =	vsel vm15, v15, v7  }
0xbb: {  	v8 =	vsel vm15, v10, v8;
	v41 =	vsel vm14, v12, v38;
	v11 =	vsel vm14, v19, v39  }
0xbc: {  	v12 =	vsel vm14, v16, v12;
	v42 =	vsel vm14, $0x22, v19;
	v38 =	vimm.s32 $0x0  }
0xbd: {  	v40 =	vld [tilespmem:s17+$0x400];
	vm5 =	vgt.f32 v29, v9;
	vm6 =	vgt.f32 v29, v7;
	vm15 =	vgt.f32 v18, v41  }
0xbe: {  	vm4 =	vgt.f32 v18, v12;
	v9 =	vsel vm5, v29, v9;
	v8 =	vsel vm5, $0x1E, v8  }
0xbf: {  	v10 =	vld [tilespmem:s17+$0xFFFFFF00];
	v43 =	vsel vm15, v18, v41;
	v11 =	vsel vm15, $0x23, v11;
	v14 =	vsel vm4, $0x23, v42  }
0xc0: {  	v41 =	vimm.s32 $0x0;
	v15 =	vsel vm6, v7, v9;
	v8 =	vsel vm6, v34, v8  }
0xc1: {  	v44 =	vld [tilespmem:s17+$0x500];
	v9 =	vsel vm6, v29, v7;
	v7 =	vsel vm6, $0x1E, v34;
	v45 =	vsel vm4, v12, v43  }
0xc2: {  	v51 =	vld [tilespmem:s17+$0x1000];
	v11 =	vsel vm4, v42, v11;
	v12 =	vsel vm4, v18, v12;
	vm5 =	vgt.f32 v40, v45  }
0xc3: {  	v46 =	vld [tilespmem:s17+$0x600];
	v34 =	vimm.s32 $0x0;
	vm6 =	vgt.f32 v40, v12;
	v13 =	vsel vm5, v40, v45  }
0xc4: {  	v52 =	vld [tilespmem:s17+$0x1100];
	v11 =	vsel vm5, $0x24, v11;
	vm7 =	vgt.f32 v10, v15;
	v17 =	vsel vm6, v40, v12  }
0xc5: {  	v13 =	vsel vm6, v12, v13;
	v11 =	vsel vm6, v14, v11;
	v14 =	vsel vm6, $0x24, v14  }
0xc6: {  	vm9 =	vgt.f32 v44, v17;
	v48 =	vsel vm7, v10, v15;
	v8 =	vsel vm7, $0x1F, v8  }
0xc7: {  	vm6 =	vlt.f32 v51, $-Inf;
	vm7 =	vgt.f32 v51, $-Inf;
	vm8 =	vgt.f32 v44, v13  }
0xc8: {  	v47 =	vld [tilespmem:s17+$0x700];
	v49 =	vsel vm9, v44, v17;
	vm1 =	vmor vm7, vm6;
	v13 =	vsel vm8, v44, v13  }
0xc9: {  	v11 =	vsel vm8, $0x25, v11;
	vm11 =	vgt.f32 v46, v49;
	vm8 =	vlt.f32 v52, $-Inf  }
0xca: {  	v53 =	vld [tilespmem:s17+$0x1200];
	v19 =	vnsel vm1, $0xFF800000, v51;
	v26 =	vsel vm1, $0x30, v1;
	v51 =	vimm.s32 $0x0  }
0xcb: {  	v13 =	vsel vm9, v17, v13;
	v11 =	vsel vm9, v14, v11;
	v14 =	vsel vm9, $0x25, v14  }
0xcc: {  	v15 =	vsel vm11, v46, v49;
	vm9 =	vgt.f32 v52, $-Inf;
	vm0 =	vgt.f32 v52, v19  }
0xcd: {  	vm10 =	vgt.f32 v46, v13;
	vm13 =	vgt.f32 v47, v15;
	vm4 =	vmor vm9, vm8  }
0xce: {  	v16 =	vsel vm0, v52, v19;
	v29 =	vsel vm0, $0x31, v26;
	v13 =	vsel vm10, v46, v13  }
0xcf: {  	v11 =	vsel vm10, $0x26, v11;
	v21 =	vnsel vm4, $0xFF800000, v52;
	vm2 =	vgt.f32 v53, v16  }
0xd0: {  	v27 =	vsel vm4, $0x31, v1;
	v46 =	vimm.s32 $0x0;
	v52 =	vimm.s32 $0x0  }
0xd1: {  	v13 =	vsel vm11, v49, v13;
	v11 =	vsel vm11, v14, v11;
	v14 =	vsel vm11, $0x26, v14  }
0xd2: {  	v50 =	vld [tilespmem:s17+$0x800];
	v54 =	vsel vm0, v19, v21;
	v18 =	vsel vm0, v26, v27;
	vm12 =	vgt.f32 v47, v13  }
0xd3: {  	v22 =	vld [tilespmem:s17+$0x1300];
	v27 =	vimm.s32 $0x0;
	vm5 =	vgt.f32 v53, v54;
	v13 =	vsel vm12, v47, v13  }
0xd4: {  	v11 =	vsel vm12, $0x27, v11;
	v17 =	vsel vm5, v53, v54;
	v18 =	vsel vm5, $0x32, v18  }
0xd5: {  	v13 =	vsel vm13, v15, v13;
	v11 =	vsel vm13, v14, v11;
	v15 =	vsel vm13, v47, v15  }
0xd6: {  	v14 =	vsel vm13, $0x27, v14;
	v17 =	vsel vm2, v16, v17;
	v16 =	vsel vm2, v53, v16  }
0xd7: {  	v20 =	vld [tilespmem:s17+$0x900];
	v18 =	vsel vm2, v29, v18;
	v47 =	vimm.s32 $0x0;
	vm14 =	vgt.f32 v50, v15  }
0xd8: {  	v56 =	vld [tilespmem:s17+$0x1400];
	vm15 =	vgt.f32 v50, v13;
	vm7 =	vgt.f32 v22, v17;
	vm3 =	vgt.f32 v22, v16  }
0xd9: {  	v13 =	vsel vm15, v50, v13;
	v11 =	vsel vm15, $0x28, v11;
	v17 =	vsel vm7, v22, v17  }
0xda: {  	v55 =	vld [tilespmem:s17+$0xA00];
	v18 =	vsel vm7, $0x33, v18;
	v13 =	vsel vm14, v15, v13;
	v23 =	vsel vm14, v14, v11  }
0xdb: {  	v15 =	vsel vm14, v50, v15;
	v11 =	vsel vm14, $0x28, v14;
	v17 =	vsel vm3, v16, v17  }
0xdc: {  	v16 =	vsel vm3, v22, v16;
	vm11 =	vgt.f32 v20, v13;
	vm10 =	vgt.f32 v20, v15  }
0xdd: {  	v58 =	vld [tilespmem:s17+$0xB00];
	vm9 =	vgt.f32 v56, v17;
	v21 =	vsel vm10, $0xFFFFFFFF, v57;
	v13 =	vsel vm11, v20, v13  }
0xde: {  	v17 =	vsel vm9, v56, v17;
	v13 =	vsel vm10, v15, v13;
	v15 =	vsel vm10, v20, v15  }
0xdf: {  	v59 =	vld [tilespmem:s17+$0x1500];
	v19 =	vsel vm11, $0x29, v23;
	v57 =	vimm.s32 $0x0;
	vm8 =	vgt.f32 v55, v15  }
0xe0: {  	[tilespmem:$0x1FE90] =	vst v21;
	v21 =	vsel vm2, $0x32, v29;
	vm6 =	vgt.f32 v55, v13;
	v20 =	vsel vm8, $0xFFFFFFFF, v60  }
0xe1: {  	v13 =	vsel vm6, v55, v13;
	v14 =	vsel vm8, v55, v15;
	[tilespmem:$0x1FED0] =	vst v20;
	v20 =	vsel vm6, $0xFFFFFFFF, v61  }
0xe2: {  	v62 =	vld [tilespmem:s17+$0x1600];
	vm6 =	vgt.f32 v56, v16;
	v13 =	vsel vm8, v15, v13;
	vm12 =	vgt.f32 v58, v14  }
0xe3: {  	v15 =	vsel vm12, $0xFFFFFFFF, v63;
	v22 =	vsel vm6, v16, v17;
	vm8 =	vgt.f32 v58, v13  }
0xe4: {  	v16 =	vsel vm6, v56, v16;
	v17 =	vsel vm8, $0xFFFFFFFF, v24;
	vm10 =	vgt.f32 v59, v22  }
0xe5: {  	v25 =	vld [tilespmem:s17+$0x1700];
	[tilespmem:$0x1FF20] =	vst v15;
	v13 =	vsel vm8, v58, v13;
	vm8 =	vgt.f32 v59, v16;
	v15 =	vsel vm10, v59, v22  }
0xe6: {  	v35 =	vsel vm3, v21, v18;
	v21 =	vsel vm3, $0x33, v21;
	v15 =	vsel vm8, v16, v15  }
0xe7: {  	v24 =	vimm.s32 $0x0;
	v16 =	vsel vm8, v59, v16;
	vm1 =	vgt.f32 v62, v15  }
0xe8: {  	v28 =	vld [tilespmem:s17+$0x1800];
	v13 =	vsel vm12, v14, v13;
	vm11 =	vgt.f32 v62, v16;
	v15 =	vsel vm1, v62, v15  }
0xe9: {  	v14 =	vsel vm12, v58, v14;
	v58 =	vimm.s32 $0x0;
	v15 =	vsel vm11, v16, v15  }
0xea: {  	v33 =	vld [tilespmem:s17+$0xC00];
	v22 =	vimm.s32 $0x0;
	v16 =	vsel vm11, v62, v16;
	vm13 =	vgt.f32 v25, v15  }
0xeb: {  	v59 =	vimm.s32 $0x0;
	vm14 =	vgt.f32 v25, v16;
	v15 =	vsel vm13, v25, v15  }
0xec: {  	[tilespmem:$0x1FEB0] =	vst v20;
	vm0 =	vmmov vm11;
	v20 =	vsel vm13, $0xFFFFFFFF, v30;
	v15 =	vsel vm14, v16, v15  }
0xed: {  	v32 =	vld [tilespmem:s17+$0x1900];
	[tilespmem:$0x1FE80] =	vst v20;
	v20 =	vsel vm14, $0xFFFFFFFF, v31;
	v16 =	vsel vm14, v25, v16;
	vm15 =	vgt.f32 v28, v15  }
0xee: {  	[tilespmem:$0x1FF00] =	vst v17;
	v25 =	vimm.s32 $0x0;
	vm5 =	vgt.f32 v28, v16;
	v17 =	vsel vm15, $0xFFFFFFFF, v34  }
0xef: {  	v18 =	vsel vm5, $0xFFFFFFFF, v36;
	v15 =	vsel vm15, v28, v15;
	vm15 =	vgt.f32 v33, v14  }
0xf0: {  	[tilespmem:$0x1FEC0] =	vst v17;
	v17 =	vsel vm9, $0x34, v35;
	v15 =	vsel vm5, v16, v15;
	v16 =	vsel vm5, v28, v16  }
0xf1: {  	vm9 =	vgt.f32 v33, v13;
	vm5 =	vgt.f32 v10, v9;
	v17 =	vsel vm6, v21, v17  }
0xf2: {  	vm7 =	vgt.f32 v32, v15;
	v21 =	vsel vm6, $0x34, v21;
	vm11 =	vgt.f32 v32, v16  }
0xf3: {  	v40 =	vld [tilespmem:s17+$0xD00];
	v24 =	vsel vm9, $0xFFFFFFFF, v24;
	v13 =	vsel vm9, v33, v13;
	v12 =	vsel vm5, v9, v48  }
0xf4: {  	v48 =	vimm.s32 $0x0;
	v9 =	vsel vm5, v10, v9;
	v23 =	vsel vm7, $0xFFFFFFFF, v38  }
0xf5: {  	v37 =	vld [tilespmem:s17+$0x1A00];
	v15 =	vsel vm7, v32, v15;
	v17 =	vsel vm10, $0x35, v17;
	v42 =	vsel vm8, $0x35, v21  }
0xf6: {  	v13 =	vsel vm15, v14, v13;
	v14 =	vsel vm15, v33, v14;
	vm3 =	vgt.f32 v9, v6  }
0xf7: {  	v15 =	vsel vm11, v16, v15;
	v17 =	vsel vm8, v21, v17;
	v16 =	vsel vm11, v32, v16  }
0xf8: {  	v39 =	vld [tilespmem:s17+$0x1B00];
	vm6 =	vgt.f32 v40, v13;
	vm12 =	vgt.f32 v40, v14;
	v60 =	vsel vm3, v9, v6  }
0xf9: {  	v44 =	vld [tilespmem:s17+$0xE00];
	v5 =	vsel vm3, v6, v5;
	v61 =	vsel vm3, v12, v9;
	v3 =	vsel vm3, v4, v3  }
0xfa: {  	vm10 =	vgt.f32 v37, v15;
	vm14 =	vgt.f32 v37, v16;
	v17 =	vsel vm1, $0x36, v17  }
0xfb: {  	v43 =	vld [tilespmem:s17+$0x1C00];
	[tilespmem:$0x1FEA0] =	vst v20;
	v13 =	vsel vm6, v40, v13;
	v20 =	vsel vm10, $0xFFFFFFFF, v41;
	v15 =	vsel vm10, v37, v15  }
0xfc: {  	v13 =	vsel vm12, v14, v13;
	v14 =	vsel vm12, v40, v14;
	v15 =	vsel vm14, v16, v15  }
0xfd: {  	[tilespmem:$0x1FF30] =	vst v24;
	v24 =	vsel vm0, v42, v17;
	v16 =	vsel vm14, v37, v16;
	vm4 =	vgt.f32 v39, v15  }
0xfe: {  	v45 =	vld [tilespmem:s17+$0x1D00];
	vm8 =	vgt.f32 v44, v13;
	vm13 =	vgt.f32 v39, v16;
	v15 =	vsel vm4, v39, v15  }
0xff: {  	v26 =	vld [tilespmem:$0x1FE80];
	[tilespmem:$0x1FEF0] =	vst v23;
	v13 =	vsel vm8, v44, v13;
	v25 =	vsel vm4, $0xFFFFFFFF, v25;
	v15 =	vsel vm13, v16, v15  }
0x100: {  	v50 =	vld [tilespmem:s17+$0xF00];
	[tilespmem:$0x1FF40] =	vst v25;
	v25 =	vsel vm6, $0xFFFFFFFF, v46;
	v16 =	vsel vm13, v39, v16;
	vm7 =	vgt.f32 v43, v15  }
0x101: {  	[tilespmem:$0x1FF50] =	vst v25;
	v25 =	vsel vm5, $0xFFFFFFFF, v47;
	vm10 =	vgt.f32 v43, v16;
	v23 =	vsel vm7, $0xFFFFFFFF, v48  }
0x102: {  	[tilespmem:$0x1FF90] =	vst v25;
	v15 =	vsel vm7, v43, v15;
	v25 =	vsel vm8, $0xFFFFFFFF, v51;
	vm8 =	vgt.f32 v44, v14  }
0x103: {  	v49 =	vld [tilespmem:s17+$0x1E00];
	v15 =	vsel vm10, v16, v15;
	v16 =	vsel vm10, v43, v16;
	v54 =	vsel vm8, v14, v13  }
0x104: {  	[tilespmem:$0x1FF70] =	vst v25;
	v14 =	vsel vm8, v44, v14;
	v25 =	vsel vm0, $0x36, v42;
	vm0 =	vnez.u8 v26  }
0x105: {  	vm9 =	vgt.f32 v45, v15;
	vm1 =	vgt.f32 v50, v54;
	vm6 =	vgt.f32 v50, v14  }
0x106: {  	v53 =	vld [tilespmem:s17+$0x1F00];
	v21 =	vsel vm9, $0xFFFFFFFF, v52;
	v15 =	vsel vm9, v45, v15;
	vm9 =	vgt.f32 v45, v16  }
0x107: {  	v9 =	vsel vm0, $0x37, v24;
	v10 =	vsel vm1, v50, v54;
	v55 =	vsel vm9, v16, v15  }
0x108: {  	v54 =	vmov s15;
	v56 =	vsel vm9, v45, v16;
	vm4 =	vgt.f32 v49, v55  }
0x109: {  	v10 =	vsel vm6, v14, v10;
	vm7 =	vgt.f32 v49, v56;
	v13 =	vsel vm4, v49, v55  }
0x10a: {  	v14 =	vsel vm6, v50, v14;
	v16 =	vsel vm4, $0xFFFFFFFF, v57;
	v13 =	vsel vm7, v56, v13  }
0x10b: {  	v29 =	vld [tilespmem:$0x1FEA0];
	v15 =	vsel vm7, v49, v56;
	[tilespmem:$0x1FFA0] =	vst v16;
	v16 =	vsel vm1, $0xFFFFFFFF, v58;
	vm5 =	vgt.f32 v53, v13  }
0x10c: {  	[tilespmem:$0x1FFB0] =	vst v16;
	v16 =	vsel vm5, $0xFFFFFFFF, v59;
	v13 =	vsel vm5, v53, v13;
	vm5 =	vgt.f32 v53, v15  }
0x10d: {  	vm1 =	vgt.f32 v61, v5;
	v13 =	vsel vm5, v15, v13;
	v15 =	vsel vm5, v53, v15  }
0x10e: {  	v30 =	vld [tilespmem:$0x1FEB0];
	[tilespmem:$0x1FF80] =	vst v21;
	v21 =	vimm.s32 $0x0;
	v5 =	vsel vm1, v61, v5;
	vm4 =	vgt.f32 v15, v14  }
0x10f: {  	[tilespmem:$0x1FEE0] =	vst v18;
	v28 =	vld [tilespmem:$0x1FE90];
	v62 =	vsel vm4, v14, v10;
	v63 =	vsel vm4, v13, v15;
	v18 =	vsel vm4, v15, v14  }
0x110: {  	v31 =	vld [tilespmem:$0x1FEC0];
	[tilespmem:$0x1FF60] =	vst v23;
	v13 =	vsel vm1, $0xFFFFFFFF, v21;
	vm1 =	vnez.u8 v29;
	vm2 =	vgt.f32 v63, v62  }
0x111: {  	v33 =	vld [tilespmem:$0x1FEE0];
	[tilespmem:$0x1FFD0] =	vst v13;
	v13 =	vsel vm2, $0xFFFFFFFF, v22;
	v23 =	vsel vm2, v63, v62;
	vm2 =	vgt.f32 v18, v60  }
0x112: {  	v32 =	vld [tilespmem:$0x1FED0];
	v9 =	vsel vm1, v25, v9;
	v5 =	vsel vm2, v60, v5;
	v6 =	vsel vm2, v23, v18  }
0x113: {  	v35 =	vld [tilespmem:$0x1FF00];
	v10 =	vsel vm1, $0x37, v25;
	v12 =	vsel vm2, v18, v60;
	vm0 =	vgt.f32 v6, v5  }
0x114: {  	v34 =	vld [tilespmem:$0x1FEF0];
	[tilespmem:$0x1FFE0] =	vst v13;
	v13 =	vsel vm0, $0xFFFFFFFF, v27;
	v5 =	vsel vm0, v6, v5;
	vm0 =	vnez.u8 v28  }
0x115: {  	v39 =	vld [tilespmem:$0x1FF20];
	v6 =	vsel vm0, v11, v19;
	v11 =	vsel vm0, $0x29, v11;
	vm0 =	vnez.u8 v30  }
0x116: {  	v40 =	vld [tilespmem:$0x1FF30];
	[tilespmem:$0x1FF10] =	vst v20;
	v5 =	vsub.f32 v5, v12;
	v6 =	vsel vm0, $0x2A, v6;
	vm0 =	vnez.u8 v31  }
0x117: {  	v38 =	vld [tilespmem:$0x1FF10];
	vm1 =	vnez.u8 v33;
	v9 =	vsel vm0, $0x38, v9;
	vm0 =	vnez.u8 v32  }
0x118: {  	v41 =	vld [tilespmem:$0x1FF40];
	v5 =	vmul.f32 $1.442695020e+00, v5;
	v6 =	vsel vm0, v11, v6;
	v9 =	vsel vm1, v10, v9  }
0x119: {  	v42 =	vld [tilespmem:$0x1FF50];
	v11 =	vsel vm0, $0x2A, v11;
	v10 =	vsel vm1, $0x38, v10;
	vm0 =	vnez.u8 v34  }
0x11a: {  	v43 =	vld [tilespmem:$0x1FF60];
	vm1 =	vnez.u8 v39;
	v9 =	vsel vm0, $0x39, v9;
	vm0 =	vnez.u8 v35  }
0x11b: {  	v46 =	vld [tilespmem:$0x1FF90];
	(erf) = vpow2.f32 v5;
	v37 =	vsel vm11, $0x39, v10;
	v6 =	vsel vm0, $0x2B, v6  }
0x11c: {  	v45 =	vld [tilespmem:$0x1FF80];
	v36 =	vsel vm11, v10, v9;
	vm11 =	vnez.u8 v38;
	v10 =	vsel vm1, $0x2B, v11  }
0x11d: {  	v44 =	vld [tilespmem:$0x1FF70];
	v9 =	vsel vm14, $0x3A, v37;
	v5 =	vsel vm11, $0x3A, v36;
	v6 =	vsel vm1, v11, v6  }
0x11e: {  	v49 =	vld [tilespmem:$0x1FFB0];
	[tilespmem:$0x1FFC0] =	vst v16;
	vm11 =	vnez.u8 v40;
	v5 =	vsel vm14, v37, v5;
	vm14 =	vnez.u8 v41  }
0x11f: {  	v51 =	vld [tilespmem:$0x1FFC0];
	[tilespmem:$0x1FFF0] =	vst v13;
	v6 =	vsel vm11, $0x2C, v6;
	vm11 =	vnez.u8 v43;
	v5 =	vsel vm14, $0x3B, v5  }
0x120: {  	v60 =	vld [tilespmem:$0x1FFF0];
	v6 =	vsel vm15, v10, v6;
	v10 =	vsel vm15, $0x2C, v10;
	vm15 =	vnez.u8 v42  }
0x121: {  	v47 =	vld [tilespmem:$0x1FFA0];
	vm14 =	vnez.u8 v45;
	v6 =	vsel vm15, $0x2D, v6;
	v5 =	vsel vm13, v9, v5  }
0x122: {  	v9 =	vsel vm13, $0x3B, v9;
	vm13 =	vnez.u8 v44;
	vm15 =	vnez.u8 v46  }
0x123: {  	v56 =	vld [tilespmem:$0x1FFD0];
	v5 =	vsel vm11, $0x3C, v5;
	v6 =	vsel vm12, v10, v6;
	v10 =	vsel vm12, $0x2D, v10  }
0x124: {  	v8 =	vsel vm15, v7, v8;
	v7 =	vsel vm15, $0x1F, v7;
	vm11 =	vnez.u8 v49  }
0x125: {  	vm12 =	vnez.u8 v51;
	vm15 =	vnez.u8 v60;
	v6 =	vsel vm13, $0x2E, v6  }
0x126: {  	v5 =	vsel vm10, v9, v5;
	v9 =	vsel vm10, $0x3C, v9;
	vm10 =	vnez.u8 v47  }
0x127: {  	v52 =	vsel vm3, v7, v4;
	v53 =	vsel vm3, v8, v7;
	v7 =	vshll.u32 v54, $0x7  }
0x128: {  	vm13 =	vnez.u8 v56;
	v5 =	vsel vm14, $0x3D, v5;
	v6 =	vsel vm8, v10, v6;
	v48 =	vpop (erf)  }
0x129: {  	v57 =	vld [tilespmem:$0x1FFE0];
	v10 =	vsel vm8, $0x2E, v10;
	v5 =	vsel vm9, v9, v5;
	v50 =	vadd.f32 $1.000000000e+00, v48  }
0x12a: {  	v3 =	vsel vm13, v53, v3;
	v9 =	vsel vm9, $0x3D, v9;
	v5 =	vsel vm10, $0x3E, v5  }
0x12b: {  	v6 =	vsel vm11, $0x2F, v6;
	v5 =	vsel vm7, v9, v5;
	(erf) = vrcp.f32 v50  }
0x12c: {  	v6 =	vsel vm6, v10, v6;
	v9 =	vsel vm7, $0x3E, v9;
	v5 =	vsel vm12, $0x3F, v5  }
0x12d: {  	v10 =	vsel vm6, $0x2F, v10;
	v5 =	vsel vm5, v9, v5;
	v9 =	vsel vm5, $0x3F, v9  }
0x12e: {  	vm14 =	vnez.u8 v57;
	v6 =	vsel vm4, v10, v6;
	v5 =	vsel vm4, v5, v9  }
0x12f: {  	v59 =	vor.u32 v2, v7;
	v55 =	vsel vm4, v9, v10;
	v4 =	vsel vm14, v5, v6  }
0x130: {  	v3 =	vsel vm2, v52, v3;
	v58 =	vsel vm2, v55, v52;
	v4 =	vsel vm2, v4, v55  }
0x131: {  	v61 =	vor.u32 v59, v58;
	v3 =	vsel vm15, v4, v3  }
0x132: {  	p0 =	sne.s32 s15, $0x70;
	v3 =	vor.u32 v59, v3  }
.Ltmp2:
0x133: {  	_ = 	snop;
	(pc) =	sbr.rel @p0 .LBB2_6-.Ltmp2, $4  }
0x134: {  	v62 =	vpop (erf)  }
0x135: {  	v63 =	vmul.f32 v62, v48  }
0x136: {  	[tilespmem:v61+s9+$0x0] =	vst.idx.msk $0xffff, v62  }
0x137: {  	s16 =	sadd.s32 $0x800, s16;
	s17 =	sadd.s32 $0x10, s17;
	s15 =	sadd.s32 $0x10, s15;
	[tilespmem:v3+s9+$0x0] =	vst.idx.msk $0xffff, v63  }
0x138: {  	s15 =	simm.s32 $0x0  }
0x139: {  	[hbm4b:s5+s15] =	stream.linear.scatter [tilespmem:s9], [sflag:$0x3], $0x4000, $0x38;
	[tilespmem:$0xC000] =	vst v63  }
0x13a: {  	_ =	swait.ge [sflag:s10], $0x2000  }
0x13b: {  	[sflag:s10] =	ssyncset.done $0x0  }
0x13c: {  	s16 =	simm.s32 $0x80;
	s17 =	simm.s32 $0x8000;
	[sflag:s10] =	ssyncadd.s32 $0xFFFFE000  }
.LBB2_8:
0x13d: {  	[tilespmem:s17+$0x0] =	vst v0  }
0x13e: {  	[tilespmem:s17+$0x10] =	vst v0  }
0x13f: {  	[tilespmem:s17+$0x20] =	vst v0  }
0x140: {  	[tilespmem:s17+$0x30] =	vst v0  }
0x141: {  	[tilespmem:s17+$0x80] =	vst v0  }
0x142: {  	[tilespmem:s17+$0x90] =	vst v0  }
0x143: {  	[tilespmem:s17+$0xA0] =	vst v0  }
0x144: {  	[tilespmem:s17+$0xB0] =	vst v0  }
0x145: {  	[tilespmem:s17+$0x100] =	vst v0  }
0x146: {  	[tilespmem:s17+$0x110] =	vst v0  }
0x147: {  	[tilespmem:s17+$0x120] =	vst v0  }
0x148: {  	[tilespmem:s17+$0x130] =	vst v0  }
0x149: {  	[tilespmem:s17+$0x180] =	vst v0  }
0x14a: {  	[tilespmem:s17+$0x190] =	vst v0  }
0x14b: {  	[tilespmem:s17+$0x1A0] =	vst v0  }
0x14c: {  	[tilespmem:s17+$0x1B0] =	vst v0  }
0x14d: {  	[tilespmem:s17+$0x200] =	vst v0  }
0x14e: {  	[tilespmem:s17+$0x210] =	vst v0  }
0x14f: {  	[tilespmem:s17+$0x220] =	vst v0  }
0x150: {  	[tilespmem:s17+$0x230] =	vst v0  }
0x151: {  	[tilespmem:s17+$0x280] =	vst v0  }
0x152: {  	[tilespmem:s17+$0x290] =	vst v0  }
0x153: {  	[tilespmem:s17+$0x2A0] =	vst v0  }
0x154: {  	[tilespmem:s17+$0x2B0] =	vst v0  }
0x155: {  	[tilespmem:s17+$0x300] =	vst v0  }
0x156: {  	[tilespmem:s17+$0x310] =	vst v0  }
0x157: {  	[tilespmem:s17+$0x320] =	vst v0  }
0x158: {  	[tilespmem:s17+$0x330] =	vst v0  }
0x159: {  	[tilespmem:s17+$0x380] =	vst v0  }
0x15a: {  	[tilespmem:s17+$0x390] =	vst v0  }
0x15b: {  	[tilespmem:s17+$0x3A0] =	vst v0  }
0x15c: {  	[tilespmem:s17+$0x3B0] =	vst v0  }
0x15d: {  	[tilespmem:s17+$0x400] =	vst v0  }
0x15e: {  	[tilespmem:s17+$0x410] =	vst v0  }
0x15f: {  	[tilespmem:s17+$0x420] =	vst v0  }
0x160: {  	[tilespmem:s17+$0x430] =	vst v0  }
0x161: {  	[tilespmem:s17+$0x480] =	vst v0  }
0x162: {  	[tilespmem:s17+$0x490] =	vst v0  }
0x163: {  	[tilespmem:s17+$0x4A0] =	vst v0  }
0x164: {  	[tilespmem:s17+$0x4B0] =	vst v0  }
0x165: {  	[tilespmem:s17+$0x500] =	vst v0  }
0x166: {  	[tilespmem:s17+$0x510] =	vst v0  }
0x167: {  	[tilespmem:s17+$0x520] =	vst v0  }
0x168: {  	[tilespmem:s17+$0x530] =	vst v0  }
0x169: {  	[tilespmem:s17+$0x580] =	vst v0  }
0x16a: {  	[tilespmem:s17+$0x590] =	vst v0  }
0x16b: {  	[tilespmem:s17+$0x5A0] =	vst v0  }
0x16c: {  	[tilespmem:s17+$0x5B0] =	vst v0  }
0x16d: {  	[tilespmem:s17+$0x600] =	vst v0  }
0x16e: {  	[tilespmem:s17+$0x610] =	vst v0  }
0x16f: {  	[tilespmem:s17+$0x620] =	vst v0  }
0x170: {  	[tilespmem:s17+$0x630] =	vst v0  }
0x171: {  	[tilespmem:s17+$0x680] =	vst v0  }
0x172: {  	[tilespmem:s17+$0x690] =	vst v0  }
0x173: {  	[tilespmem:s17+$0x6A0] =	vst v0  }
0x174: {  	[tilespmem:s17+$0x6B0] =	vst v0  }
0x175: {  	[tilespmem:s17+$0x700] =	vst v0  }
0x176: {  	[tilespmem:s17+$0x710] =	vst v0  }
0x177: {  	[tilespmem:s17+$0x720] =	vst v0  }
0x178: {  	[tilespmem:s17+$0x730] =	vst v0  }
0x179: {  	[tilespmem:s17+$0x780] =	vst v0  }
0x17a: {  	[tilespmem:s17+$0x790] =	vst v0  }
0x17b: {  	s18 =	sand.u32 $0x3FFFFF80, s16;
	[tilespmem:s17+$0x7A0] =	vst v0;
	s19 =	sshra.s32 s15, $0x2  }
0x17c: {  	[tilespmem:s17+$0x7B0] =	vst v0;
	s18 =	sadd.s32 s19, s18  }
0x17d: {  	v3 =	vld [tilespmem:s18+$0x0]  }
0x17e: {  	v4 =	vld [tilespmem:s18+$0x100];
	_ =	sdelay $0x3  }
0x17f: {  	v5 =	vld [tilespmem:s18+$0x200];
	vm0 =	vgt.f32 v3, $-Inf  }
0x180: {  	vm1 =	vlt.f32 v4, $-Inf;
	vm2 =	vgt.f32 v4, $-Inf;
	v3 =	vnsel vm0, $0xFF800000, v3  }
0x181: {  	vm1 =	vmor vm2, vm1;
	vm0 =	vgt.f32 v4, v3  }
0x182: {  	v7 =	vld [tilespmem:s18+$0x300];
	v6 =	vnsel vm1, $0xFF800000, v4;
	vm3 =	vmneg vm0  }
0x183: {  	v47 =	vsel vm0, $0x1, v1;
	v6 =	vsel vm3, v6, v3  }
0x184: {  	vm1 =	vmand vm1, vm3;
	v3 =	vsel vm3, v3, v4;
	vm4 =	vgt.f32 v5, v6  }
0x185: {  	v9 =	vld [tilespmem:s18+$0x400];
	v8 =	vsel vm1, $0x1, v1;
	vm5 =	vgt.f32 v5, v3;
	v6 =	vsel vm4, v5, v6  }
0x186: {  	v8 =	vsel vm4, $0x2, v8;
	v4 =	vsel vm5, $0x2, v47;
	v6 =	vsel vm5, v3, v6  }
0x187: {  	v8 =	vsel vm5, v47, v8;
	v3 =	vsel vm5, v5, v3;
	vm6 =	vgt.f32 v7, v6  }
0x188: {  	v50 =	vld [tilespmem:s18+$0x500];
	vm7 =	vgt.f32 v7, v3;
	v48 =	vsel vm6, v7, v6;
	v49 =	vsel vm6, $0x3, v8  }
0x189: {  	v5 =	vsel vm7, v3, v48;
	v6 =	vsel vm7, v4, v49  }
0x18a: {  	v3 =	vsel vm7, v7, v3;
	v4 =	vsel vm7, $0x3, v4;
	vm8 =	vgt.f32 v9, v5  }
0x18b: {  	v51 =	vld [tilespmem:s18+$0x600];
	vm9 =	vgt.f32 v9, v3;
	v5 =	vsel vm8, v9, v5;
	v6 =	vsel vm8, $0x4, v6  }
0x18c: {  	v5 =	vsel vm9, v3, v5;
	v6 =	vsel vm9, v4, v6  }
0x18d: {  	v3 =	vsel vm9, v9, v3;
	v4 =	vsel vm9, $0x4, v4;
	vm10 =	vgt.f32 v50, v5  }
0x18e: {  	v52 =	vld [tilespmem:s18+$0x700];
	vm11 =	vgt.f32 v50, v3;
	v5 =	vsel vm10, v50, v5;
	v6 =	vsel vm10, $0x5, v6  }
0x18f: {  	v5 =	vsel vm11, v3, v5;
	v6 =	vsel vm11, v4, v6  }
0x190: {  	v3 =	vsel vm11, v50, v3;
	v4 =	vsel vm11, $0x5, v4;
	vm12 =	vgt.f32 v51, v5  }
0x191: {  	v53 =	vld [tilespmem:s18+$0x800];
	vm13 =	vgt.f32 v51, v3;
	v5 =	vsel vm12, v51, v5;
	v6 =	vsel vm12, $0x6, v6  }
0x192: {  	v5 =	vsel vm13, v3, v5;
	v6 =	vsel vm13, v4, v6  }
0x193: {  	v3 =	vsel vm13, v51, v3;
	v4 =	vsel vm13, $0x6, v4;
	vm14 =	vgt.f32 v52, v5  }
0x194: {  	v54 =	vld [tilespmem:s18+$0x900];
	vm15 =	vgt.f32 v52, v3;
	v5 =	vsel vm14, v52, v5;
	v6 =	vsel vm14, $0x7, v6  }
0x195: {  	v5 =	vsel vm15, v3, v5;
	v6 =	vsel vm15, v4, v6  }
0x196: {  	v11 =	vld [tilespmem:s18+$0x1100];
	v3 =	vsel vm15, v52, v3;
	v4 =	vsel vm15, $0x7, v4;
	vm4 =	vgt.f32 v53, v5  }
0x197: {  	v55 =	vld [tilespmem:s18+$0xA00];
	vm5 =	vgt.f32 v53, v3;
	v5 =	vsel vm4, v53, v5;
	v6 =	vsel vm4, $0x8, v6  }
0x198: {  	v10 =	vld [tilespmem:s18+$0x1000];
	v5 =	vsel vm5, v3, v5;
	v6 =	vsel vm5, v4, v6  }
0x199: {  	v3 =	vsel vm5, v53, v3;
	v4 =	vsel vm5, $0x8, v4;
	vm6 =	vgt.f32 v54, v5  }
0x19a: {  	vm7 =	vgt.f32 v54, v3;
	v5 =	vsel vm6, v54, v5;
	v6 =	vsel vm6, $0x9, v6  }
0x19b: {  	v56 =	vld [tilespmem:s18+$0xB00];
	vm4 =	vgt.f32 v11, $-Inf;
	v5 =	vsel vm7, v3, v5;
	v6 =	vsel vm7, v4, v6  }
0x19c: {  	v3 =	vsel vm7, v54, v3;
	v4 =	vsel vm7, $0x9, v4;
	vm8 =	vgt.f32 v55, v5  }
0x19d: {  	vm7 =	vlt.f32 v10, $-Inf;
	vm9 =	vgt.f32 v55, v3;
	v5 =	vsel vm8, v55, v5  }
0x19e: {  	v6 =	vsel vm8, $0xA, v6;
	vm8 =	vgt.f32 v10, $-Inf;
	v5 =	vsel vm9, v3, v5  }
0x19f: {  	v6 =	vsel vm9, v4, v6;
	v3 =	vsel vm9, v55, v3;
	v4 =	vsel vm9, $0xA, v4  }
0x1a0: {  	vm2 =	vmor vm8, vm7;
	vm9 =	vlt.f32 v11, $-Inf;
	vm10 =	vgt.f32 v56, v5  }
0x1a1: {  	vm11 =	vgt.f32 v56, v3;
	v61 =	vnsel vm2, $0xFF800000, v10;
	vm3 =	vmor vm4, vm9  }
0x1a2: {  	v57 =	vld [tilespmem:s18+$0xC00];
	v13 =	vsel vm2, $0x10, v1;
	v5 =	vsel vm10, v56, v5;
	v6 =	vsel vm10, $0xB, v6  }
0x1a3: {  	v60 =	vld [tilespmem:s18+$0x1200];
	vm10 =	vgt.f32 v11, v61;
	v62 =	vnsel vm3, $0xFF800000, v11;
	v63 =	vsel vm3, $0x11, v1  }
0x1a4: {  	v5 =	vsel vm11, v3, v5;
	v6 =	vsel vm11, v4, v6;
	v3 =	vsel vm11, v56, v3  }
0x1a5: {  	v4 =	vsel vm11, $0xB, v4;
	v10 =	vsel vm10, v61, v62;
	v9 =	vsel vm10, v11, v61  }
0x1a6: {  	v11 =	vsel vm10, v13, v63;
	v13 =	vsel vm10, $0x11, v13;
	v61 =	vimm.s32 $0x0  }
0x1a7: {  	v63 =	vimm.s32 $0x0;
	vm12 =	vgt.f32 v57, v5;
	vm13 =	vgt.f32 v57, v3  }
0x1a8: {  	v58 =	vld [tilespmem:s18+$0xD00];
	vm11 =	vgt.f32 v60, v10;
	v5 =	vsel vm12, v57, v5;
	v6 =	vsel vm12, $0xC, v6  }
0x1a9: {  	v12 =	vld [tilespmem:s18+$0x1300];
	vm12 =	vgt.f32 v60, v9;
	v10 =	vsel vm11, v60, v10;
	v15 =	vsel vm11, $0x12, v11  }
0x1aa: {  	v5 =	vsel vm13, v3, v5;
	v6 =	vsel vm13, v4, v6;
	v3 =	vsel vm13, v57, v3  }
0x1ab: {  	v4 =	vsel vm13, $0xC, v4;
	v10 =	vsel vm12, v9, v10;
	v7 =	vsel vm12, v60, v9  }
0x1ac: {  	v59 =	vld [tilespmem:s18+$0xE00];
	v9 =	vsel vm12, v13, v15;
	v13 =	vsel vm12, $0x12, v13;
	v57 =	vimm.s32 $0x0  }
0x1ad: {  	v14 =	vld [tilespmem:s18+$0x1400];
	v60 =	vimm.s32 $0x0;
	vm14 =	vgt.f32 v58, v5;
	vm15 =	vgt.f32 v58, v3  }
0x1ae: {  	vm13 =	vgt.f32 v12, v10;
	v5 =	vsel vm14, v58, v5;
	v6 =	vsel vm14, $0xD, v6  }
0x1af: {  	vm14 =	vgt.f32 v12, v7;
	v10 =	vsel vm13, v12, v10;
	v9 =	vsel vm13, $0x13, v9  }
0x1b0: {  	v5 =	vsel vm15, v3, v5;
	v6 =	vsel vm15, v4, v6;
	v3 =	vsel vm15, v58, v3  }
0x1b1: {  	v16 =	vld [tilespmem:s18+$0x1500];
	v4 =	vsel vm15, $0xD, v4;
	v10 =	vsel vm14, v7, v10;
	v7 =	vsel vm14, v12, v7  }
0x1b2: {  	v19 =	vld [tilespmem:s18+$0xF00];
	vm0 =	vgt.f32 v59, v3;
	vm5 =	vgt.f32 v59, v5;
	vm15 =	vgt.f32 v14, v10  }
0x1b3: {  	vm6 =	vgt.f32 v14, v7;
	v5 =	vsel vm5, v59, v5;
	v6 =	vsel vm5, $0xE, v6  }
0x1b4: {  	v10 =	vsel vm15, v14, v10;
	v8 =	vsel vm0, v59, v3;
	v5 =	vsel vm0, v3, v5  }
0x1b5: {  	v17 =	vld [tilespmem:s18+$0x1600];
	v6 =	vsel vm0, v4, v6;
	v3 =	vsel vm14, v13, v9;
	v18 =	vsel vm6, v7, v10  }
0x1b6: {  	v13 =	vsel vm14, $0x13, v13;
	v7 =	vsel vm6, v14, v7;
	v4 =	vsel vm0, $0xE, v4  }
0x1b7: {  	vm0 =	vgt.f32 v19, v8;
	vm7 =	vgt.f32 v16, v18;
	v3 =	vsel vm15, $0x14, v3  }
0x1b8: {  	v20 =	vld [tilespmem:s18+$0x1700];
	vm8 =	vgt.f32 v16, v7;
	vm13 =	vgt.f32 v19, v5;
	v9 =	vsel vm7, v16, v18  }
0x1b9: {  	v3 =	vsel vm6, v13, v3;
	v13 =	vsel vm6, $0x14, v13;
	v9 =	vsel vm8, v7, v9  }
0x1ba: {  	v5 =	vsel vm13, v19, v5;
	v7 =	vsel vm8, v16, v7;
	vm9 =	vgt.f32 v17, v9  }
0x1bb: {  	v21 =	vld [tilespmem:s18+$0x1800];
	v3 =	vsel vm7, $0x15, v3;
	vm10 =	vgt.f32 v17, v7;
	v9 =	vsel vm9, v17, v9  }
0x1bc: {  	v6 =	vsel vm13, $0xF, v6;
	v3 =	vsel vm8, v13, v3;
	v9 =	vsel vm10, v7, v9  }
0x1bd: {  	v13 =	vsel vm8, $0x15, v13;
	v7 =	vsel vm10, v17, v7;
	vm11 =	vgt.f32 v20, v9  }
0x1be: {  	v22 =	vld [tilespmem:s18+$0x1900];
	v3 =	vsel vm9, $0x16, v3;
	vm12 =	vgt.f32 v20, v7;
	v9 =	vsel vm11, v20, v9  }
0x1bf: {  	v5 =	vsel vm0, v8, v5;
	v3 =	vsel vm10, v13, v3;
	v9 =	vsel vm12, v7, v9  }
0x1c0: {  	v13 =	vsel vm10, $0x16, v13;
	v7 =	vsel vm12, v20, v7;
	vm14 =	vgt.f32 v21, v9  }
0x1c1: {  	v23 =	vld [tilespmem:s18+$0x1A00];
	v3 =	vsel vm11, $0x17, v3;
	vm15 =	vgt.f32 v21, v7;
	v9 =	vsel vm14, v21, v9  }
0x1c2: {  	v32 =	vld [tilespmem:s18+$0x2000];
	v3 =	vsel vm12, v13, v3;
	v13 =	vsel vm12, $0x17, v13;
	v9 =	vsel vm15, v7, v9  }
0x1c3: {  	v3 =	vsel vm14, $0x18, v3;
	v7 =	vsel vm15, v21, v7;
	vm6 =	vgt.f32 v22, v9  }
0x1c4: {  	v3 =	vsel vm15, v13, v3;
	vm7 =	vgt.f32 v22, v7;
	v9 =	vsel vm6, v22, v9  }
0x1c5: {  	v13 =	vsel vm15, $0x18, v13;
	v3 =	vsel vm6, $0x19, v3;
	v9 =	vsel vm7, v7, v9  }
0x1c6: {  	v33 =	vld [tilespmem:s18+$0x2100];
	v7 =	vsel vm7, v22, v7;
	v3 =	vsel vm7, v13, v3;
	v13 =	vsel vm7, $0x19, v13  }
0x1c7: {  	v24 =	vld [tilespmem:s18+$0x1B00];
	vm7 =	vlt.f32 v32, $-Inf;
	vm8 =	vgt.f32 v23, v9;
	vm9 =	vgt.f32 v23, v7  }
0x1c8: {  	v9 =	vsel vm8, v23, v9;
	v26 =	vsel vm8, $0x1A, v3;
	v3 =	vsel vm0, v4, v6  }
0x1c9: {  	v6 =	vsel vm0, v19, v8;
	v4 =	vsel vm0, $0xF, v4;
	vm8 =	vgt.f32 v32, $-Inf  }
0x1ca: {  	v9 =	vsel vm9, v7, v9;
	v7 =	vsel vm9, v23, v7;
	v27 =	vsel vm9, v13, v26  }
0x1cb: {  	v25 =	vld [tilespmem:s18+$0x1C00];
	v13 =	vsel vm9, $0x1A, v13;
	vm1 =	vmor vm8, vm7;
	vm9 =	vlt.f32 v33, $-Inf  }
0x1cc: {  	vm10 =	vgt.f32 v24, v9;
	vm11 =	vgt.f32 v24, v7;
	v35 =	vnsel vm1, $0xFF800000, v32  }
0x1cd: {  	v36 =	vsel vm1, $0x20, v1;
	v9 =	vsel vm10, v24, v9;
	v28 =	vsel vm10, $0x1B, v27  }
0x1ce: {  	v31 =	vsel vm11, $0x1B, v13;
	vm10 =	vgt.f32 v33, $-Inf;
	v9 =	vsel vm11, v7, v9  }
0x1cf: {  	v7 =	vsel vm11, v24, v7;
	v30 =	vsel vm11, v13, v28;
	vm11 =	vmor vm10, vm9  }
0x1d0: {  	v24 =	vimm.s32 $0x0;
	vm12 =	vgt.f32 v25, v9;
	vm13 =	vgt.f32 v25, v7  }
0x1d1: {  	v15 =	vld [tilespmem:s18+$0x1D00];
	v37 =	vnsel vm11, $0xFF800000, v33;
	v17 =	vsel vm11, $0x21, v1;
	v9 =	vsel vm12, v25, v9  }
0x1d2: {  	v16 =	vld [tilespmem:s18+$0x2200];
	v8 =	vsel vm12, $0x1C, v30;
	v10 =	vsel vm13, $0x1C, v31;
	vm12 =	vgt.f32 v33, v35  }
0x1d3: {  	v30 =	vimm.s32 $0x0;
	v9 =	vsel vm13, v7, v9;
	v7 =	vsel vm13, v25, v7  }
0x1d4: {  	v8 =	vsel vm13, v31, v8;
	v11 =	vsel vm12, v35, v37;
	v17 =	vsel vm12, v36, v17  }
0x1d5: {  	v12 =	vsel vm12, v33, v35;
	v19 =	vsel vm12, $0x21, v36;
	v31 =	vimm.s32 $0x0  }
0x1d6: {  	v29 =	vld [tilespmem:s18+$0x1E00];
	v36 =	vimm.s32 $0x0;
	vm14 =	vgt.f32 v15, v9;
	vm15 =	vgt.f32 v15, v7  }
0x1d7: {  	v18 =	vld [tilespmem:s18+$0x2300];
	vm13 =	vgt.f32 v16, v11;
	v9 =	vsel vm14, v15, v9;
	v8 =	vsel vm14, $0x1D, v8  }
0x1d8: {  	v34 =	vsel vm15, $0x1D, v10;
	vm14 =	vgt.f32 v16, v12;
	v38 =	vsel vm13, v16, v11  }
0x1d9: {  	v39 =	vsel vm13, $0x22, v17;
	v9 =	vsel vm15, v7, v9;
	v7 =	vsel vm15, v15, v7  }
0x1da: {  	v8 =	vsel vm15, v10, v8;
	v41 =	vsel vm14, v12, v38;
	v11 =	vsel vm14, v19, v39  }
0x1db: {  	v12 =	vsel vm14, v16, v12;
	v42 =	vsel vm14, $0x22, v19;
	v38 =	vimm.s32 $0x0  }
0x1dc: {  	v40 =	vld [tilespmem:s18+$0x2400];
	vm5 =	vgt.f32 v29, v9;
	vm6 =	vgt.f32 v29, v7;
	vm15 =	vgt.f32 v18, v41  }
0x1dd: {  	vm4 =	vgt.f32 v18, v12;
	v9 =	vsel vm5, v29, v9;
	v8 =	vsel vm5, $0x1E, v8  }
0x1de: {  	v10 =	vld [tilespmem:s18+$0x1F00];
	v43 =	vsel vm15, v18, v41;
	v11 =	vsel vm15, $0x23, v11;
	v14 =	vsel vm4, $0x23, v42  }
0x1df: {  	v41 =	vimm.s32 $0x0;
	v15 =	vsel vm6, v7, v9;
	v8 =	vsel vm6, v34, v8  }
0x1e0: {  	v44 =	vld [tilespmem:s18+$0x2500];
	v9 =	vsel vm6, v29, v7;
	v7 =	vsel vm6, $0x1E, v34;
	v45 =	vsel vm4, v12, v43  }
0x1e1: {  	v51 =	vld [tilespmem:s18+$0x3000];
	v11 =	vsel vm4, v42, v11;
	v12 =	vsel vm4, v18, v12;
	vm5 =	vgt.f32 v40, v45  }
0x1e2: {  	v46 =	vld [tilespmem:s18+$0x2600];
	v34 =	vimm.s32 $0x0;
	vm6 =	vgt.f32 v40, v12;
	v13 =	vsel vm5, v40, v45  }
0x1e3: {  	v52 =	vld [tilespmem:s18+$0x3100];
	v11 =	vsel vm5, $0x24, v11;
	vm7 =	vgt.f32 v10, v15;
	v17 =	vsel vm6, v40, v12  }
0x1e4: {  	v13 =	vsel vm6, v12, v13;
	v11 =	vsel vm6, v14, v11;
	v14 =	vsel vm6, $0x24, v14  }
0x1e5: {  	vm9 =	vgt.f32 v44, v17;
	v48 =	vsel vm7, v10, v15;
	v8 =	vsel vm7, $0x1F, v8  }
0x1e6: {  	vm6 =	vlt.f32 v51, $-Inf;
	vm7 =	vgt.f32 v51, $-Inf;
	vm8 =	vgt.f32 v44, v13  }
0x1e7: {  	v47 =	vld [tilespmem:s18+$0x2700];
	v49 =	vsel vm9, v44, v17;
	vm1 =	vmor vm7, vm6;
	v13 =	vsel vm8, v44, v13  }
0x1e8: {  	v11 =	vsel vm8, $0x25, v11;
	vm11 =	vgt.f32 v46, v49;
	vm8 =	vlt.f32 v52, $-Inf  }
0x1e9: {  	v53 =	vld [tilespmem:s18+$0x3200];
	v19 =	vnsel vm1, $0xFF800000, v51;
	v26 =	vsel vm1, $0x30, v1;
	v51 =	vimm.s32 $0x0  }
0x1ea: {  	v13 =	vsel vm9, v17, v13;
	v11 =	vsel vm9, v14, v11;
	v14 =	vsel vm9, $0x25, v14  }
0x1eb: {  	v15 =	vsel vm11, v46, v49;
	vm9 =	vgt.f32 v52, $-Inf;
	vm0 =	vgt.f32 v52, v19  }
0x1ec: {  	vm10 =	vgt.f32 v46, v13;
	vm13 =	vgt.f32 v47, v15;
	vm4 =	vmor vm9, vm8  }
0x1ed: {  	v16 =	vsel vm0, v52, v19;
	v29 =	vsel vm0, $0x31, v26;
	v13 =	vsel vm10, v46, v13  }
0x1ee: {  	v11 =	vsel vm10, $0x26, v11;
	v21 =	vnsel vm4, $0xFF800000, v52;
	vm2 =	vgt.f32 v53, v16  }
0x1ef: {  	v27 =	vsel vm4, $0x31, v1;
	v46 =	vimm.s32 $0x0;
	v52 =	vimm.s32 $0x0  }
0x1f0: {  	v13 =	vsel vm11, v49, v13;
	v11 =	vsel vm11, v14, v11;
	v14 =	vsel vm11, $0x26, v14  }
0x1f1: {  	v50 =	vld [tilespmem:s18+$0x2800];
	v54 =	vsel vm0, v19, v21;
	v18 =	vsel vm0, v26, v27;
	vm12 =	vgt.f32 v47, v13  }
0x1f2: {  	v22 =	vld [tilespmem:s18+$0x3300];
	v27 =	vimm.s32 $0x0;
	vm5 =	vgt.f32 v53, v54;
	v13 =	vsel vm12, v47, v13  }
0x1f3: {  	v11 =	vsel vm12, $0x27, v11;
	v17 =	vsel vm5, v53, v54;
	v18 =	vsel vm5, $0x32, v18  }
0x1f4: {  	v13 =	vsel vm13, v15, v13;
	v11 =	vsel vm13, v14, v11;
	v15 =	vsel vm13, v47, v15  }
0x1f5: {  	v14 =	vsel vm13, $0x27, v14;
	v17 =	vsel vm2, v16, v17;
	v16 =	vsel vm2, v53, v16  }
0x1f6: {  	v20 =	vld [tilespmem:s18+$0x2900];
	v18 =	vsel vm2, v29, v18;
	v47 =	vimm.s32 $0x0;
	vm14 =	vgt.f32 v50, v15  }
0x1f7: {  	v56 =	vld [tilespmem:s18+$0x3400];
	vm15 =	vgt.f32 v50, v13;
	vm7 =	vgt.f32 v22, v17;
	vm3 =	vgt.f32 v22, v16  }
0x1f8: {  	v13 =	vsel vm15, v50, v13;
	v11 =	vsel vm15, $0x28, v11;
	v17 =	vsel vm7, v22, v17  }
0x1f9: {  	v55 =	vld [tilespmem:s18+$0x2A00];
	v18 =	vsel vm7, $0x33, v18;
	v13 =	vsel vm14, v15, v13;
	v23 =	vsel vm14, v14, v11  }
0x1fa: {  	v15 =	vsel vm14, v50, v15;
	v11 =	vsel vm14, $0x28, v14;
	v17 =	vsel vm3, v16, v17  }
0x1fb: {  	v16 =	vsel vm3, v22, v16;
	vm11 =	vgt.f32 v20, v13;
	vm10 =	vgt.f32 v20, v15  }
0x1fc: {  	v58 =	vld [tilespmem:s18+$0x2B00];
	vm9 =	vgt.f32 v56, v17;
	v21 =	vsel vm10, $0xFFFFFFFF, v57;
	v13 =	vsel vm11, v20, v13  }
0x1fd: {  	v17 =	vsel vm9, v56, v17;
	v13 =	vsel vm10, v15, v13;
	v15 =	vsel vm10, v20, v15  }
0x1fe: {  	v59 =	vld [tilespmem:s18+$0x3500];
	v19 =	vsel vm11, $0x29, v23;
	v57 =	vimm.s32 $0x0;
	vm8 =	vgt.f32 v55, v15  }
0x1ff: {  	[tilespmem:$0x1FD10] =	vst v21;
	v21 =	vsel vm2, $0x32, v29;
	vm6 =	vgt.f32 v55, v13;
	v20 =	vsel vm8, $0xFFFFFFFF, v60  }
0x200: {  	v13 =	vsel vm6, v55, v13;
	v14 =	vsel vm8, v55, v15;
	[tilespmem:$0x1FD50] =	vst v20;
	v20 =	vsel vm6, $0xFFFFFFFF, v61  }
0x201: {  	v62 =	vld [tilespmem:s18+$0x3600];
	vm6 =	vgt.f32 v56, v16;
	v13 =	vsel vm8, v15, v13;
	vm12 =	vgt.f32 v58, v14  }
0x202: {  	v15 =	vsel vm12, $0xFFFFFFFF, v63;
	v22 =	vsel vm6, v16, v17;
	vm8 =	vgt.f32 v58, v13  }
0x203: {  	v16 =	vsel vm6, v56, v16;
	v17 =	vsel vm8, $0xFFFFFFFF, v24;
	vm10 =	vgt.f32 v59, v22  }
0x204: {  	v25 =	vld [tilespmem:s18+$0x3700];
	[tilespmem:$0x1FDA0] =	vst v15;
	v13 =	vsel vm8, v58, v13;
	vm8 =	vgt.f32 v59, v16;
	v15 =	vsel vm10, v59, v22  }
0x205: {  	v35 =	vsel vm3, v21, v18;
	v21 =	vsel vm3, $0x33, v21;
	v15 =	vsel vm8, v16, v15  }
0x206: {  	v24 =	vimm.s32 $0x0;
	v16 =	vsel vm8, v59, v16;
	vm1 =	vgt.f32 v62, v15  }
0x207: {  	v28 =	vld [tilespmem:s18+$0x3800];
	v13 =	vsel vm12, v14, v13;
	vm11 =	vgt.f32 v62, v16;
	v15 =	vsel vm1, v62, v15  }
0x208: {  	v14 =	vsel vm12, v58, v14;
	v58 =	vimm.s32 $0x0;
	v15 =	vsel vm11, v16, v15  }
0x209: {  	v33 =	vld [tilespmem:s18+$0x2C00];
	v22 =	vimm.s32 $0x0;
	v16 =	vsel vm11, v62, v16;
	vm13 =	vgt.f32 v25, v15  }
0x20a: {  	v59 =	vimm.s32 $0x0;
	vm14 =	vgt.f32 v25, v16;
	v15 =	vsel vm13, v25, v15  }
0x20b: {  	[tilespmem:$0x1FD30] =	vst v20;
	vm0 =	vmmov vm11;
	v20 =	vsel vm13, $0xFFFFFFFF, v30;
	v15 =	vsel vm14, v16, v15  }
0x20c: {  	v32 =	vld [tilespmem:s18+$0x3900];
	[tilespmem:$0x1FD00] =	vst v20;
	v20 =	vsel vm14, $0xFFFFFFFF, v31;
	v16 =	vsel vm14, v25, v16;
	vm15 =	vgt.f32 v28, v15  }
0x20d: {  	[tilespmem:$0x1FD80] =	vst v17;
	v25 =	vimm.s32 $0x0;
	vm5 =	vgt.f32 v28, v16;
	v17 =	vsel vm15, $0xFFFFFFFF, v34  }
0x20e: {  	v18 =	vsel vm5, $0xFFFFFFFF, v36;
	v15 =	vsel vm15, v28, v15;
	vm15 =	vgt.f32 v33, v14  }
0x20f: {  	[tilespmem:$0x1FD40] =	vst v17;
	v17 =	vsel vm9, $0x34, v35;
	v15 =	vsel vm5, v16, v15;
	v16 =	vsel vm5, v28, v16  }
0x210: {  	vm9 =	vgt.f32 v33, v13;
	vm5 =	vgt.f32 v10, v9;
	v17 =	vsel vm6, v21, v17  }
0x211: {  	vm7 =	vgt.f32 v32, v15;
	v21 =	vsel vm6, $0x34, v21;
	vm11 =	vgt.f32 v32, v16  }
0x212: {  	v40 =	vld [tilespmem:s18+$0x2D00];
	v24 =	vsel vm9, $0xFFFFFFFF, v24;
	v13 =	vsel vm9, v33, v13;
	v12 =	vsel vm5, v9, v48  }
0x213: {  	v48 =	vimm.s32 $0x0;
	v9 =	vsel vm5, v10, v9;
	v23 =	vsel vm7, $0xFFFFFFFF, v38  }
0x214: {  	v37 =	vld [tilespmem:s18+$0x3A00];
	v15 =	vsel vm7, v32, v15;
	v17 =	vsel vm10, $0x35, v17;
	v42 =	vsel vm8, $0x35, v21  }
0x215: {  	v13 =	vsel vm15, v14, v13;
	v14 =	vsel vm15, v33, v14;
	vm3 =	vgt.f32 v9, v6  }
0x216: {  	v15 =	vsel vm11, v16, v15;
	v17 =	vsel vm8, v21, v17;
	v16 =	vsel vm11, v32, v16  }
0x217: {  	v39 =	vld [tilespmem:s18+$0x3B00];
	vm6 =	vgt.f32 v40, v13;
	vm12 =	vgt.f32 v40, v14;
	v60 =	vsel vm3, v9, v6  }
0x218: {  	v44 =	vld [tilespmem:s18+$0x2E00];
	v5 =	vsel vm3, v6, v5;
	v61 =	vsel vm3, v12, v9;
	v3 =	vsel vm3, v4, v3  }
0x219: {  	vm10 =	vgt.f32 v37, v15;
	vm14 =	vgt.f32 v37, v16;
	v17 =	vsel vm1, $0x36, v17  }
0x21a: {  	v43 =	vld [tilespmem:s18+$0x3C00];
	[tilespmem:$0x1FD20] =	vst v20;
	v13 =	vsel vm6, v40, v13;
	v20 =	vsel vm10, $0xFFFFFFFF, v41;
	v15 =	vsel vm10, v37, v15  }
0x21b: {  	v13 =	vsel vm12, v14, v13;
	v14 =	vsel vm12, v40, v14;
	v15 =	vsel vm14, v16, v15  }
0x21c: {  	[tilespmem:$0x1FDB0] =	vst v24;
	v24 =	vsel vm0, v42, v17;
	v16 =	vsel vm14, v37, v16;
	vm4 =	vgt.f32 v39, v15  }
0x21d: {  	v45 =	vld [tilespmem:s18+$0x3D00];
	vm8 =	vgt.f32 v44, v13;
	vm13 =	vgt.f32 v39, v16;
	v15 =	vsel vm4, v39, v15  }
0x21e: {  	v26 =	vld [tilespmem:$0x1FD00];
	[tilespmem:$0x1FD70] =	vst v23;
	v13 =	vsel vm8, v44, v13;
	v25 =	vsel vm4, $0xFFFFFFFF, v25;
	v15 =	vsel vm13, v16, v15  }
0x21f: {  	v50 =	vld [tilespmem:s18+$0x2F00];
	[tilespmem:$0x1FDC0] =	vst v25;
	v25 =	vsel vm6, $0xFFFFFFFF, v46;
	v16 =	vsel vm13, v39, v16;
	vm7 =	vgt.f32 v43, v15  }
0x220: {  	[tilespmem:$0x1FDD0] =	vst v25;
	v25 =	vsel vm5, $0xFFFFFFFF, v47;
	vm10 =	vgt.f32 v43, v16;
	v23 =	vsel vm7, $0xFFFFFFFF, v48  }
0x221: {  	[tilespmem:$0x1FE10] =	vst v25;
	v15 =	vsel vm7, v43, v15;
	v25 =	vsel vm8, $0xFFFFFFFF, v51;
	vm8 =	vgt.f32 v44, v14  }
0x222: {  	v49 =	vld [tilespmem:s18+$0x3E00];
	v15 =	vsel vm10, v16, v15;
	v16 =	vsel vm10, v43, v16;
	v54 =	vsel vm8, v14, v13  }
0x223: {  	[tilespmem:$0x1FDF0] =	vst v25;
	v14 =	vsel vm8, v44, v14;
	v25 =	vsel vm0, $0x36, v42;
	vm0 =	vnez.u8 v26  }
0x224: {  	vm9 =	vgt.f32 v45, v15;
	vm1 =	vgt.f32 v50, v54;
	vm6 =	vgt.f32 v50, v14  }
0x225: {  	v53 =	vld [tilespmem:s18+$0x3F00];
	v21 =	vsel vm9, $0xFFFFFFFF, v52;
	v15 =	vsel vm9, v45, v15;
	vm9 =	vgt.f32 v45, v16  }
0x226: {  	v9 =	vsel vm0, $0x37, v24;
	v10 =	vsel vm1, v50, v54;
	v55 =	vsel vm9, v16, v15  }
0x227: {  	v54 =	vmov s16;
	v56 =	vsel vm9, v45, v16;
	vm4 =	vgt.f32 v49, v55  }
0x228: {  	v10 =	vsel vm6, v14, v10;
	vm7 =	vgt.f32 v49, v56;
	v13 =	vsel vm4, v49, v55  }
0x229: {  	v14 =	vsel vm6, v50, v14;
	v16 =	vsel vm4, $0xFFFFFFFF, v57;
	v13 =	vsel vm7, v56, v13  }
0x22a: {  	v29 =	vld [tilespmem:$0x1FD20];
	v15 =	vsel vm7, v49, v56;
	[tilespmem:$0x1FE20] =	vst v16;
	v16 =	vsel vm1, $0xFFFFFFFF, v58;
	vm5 =	vgt.f32 v53, v13  }
0x22b: {  	[tilespmem:$0x1FE30] =	vst v16;
	v16 =	vsel vm5, $0xFFFFFFFF, v59;
	v13 =	vsel vm5, v53, v13;
	vm5 =	vgt.f32 v53, v15  }
0x22c: {  	vm1 =	vgt.f32 v61, v5;
	v13 =	vsel vm5, v15, v13;
	v15 =	vsel vm5, v53, v15  }
0x22d: {  	v30 =	vld [tilespmem:$0x1FD30];
	[tilespmem:$0x1FE00] =	vst v21;
	v21 =	vimm.s32 $0x0;
	v5 =	vsel vm1, v61, v5;
	vm4 =	vgt.f32 v15, v14  }
0x22e: {  	[tilespmem:$0x1FD60] =	vst v18;
	v28 =	vld [tilespmem:$0x1FD10];
	v62 =	vsel vm4, v14, v10;
	v63 =	vsel vm4, v13, v15;
	v18 =	vsel vm4, v15, v14  }
0x22f: {  	v31 =	vld [tilespmem:$0x1FD40];
	[tilespmem:$0x1FDE0] =	vst v23;
	v13 =	vsel vm1, $0xFFFFFFFF, v21;
	vm1 =	vnez.u8 v29;
	vm2 =	vgt.f32 v63, v62  }
0x230: {  	v33 =	vld [tilespmem:$0x1FD60];
	[tilespmem:$0x1FE50] =	vst v13;
	v13 =	vsel vm2, $0xFFFFFFFF, v22;
	v23 =	vsel vm2, v63, v62;
	vm2 =	vgt.f32 v18, v60  }
0x231: {  	v32 =	vld [tilespmem:$0x1FD50];
	v9 =	vsel vm1, v25, v9;
	v5 =	vsel vm2, v60, v5;
	v6 =	vsel vm2, v23, v18  }
0x232: {  	v35 =	vld [tilespmem:$0x1FD80];
	v10 =	vsel vm1, $0x37, v25;
	v12 =	vsel vm2, v18, v60;
	vm0 =	vgt.f32 v6, v5  }
0x233: {  	v34 =	vld [tilespmem:$0x1FD70];
	[tilespmem:$0x1FE60] =	vst v13;
	v13 =	vsel vm0, $0xFFFFFFFF, v27;
	v5 =	vsel vm0, v6, v5;
	vm0 =	vnez.u8 v28  }
0x234: {  	v39 =	vld [tilespmem:$0x1FDA0];
	v6 =	vsel vm0, v11, v19;
	v11 =	vsel vm0, $0x29, v11;
	vm0 =	vnez.u8 v30  }
0x235: {  	v40 =	vld [tilespmem:$0x1FDB0];
	[tilespmem:$0x1FD90] =	vst v20;
	v5 =	vsub.f32 v5, v12;
	v6 =	vsel vm0, $0x2A, v6;
	vm0 =	vnez.u8 v31  }
0x236: {  	v38 =	vld [tilespmem:$0x1FD90];
	vm1 =	vnez.u8 v33;
	v9 =	vsel vm0, $0x38, v9;
	vm0 =	vnez.u8 v32  }
0x237: {  	v41 =	vld [tilespmem:$0x1FDC0];
	v5 =	vmul.f32 $1.442695020e+00, v5;
	v6 =	vsel vm0, v11, v6;
	v9 =	vsel vm1, v10, v9  }
0x238: {  	v42 =	vld [tilespmem:$0x1FDD0];
	v11 =	vsel vm0, $0x2A, v11;
	v10 =	vsel vm1, $0x38, v10;
	vm0 =	vnez.u8 v34  }
0x239: {  	v43 =	vld [tilespmem:$0x1FDE0];
	vm1 =	vnez.u8 v39;
	v9 =	vsel vm0, $0x39, v9;
	vm0 =	vnez.u8 v35  }
0x23a: {  	v46 =	vld [tilespmem:$0x1FE10];
	(erf) = vpow2.f32 v5;
	v37 =	vsel vm11, $0x39, v10;
	v6 =	vsel vm0, $0x2B, v6  }
0x23b: {  	v45 =	vld [tilespmem:$0x1FE00];
	v36 =	vsel vm11, v10, v9;
	vm11 =	vnez.u8 v38;
	v10 =	vsel vm1, $0x2B, v11  }
0x23c: {  	v44 =	vld [tilespmem:$0x1FDF0];
	v9 =	vsel vm14, $0x3A, v37;
	v5 =	vsel vm11, $0x3A, v36;
	v6 =	vsel vm1, v11, v6  }
0x23d: {  	v49 =	vld [tilespmem:$0x1FE30];
	[tilespmem:$0x1FE40] =	vst v16;
	vm11 =	vnez.u8 v40;
	v5 =	vsel vm14, v37, v5;
	vm14 =	vnez.u8 v41  }
0x23e: {  	v51 =	vld [tilespmem:$0x1FE40];
	[tilespmem:$0x1FE70] =	vst v13;
	v6 =	vsel vm11, $0x2C, v6;
	vm11 =	vnez.u8 v43;
	v5 =	vsel vm14, $0x3B, v5  }
0x23f: {  	v60 =	vld [tilespmem:$0x1FE70];
	v6 =	vsel vm15, v10, v6;
	v10 =	vsel vm15, $0x2C, v10;
	vm15 =	vnez.u8 v42  }
0x240: {  	v47 =	vld [tilespmem:$0x1FE20];
	vm14 =	vnez.u8 v45;
	v6 =	vsel vm15, $0x2D, v6;
	v5 =	vsel vm13, v9, v5  }
0x241: {  	v9 =	vsel vm13, $0x3B, v9;
	vm13 =	vnez.u8 v44;
	vm15 =	vnez.u8 v46  }
0x242: {  	v56 =	vld [tilespmem:$0x1FE50];
	v5 =	vsel vm11, $0x3C, v5;
	v6 =	vsel vm12, v10, v6;
	v10 =	vsel vm12, $0x2D, v10  }
0x243: {  	v8 =	vsel vm15, v7, v8;
	v7 =	vsel vm15, $0x1F, v7;
	vm11 =	vnez.u8 v49  }
0x244: {  	vm12 =	vnez.u8 v51;
	vm15 =	vnez.u8 v60;
	v6 =	vsel vm13, $0x2E, v6  }
0x245: {  	v5 =	vsel vm10, v9, v5;
	v9 =	vsel vm10, $0x3C, v9;
	vm10 =	vnez.u8 v47  }
0x246: {  	v52 =	vsel vm3, v7, v4;
	v53 =	vsel vm3, v8, v7;
	v7 =	vshll.u32 v54, $0x7  }
0x247: {  	vm13 =	vnez.u8 v56;
	v5 =	vsel vm14, $0x3D, v5;
	v6 =	vsel vm8, v10, v6;
	v48 =	vpop (erf)  }
0x248: {  	v57 =	vld [tilespmem:$0x1FE60];
	v10 =	vsel vm8, $0x2E, v10;
	v5 =	vsel vm9, v9, v5;
	v50 =	vadd.f32 $1.000000000e+00, v48  }
0x249: {  	v3 =	vsel vm13, v53, v3;
	v9 =	vsel vm9, $0x3D, v9;
	v5 =	vsel vm10, $0x3E, v5  }
0x24a: {  	v6 =	vsel vm11, $0x2F, v6;
	v5 =	vsel vm7, v9, v5;
	(erf) = vrcp.f32 v50  }
0x24b: {  	v6 =	vsel vm6, v10, v6;
	v9 =	vsel vm7, $0x3E, v9;
	v5 =	vsel vm12, $0x3F, v5  }
0x24c: {  	v10 =	vsel vm6, $0x2F, v10;
	v5 =	vsel vm5, v9, v5;
	v9 =	vsel vm5, $0x3F, v9  }
0x24d: {  	vm14 =	vnez.u8 v57;
	v6 =	vsel vm4, v10, v6;
	v5 =	vsel vm4, v5, v9  }
0x24e: {  	v59 =	vor.u32 v2, v7;
	v55 =	vsel vm4, v9, v10;
	v4 =	vsel vm14, v5, v6  }
0x24f: {  	v3 =	vsel vm2, v52, v3;
	v58 =	vsel vm2, v55, v52;
	v4 =	vsel vm2, v4, v55  }
0x250: {  	v61 =	vor.u32 v59, v58;
	v3 =	vsel vm15, v4, v3  }
0x251: {  	p0 =	sne.s32 s15, $0x1C0;
	v3 =	vor.u32 v59, v3  }
.Ltmp3:
0x252: {  	_ = 	snop;
	(pc) =	sbr.rel @p0 .LBB2_8-.Ltmp3, $4  }
0x253: {  	v62 =	vpop (erf)  }
0x254: {  	v63 =	vmul.f32 v62, v48  }
0x255: {  	[tilespmem:v61+s9+$0x0] =	vst.idx.msk $0xffff, v62  }
0x256: {  	s17 =	sadd.s32 $0x800, s17;
	s15 =	sadd.s32 $0x40, s15;
	s16 =	sadd.s32 $0x10, s16;
	[tilespmem:v3+s9+$0x0] =	vst.idx.msk $0xffff, v63  }
0x257: {  	_ =	swait.ge [sflag:s11], $0x4000;
	s14 =	sadd.s32 $0x1, s14  }
0x258: {  	[sflag:s11] =	ssyncset.done $0x0;
	p0 =	sne.s32 s14, s7  }
.Ltmp4:
0x259: {  	[sflag:s11] =	ssyncadd.s32 $0xFFFFC000;
	(pc) =	sbr.rel @p0 .LBB2_1-.Ltmp4, $4  }
0x25a: {  	[hbm4b:s6+s2] =	stream.linear.scatter [tilespmem:s12], [sflag:$0x4], $0x4000, $0x38;
	[tilespmem:$0xC000] =	vst v63  }
0x25b: {  	_ =	swait.ge [sflag:s13], $0x4000  }
0x25c: {  	[sflag:s13] =	ssyncset.done $0x0  }
0x25d: {  	[sflag:s13] =	ssyncadd.s32 $0xFFFFC000  }
0x25e: {  	_ =	sfence.sel $0x180000  }
0x25f: {  	[bflag:$0x0] =	sbarrier.arrive $0xFFFF  }
0x260: {  	p0 =	sne.s32 s1, $0x0;
	_ =	strace $0x90000047  }
0x261: {  	s0 =	sadd.s32 @!p0 $0x100000, s0;
	[bflag:$0x2] =	sbarrier.arrive $0xFFFF  }
0x262: {  	[sflag:s0] =	ssyncadd.tile.s32 @!p0 $0x1;
	_ =	shalt  }
.Lfunc_end2:
_tile_overlayer_lowered:
.L_overlay_start_2:
0x263: {  	(tag) =	ssettag $0x2  }
0x264: {  	s0 =	rddreg [dreg:$0x0];
	s2 =	stileid.u32  }
0x265: {  	s1 =	rddreg [dreg:$0x1];
	p0 =	sne.s32 s2, $0x0  }
0x266: {  	s3 =	rddreg [dreg:$0x2];
	[bflag:$0x3] =	sbarrier.arrive $0xFFFF;
	s2 =	simm.s32 @!p0 $0x1C04  }
0x267: {  	[timem:s3], [sflag:s2] =	dma.local @!p0 [hbm:s0], s1  }
0x268: {  	s0 =	simm.s32 @!p0 $0x4  }
0x269: {  	_ =	swait.ge @!p0 [sflag:s0], s1  }
0x26a: {  	s1 =	ssub.s32 @!p0 $0x0, s1;
	[sflag:s0] =	ssyncset.done @!p0 $0x0  }
0x26b: {  	[sflag:s0] =	ssyncadd.s32 @!p0 s1  }
0x26c: {  	[bflag:$0x3] =	sbarrier.arrive $0xFFFF  }
0x26d: {  	_ =	shalt  }

</sc_bundles>
